<compile_context>
chip_gen: v7x
topology: tpu7x:2x2x1
jax: 0.10.2.dev20260603
libtpu: 0.0.44.dev20260713+nightly
codegen_flags: <defaults>
</compile_context>

<pallas_src>
import functools

import jax
import jax.numpy as jnp
from jax import lax
from jax.experimental import pallas as pl
from jax.experimental.pallas import tpu as pltpu
from jax.experimental.pallas import tpu_sc as plsc

B, NS, D = 4, 8192, 1024
K = 512
DROP_KEEP = 0.9
SROW, SCOL = 64, 128

NC, NSUB = 2, 16
NW = NC * NSUB
ROWS_PER_W = (B * K) // NW
GRP = 16
NGRP = ROWS_PER_W // GRP



def _row_sum_seq(xb):
    acc = xb[:, 0:128]
    for c in range(1, 8):
        acc = acc + xb[:, c * 128:(c + 1) * 128]
    return jnp.sum(acc, axis=-1, keepdims=True)


def _row_sum_tree8(xb):
    ch = [xb[:, c * 128:(c + 1) * 128] for c in range(8)]
    s01, s23 = ch[0] + ch[1], ch[2] + ch[3]
    s45, s67 = ch[4] + ch[5], ch[6] + ch[7]
    return jnp.sum((s01 + s23) + (s45 + s67), axis=-1, keepdims=True)


def _score_body(x_ref, g_ref, be_ref, w_ref, b_ref, gum_ref, pen_ref, o_ref,
                v=0):
    xb = x_ref[0]
    if v >= 10:
        w = w_ref[...]
        if v == 10:
            z = jnp.dot(xb, w)[:, 0:1]
        elif v == 11:
            za = jnp.dot(xb[:, :512], w[:512])[:, 0:1]
            zb = jnp.dot(xb[:, 512:], w[512:])[:, 0:1]
            z = za + zb
        elif v == 12:
            parts = [jnp.dot(xb[:, c * 256:(c + 1) * 256],
                             w[c * 256:(c + 1) * 256])[:, 0:1]
                     for c in range(4)]
            z = ((parts[0] + parts[1]) + parts[2]) + parts[3]
        else:
            parts = [jnp.dot(xb[:, c * 256:(c + 1) * 256],
                             w[c * 256:(c + 1) * 256])[:, 0:1]
                     for c in range(4)]
            z = (parts[0] + parts[1]) + (parts[2] + parts[3])
        o_ref[0] = z
        return
    if v == 0:
        mu = jnp.mean(xb, axis=-1, keepdims=True)
        d = xb - mu
        var = jnp.mean(d * d, axis=-1, keepdims=True)
    elif v == 1:
        mu = jnp.sum(xb, axis=-1, keepdims=True) * (1.0 / D)
        d = xb - mu
        var = jnp.sum(d * d, axis=-1, keepdims=True) * (1.0 / D)
    elif v == 2:
        mu = _row_sum_seq(xb) * (1.0 / D)
        d = xb - mu
        var = _row_sum_seq(d * d) * (1.0 / D)
    else:
        mu = _row_sum_tree8(xb) * (1.0 / D)
        d = xb - mu
        var = _row_sum_tree8(d * d) * (1.0 / D)
    xn = d / jnp.sqrt(var + 1e-5) * g_ref[...] + be_ref[...]
    z = jnp.dot(xn, w_ref[...])[:, 0:1]
    s = (z + b_ref[0, 0]) / jnp.sqrt(2.0)
    s = s + gum_ref[0]
    s = s + pen_ref[0]
    o_ref[0] = s


def _scores(x, ln_gamma, ln_beta, W, b, gum, pen, variant=0):
    CH = 512
    grid = (B, NS // CH)
    f = pl.pallas_call(
        functools.partial(_score_body, v=variant),
        grid=grid,
        in_specs=[
            pl.BlockSpec((1, CH, D), lambda i, j: (i, j, 0)),
            pl.BlockSpec((1, D), lambda i, j: (0, 0)),
            pl.BlockSpec((1, D), lambda i, j: (0, 0)),
            pl.BlockSpec((D, 128), lambda i, j: (0, 0)),
            pl.BlockSpec((1, 1), lambda i, j: (0, 0)),
            pl.BlockSpec((1, CH, 1), lambda i, j: (i, j, 0)),
            pl.BlockSpec((1, CH, 1), lambda i, j: (i, j, 0)),
        ],
        out_specs=pl.BlockSpec((1, CH, 1), lambda i, j: (i, j, 0)),
        out_shape=jax.ShapeDtypeStruct((B, NS, 1), jnp.float32),
    )
    wpad = jnp.pad(W, ((0, 0), (0, 127)))
    return f(x, ln_gamma.reshape(1, D), ln_beta.reshape(1, D), wpad,
             b.reshape(1, 1), gum, pen)



def _sort_body(s_ref, idx_ref, sp_ref):
    s = s_ref[0]
    row = lax.broadcasted_iota(jnp.int32, (SROW, SCOL), 0)
    col = lax.broadcasted_iota(jnp.int32, (SROW, SCOL), 1)
    pos = row * SCOL + col
    idx = pos
    kk = 2
    while kk <= NS:
        j = kk // 2
        while j >= 1:
            upper = (pos & j) != 0
            want_max = ((pos & kk) == 0) ^ upper
            if j < SCOL:
                ax, sh, n = 1, j, SCOL
            else:
                ax, sh, n = 0, j // SCOL, SROW
            ps = jnp.where(upper, pltpu.roll(s, sh, ax),
                           pltpu.roll(s, n - sh, ax))
            pidx = jnp.where(upper, pltpu.roll(idx, sh, ax),
                             pltpu.roll(idx, n - sh, ax))
            self_wins = (s > ps) | ((s == ps) & (idx < pidx))
            take_self = self_wins == want_max
            s = jnp.where(take_self, s, ps)
            idx = jnp.where(take_self, idx, pidx)
            j //= 2
        kk *= 2
    idx_ref[0] = idx
    sp_ref[0] = jax.nn.softplus(s)


def _sort(scores2):
    return pl.pallas_call(
        _sort_body,
        grid=(B,),
        in_specs=[pl.BlockSpec((1, SROW, SCOL), lambda i: (i, 0, 0))],
        out_specs=[pl.BlockSpec((1, SROW, SCOL), lambda i: (i, 0, 0)),
                   pl.BlockSpec((1, SROW, SCOL), lambda i: (i, 0, 0))],
        out_shape=[jax.ShapeDtypeStruct((B, SROW, SCOL), jnp.int32),
                   jax.ShapeDtypeStruct((B, SROW, SCOL), jnp.float32)],
    )(scores2)



def _sc_body(xflat, sidx, ssp, botrank, toprank, out_hbm, reg_hbm,
             sidx_v, ssp_v, br_v, w1a_v, w2a_v, xt_v, xb_v, out_v, reg_v,
             sem1, sem2):
    cid = lax.axis_index("c")
    sid = lax.axis_index("s")
    wid = sid * NC + cid
    g0 = wid * ROWS_PER_W
    bb = g0 // K
    j0 = g0 - bb * K

    pltpu.sync_copy(sidx.at[bb], sidx_v)
    pltpu.sync_copy(ssp.at[bb], ssp_v)
    pltpu.sync_copy(botrank.at[bb, pl.ds(j0, ROWS_PER_W)], br_v)

    regacc = jnp.zeros((16,), jnp.float32)
    for grp in range(NGRP):
        jvec = j0 + grp * GRP + lax.iota(jnp.int32, 16)
        bvec = br_v[pl.ds(grp * GRP, 16)]
        sp1 = plsc.load_gather(ssp_v, [jvec])
        sp2 = plsc.load_gather(ssp_v, [bvec])
        xs = sp1 + sp2 + 1e-9
        w1 = sp1 / xs
        w2 = sp2 / xs
        regacc = regacc + w2
        w1a_v[pl.ds(grp * GRP, 16)] = w1
        w2a_v[pl.ds(grp * GRP, 16)] = w2
    reg_v[...] = regacc
    for grp in range(NGRP):
        jvec = j0 + grp * GRP + lax.iota(jnp.int32, 16)
        bvec = br_v[pl.ds(grp * GRP, 16)]
        tidx = plsc.load_gather(sidx_v, [jvec])
        bidx = plsc.load_gather(sidx_v, [bvec])
        cp1 = pltpu.async_copy(xflat.at[tidx + bb * NS], xt_v, sem1)
        cp2 = pltpu.async_copy(xflat.at[bidx + bb * NS], xb_v, sem2)
        cp1.wait()
        cp2.wait()
        rw = []
        for r in range(GRP):
            sel = jnp.full((16,), grp * GRP + r, jnp.int32)
            rw.append((plsc.load_gather(w1a_v, [sel]),
                       plsc.load_gather(w2a_v, [sel])))

        def body(c, carry):
            sl = pl.ds(c * 16, 16)
            for r in range(GRP):
                out_v[r, sl] = xt_v[r, sl] * rw[r][0] + xb_v[r, sl] * rw[r][1]
            return carry

        lax.fori_loop(0, D // 16, body, 0)
        pltpu.sync_copy(out_v, out_hbm.at[pl.ds(g0 + grp * GRP, GRP)])
    pltpu.sync_copy(reg_v, reg_hbm.at[wid])


@functools.partial(jax.jit, static_argnums=())
def _sc_gather_combine(xflat, sidx, ssp, botrank, toprank):
    kfn = pl.kernel(
        _sc_body,
        out_type=[jax.ShapeDtypeStruct((B * K, D), jnp.float32),
                  jax.ShapeDtypeStruct((NW, 16), jnp.float32)],
        mesh=plsc.VectorSubcoreMesh(core_axis_name="c", subcore_axis_name="s",
                                    num_cores=NC, num_subcores=NSUB),
        compiler_params=pltpu.CompilerParams(needs_layout_passes=False),
        scratch_types=[
            pltpu.VMEM((NS,), jnp.int32),
            pltpu.VMEM((NS,), jnp.float32),
            pltpu.VMEM((ROWS_PER_W,), jnp.int32),
            pltpu.VMEM((ROWS_PER_W,), jnp.float32),
            pltpu.VMEM((ROWS_PER_W,), jnp.float32),
            pltpu.VMEM((GRP, D), jnp.float32),
            pltpu.VMEM((GRP, D), jnp.float32),
            pltpu.VMEM((GRP, D), jnp.float32),
            pltpu.VMEM((16,), jnp.float32),
            pltpu.SemaphoreType.DMA,
            pltpu.SemaphoreType.DMA,
        ],
    )
    return kfn(xflat, sidx, ssp, botrank, toprank)



def _noise_consts():
    rk = jax.random.key(42)
    rk1, rk2, rk3 = jax.random.split(rk, 3)
    u = jax.random.uniform(rk1, (B, NS, 1), dtype=jnp.float32)
    gum = -1.0 * jnp.log(-1.0 * jnp.log(u + 1e-20) + 1e-20)
    drop = jax.random.bernoulli(rk2, DROP_KEEP, (B, NS)).astype(jnp.float32)
    pen = (1.0 - drop)[:, :, None] * -1000000000.0
    perm = jnp.argsort(jax.random.uniform(rk3, (B, NS - K)), axis=1)
    botrank = (K + perm[:, :K]).astype(jnp.int32)
    return gum, pen, botrank


_DEBUG_JNP_TAIL = True
_DEBUG_SC_DIAG = False


def kernel(x, ln_gamma, ln_beta, W, b):
    assert x.shape == (B, NS, D)
    gum, pen, botrank = _noise_consts()
    scores = _scores(x, ln_gamma, ln_beta, W, b, gum, pen, variant=0)
    _DEBUG_JNP_SORT = False
    if _DEBUG_JNP_SORT:
        sidx = jnp.argsort(-scores[:, :, 0], axis=1).astype(jnp.int32)
        ssp = jax.nn.softplus(
            jnp.take_along_axis(scores[:, :, 0], sidx, axis=1))
    else:
        sidx, ssp = _sort(scores.reshape(B, SROW, SCOL))
        sidx = sidx.reshape(B, NS)
        ssp = ssp.reshape(B, NS)
    if _DEBUG_JNP_TAIL:
        ranks_top = jnp.arange(K)[None, :].repeat(B, 0)
        tidx = jnp.take_along_axis(sidx, ranks_top, 1)
        bidx = jnp.take_along_axis(sidx, botrank, 1)
        sp1 = jnp.take_along_axis(ssp, ranks_top, 1)
        sp2 = jnp.take_along_axis(ssp, botrank, 1)
        xs = sp1 + sp2 + 1e-9
        w1, w2 = sp1 / xs, sp2 / xs
        xt = jnp.take_along_axis(x, tidx[:, :, None], 1)
        xb = jnp.take_along_axis(x, bidx[:, :, None], 1)
        out = xt * w1[:, :, None] + xb * w2[:, :, None]
        reg = jnp.mean(w2)
        return (out, reg)
    toprank = jnp.tile(jnp.arange(K, dtype=jnp.int32)[None, :], (B, 1))
    outflat, regpart = _sc_gather_combine(
        x.reshape(B * NS, D), sidx, ssp, botrank, toprank)
    out = outflat.reshape(B, K, D)
    reg = jnp.sum(regpart) / (B * K)
    if _DEBUG_SC_DIAG:
        ranks_top = jnp.arange(K)[None, :].repeat(B, 0)
        tidx = jnp.take_along_axis(sidx, ranks_top, 1)
        bidx = jnp.take_along_axis(sidx, botrank, 1)
        sp1 = jnp.take_along_axis(ssp, ranks_top, 1)
        sp2 = jnp.take_along_axis(ssp, botrank, 1)
        xs = sp1 + sp2 + 1e-9
        w1, w2 = sp1 / xs, sp2 / xs
        xt = jnp.take_along_axis(x, tidx[:, :, None], 1)
        xbt = jnp.take_along_axis(x, bidx[:, :, None], 1)
        out_j = xt * w1[:, :, None] + xbt * w2[:, :, None]
        bad = jnp.max(jnp.abs(out - out_j), axis=-1) > 1e-3
        badf = bad.reshape(-1).astype(jnp.float32)
        nbad = jnp.minimum(jnp.sum(badf), 999.0)
        first = jnp.argmax(badf).astype(jnp.float32)
        enc = nbad * 10000.0 + first
        out_j = out_j.at[0, 0, 0].add(enc)
        return (out_j, jnp.mean(w2))
    return (out, reg)

# --- scband reference (transcript-rebuilt; emitter-appended) ---
"""Pipeline reference for scband-sam-40973988004733 (READ-ONLY COPY).

The authoritative reference and input builder live on the scoring server;
editing this copy changes nothing except your own understanding.
"""

import jax, jax.numpy as jnp
import numpy as np

B, NS, D_MODEL = 4, 8192, 1024
K = 512  # n_sampled_points_lb == n_sampled_points_ub == 512 -> deterministic
DROP_KEEP = 0.9  # 1 - drop_point


def setup_inputs(seed: int = 0) -> dict:
    key = jax.random.key(seed)
    k1, k2 = jax.random.split(key, 2)
    x = jax.random.normal(k1, (B, NS, D_MODEL), dtype=jnp.float32)
    ln_gamma = jnp.ones((D_MODEL,), dtype=jnp.float32)
    ln_beta = jnp.zeros((D_MODEL,), dtype=jnp.float32)
    W = jax.random.normal(k2, (D_MODEL, 1), dtype=jnp.float32) * (1.0 / np.sqrt(D_MODEL))
    b = jnp.zeros((1,), dtype=jnp.float32)
    return {"x": x, "ln_gamma": ln_gamma, "ln_beta": ln_beta, "W": W, "b": b}


def reference(x, ln_gamma, ln_beta, W, b):
    bsz, ns, nd = x.shape
    k = K
    # pointwise: LayerNorm -> Linear(d_model, 1)
    mu = jnp.mean(x, axis=-1, keepdims=True)
    var = jnp.mean((x - mu) ** 2, axis=-1, keepdims=True)
    xn = (x - mu) / jnp.sqrt(var + 1e-5) * ln_gamma + ln_beta
    x_fwd = (xn @ W + b) / jnp.sqrt(2.0)
    # Gumbel noise (deterministic keys stand in for torch.rand_like)
    rk = jax.random.key(42)
    rk1, rk2, rk3 = jax.random.split(rk, 3)
    u = jax.random.uniform(rk1, x_fwd.shape, dtype=x_fwd.dtype)
    x_fwd = x_fwd + (-1.0 * jnp.log(-1.0 * jnp.log(u + 1e-20) + 1e-20))
    # point dropout (bernoulli keep mask)
    drop = jax.random.bernoulli(rk2, DROP_KEEP, (bsz, ns)).astype(x.dtype)[:, :, None]
    x_fwd = x_fwd + (1.0 - drop) * -1000000000.0
    # ---- sample(x, x_fwd, k) ----
    # sort descending by score along dim 1
    order = jnp.argsort(-x_fwd[:, :, 0], axis=1)
    x_score = jnp.take_along_axis(x_fwd, order[:, :, None], axis=1)
    x_sorted = jnp.take_along_axis(x, order[:, :, None], axis=1)
    x_top, s_top = x_sorted[:, :k, :], x_score[:, :k, :]
    x_bot, s_bot = x_sorted[:, k:, :], x_score[:, k:, :]
    cat = jnp.concatenate([x_bot, s_bot], axis=2)
    # shufflerow along axis=1 per batch row
    perm = jnp.argsort(jax.random.uniform(rk3, (bsz, ns - k)), axis=1)
    cat = jnp.take_along_axis(cat, perm[:, :, None], axis=1)
    x_bot, s_bot = cat[:, :, :-1], cat[:, :, -1:]
    c = k
    x_bot = x_bot[:, :c, :].reshape(bsz, k, c // k, nd)
    s_bot = s_bot[:, :c, :].reshape(bsz, k, c // k, 1)
    x_top = x_top[:, :, None, :]
    s_top = s_top[:, :, None, :]
    xc = jnp.concatenate([x_top, x_bot], axis=2)  # (b, k, 2, nd)
    sc = jnp.concatenate([s_top, s_bot], axis=2)  # (b, k, 2, 1)
    # AlphaChoice sampler
    x1 = jax.nn.softplus(sc[:, :, 0, :])
    x2 = jax.nn.softplus(sc[:, :, 1, :])
    xs = x1 + x2 + 1e-09
    weights = jnp.stack([x1, x2], axis=2) / xs[:, :, None]
    regularization = jnp.mean(x2 / xs)
    out = jnp.sum(xc * weights, axis=2)  # (b, k, nd)
    return (out, regularization)

if __name__ == "__main__":
    import jax
    _d = setup_inputs()
    print(jax.jit(kernel)(*tuple(_d.values())))

</pallas_src>

<mosaic_0001>
module attributes {stable_mosaic.version = 14 : i64} {
  func.func @_score_body(%arg0: i32, %arg1: i32, %arg2: memref<1x512x1024xf32, #tpu.memory_space<vmem>>, %arg3: memref<1x1024xf32, #tpu.memory_space<vmem>>, %arg4: memref<1x1024xf32, #tpu.memory_space<vmem>>, %arg5: memref<1024x128xf32, #tpu.memory_space<vmem>>, %arg6: memref<1x1xf32, #tpu.memory_space<vmem>>, %arg7: memref<1x512x1xf32, #tpu.memory_space<vmem>>, %arg8: memref<1x512x1xf32, #tpu.memory_space<vmem>>, %arg9: memref<1x512x1xf32, #tpu.memory_space<vmem>>) attributes {dimension_semantics = [#tpu.dimension_semantics<arbitrary>, #tpu.dimension_semantics<arbitrary>], iteration_bounds = array<i64: 4, 16>, scalar_prefetch = 0 : i64, scratch_operands = 0 : i64, tpu.core_type = #tpu.core_type<tc>, window_params = [{transform_indices = @transform_0, window_bounds = array<i64: 1, 512, 1024>}, {pipeline_mode = #tpu.pipeline_mode<synchronous>, transform_indices = @transform_1, window_bounds = array<i64: 1, 1024>}, {pipeline_mode = #tpu.pipeline_mode<synchronous>, transform_indices = @transform_2, window_bounds = array<i64: 1, 1024>}, {pipeline_mode = #tpu.pipeline_mode<synchronous>, transform_indices = @transform_3, window_bounds = array<i64: 1024, 128>}, {pipeline_mode = #tpu.pipeline_mode<synchronous>, transform_indices = @transform_4, window_bounds = array<i64: 1, 1>}, {transform_indices = @transform_5, window_bounds = array<i64: 1, 512, 1>}, {transform_indices = @transform_6, window_bounds = array<i64: 1, 512, 1>}, {transform_indices = @transform_7, window_bounds = array<i64: 1, 512, 1>}]} {
    %get3A = arith.constant 0 : index
    %get3A_0 = arith.constant 0 : index
    %get3A_1 = arith.constant 0 : index
    %get3A_2 = vector.load %arg2[%get3A, %get3A_0, %get3A_1] : memref<1x512x1024xf32, #tpu.memory_space<vmem>>, vector<1x512x1024xf32>
    %get3A_3 = vector.shape_cast %get3A_2 : vector<1x512x1024xf32> to vector<512x1024xf32>
    %reduce_sum3A = arith.constant dense<0.000000e+00> : vector<512xf32>
    %reduce_sum3A_4 = vector.multi_reduction <add>, %get3A_3, %reduce_sum3A [1] : vector<512x1024xf32> to vector<512xf32>
    %broadcast_in_dim3A = vector.shape_cast %reduce_sum3A_4 : vector<512xf32> to vector<512x1xf32>
    %div3A = arith.constant 1.024000e+03 : f32
    %div3A_5 = vector.broadcast %div3A : f32 to vector<512x1xf32>
    %div3A_6 = arith.divf %broadcast_in_dim3A, %div3A_5 : vector<512x1xf32>
    %sub3A = vector.broadcast %div3A_6 : vector<512x1xf32> to vector<512x1024xf32>
    %sub3A_7 = arith.subf %get3A_3, %sub3A : vector<512x1024xf32>
    %mul3A = arith.mulf %sub3A_7, %sub3A_7 : vector<512x1024xf32>
    %reduce_sum3A_8 = arith.constant dense<0.000000e+00> : vector<512xf32>
    %reduce_sum3A_9 = vector.multi_reduction <add>, %mul3A, %reduce_sum3A_8 [1] : vector<512x1024xf32> to vector<512xf32>
    %broadcast_in_dim3A_10 = vector.shape_cast %reduce_sum3A_9 : vector<512xf32> to vector<512x1xf32>
    %div3A_11 = arith.constant 1.024000e+03 : f32
    %div3A_12 = vector.broadcast %div3A_11 : f32 to vector<512x1xf32>
    %div3A_13 = arith.divf %broadcast_in_dim3A_10, %div3A_12 : vector<512x1xf32>
    %add3A = arith.constant 9.99999974E-6 : f32
    %add3A_14 = vector.broadcast %add3A : f32 to vector<512x1xf32>
    %add3A_15 = arith.addf %div3A_13, %add3A_14 : vector<512x1xf32>
    %sqrt3A = math.sqrt %add3A_15 : vector<512x1xf32>
    %div3A_16 = vector.broadcast %sqrt3A : vector<512x1xf32> to vector<512x1024xf32>
    %div3A_17 = arith.divf %sub3A_7, %div3A_16 : vector<512x1024xf32>
    %get3A_18 = arith.constant 0 : index
    %get3A_19 = arith.constant 0 : index
    %get3A_20 = vector.load %arg3[%get3A_18, %get3A_19] : memref<1x1024xf32, #tpu.memory_space<vmem>>, vector<1x1024xf32>
    %mul3A_21 = vector.broadcast %get3A_20 : vector<1x1024xf32> to vector<512x1024xf32>
    %mul3A_22 = arith.mulf %div3A_17, %mul3A_21 : vector<512x1024xf32>
    %get3A_23 = arith.constant 0 : index
    %get3A_24 = arith.constant 0 : index
    %get3A_25 = vector.load %arg4[%get3A_23, %get3A_24] : memref<1x1024xf32, #tpu.memory_space<vmem>>, vector<1x1024xf32>
    %add3A_26 = vector.broadcast %get3A_25 : vector<1x1024xf32> to vector<512x1024xf32>
    %add3A_27 = arith.addf %mul3A_22, %add3A_26 : vector<512x1024xf32>
    %get3A_28 = arith.constant 0 : index
    %get3A_29 = arith.constant 0 : index
    %get3A_30 = vector.load %arg5[%get3A_28, %get3A_29] : memref<1024x128xf32, #tpu.memory_space<vmem>>, vector<1024x128xf32>
    %dot_general3A = arith.constant dense<0.000000e+00> : vector<512x128xf32>
    %dot_general3A_31 = tpu.matmul %add3A_27, %get3A_30, %dot_general3A {dimension_numbers = #tpu.dot_dimension_numbers<[1], [0], [0], [1], [0, 0, 1, 1], [], []>, transpose_lhs_hint = false} : vector<512x1024xf32>, vector<1024x128xf32>, vector<512x128xf32> -> vector<512x128xf32>
    %slice3A = vector.extract_strided_slice %dot_general3A_31 {offsets = [0, 0], sizes = [512, 1], strides = [1, 1]} : vector<512x128xf32> to vector<512x1xf32>
    %get3A_32 = arith.constant 0 : index
    %get3A_33 = arith.constant 0 : index
    %get3A_34 = vector.load %arg6[%get3A_32, %get3A_33] : memref<1x1xf32, #tpu.memory_space<vmem>>, vector<1x1xf32>
    %get3A_35 = vector.extract %get3A_34[0, 0] : f32 from vector<1x1xf32>
    %add3A_36 = vector.broadcast %get3A_35 : f32 to vector<512x1xf32>
    %add3A_37 = arith.addf %slice3A, %add3A_36 : vector<512x1xf32>
    %sqrt3A_38 = arith.constant 2.000000e+00 : f32
    %sqrt3A_39 = math.sqrt %sqrt3A_38 : f32
    %div3A_40 = vector.broadcast %sqrt3A_39 : f32 to vector<512x1xf32>
    %div3A_41 = arith.divf %add3A_37, %div3A_40 : vector<512x1xf32>
    %get3A_42 = arith.constant 0 : index
    %get3A_43 = arith.constant 0 : index
    %get3A_44 = arith.constant 0 : index
    %get3A_45 = vector.load %arg7[%get3A_42, %get3A_43, %get3A_44] : memref<1x512x1xf32, #tpu.memory_space<vmem>>, vector<1x512x1xf32>
    %get3A_46 = vector.shape_cast %get3A_45 : vector<1x512x1xf32> to vector<512x1xf32>
    %add3A_47 = arith.addf %div3A_41, %get3A_46 : vector<512x1xf32>
    %get3A_48 = arith.constant 0 : index
    %get3A_49 = arith.constant 0 : index
    %get3A_50 = arith.constant 0 : index
    %get3A_51 = vector.load %arg8[%get3A_48, %get3A_49, %get3A_50] : memref<1x512x1xf32, #tpu.memory_space<vmem>>, vector<1x512x1xf32>
    %get3A_52 = vector.shape_cast %get3A_51 : vector<1x512x1xf32> to vector<512x1xf32>
    %add3A_53 = arith.addf %add3A_47, %get3A_52 : vector<512x1xf32>
    %swap3A = arith.constant 0 : index
    %swap3A_54 = arith.constant 0 : index
    %swap3A_55 = arith.constant 0 : index
    %swap3A_56 = vector.load %arg9[%swap3A, %swap3A_54, %swap3A_55] : memref<1x512x1xf32, #tpu.memory_space<vmem>>, vector<1x512x1xf32>
    %swap3A_57 = vector.shape_cast %swap3A_56 : vector<1x512x1xf32> to vector<512x1xf32>
    %swap3A_58 = vector.shape_cast %add3A_53 : vector<512x1xf32> to vector<1x512x1xf32>
    tpu.vector_store %arg9[%swap3A, %swap3A_54, %swap3A_55], %swap3A_58 {strides = array<i32>} : memref<1x512x1xf32, #tpu.memory_space<vmem>>, vector<1x512x1xf32>,
    return
  }
  func.func @transform_0(%arg0: i32, %arg1: i32) -> (i32, i32, i32) {
    %c0_i32 = arith.constant 0 : i32
    %c0_i32_0 = arith.constant 0 : i32
    return %arg0, %arg1, %c0_i32 : i32, i32, i32
  }
  func.func @transform_1(%arg0: i32, %arg1: i32) -> (i32, i32) {
    %c0_i32 = arith.constant 0 : i32
    %c0_i32_0 = arith.constant 0 : i32
    %c0_i32_1 = arith.constant 0 : i32
    return %c0_i32, %c0_i32_0 : i32, i32
  }
  func.func @transform_2(%arg0: i32, %arg1: i32) -> (i32, i32) {
    %c0_i32 = arith.constant 0 : i32
    %c0_i32_0 = arith.constant 0 : i32
    %c0_i32_1 = arith.constant 0 : i32
    return %c0_i32, %c0_i32_0 : i32, i32
  }
  func.func @transform_3(%arg0: i32, %arg1: i32) -> (i32, i32) {
    %c0_i32 = arith.constant 0 : i32
    %c0_i32_0 = arith.constant 0 : i32
    %c0_i32_1 = arith.constant 0 : i32
    return %c0_i32, %c0_i32_0 : i32, i32
  }
  func.func @transform_4(%arg0: i32, %arg1: i32) -> (i32, i32) {
    %c0_i32 = arith.constant 0 : i32
    %c0_i32_0 = arith.constant 0 : i32
    %c0_i32_1 = arith.constant 0 : i32
    return %c0_i32, %c0_i32_0 : i32, i32
  }
  func.func @transform_5(%arg0: i32, %arg1: i32) -> (i32, i32, i32) {
    %c0_i32 = arith.constant 0 : i32
    %c0_i32_0 = arith.constant 0 : i32
    return %arg0, %arg1, %c0_i32 : i32, i32, i32
  }
  func.func @transform_6(%arg0: i32, %arg1: i32) -> (i32, i32, i32) {
    %c0_i32 = arith.constant 0 : i32
    %c0_i32_0 = arith.constant 0 : i32
    return %arg0, %arg1, %c0_i32 : i32, i32, i32
  }
  func.func @transform_7(%arg0: i32, %arg1: i32) -> (i32, i32, i32) {
    %c0_i32 = arith.constant 0 : i32
    %c0_i32_0 = arith.constant 0 : i32
    return %arg0, %arg1, %c0_i32 : i32, i32, i32
  }
}

module attributes {stable_mosaic.version = 14 : i64} {
  func.func @_sort_body(%arg0: i32, %arg1: memref<1x64x128xf32, #tpu.memory_space<vmem>>, %arg2: memref<1x64x128xi32, #tpu.memory_space<vmem>>, %arg3: memref<1x64x128xf32, #tpu.memory_space<vmem>>) attributes {dimension_semantics = [#tpu.dimension_semantics<arbitrary>], iteration_bounds = array<i64: 4>, scalar_prefetch = 0 : i64, scratch_operands = 0 : i64, tpu.core_type = #tpu.core_type<tc>, window_params = [{transform_indices = @transform_0, window_bounds = array<i64: 1, 64, 128>}, {transform_indices = @transform_1, window_bounds = array<i64: 1, 64, 128>}, {transform_indices = @transform_2, window_bounds = array<i64: 1, 64, 128>}]} {
    %get3A = arith.constant 0 : index
    %get3A_0 = arith.constant 0 : index
    %get3A_1 = arith.constant 0 : index
    %get3A_2 = vector.load %arg1[%get3A, %get3A_0, %get3A_1] : memref<1x64x128xf32, #tpu.memory_space<vmem>>, vector<1x64x128xf32>
    %get3A_3 = vector.shape_cast %get3A_2 : vector<1x64x128xf32> to vector<64x128xf32>
    %iota3A = tpu.iota {dimensions = array<i32: 0>} : vector<64x128xi32>
    %iota3A_4 = tpu.iota {dimensions = array<i32: 1>} : vector<64x128xi32>
    %mul3A = arith.constant 128 : i32
    %mul3A_5 = vector.broadcast %mul3A : i32 to vector<64x128xi32>
    %mul3A_6 = arith.muli %iota3A, %mul3A_5 : vector<64x128xi32>
    %add3A = arith.addi %mul3A_6, %iota3A_4 : vector<64x128xi32>
    %and3A = arith.constant 1 : i32
    %and3A_7 = vector.broadcast %and3A : i32 to vector<64x128xi32>
    %and3A_8 = arith.andi %add3A, %and3A_7 : vector<64x128xi32>
    %ne3A = arith.constant 0 : i32
    %ne3A_9 = vector.broadcast %ne3A : i32 to vector<64x128xi32>
    %ne3A_10 = arith.cmpi ne, %and3A_8, %ne3A_9 : vector<64x128xi32>
    %and3A_11 = arith.constant 2 : i32
    %and3A_12 = vector.broadcast %and3A_11 : i32 to vector<64x128xi32>
    %and3A_13 = arith.andi %add3A, %and3A_12 : vector<64x128xi32>
    %eq3A = arith.constant 0 : i32
    %eq3A_14 = vector.broadcast %eq3A : i32 to vector<64x128xi32>
    %eq3A_15 = arith.cmpi eq, %and3A_13, %eq3A_14 : vector<64x128xi32>
    %xor3A = arith.xori %eq3A_15, %ne3A_10 : vector<64x128xi1>
    %roll3A = arith.constant 1 : i32
    %roll3A_16 = tpu.dynamic_rotate %get3A_3 by %roll3A dim 1 : vector<64x128xf32>, i32 -> vector<64x128xf32>
    %roll3A_17 = arith.constant 127 : i32
    %roll3A_18 = tpu.dynamic_rotate %get3A_3 by %roll3A_17 dim 1 : vector<64x128xf32>, i32 -> vector<64x128xf32>
    %select_n3A = arith.select %ne3A_10, %roll3A_16, %roll3A_18 : vector<64x128xi1>, vector<64x128xf32>
    %roll3A_19 = arith.constant 1 : i32
    %roll3A_20 = tpu.dynamic_rotate %add3A by %roll3A_19 dim 1 : vector<64x128xi32>, i32 -> vector<64x128xi32>
    %roll3A_21 = arith.constant 127 : i32
    %roll3A_22 = tpu.dynamic_rotate %add3A by %roll3A_21 dim 1 : vector<64x128xi32>, i32 -> vector<64x128xi32>
    %select_n3A_23 = arith.select %ne3A_10, %roll3A_20, %roll3A_22 : vector<64x128xi1>, vector<64x128xi32>
    %gt3A = arith.cmpf ogt, %get3A_3, %select_n3A : vector<64x128xf32>
    %eq3A_24 = arith.cmpf oeq, %get3A_3, %select_n3A : vector<64x128xf32>
    %lt3A = arith.cmpi slt, %add3A, %select_n3A_23 : vector<64x128xi32>
    %and3A_25 = arith.andi %eq3A_24, %lt3A : vector<64x128xi1>
    %or3A = arith.ori %gt3A, %and3A_25 : vector<64x128xi1>
    %eq3A_26 = arith.xori %or3A, %xor3A : vector<64x128xi1>
    %eq3A_27 = arith.constant dense<true> : vector<64x128xi1>
    %eq3A_28 = arith.xori %eq3A_26, %eq3A_27 : vector<64x128xi1>
    %select_n3A_29 = arith.select %eq3A_28, %get3A_3, %select_n3A : vector<64x128xi1>, vector<64x128xf32>
    %select_n3A_30 = arith.select %eq3A_28, %add3A, %select_n3A_23 : vector<64x128xi1>, vector<64x128xi32>
    %and3A_31 = arith.constant 2 : i32
    %and3A_32 = vector.broadcast %and3A_31 : i32 to vector<64x128xi32>
    %and3A_33 = arith.andi %add3A, %and3A_32 : vector<64x128xi32>
    %ne3A_34 = arith.constant 0 : i32
    %ne3A_35 = vector.broadcast %ne3A_34 : i32 to vector<64x128xi32>
    %ne3A_36 = arith.cmpi ne, %and3A_33, %ne3A_35 : vector<64x128xi32>
    %and3A_37 = arith.constant 4 : i32
    %and3A_38 = vector.broadcast %and3A_37 : i32 to vector<64x128xi32>
    %and3A_39 = arith.andi %add3A, %and3A_38 : vector<64x128xi32>
    %eq3A_40 = arith.constant 0 : i32
    %eq3A_41 = vector.broadcast %eq3A_40 : i32 to vector<64x128xi32>
    %eq3A_42 = arith.cmpi eq, %and3A_39, %eq3A_41 : vector<64x128xi32>
    %xor3A_43 = arith.xori %eq3A_42, %ne3A_36 : vector<64x128xi1>
    %roll3A_44 = arith.constant 2 : i32
    %roll3A_45 = tpu.dynamic_rotate %select_n3A_29 by %roll3A_44 dim 1 : vector<64x128xf32>, i32 -> vector<64x128xf32>
    %roll3A_46 = arith.constant 126 : i32
    %roll3A_47 = tpu.dynamic_rotate %select_n3A_29 by %roll3A_46 dim 1 : vector<64x128xf32>, i32 -> vector<64x128xf32>
    %select_n3A_48 = arith.select %ne3A_36, %roll3A_45, %roll3A_47 : vector<64x128xi1>, vector<64x128xf32>
    %roll3A_49 = arith.constant 2 : i32
    %roll3A_50 = tpu.dynamic_rotate %select_n3A_30 by %roll3A_49 dim 1 : vector<64x128xi32>, i32 -> vector<64x128xi32>
    %roll3A_51 = arith.constant 126 : i32
    %roll3A_52 = tpu.dynamic_rotate %select_n3A_30 by %roll3A_51 dim 1 : vector<64x128xi32>, i32 -> vector<64x128xi32>
    %select_n3A_53 = arith.select %ne3A_36, %roll3A_50, %roll3A_52 : vector<64x128xi1>, vector<64x128xi32>
    %gt3A_54 = arith.cmpf ogt, %select_n3A_29, %select_n3A_48 : vector<64x128xf32>
    %eq3A_55 = arith.cmpf oeq, %select_n3A_29, %select_n3A_48 : vector<64x128xf32>
    %lt3A_56 = arith.cmpi slt, %select_n3A_30, %select_n3A_53 : vector<64x128xi32>
    %and3A_57 = arith.andi %eq3A_55, %lt3A_56 : vector<64x128xi1>
    %or3A_58 = arith.ori %gt3A_54, %and3A_57 : vector<64x128xi1>
    %eq3A_59 = arith.xori %or3A_58, %xor3A_43 : vector<64x128xi1>
    %eq3A_60 = arith.constant dense<true> : vector<64x128xi1>
    %eq3A_61 = arith.xori %eq3A_59, %eq3A_60 : vector<64x128xi1>
    %select_n3A_62 = arith.select %eq3A_61, %select_n3A_29, %select_n3A_48 : vector<64x128xi1>, vector<64x128xf32>
    %select_n3A_63 = arith.select %eq3A_61, %select_n3A_30, %select_n3A_53 : vector<64x128xi1>, vector<64x128xi32>
    %and3A_64 = arith.constant 1 : i32
    %and3A_65 = vector.broadcast %and3A_64 : i32 to vector<64x128xi32>
    %and3A_66 = arith.andi %add3A, %and3A_65 : vector<64x128xi32>
    %ne3A_67 = arith.constant 0 : i32
    %ne3A_68 = vector.broadcast %ne3A_67 : i32 to vector<64x128xi32>
    %ne3A_69 = arith.cmpi ne, %and3A_66, %ne3A_68 : vector<64x128xi32>
    %and3A_70 = arith.constant 4 : i32
    %and3A_71 = vector.broadcast %and3A_70 : i32 to vector<64x128xi32>
    %and3A_72 = arith.andi %add3A, %and3A_71 : vector<64x128xi32>
    %eq3A_73 = arith.constant 0 : i32
    %eq3A_74 = vector.broadcast %eq3A_73 : i32 to vector<64x128xi32>
    %eq3A_75 = arith.cmpi eq, %and3A_72, %eq3A_74 : vector<64x128xi32>
    %xor3A_76 = arith.xori %eq3A_75, %ne3A_69 : vector<64x128xi1>
    %roll3A_77 = arith.constant 1 : i32
    %roll3A_78 = tpu.dynamic_rotate %select_n3A_62 by %roll3A_77 dim 1 : vector<64x128xf32>, i32 -> vector<64x128xf32>
    %roll3A_79 = arith.constant 127 : i32
    %roll3A_80 = tpu.dynamic_rotate %select_n3A_62 by %roll3A_79 dim 1 : vector<64x128xf32>, i32 -> vector<64x128xf32>
    %select_n3A_81 = arith.select %ne3A_69, %roll3A_78, %roll3A_80 : vector<64x128xi1>, vector<64x128xf32>
    %roll3A_82 = arith.constant 1 : i32
    %roll3A_83 = tpu.dynamic_rotate %select_n3A_63 by %roll3A_82 dim 1 : vector<64x128xi32>, i32 -> vector<64x128xi32>
    %roll3A_84 = arith.constant 127 : i32
    %roll3A_85 = tpu.dynamic_rotate %select_n3A_63 by %roll3A_84 dim 1 : vector<64x128xi32>, i32 -> vector<64x128xi32>
    %select_n3A_86 = arith.select %ne3A_69, %roll3A_83, %roll3A_85 : vector<64x128xi1>, vector<64x128xi32>
    %gt3A_87 = arith.cmpf ogt, %select_n3A_62, %select_n3A_81 : vector<64x128xf32>
    %eq3A_88 = arith.cmpf oeq, %select_n3A_62, %select_n3A_81 : vector<64x128xf32>
    %lt3A_89 = arith.cmpi slt, %select_n3A_63, %select_n3A_86 : vector<64x128xi32>
    %and3A_90 = arith.andi %eq3A_88, %lt3A_89 : vector<64x128xi1>
    %or3A_91 = arith.ori %gt3A_87, %and3A_90 : vector<64x128xi1>
    %eq3A_92 = arith.xori %or3A_91, %xor3A_76 : vector<64x128xi1>
    %eq3A_93 = arith.constant dense<true> : vector<64x128xi1>
    %eq3A_94 = arith.xori %eq3A_92, %eq3A_93 : vector<64x128xi1>
    %select_n3A_95 = arith.select %eq3A_94, %select_n3A_62, %select_n3A_81 : vector<64x128xi1>, vector<64x128xf32>
    %select_n3A_96 = arith.select %eq3A_94, %select_n3A_63, %select_n3A_86 : vector<64x128xi1>, vector<64x128xi32>
    %and3A_97 = arith.constant 4 : i32
    %and3A_98 = vector.broadcast %and3A_97 : i32 to vector<64x128xi32>
    %and3A_99 = arith.andi %add3A, %and3A_98 : vector<64x128xi32>
    %ne3A_100 = arith.constant 0 : i32
    %ne3A_101 = vector.broadcast %ne3A_100 : i32 to vector<64x128xi32>
    %ne3A_102 = arith.cmpi ne, %and3A_99, %ne3A_101 : vector<64x128xi32>
    %and3A_103 = arith.constant 8 : i32
    %and3A_104 = vector.broadcast %and3A_103 : i32 to vector<64x128xi32>
    %and3A_105 = arith.andi %add3A, %and3A_104 : vector<64x128xi32>
    %eq3A_106 = arith.constant 0 : i32
    %eq3A_107 = vector.broadcast %eq3A_106 : i32 to vector<64x128xi32>
    %eq3A_108 = arith.cmpi eq, %and3A_105, %eq3A_107 : vector<64x128xi32>
    %xor3A_109 = arith.xori %eq3A_108, %ne3A_102 : vector<64x128xi1>
    %roll3A_110 = arith.constant 4 : i32
    %roll3A_111 = tpu.dynamic_rotate %select_n3A_95 by %roll3A_110 dim 1 : vector<64x128xf32>, i32 -> vector<64x128xf32>
    %roll3A_112 = arith.constant 124 : i32
    %roll3A_113 = tpu.dynamic_rotate %select_n3A_95 by %roll3A_112 dim 1 : vector<64x128xf32>, i32 -> vector<64x128xf32>
    %select_n3A_114 = arith.select %ne3A_102, %roll3A_111, %roll3A_113 : vector<64x128xi1>, vector<64x128xf32>
    %roll3A_115 = arith.constant 4 : i32
    %roll3A_116 = tpu.dynamic_rotate %select_n3A_96 by %roll3A_115 dim 1 : vector<64x128xi32>, i32 -> vector<64x128xi32>
    %roll3A_117 = arith.constant 124 : i32
    %roll3A_118 = tpu.dynamic_rotate %select_n3A_96 by %roll3A_117 dim 1 : vector<64x128xi32>, i32 -> vector<64x128xi32>
    %select_n3A_119 = arith.select %ne3A_102, %roll3A_116, %roll3A_118 : vector<64x128xi1>, vector<64x128xi32>
    %gt3A_120 = arith.cmpf ogt, %select_n3A_95, %select_n3A_114 : vector<64x128xf32>
    %eq3A_121 = arith.cmpf oeq, %select_n3A_95, %select_n3A_114 : vector<64x128xf32>
    %lt3A_122 = arith.cmpi slt, %select_n3A_96, %select_n3A_119 : vector<64x128xi32>
    %and3A_123 = arith.andi %eq3A_121, %lt3A_122 : vector<64x128xi1>
    %or3A_124 = arith.ori %gt3A_120, %and3A_123 : vector<64x128xi1>
    %eq3A_125 = arith.xori %or3A_124, %xor3A_109 : vector<64x128xi1>
    %eq3A_126 = arith.constant dense<true> : vector<64x128xi1>
    %eq3A_127 = arith.xori %eq3A_125, %eq3A_126 : vector<64x128xi1>
    %select_n3A_128 = arith.select %eq3A_127, %select_n3A_95, %select_n3A_114 : vector<64x128xi1>, vector<64x128xf32>
    %select_n3A_129 = arith.select %eq3A_127, %select_n3A_96, %select_n3A_119 : vector<64x128xi1>, vector<64x128xi32>
    %and3A_130 = arith.constant 2 : i32
    %and3A_131 = vector.broadcast %and3A_130 : i32 to vector<64x128xi32>
    %and3A_132 = arith.andi %add3A, %and3A_131 : vector<64x128xi32>
    %ne3A_133 = arith.constant 0 : i32
    %ne3A_134 = vector.broadcast %ne3A_133 : i32 to vector<64x128xi32>
    %ne3A_135 = arith.cmpi ne, %and3A_132, %ne3A_134 : vector<64x128xi32>
    %and3A_136 = arith.constant 8 : i32
    %and3A_137 = vector.broadcast %and3A_136 : i32 to vector<64x128xi32>
    %and3A_138 = arith.andi %add3A, %and3A_137 : vector<64x128xi32>
    %eq3A_139 = arith.constant 0 : i32
    %eq3A_140 = vector.broadcast %eq3A_139 : i32 to vector<64x128xi32>
    %eq3A_141 = arith.cmpi eq, %and3A_138, %eq3A_140 : vector<64x128xi32>
    %xor3A_142 = arith.xori %eq3A_141, %ne3A_135 : vector<64x128xi1>
    %roll3A_143 = arith.constant 2 : i32
    %roll3A_144 = tpu.dynamic_rotate %select_n3A_128 by %roll3A_143 dim 1 : vector<64x128xf32>, i32 -> vector<64x128xf32>
    %roll3A_145 = arith.constant 126 : i32
    %roll3A_146 = tpu.dynamic_rotate %select_n3A_128 by %roll3A_145 dim 1 : vector<64x128xf32>, i32 -> vector<64x128xf32>
    %select_n3A_147 = arith.select %ne3A_135, %roll3A_144, %roll3A_146 : vector<64x128xi1>, vector<64x128xf32>
    %roll3A_148 = arith.constant 2 : i32
    %roll3A_149 = tpu.dynamic_rotate %select_n3A_129 by %roll3A_148 dim 1 : vector<64x128xi32>, i32 -> vector<64x128xi32>
    %roll3A_150 = arith.constant 126 : i32
    %roll3A_151 = tpu.dynamic_rotate %select_n3A_129 by %roll3A_150 dim 1 : vector<64x128xi32>, i32 -> vector<64x128xi32>
    %select_n3A_152 = arith.select %ne3A_135, %roll3A_149, %roll3A_151 : vector<64x128xi1>, vector<64x128xi32>
    %gt3A_153 = arith.cmpf ogt, %select_n3A_128, %select_n3A_147 : vector<64x128xf32>
    %eq3A_154 = arith.cmpf oeq, %select_n3A_128, %select_n3A_147 : vector<64x128xf32>
    %lt3A_155 = arith.cmpi slt, %select_n3A_129, %select_n3A_152 : vector<64x128xi32>
    %and3A_156 = arith.andi %eq3A_154, %lt3A_155 : vector<64x128xi1>
    %or3A_157 = arith.ori %gt3A_153, %and3A_156 : vector<64x128xi1>
    %eq3A_158 = arith.xori %or3A_157, %xor3A_142 : vector<64x128xi1>
    %eq3A_159 = arith.constant dense<true> : vector<64x128xi1>
    %eq3A_160 = arith.xori %eq3A_158, %eq3A_159 : vector<64x128xi1>
    %select_n3A_161 = arith.select %eq3A_160, %select_n3A_128, %select_n3A_147 : vector<64x128xi1>, vector<64x128xf32>
    %select_n3A_162 = arith.select %eq3A_160, %select_n3A_129, %select_n3A_152 : vector<64x128xi1>, vector<64x128xi32>
    %and3A_163 = arith.constant 1 : i32
    %and3A_164 = vector.broadcast %and3A_163 : i32 to vector<64x128xi32>
    %and3A_165 = arith.andi %add3A, %and3A_164 : vector<64x128xi32>
    %ne3A_166 = arith.constant 0 : i32
    %ne3A_167 = vector.broadcast %ne3A_166 : i32 to vector<64x128xi32>
    %ne3A_168 = arith.cmpi ne, %and3A_165, %ne3A_167 : vector<64x128xi32>
    %and3A_169 = arith.constant 8 : i32
    %and3A_170 = vector.broadcast %and3A_169 : i32 to vector<64x128xi32>
    %and3A_171 = arith.andi %add3A, %and3A_170 : vector<64x128xi32>
    %eq3A_172 = arith.constant 0 : i32
    %eq3A_173 = vector.broadcast %eq3A_172 : i32 to vector<64x128xi32>
    %eq3A_174 = arith.cmpi eq, %and3A_171, %eq3A_173 : vector<64x128xi32>
    %xor3A_175 = arith.xori %eq3A_174, %ne3A_168 : vector<64x128xi1>
    %roll3A_176 = arith.constant 1 : i32
    %roll3A_177 = tpu.dynamic_rotate %select_n3A_161 by %roll3A_176 dim 1 : vector<64x128xf32>, i32 -> vector<64x128xf32>
    %roll3A_178 = arith.constant 127 : i32
    %roll3A_179 = tpu.dynamic_rotate %select_n3A_161 by %roll3A_178 dim 1 : vector<64x128xf32>, i32 -> vector<64x128xf32>
    %select_n3A_180 = arith.select %ne3A_168, %roll3A_177, %roll3A_179 : vector<64x128xi1>, vector<64x128xf32>
    %roll3A_181 = arith.constant 1 : i32
    %roll3A_182 = tpu.dynamic_rotate %select_n3A_162 by %roll3A_181 dim 1 : vector<64x128xi32>, i32 -> vector<64x128xi32>
    %roll3A_183 = arith.constant 127 : i32
    %roll3A_184 = tpu.dynamic_rotate %select_n3A_162 by %roll3A_183 dim 1 : vector<64x128xi32>, i32 -> vector<64x128xi32>
    %select_n3A_185 = arith.select %ne3A_168, %roll3A_182, %roll3A_184 : vector<64x128xi1>, vector<64x128xi32>
    %gt3A_186 = arith.cmpf ogt, %select_n3A_161, %select_n3A_180 : vector<64x128xf32>
    %eq3A_187 = arith.cmpf oeq, %select_n3A_161, %select_n3A_180 : vector<64x128xf32>
    %lt3A_188 = arith.cmpi slt, %select_n3A_162, %select_n3A_185 : vector<64x128xi32>
    %and3A_189 = arith.andi %eq3A_187, %lt3A_188 : vector<64x128xi1>
    %or3A_190 = arith.ori %gt3A_186, %and3A_189 : vector<64x128xi1>
    %eq3A_191 = arith.xori %or3A_190, %xor3A_175 : vector<64x128xi1>
    %eq3A_192 = arith.constant dense<true> : vector<64x128xi1>
    %eq3A_193 = arith.xori %eq3A_191, %eq3A_192 : vector<64x128xi1>
    %select_n3A_194 = arith.select %eq3A_193, %select_n3A_161, %select_n3A_180 : vector<64x128xi1>, vector<64x128xf32>
    %select_n3A_195 = arith.select %eq3A_193, %select_n3A_162, %select_n3A_185 : vector<64x128xi1>, vector<64x128xi32>
    %and3A_196 = arith.constant 8 : i32
    %and3A_197 = vector.broadcast %and3A_196 : i32 to vector<64x128xi32>
    %and3A_198 = arith.andi %add3A, %and3A_197 : vector<64x128xi32>
    %ne3A_199 = arith.constant 0 : i32
    %ne3A_200 = vector.broadcast %ne3A_199 : i32 to vector<64x128xi32>
    %ne3A_201 = arith.cmpi ne, %and3A_198, %ne3A_200 : vector<64x128xi32>
    %and3A_202 = arith.constant 16 : i32
    %and3A_203 = vector.broadcast %and3A_202 : i32 to vector<64x128xi32>
    %and3A_204 = arith.andi %add3A, %and3A_203 : vector<64x128xi32>
    %eq3A_205 = arith.constant 0 : i32
    %eq3A_206 = vector.broadcast %eq3A_205 : i32 to vector<64x128xi32>
    %eq3A_207 = arith.cmpi eq, %and3A_204, %eq3A_206 : vector<64x128xi32>
    %xor3A_208 = arith.xori %eq3A_207, %ne3A_201 : vector<64x128xi1>
    %roll3A_209 = arith.constant 8 : i32
    %roll3A_210 = tpu.dynamic_rotate %select_n3A_194 by %roll3A_209 dim 1 : vector<64x128xf32>, i32 -> vector<64x128xf32>
    %roll3A_211 = arith.constant 120 : i32
    %roll3A_212 = tpu.dynamic_rotate %select_n3A_194 by %roll3A_211 dim 1 : vector<64x128xf32>, i32 -> vector<64x128xf32>
    %select_n3A_213 = arith.select %ne3A_201, %roll3A_210, %roll3A_212 : vector<64x128xi1>, vector<64x128xf32>
    %roll3A_214 = arith.constant 8 : i32
    %roll3A_215 = tpu.dynamic_rotate %select_n3A_195 by %roll3A_214 dim 1 : vector<64x128xi32>, i32 -> vector<64x128xi32>
    %roll3A_216 = arith.constant 120 : i32
    %roll3A_217 = tpu.dynamic_rotate %select_n3A_195 by %roll3A_216 dim 1 : vector<64x128xi32>, i32 -> vector<64x128xi32>
    %select_n3A_218 = arith.select %ne3A_201, %roll3A_215, %roll3A_217 : vector<64x128xi1>, vector<64x128xi32>
    %gt3A_219 = arith.cmpf ogt, %select_n3A_194, %select_n3A_213 : vector<64x128xf32>
    %eq3A_220 = arith.cmpf oeq, %select_n3A_194, %select_n3A_213 : vector<64x128xf32>
    %lt3A_221 = arith.cmpi slt, %select_n3A_195, %select_n3A_218 : vector<64x128xi32>
    %and3A_222 = arith.andi %eq3A_220, %lt3A_221 : vector<64x128xi1>
    %or3A_223 = arith.ori %gt3A_219, %and3A_222 : vector<64x128xi1>
    %eq3A_224 = arith.xori %or3A_223, %xor3A_208 : vector<64x128xi1>
    %eq3A_225 = arith.constant dense<true> : vector<64x128xi1>
    %eq3A_226 = arith.xori %eq3A_224, %eq3A_225 : vector<64x128xi1>
    %select_n3A_227 = arith.select %eq3A_226, %select_n3A_194, %select_n3A_213 : vector<64x128xi1>, vector<64x128xf32>
    %select_n3A_228 = arith.select %eq3A_226, %select_n3A_195, %select_n3A_218 : vector<64x128xi1>, vector<64x128xi32>
    %and3A_229 = arith.constant 4 : i32
    %and3A_230 = vector.broadcast %and3A_229 : i32 to vector<64x128xi32>
    %and3A_231 = arith.andi %add3A, %and3A_230 : vector<64x128xi32>
    %ne3A_232 = arith.constant 0 : i32
    %ne3A_233 = vector.broadcast %ne3A_232 : i32 to vector<64x128xi32>
    %ne3A_234 = arith.cmpi ne, %and3A_231, %ne3A_233 : vector<64x128xi32>
    %and3A_235 = arith.constant 16 : i32
    %and3A_236 = vector.broadcast %and3A_235 : i32 to vector<64x128xi32>
    %and3A_237 = arith.andi %add3A, %and3A_236 : vector<64x128xi32>
    %eq3A_238 = arith.constant 0 : i32
    %eq3A_239 = vector.broadcast %eq3A_238 : i32 to vector<64x128xi32>
    %eq3A_240 = arith.cmpi eq, %and3A_237, %eq3A_239 : vector<64x128xi32>
    %xor3A_241 = arith.xori %eq3A_240, %ne3A_234 : vector<64x128xi1>
    %roll3A_242 = arith.constant 4 : i32
    %roll3A_243 = tpu.dynamic_rotate %select_n3A_227 by %roll3A_242 dim 1 : vector<64x128xf32>, i32 -> vector<64x128xf32>
    %roll3A_244 = arith.constant 124 : i32
    %roll3A_245 = tpu.dynamic_rotate %select_n3A_227 by %roll3A_244 dim 1 : vector<64x128xf32>, i32 -> vector<64x128xf32>
    %select_n3A_246 = arith.select %ne3A_234, %roll3A_243, %roll3A_245 : vector<64x128xi1>, vector<64x128xf32>
    %roll3A_247 = arith.constant 4 : i32
    %roll3A_248 = tpu.dynamic_rotate %select_n3A_228 by %roll3A_247 dim 1 : vector<64x128xi32>, i32 -> vector<64x128xi32>
    %roll3A_249 = arith.constant 124 : i32
    %roll3A_250 = tpu.dynamic_rotate %select_n3A_228 by %roll3A_249 dim 1 : vector<64x128xi32>, i32 -> vector<64x128xi32>
    %select_n3A_251 = arith.select %ne3A_234, %roll3A_248, %roll3A_250 : vector<64x128xi1>, vector<64x128xi32>
    %gt3A_252 = arith.cmpf ogt, %select_n3A_227, %select_n3A_246 : vector<64x128xf32>
    %eq3A_253 = arith.cmpf oeq, %select_n3A_227, %select_n3A_246 : vector<64x128xf32>
    %lt3A_254 = arith.cmpi slt, %select_n3A_228, %select_n3A_251 : vector<64x128xi32>
    %and3A_255 = arith.andi %eq3A_253, %lt3A_254 : vector<64x128xi1>
    %or3A_256 = arith.ori %gt3A_252, %and3A_255 : vector<64x128xi1>
    %eq3A_257 = arith.xori %or3A_256, %xor3A_241 : vector<64x128xi1>
    %eq3A_258 = arith.constant dense<true> : vector<64x128xi1>
    %eq3A_259 = arith.xori %eq3A_257, %eq3A_258 : vector<64x128xi1>
    %select_n3A_260 = arith.select %eq3A_259, %select_n3A_227, %select_n3A_246 : vector<64x128xi1>, vector<64x128xf32>
    %select_n3A_261 = arith.select %eq3A_259, %select_n3A_228, %select_n3A_251 : vector<64x128xi1>, vector<64x128xi32>
    %and3A_262 = arith.constant 2 : i32
    %and3A_263 = vector.broadcast %and3A_262 : i32 to vector<64x128xi32>
    %and3A_264 = arith.andi %add3A, %and3A_263 : vector<64x128xi32>
    %ne3A_265 = arith.constant 0 : i32
    %ne3A_266 = vector.broadcast %ne3A_265 : i32 to vector<64x128xi32>
    %ne3A_267 = arith.cmpi ne, %and3A_264, %ne3A_266 : vector<64x128xi32>
    %and3A_268 = arith.constant 16 : i32
    %and3A_269 = vector.broadcast %and3A_268 : i32 to vector<64x128xi32>
    %and3A_270 = arith.andi %add3A, %and3A_269 : vector<64x128xi32>
    %eq3A_271 = arith.constant 0 : i32
    %eq3A_272 = vector.broadcast %eq3A_271 : i32 to vector<64x128xi32>
    %eq3A_273 = arith.cmpi eq, %and3A_270, %eq3A_272 : vector<64x128xi32>
    %xor3A_274 = arith.xori %eq3A_273, %ne3A_267 : vector<64x128xi1>
    %roll3A_275 = arith.constant 2 : i32
    %roll3A_276 = tpu.dynamic_rotate %select_n3A_260 by %roll3A_275 dim 1 : vector<64x128xf32>, i32 -> vector<64x128xf32>
    %roll3A_277 = arith.constant 126 : i32
    %roll3A_278 = tpu.dynamic_rotate %select_n3A_260 by %roll3A_277 dim 1 : vector<64x128xf32>, i32 -> vector<64x128xf32>
    %select_n3A_279 = arith.select %ne3A_267, %roll3A_276, %roll3A_278 : vector<64x128xi1>, vector<64x128xf32>
    %roll3A_280 = arith.constant 2 : i32
    %roll3A_281 = tpu.dynamic_rotate %select_n3A_261 by %roll3A_280 dim 1 : vector<64x128xi32>, i32 -> vector<64x128xi32>
    %roll3A_282 = arith.constant 126 : i32
    %roll3A_283 = tpu.dynamic_rotate %select_n3A_261 by %roll3A_282 dim 1 : vector<64x128xi32>, i32 -> vector<64x128xi32>
    %select_n3A_284 = arith.select %ne3A_267, %roll3A_281, %roll3A_283 : vector<64x128xi1>, vector<64x128xi32>
    %gt3A_285 = arith.cmpf ogt, %select_n3A_260, %select_n3A_279 : vector<64x128xf32>
    %eq3A_286 = arith.cmpf oeq, %select_n3A_260, %select_n3A_279 : vector<64x128xf32>
    %lt3A_287 = arith.cmpi slt, %select_n3A_261, %select_n3A_284 : vector<64x128xi32>
    %and3A_288 = arith.andi %eq3A_286, %lt3A_287 : vector<64x128xi1>
    %or3A_289 = arith.ori %gt3A_285, %and3A_288 : vector<64x128xi1>
    %eq3A_290 = arith.xori %or3A_289, %xor3A_274 : vector<64x128xi1>
    %eq3A_291 = arith.constant dense<true> : vector<64x128xi1>
    %eq3A_292 = arith.xori %eq3A_290, %eq3A_291 : vector<64x128xi1>
    %select_n3A_293 = arith.select %eq3A_292, %select_n3A_260, %select_n3A_279 : vector<64x128xi1>, vector<64x128xf32>
    %select_n3A_294 = arith.select %eq3A_292, %select_n3A_261, %select_n3A_284 : vector<64x128xi1>, vector<64x128xi32>
    %and3A_295 = arith.constant 1 : i32
    %and3A_296 = vector.broadcast %and3A_295 : i32 to vector<64x128xi32>
    %and3A_297 = arith.andi %add3A, %and3A_296 : vector<64x128xi32>
    %ne3A_298 = arith.constant 0 : i32
    %ne3A_299 = vector.broadcast %ne3A_298 : i32 to vector<64x128xi32>
    %ne3A_300 = arith.cmpi ne, %and3A_297, %ne3A_299 : vector<64x128xi32>
    %and3A_301 = arith.constant 16 : i32
    %and3A_302 = vector.broadcast %and3A_301 : i32 to vector<64x128xi32>
    %and3A_303 = arith.andi %add3A, %and3A_302 : vector<64x128xi32>
    %eq3A_304 = arith.constant 0 : i32
    %eq3A_305 = vector.broadcast %eq3A_304 : i32 to vector<64x128xi32>
    %eq3A_306 = arith.cmpi eq, %and3A_303, %eq3A_305 : vector<64x128xi32>
    %xor3A_307 = arith.xori %eq3A_306, %ne3A_300 : vector<64x128xi1>
    %roll3A_308 = arith.constant 1 : i32
    %roll3A_309 = tpu.dynamic_rotate %select_n3A_293 by %roll3A_308 dim 1 : vector<64x128xf32>, i32 -> vector<64x128xf32>
    %roll3A_310 = arith.constant 127 : i32
    %roll3A_311 = tpu.dynamic_rotate %select_n3A_293 by %roll3A_310 dim 1 : vector<64x128xf32>, i32 -> vector<64x128xf32>
    %select_n3A_312 = arith.select %ne3A_300, %roll3A_309, %roll3A_311 : vector<64x128xi1>, vector<64x128xf32>
    %roll3A_313 = arith.constant 1 : i32
    %roll3A_314 = tpu.dynamic_rotate %select_n3A_294 by %roll3A_313 dim 1 : vector<64x128xi32>, i32 -> vector<64x128xi32>
    %roll3A_315 = arith.constant 127 : i32
    %roll3A_316 = tpu.dynamic_rotate %select_n3A_294 by %roll3A_315 dim 1 : vector<64x128xi32>, i32 -> vector<64x128xi32>
    %select_n3A_317 = arith.select %ne3A_300, %roll3A_314, %roll3A_316 : vector<64x128xi1>, vector<64x128xi32>
    %gt3A_318 = arith.cmpf ogt, %select_n3A_293, %select_n3A_312 : vector<64x128xf32>
    %eq3A_319 = arith.cmpf oeq, %select_n3A_293, %select_n3A_312 : vector<64x128xf32>
    %lt3A_320 = arith.cmpi slt, %select_n3A_294, %select_n3A_317 : vector<64x128xi32>
    %and3A_321 = arith.andi %eq3A_319, %lt3A_320 : vector<64x128xi1>
    %or3A_322 = arith.ori %gt3A_318, %and3A_321 : vector<64x128xi1>
    %eq3A_323 = arith.xori %or3A_322, %xor3A_307 : vector<64x128xi1>
    %eq3A_324 = arith.constant dense<true> : vector<64x128xi1>
    %eq3A_325 = arith.xori %eq3A_323, %eq3A_324 : vector<64x128xi1>
    %select_n3A_326 = arith.select %eq3A_325, %select_n3A_293, %select_n3A_312 : vector<64x128xi1>, vector<64x128xf32>
    %select_n3A_327 = arith.select %eq3A_325, %select_n3A_294, %select_n3A_317 : vector<64x128xi1>, vector<64x128xi32>
    %and3A_328 = arith.constant 16 : i32
    %and3A_329 = vector.broadcast %and3A_328 : i32 to vector<64x128xi32>
    %and3A_330 = arith.andi %add3A, %and3A_329 : vector<64x128xi32>
    %ne3A_331 = arith.constant 0 : i32
    %ne3A_332 = vector.broadcast %ne3A_331 : i32 to vector<64x128xi32>
    %ne3A_333 = arith.cmpi ne, %and3A_330, %ne3A_332 : vector<64x128xi32>
    %and3A_334 = arith.constant 32 : i32
    %and3A_335 = vector.broadcast %and3A_334 : i32 to vector<64x128xi32>
    %and3A_336 = arith.andi %add3A, %and3A_335 : vector<64x128xi32>
    %eq3A_337 = arith.constant 0 : i32
    %eq3A_338 = vector.broadcast %eq3A_337 : i32 to vector<64x128xi32>
    %eq3A_339 = arith.cmpi eq, %and3A_336, %eq3A_338 : vector<64x128xi32>
    %xor3A_340 = arith.xori %eq3A_339, %ne3A_333 : vector<64x128xi1>
    %roll3A_341 = arith.constant 16 : i32
    %roll3A_342 = tpu.dynamic_rotate %select_n3A_326 by %roll3A_341 dim 1 : vector<64x128xf32>, i32 -> vector<64x128xf32>
    %roll3A_343 = arith.constant 112 : i32
    %roll3A_344 = tpu.dynamic_rotate %select_n3A_326 by %roll3A_343 dim 1 : vector<64x128xf32>, i32 -> vector<64x128xf32>
    %select_n3A_345 = arith.select %ne3A_333, %roll3A_342, %roll3A_344 : vector<64x128xi1>, vector<64x128xf32>
    %roll3A_346 = arith.constant 16 : i32
    %roll3A_347 = tpu.dynamic_rotate %select_n3A_327 by %roll3A_346 dim 1 : vector<64x128xi32>, i32 -> vector<64x128xi32>
    %roll3A_348 = arith.constant 112 : i32
    %roll3A_349 = tpu.dynamic_rotate %select_n3A_327 by %roll3A_348 dim 1 : vector<64x128xi32>, i32 -> vector<64x128xi32>
    %select_n3A_350 = arith.select %ne3A_333, %roll3A_347, %roll3A_349 : vector<64x128xi1>, vector<64x128xi32>
    %gt3A_351 = arith.cmpf ogt, %select_n3A_326, %select_n3A_345 : vector<64x128xf32>
    %eq3A_352 = arith.cmpf oeq, %select_n3A_326, %select_n3A_345 : vector<64x128xf32>
    %lt3A_353 = arith.cmpi slt, %select_n3A_327, %select_n3A_350 : vector<64x128xi32>
    %and3A_354 = arith.andi %eq3A_352, %lt3A_353 : vector<64x128xi1>
    %or3A_355 = arith.ori %gt3A_351, %and3A_354 : vector<64x128xi1>
    %eq3A_356 = arith.xori %or3A_355, %xor3A_340 : vector<64x128xi1>
    %eq3A_357 = arith.constant dense<true> : vector<64x128xi1>
    %eq3A_358 = arith.xori %eq3A_356, %eq3A_357 : vector<64x128xi1>
    %select_n3A_359 = arith.select %eq3A_358, %select_n3A_326, %select_n3A_345 : vector<64x128xi1>, vector<64x128xf32>
    %select_n3A_360 = arith.select %eq3A_358, %select_n3A_327, %select_n3A_350 : vector<64x128xi1>, vector<64x128xi32>
    %and3A_361 = arith.constant 8 : i32
    %and3A_362 = vector.broadcast %and3A_361 : i32 to vector<64x128xi32>
    %and3A_363 = arith.andi %add3A, %and3A_362 : vector<64x128xi32>
    %ne3A_364 = arith.constant 0 : i32
    %ne3A_365 = vector.broadcast %ne3A_364 : i32 to vector<64x128xi32>
    %ne3A_366 = arith.cmpi ne, %and3A_363, %ne3A_365 : vector<64x128xi32>
    %and3A_367 = arith.constant 32 : i32
    %and3A_368 = vector.broadcast %and3A_367 : i32 to vector<64x128xi32>
    %and3A_369 = arith.andi %add3A, %and3A_368 : vector<64x128xi32>
    %eq3A_370 = arith.constant 0 : i32
    %eq3A_371 = vector.broadcast %eq3A_370 : i32 to vector<64x128xi32>
    %eq3A_372 = arith.cmpi eq, %and3A_369, %eq3A_371 : vector<64x128xi32>
    %xor3A_373 = arith.xori %eq3A_372, %ne3A_366 : vector<64x128xi1>
    %roll3A_374 = arith.constant 8 : i32
    %roll3A_375 = tpu.dynamic_rotate %select_n3A_359 by %roll3A_374 dim 1 : vector<64x128xf32>, i32 -> vector<64x128xf32>
    %roll3A_376 = arith.constant 120 : i32
    %roll3A_377 = tpu.dynamic_rotate %select_n3A_359 by %roll3A_376 dim 1 : vector<64x128xf32>, i32 -> vector<64x128xf32>
    %select_n3A_378 = arith.select %ne3A_366, %roll3A_375, %roll3A_377 : vector<64x128xi1>, vector<64x128xf32>
    %roll3A_379 = arith.constant 8 : i32
    %roll3A_380 = tpu.dynamic_rotate %select_n3A_360 by %roll3A_379 dim 1 : vector<64x128xi32>, i32 -> vector<64x128xi32>
    %roll3A_381 = arith.constant 120 : i32
    %roll3A_382 = tpu.dynamic_rotate %select_n3A_360 by %roll3A_381 dim 1 : vector<64x128xi32>, i32 -> vector<64x128xi32>
    %select_n3A_383 = arith.select %ne3A_366, %roll3A_380, %roll3A_382 : vector<64x128xi1>, vector<64x128xi32>
    %gt3A_384 = arith.cmpf ogt, %select_n3A_359, %select_n3A_378 : vector<64x128xf32>
    %eq3A_385 = arith.cmpf oeq, %select_n3A_359, %select_n3A_378 : vector<64x128xf32>
    %lt3A_386 = arith.cmpi slt, %select_n3A_360, %select_n3A_383 : vector<64x128xi32>
    %and3A_387 = arith.andi %eq3A_385, %lt3A_386 : vector<64x128xi1>
    %or3A_388 = arith.ori %gt3A_384, %and3A_387 : vector<64x128xi1>
    %eq3A_389 = arith.xori %or3A_388, %xor3A_373 : vector<64x128xi1>
    %eq3A_390 = arith.constant dense<true> : vector<64x128xi1>
    %eq3A_391 = arith.xori %eq3A_389, %eq3A_390 : vector<64x128xi1>
    %select_n3A_392 = arith.select %eq3A_391, %select_n3A_359, %select_n3A_378 : vector<64x128xi1>, vector<64x128xf32>
    %select_n3A_393 = arith.select %eq3A_391, %select_n3A_360, %select_n3A_383 : vector<64x128xi1>, vector<64x128xi32>
    %and3A_394 = arith.constant 4 : i32
    %and3A_395 = vector.broadcast %and3A_394 : i32 to vector<64x128xi32>
    %and3A_396 = arith.andi %add3A, %and3A_395 : vector<64x128xi32>
    %ne3A_397 = arith.constant 0 : i32
    %ne3A_398 = vector.broadcast %ne3A_397 : i32 to vector<64x128xi32>
    %ne3A_399 = arith.cmpi ne, %and3A_396, %ne3A_398 : vector<64x128xi32>
    %and3A_400 = arith.constant 32 : i32
    %and3A_401 = vector.broadcast %and3A_400 : i32 to vector<64x128xi32>
    %and3A_402 = arith.andi %add3A, %and3A_401 : vector<64x128xi32>
    %eq3A_403 = arith.constant 0 : i32
    %eq3A_404 = vector.broadcast %eq3A_403 : i32 to vector<64x128xi32>
    %eq3A_405 = arith.cmpi eq, %and3A_402, %eq3A_404 : vector<64x128xi32>
    %xor3A_406 = arith.xori %eq3A_405, %ne3A_399 : vector<64x128xi1>
    %roll3A_407 = arith.constant 4 : i32
    %roll3A_408 = tpu.dynamic_rotate %select_n3A_392 by %roll3A_407 dim 1 : vector<64x128xf32>, i32 -> vector<64x128xf32>
    %roll3A_409 = arith.constant 124 : i32
    %roll3A_410 = tpu.dynamic_rotate %select_n3A_392 by %roll3A_409 dim 1 : vector<64x128xf32>, i32 -> vector<64x128xf32>
    %select_n3A_411 = arith.select %ne3A_399, %roll3A_408, %roll3A_410 : vector<64x128xi1>, vector<64x128xf32>
    %roll3A_412 = arith.constant 4 : i32
    %roll3A_413 = tpu.dynamic_rotate %select_n3A_393 by %roll3A_412 dim 1 : vector<64x128xi32>, i32 -> vector<64x128xi32>
    %roll3A_414 = arith.constant 124 : i32
    %roll3A_415 = tpu.dynamic_rotate %select_n3A_393 by %roll3A_414 dim 1 : vector<64x128xi32>, i32 -> vector<64x128xi32>
    %select_n3A_416 = arith.select %ne3A_399, %roll3A_413, %roll3A_415 : vector<64x128xi1>, vector<64x128xi32>
    %gt3A_417 = arith.cmpf ogt, %select_n3A_392, %select_n3A_411 : vector<64x128xf32>
    %eq3A_418 = arith.cmpf oeq, %select_n3A_392, %select_n3A_411 : vector<64x128xf32>
    %lt3A_419 = arith.cmpi slt, %select_n3A_393, %select_n3A_416 : vector<64x128xi32>
    %and3A_420 = arith.andi %eq3A_418, %lt3A_419 : vector<64x128xi1>
    %or3A_421 = arith.ori %gt3A_417, %and3A_420 : vector<64x128xi1>
    %eq3A_422 = arith.xori %or3A_421, %xor3A_406 : vector<64x128xi1>
    %eq3A_423 = arith.constant dense<true> : vector<64x128xi1>
    %eq3A_424 = arith.xori %eq3A_422, %eq3A_423 : vector<64x128xi1>
    %select_n3A_425 = arith.select %eq3A_424, %select_n3A_392, %select_n3A_411 : vector<64x128xi1>, vector<64x128xf32>
    %select_n3A_426 = arith.select %eq3A_424, %select_n3A_393, %select_n3A_416 : vector<64x128xi1>, vector<64x128xi32>
    %and3A_427 = arith.constant 2 : i32
    %and3A_428 = vector.broadcast %and3A_427 : i32 to vector<64x128xi32>
    %and3A_429 = arith.andi %add3A, %and3A_428 : vector<64x128xi32>
    %ne3A_430 = arith.constant 0 : i32
    %ne3A_431 = vector.broadcast %ne3A_430 : i32 to vector<64x128xi32>
    %ne3A_432 = arith.cmpi ne, %and3A_429, %ne3A_431 : vector<64x128xi32>
    %and3A_433 = arith.constant 32 : i32
    %and3A_434 = vector.broadcast %and3A_433 : i32 to vector<64x128xi32>
    %and3A_435 = arith.andi %add3A, %and3A_434 : vector<64x128xi32>
    %eq3A_436 = arith.constant 0 : i32
    %eq3A_437 = vector.broadcast %eq3A_436 : i32 to vector<64x128xi32>
    %eq3A_438 = arith.cmpi eq, %and3A_435, %eq3A_437 : vector<64x128xi32>
    %xor3A_439 = arith.xori %eq3A_438, %ne3A_432 : vector<64x128xi1>
    %roll3A_440 = arith.constant 2 : i32
    %roll3A_441 = tpu.dynamic_rotate %select_n3A_425 by %roll3A_440 dim 1 : vector<64x128xf32>, i32 -> vector<64x128xf32>
    %roll3A_442 = arith.constant 126 : i32
    %roll3A_443 = tpu.dynamic_rotate %select_n3A_425 by %roll3A_442 dim 1 : vector<64x128xf32>, i32 -> vector<64x128xf32>
    %select_n3A_444 = arith.select %ne3A_432, %roll3A_441, %roll3A_443 : vector<64x128xi1>, vector<64x128xf32>
    %roll3A_445 = arith.constant 2 : i32
    %roll3A_446 = tpu.dynamic_rotate %select_n3A_426 by %roll3A_445 dim 1 : vector<64x128xi32>, i32 -> vector<64x128xi32>
    %roll3A_447 = arith.constant 126 : i32
    %roll3A_448 = tpu.dynamic_rotate %select_n3A_426 by %roll3A_447 dim 1 : vector<64x128xi32>, i32 -> vector<64x128xi32>
    %select_n3A_449 = arith.select %ne3A_432, %roll3A_446, %roll3A_448 : vector<64x128xi1>, vector<64x128xi32>
    %gt3A_450 = arith.cmpf ogt, %select_n3A_425, %select_n3A_444 : vector<64x128xf32>
    %eq3A_451 = arith.cmpf oeq, %select_n3A_425, %select_n3A_444 : vector<64x128xf32>
    %lt3A_452 = arith.cmpi slt, %select_n3A_426, %select_n3A_449 : vector<64x128xi32>
    %and3A_453 = arith.andi %eq3A_451, %lt3A_452 : vector<64x128xi1>
    %or3A_454 = arith.ori %gt3A_450, %and3A_453 : vector<64x128xi1>
    %eq3A_455 = arith.xori %or3A_454, %xor3A_439 : vector<64x128xi1>
    %eq3A_456 = arith.constant dense<true> : vector<64x128xi1>
    %eq3A_457 = arith.xori %eq3A_455, %eq3A_456 : vector<64x128xi1>
    %select_n3A_458 = arith.select %eq3A_457, %select_n3A_425, %select_n3A_444 : vector<64x128xi1>, vector<64x128xf32>
    %select_n3A_459 = arith.select %eq3A_457, %select_n3A_426, %select_n3A_449 : vector<64x128xi1>, vector<64x128xi32>
    %and3A_460 = arith.constant 1 : i32
    %and3A_461 = vector.broadcast %and3A_460 : i32 to vector<64x128xi32>
    %and3A_462 = arith.andi %add3A, %and3A_461 : vector<64x128xi32>
    %ne3A_463 = arith.constant 0 : i32
    %ne3A_464 = vector.broadcast %ne3A_463 : i32 to vector<64x128xi32>
    %ne3A_465 = arith.cmpi ne, %and3A_462, %ne3A_464 : vector<64x128xi32>
    %and3A_466 = arith.constant 32 : i32
    %and3A_467 = vector.broadcast %and3A_466 : i32 to vector<64x128xi32>
    %and3A_468 = arith.andi %add3A, %and3A_467 : vector<64x128xi32>
    %eq3A_469 = arith.constant 0 : i32
    %eq3A_470 = vector.broadcast %eq3A_469 : i32 to vector<64x128xi32>
    %eq3A_471 = arith.cmpi eq, %and3A_468, %eq3A_470 : vector<64x128xi32>
    %xor3A_472 = arith.xori %eq3A_471, %ne3A_465 : vector<64x128xi1>
    %roll3A_473 = arith.constant 1 : i32
    %roll3A_474 = tpu.dynamic_rotate %select_n3A_458 by %roll3A_473 dim 1 : vector<64x128xf32>, i32 -> vector<64x128xf32>
    %roll3A_475 = arith.constant 127 : i32
    %roll3A_476 = tpu.dynamic_rotate %select_n3A_458 by %roll3A_475 dim 1 : vector<64x128xf32>, i32 -> vector<64x128xf32>
    %select_n3A_477 = arith.select %ne3A_465, %roll3A_474, %roll3A_476 : vector<64x128xi1>, vector<64x128xf32>
    %roll3A_478 = arith.constant 1 : i32
    %roll3A_479 = tpu.dynamic_rotate %select_n3A_459 by %roll3A_478 dim 1 : vector<64x128xi32>, i32 -> vector<64x128xi32>
    %roll3A_480 = arith.constant 127 : i32
    %roll3A_481 = tpu.dynamic_rotate %select_n3A_459 by %roll3A_480 dim 1 : vector<64x128xi32>, i32 -> vector<64x128xi32>
    %select_n3A_482 = arith.select %ne3A_465, %roll3A_479, %roll3A_481 : vector<64x128xi1>, vector<64x128xi32>
    %gt3A_483 = arith.cmpf ogt, %select_n3A_458, %select_n3A_477 : vector<64x128xf32>
    %eq3A_484 = arith.cmpf oeq, %select_n3A_458, %select_n3A_477 : vector<64x128xf32>
    %lt3A_485 = arith.cmpi slt, %select_n3A_459, %select_n3A_482 : vector<64x128xi32>
    %and3A_486 = arith.andi %eq3A_484, %lt3A_485 : vector<64x128xi1>
    %or3A_487 = arith.ori %gt3A_483, %and3A_486 : vector<64x128xi1>
    %eq3A_488 = arith.xori %or3A_487, %xor3A_472 : vector<64x128xi1>
    %eq3A_489 = arith.constant dense<true> : vector<64x128xi1>
    %eq3A_490 = arith.xori %eq3A_488, %eq3A_489 : vector<64x128xi1>
    %select_n3A_491 = arith.select %eq3A_490, %select_n3A_458, %select_n3A_477 : vector<64x128xi1>, vector<64x128xf32>
    %select_n3A_492 = arith.select %eq3A_490, %select_n3A_459, %select_n3A_482 : vector<64x128xi1>, vector<64x128xi32>
    %and3A_493 = arith.constant 32 : i32
    %and3A_494 = vector.broadcast %and3A_493 : i32 to vector<64x128xi32>
    %and3A_495 = arith.andi %add3A, %and3A_494 : vector<64x128xi32>
    %ne3A_496 = arith.constant 0 : i32
    %ne3A_497 = vector.broadcast %ne3A_496 : i32 to vector<64x128xi32>
    %ne3A_498 = arith.cmpi ne, %and3A_495, %ne3A_497 : vector<64x128xi32>
    %and3A_499 = arith.constant 64 : i32
    %and3A_500 = vector.broadcast %and3A_499 : i32 to vector<64x128xi32>
    %and3A_501 = arith.andi %add3A, %and3A_500 : vector<64x128xi32>
    %eq3A_502 = arith.constant 0 : i32
    %eq3A_503 = vector.broadcast %eq3A_502 : i32 to vector<64x128xi32>
    %eq3A_504 = arith.cmpi eq, %and3A_501, %eq3A_503 : vector<64x128xi32>
    %xor3A_505 = arith.xori %eq3A_504, %ne3A_498 : vector<64x128xi1>
    %roll3A_506 = arith.constant 32 : i32
    %roll3A_507 = tpu.dynamic_rotate %select_n3A_491 by %roll3A_506 dim 1 : vector<64x128xf32>, i32 -> vector<64x128xf32>
    %roll3A_508 = arith.constant 96 : i32
    %roll3A_509 = tpu.dynamic_rotate %select_n3A_491 by %roll3A_508 dim 1 : vector<64x128xf32>, i32 -> vector<64x128xf32>
    %select_n3A_510 = arith.select %ne3A_498, %roll3A_507, %roll3A_509 : vector<64x128xi1>, vector<64x128xf32>
    %roll3A_511 = arith.constant 32 : i32
    %roll3A_512 = tpu.dynamic_rotate %select_n3A_492 by %roll3A_511 dim 1 : vector<64x128xi32>, i32 -> vector<64x128xi32>
    %roll3A_513 = arith.constant 96 : i32
    %roll3A_514 = tpu.dynamic_rotate %select_n3A_492 by %roll3A_513 dim 1 : vector<64x128xi32>, i32 -> vector<64x128xi32>
    %select_n3A_515 = arith.select %ne3A_498, %roll3A_512, %roll3A_514 : vector<64x128xi1>, vector<64x128xi32>
    %gt3A_516 = arith.cmpf ogt, %select_n3A_491, %select_n3A_510 : vector<64x128xf32>
    %eq3A_517 = arith.cmpf oeq, %select_n3A_491, %select_n3A_510 : vector<64x128xf32>
    %lt3A_518 = arith.cmpi slt, %select_n3A_492, %select_n3A_515 : vector<64x128xi32>
    %and3A_519 = arith.andi %eq3A_517, %lt3A_518 : vector<64x128xi1>
    %or3A_520 = arith.ori %gt3A_516, %and3A_519 : vector<64x128xi1>
    %eq3A_521 = arith.xori %or3A_520, %xor3A_505 : vector<64x128xi1>
    %eq3A_522 = arith.constant dense<true> : vector<64x128xi1>
    %eq3A_523 = arith.xori %eq3A_521, %eq3A_522 : vector<64x128xi1>
    %select_n3A_524 = arith.select %eq3A_523, %select_n3A_491, %select_n3A_510 : vector<64x128xi1>, vector<64x128xf32>
    %select_n3A_525 = arith.select %eq3A_523, %select_n3A_492, %select_n3A_515 : vector<64x128xi1>, vector<64x128xi32>
    %and3A_526 = arith.constant 16 : i32
    %and3A_527 = vector.broadcast %and3A_526 : i32 to vector<64x128xi32>
    %and3A_528 = arith.andi %add3A, %and3A_527 : vector<64x128xi32>
    %ne3A_529 = arith.constant 0 : i32
    %ne3A_530 = vector.broadcast %ne3A_529 : i32 to vector<64x128xi32>
    %ne3A_531 = arith.cmpi ne, %and3A_528, %ne3A_530 : vector<64x128xi32>
    %and3A_532 = arith.constant 64 : i32
    %and3A_533 = vector.broadcast %and3A_532 : i32 to vector<64x128xi32>
    %and3A_534 = arith.andi %add3A, %and3A_533 : vector<64x128xi32>
    %eq3A_535 = arith.constant 0 : i32
    %eq3A_536 = vector.broadcast %eq3A_535 : i32 to vector<64x128xi32>
    %eq3A_537 = arith.cmpi eq, %and3A_534, %eq3A_536 : vector<64x128xi32>
    %xor3A_538 = arith.xori %eq3A_537, %ne3A_531 : vector<64x128xi1>
    %roll3A_539 = arith.constant 16 : i32
    %roll3A_540 = tpu.dynamic_rotate %select_n3A_524 by %roll3A_539 dim 1 : vector<64x128xf32>, i32 -> vector<64x128xf32>
    %roll3A_541 = arith.constant 112 : i32
    %roll3A_542 = tpu.dynamic_rotate %select_n3A_524 by %roll3A_541 dim 1 : vector<64x128xf32>, i32 -> vector<64x128xf32>
    %select_n3A_543 = arith.select %ne3A_531, %roll3A_540, %roll3A_542 : vector<64x128xi1>, vector<64x128xf32>
    %roll3A_544 = arith.constant 16 : i32
    %roll3A_545 = tpu.dynamic_rotate %select_n3A_525 by %roll3A_544 dim 1 : vector<64x128xi32>, i32 -> vector<64x128xi32>
    %roll3A_546 = arith.constant 112 : i32
    %roll3A_547 = tpu.dynamic_rotate %select_n3A_525 by %roll3A_546 dim 1 : vector<64x128xi32>, i32 -> vector<64x128xi32>
    %select_n3A_548 = arith.select %ne3A_531, %roll3A_545, %roll3A_547 : vector<64x128xi1>, vector<64x128xi32>
    %gt3A_549 = arith.cmpf ogt, %select_n3A_524, %select_n3A_543 : vector<64x128xf32>
    %eq3A_550 = arith.cmpf oeq, %select_n3A_524, %select_n3A_543 : vector<64x128xf32>
    %lt3A_551 = arith.cmpi slt, %select_n3A_525, %select_n3A_548 : vector<64x128xi32>
    %and3A_552 = arith.andi %eq3A_550, %lt3A_551 : vector<64x128xi1>
    %or3A_553 = arith.ori %gt3A_549, %and3A_552 : vector<64x128xi1>
    %eq3A_554 = arith.xori %or3A_553, %xor3A_538 : vector<64x128xi1>
    %eq3A_555 = arith.constant dense<true> : vector<64x128xi1>
    %eq3A_556 = arith.xori %eq3A_554, %eq3A_555 : vector<64x128xi1>
    %select_n3A_557 = arith.select %eq3A_556, %select_n3A_524, %select_n3A_543 : vector<64x128xi1>, vector<64x128xf32>
    %select_n3A_558 = arith.select %eq3A_556, %select_n3A_525, %select_n3A_548 : vector<64x128xi1>, vector<64x128xi32>
    %and3A_559 = arith.constant 8 : i32
    %and3A_560 = vector.broadcast %and3A_559 : i32 to vector<64x128xi32>
    %and3A_561 = arith.andi %add3A, %and3A_560 : vector<64x128xi32>
    %ne3A_562 = arith.constant 0 : i32
    %ne3A_563 = vector.broadcast %ne3A_562 : i32 to vector<64x128xi32>
    %ne3A_564 = arith.cmpi ne, %and3A_561, %ne3A_563 : vector<64x128xi32>
    %and3A_565 = arith.constant 64 : i32
    %and3A_566 = vector.broadcast %and3A_565 : i32 to vector<64x128xi32>
    %and3A_567 = arith.andi %add3A, %and3A_566 : vector<64x128xi32>
    %eq3A_568 = arith.constant 0 : i32
    %eq3A_569 = vector.broadcast %eq3A_568 : i32 to vector<64x128xi32>
    %eq3A_570 = arith.cmpi eq, %and3A_567, %eq3A_569 : vector<64x128xi32>
    %xor3A_571 = arith.xori %eq3A_570, %ne3A_564 : vector<64x128xi1>
    %roll3A_572 = arith.constant 8 : i32
    %roll3A_573 = tpu.dynamic_rotate %select_n3A_557 by %roll3A_572 dim 1 : vector<64x128xf32>, i32 -> vector<64x128xf32>
    %roll3A_574 = arith.constant 120 : i32
    %roll3A_575 = tpu.dynamic_rotate %select_n3A_557 by %roll3A_574 dim 1 : vector<64x128xf32>, i32 -> vector<64x128xf32>
    %select_n3A_576 = arith.select %ne3A_564, %roll3A_573, %roll3A_575 : vector<64x128xi1>, vector<64x128xf32>
    %roll3A_577 = arith.constant 8 : i32
    %roll3A_578 = tpu.dynamic_rotate %select_n3A_558 by %roll3A_577 dim 1 : vector<64x128xi32>, i32 -> vector<64x128xi32>
    %roll3A_579 = arith.constant 120 : i32
    %roll3A_580 = tpu.dynamic_rotate %select_n3A_558 by %roll3A_579 dim 1 : vector<64x128xi32>, i32 -> vector<64x128xi32>
    %select_n3A_581 = arith.select %ne3A_564, %roll3A_578, %roll3A_580 : vector<64x128xi1>, vector<64x128xi32>
    %gt3A_582 = arith.cmpf ogt, %select_n3A_557, %select_n3A_576 : vector<64x128xf32>
    %eq3A_583 = arith.cmpf oeq, %select_n3A_557, %select_n3A_576 : vector<64x128xf32>
    %lt3A_584 = arith.cmpi slt, %select_n3A_558, %select_n3A_581 : vector<64x128xi32>
    %and3A_585 = arith.andi %eq3A_583, %lt3A_584 : vector<64x128xi1>
    %or3A_586 = arith.ori %gt3A_582, %and3A_585 : vector<64x128xi1>
    %eq3A_587 = arith.xori %or3A_586, %xor3A_571 : vector<64x128xi1>
    %eq3A_588 = arith.constant dense<true> : vector<64x128xi1>
    %eq3A_589 = arith.xori %eq3A_587, %eq3A_588 : vector<64x128xi1>
    %select_n3A_590 = arith.select %eq3A_589, %select_n3A_557, %select_n3A_576 : vector<64x128xi1>, vector<64x128xf32>
    %select_n3A_591 = arith.select %eq3A_589, %select_n3A_558, %select_n3A_581 : vector<64x128xi1>, vector<64x128xi32>
    %and3A_592 = arith.constant 4 : i32
    %and3A_593 = vector.broadcast %and3A_592 : i32 to vector<64x128xi32>
    %and3A_594 = arith.andi %add3A, %and3A_593 : vector<64x128xi32>
    %ne3A_595 = arith.constant 0 : i32
    %ne3A_596 = vector.broadcast %ne3A_595 : i32 to vector<64x128xi32>
    %ne3A_597 = arith.cmpi ne, %and3A_594, %ne3A_596 : vector<64x128xi32>
    %and3A_598 = arith.constant 64 : i32
    %and3A_599 = vector.broadcast %and3A_598 : i32 to vector<64x128xi32>
    %and3A_600 = arith.andi %add3A, %and3A_599 : vector<64x128xi32>
    %eq3A_601 = arith.constant 0 : i32
    %eq3A_602 = vector.broadcast %eq3A_601 : i32 to vector<64x128xi32>
    %eq3A_603 = arith.cmpi eq, %and3A_600, %eq3A_602 : vector<64x128xi32>
    %xor3A_604 = arith.xori %eq3A_603, %ne3A_597 : vector<64x128xi1>
    %roll3A_605 = arith.constant 4 : i32
    %roll3A_606 = tpu.dynamic_rotate %select_n3A_590 by %roll3A_605 dim 1 : vector<64x128xf32>, i32 -> vector<64x128xf32>
    %roll3A_607 = arith.constant 124 : i32
    %roll3A_608 = tpu.dynamic_rotate %select_n3A_590 by %roll3A_607 dim 1 : vector<64x128xf32>, i32 -> vector<64x128xf32>
    %select_n3A_609 = arith.select %ne3A_597, %roll3A_606, %roll3A_608 : vector<64x128xi1>, vector<64x128xf32>
    %roll3A_610 = arith.constant 4 : i32
    %roll3A_611 = tpu.dynamic_rotate %select_n3A_591 by %roll3A_610 dim 1 : vector<64x128xi32>, i32 -> vector<64x128xi32>
    %roll3A_612 = arith.constant 124 : i32
    %roll3A_613 = tpu.dynamic_rotate %select_n3A_591 by %roll3A_612 dim 1 : vector<64x128xi32>, i32 -> vector<64x128xi32>
    %select_n3A_614 = arith.select %ne3A_597, %roll3A_611, %roll3A_613 : vector<64x128xi1>, vector<64x128xi32>
    %gt3A_615 = arith.cmpf ogt, %select_n3A_590, %select_n3A_609 : vector<64x128xf32>
    %eq3A_616 = arith.cmpf oeq, %select_n3A_590, %select_n3A_609 : vector<64x128xf32>
    %lt3A_617 = arith.cmpi slt, %select_n3A_591, %select_n3A_614 : vector<64x128xi32>
    %and3A_618 = arith.andi %eq3A_616, %lt3A_617 : vector<64x128xi1>
    %or3A_619 = arith.ori %gt3A_615, %and3A_618 : vector<64x128xi1>
    %eq3A_620 = arith.xori %or3A_619, %xor3A_604 : vector<64x128xi1>
    %eq3A_621 = arith.constant dense<true> : vector<64x128xi1>
    %eq3A_622 = arith.xori %eq3A_620, %eq3A_621 : vector<64x128xi1>
    %select_n3A_623 = arith.select %eq3A_622, %select_n3A_590, %select_n3A_609 : vector<64x128xi1>, vector<64x128xf32>
    %select_n3A_624 = arith.select %eq3A_622, %select_n3A_591, %select_n3A_614 : vector<64x128xi1>, vector<64x128xi32>
    %and3A_625 = arith.constant 2 : i32
    %and3A_626 = vector.broadcast %and3A_625 : i32 to vector<64x128xi32>
    %and3A_627 = arith.andi %add3A, %and3A_626 : vector<64x128xi32>
    %ne3A_628 = arith.constant 0 : i32
    %ne3A_629 = vector.broadcast %ne3A_628 : i32 to vector<64x128xi32>
    %ne3A_630 = arith.cmpi ne, %and3A_627, %ne3A_629 : vector<64x128xi32>
    %and3A_631 = arith.constant 64 : i32
    %and3A_632 = vector.broadcast %and3A_631 : i32 to vector<64x128xi32>
    %and3A_633 = arith.andi %add3A, %and3A_632 : vector<64x128xi32>
    %eq3A_634 = arith.constant 0 : i32
    %eq3A_635 = vector.broadcast %eq3A_634 : i32 to vector<64x128xi32>
    %eq3A_636 = arith.cmpi eq, %and3A_633, %eq3A_635 : vector<64x128xi32>
    %xor3A_637 = arith.xori %eq3A_636, %ne3A_630 : vector<64x128xi1>
    %roll3A_638 = arith.constant 2 : i32
    %roll3A_639 = tpu.dynamic_rotate %select_n3A_623 by %roll3A_638 dim 1 : vector<64x128xf32>, i32 -> vector<64x128xf32>
    %roll3A_640 = arith.constant 126 : i32
    %roll3A_641 = tpu.dynamic_rotate %select_n3A_623 by %roll3A_640 dim 1 : vector<64x128xf32>, i32 -> vector<64x128xf32>
    %select_n3A_642 = arith.select %ne3A_630, %roll3A_639, %roll3A_641 : vector<64x128xi1>, vector<64x128xf32>
    %roll3A_643 = arith.constant 2 : i32
    %roll3A_644 = tpu.dynamic_rotate %select_n3A_624 by %roll3A_643 dim 1 : vector<64x128xi32>, i32 -> vector<64x128xi32>
    %roll3A_645 = arith.constant 126 : i32
    %roll3A_646 = tpu.dynamic_rotate %select_n3A_624 by %roll3A_645 dim 1 : vector<64x128xi32>, i32 -> vector<64x128xi32>
    %select_n3A_647 = arith.select %ne3A_630, %roll3A_644, %roll3A_646 : vector<64x128xi1>, vector<64x128xi32>
    %gt3A_648 = arith.cmpf ogt, %select_n3A_623, %select_n3A_642 : vector<64x128xf32>
    %eq3A_649 = arith.cmpf oeq, %select_n3A_623, %select_n3A_642 : vector<64x128xf32>
    %lt3A_650 = arith.cmpi slt, %select_n3A_624, %select_n3A_647 : vector<64x128xi32>
    %and3A_651 = arith.andi %eq3A_649, %lt3A_650 : vector<64x128xi1>
    %or3A_652 = arith.ori %gt3A_648, %and3A_651 : vector<64x128xi1>
    %eq3A_653 = arith.xori %or3A_652, %xor3A_637 : vector<64x128xi1>
    %eq3A_654 = arith.constant dense<true> : vector<64x128xi1>
    %eq3A_655 = arith.xori %eq3A_653, %eq3A_654 : vector<64x128xi1>
    %select_n3A_656 = arith.select %eq3A_655, %select_n3A_623, %select_n3A_642 : vector<64x128xi1>, vector<64x128xf32>
    %select_n3A_657 = arith.select %eq3A_655, %select_n3A_624, %select_n3A_647 : vector<64x128xi1>, vector<64x128xi32>
    %and3A_658 = arith.constant 1 : i32
    %and3A_659 = vector.broadcast %and3A_658 : i32 to vector<64x128xi32>
    %and3A_660 = arith.andi %add3A, %and3A_659 : vector<64x128xi32>
    %ne3A_661 = arith.constant 0 : i32
    %ne3A_662 = vector.broadcast %ne3A_661 : i32 to vector<64x128xi32>
    %ne3A_663 = arith.cmpi ne, %and3A_660, %ne3A_662 : vector<64x128xi32>
    %and3A_664 = arith.constant 64 : i32
    %and3A_665 = vector.broadcast %and3A_664 : i32 to vector<64x128xi32>
    %and3A_666 = arith.andi %add3A, %and3A_665 : vector<64x128xi32>
    %eq3A_667 = arith.constant 0 : i32
    %eq3A_668 = vector.broadcast %eq3A_667 : i32 to vector<64x128xi32>
    %eq3A_669 = arith.cmpi eq, %and3A_666, %eq3A_668 : vector<64x128xi32>
    %xor3A_670 = arith.xori %eq3A_669, %ne3A_663 : vector<64x128xi1>
    %roll3A_671 = arith.constant 1 : i32
    %roll3A_672 = tpu.dynamic_rotate %select_n3A_656 by %roll3A_671 dim 1 : vector<64x128xf32>, i32 -> vector<64x128xf32>
    %roll3A_673 = arith.constant 127 : i32
    %roll3A_674 = tpu.dynamic_rotate %select_n3A_656 by %roll3A_673 dim 1 : vector<64x128xf32>, i32 -> vector<64x128xf32>
    %select_n3A_675 = arith.select %ne3A_663, %roll3A_672, %roll3A_674 : vector<64x128xi1>, vector<64x128xf32>
    %roll3A_676 = arith.constant 1 : i32
    %roll3A_677 = tpu.dynamic_rotate %select_n3A_657 by %roll3A_676 dim 1 : vector<64x128xi32>, i32 -> vector<64x128xi32>
    %roll3A_678 = arith.constant 127 : i32
    %roll3A_679 = tpu.dynamic_rotate %select_n3A_657 by %roll3A_678 dim 1 : vector<64x128xi32>, i32 -> vector<64x128xi32>
    %select_n3A_680 = arith.select %ne3A_663, %roll3A_677, %roll3A_679 : vector<64x128xi1>, vector<64x128xi32>
    %gt3A_681 = arith.cmpf ogt, %select_n3A_656, %select_n3A_675 : vector<64x128xf32>
    %eq3A_682 = arith.cmpf oeq, %select_n3A_656, %select_n3A_675 : vector<64x128xf32>
    %lt3A_683 = arith.cmpi slt, %select_n3A_657, %select_n3A_680 : vector<64x128xi32>
    %and3A_684 = arith.andi %eq3A_682, %lt3A_683 : vector<64x128xi1>
    %or3A_685 = arith.ori %gt3A_681, %and3A_684 : vector<64x128xi1>
    %eq3A_686 = arith.xori %or3A_685, %xor3A_670 : vector<64x128xi1>
    %eq3A_687 = arith.constant dense<true> : vector<64x128xi1>
    %eq3A_688 = arith.xori %eq3A_686, %eq3A_687 : vector<64x128xi1>
    %select_n3A_689 = arith.select %eq3A_688, %select_n3A_656, %select_n3A_675 : vector<64x128xi1>, vector<64x128xf32>
    %select_n3A_690 = arith.select %eq3A_688, %select_n3A_657, %select_n3A_680 : vector<64x128xi1>, vector<64x128xi32>
    %and3A_691 = arith.constant 64 : i32
    %and3A_692 = vector.broadcast %and3A_691 : i32 to vector<64x128xi32>
    %and3A_693 = arith.andi %add3A, %and3A_692 : vector<64x128xi32>
    %ne3A_694 = arith.constant 0 : i32
    %ne3A_695 = vector.broadcast %ne3A_694 : i32 to vector<64x128xi32>
    %ne3A_696 = arith.cmpi ne, %and3A_693, %ne3A_695 : vector<64x128xi32>
    %and3A_697 = arith.constant 128 : i32
    %and3A_698 = vector.broadcast %and3A_697 : i32 to vector<64x128xi32>
    %and3A_699 = arith.andi %add3A, %and3A_698 : vector<64x128xi32>
    %eq3A_700 = arith.constant 0 : i32
    %eq3A_701 = vector.broadcast %eq3A_700 : i32 to vector<64x128xi32>
    %eq3A_702 = arith.cmpi eq, %and3A_699, %eq3A_701 : vector<64x128xi32>
    %xor3A_703 = arith.xori %eq3A_702, %ne3A_696 : vector<64x128xi1>
    %roll3A_704 = arith.constant 64 : i32
    %roll3A_705 = tpu.dynamic_rotate %select_n3A_689 by %roll3A_704 dim 1 : vector<64x128xf32>, i32 -> vector<64x128xf32>
    %roll3A_706 = arith.constant 64 : i32
    %roll3A_707 = tpu.dynamic_rotate %select_n3A_689 by %roll3A_706 dim 1 : vector<64x128xf32>, i32 -> vector<64x128xf32>
    %select_n3A_708 = arith.select %ne3A_696, %roll3A_705, %roll3A_707 : vector<64x128xi1>, vector<64x128xf32>
    %roll3A_709 = arith.constant 64 : i32
    %roll3A_710 = tpu.dynamic_rotate %select_n3A_690 by %roll3A_709 dim 1 : vector<64x128xi32>, i32 -> vector<64x128xi32>
    %roll3A_711 = arith.constant 64 : i32
    %roll3A_712 = tpu.dynamic_rotate %select_n3A_690 by %roll3A_711 dim 1 : vector<64x128xi32>, i32 -> vector<64x128xi32>
    %select_n3A_713 = arith.select %ne3A_696, %roll3A_710, %roll3A_712 : vector<64x128xi1>, vector<64x128xi32>
    %gt3A_714 = arith.cmpf ogt, %select_n3A_689, %select_n3A_708 : vector<64x128xf32>
    %eq3A_715 = arith.cmpf oeq, %select_n3A_689, %select_n3A_708 : vector<64x128xf32>
    %lt3A_716 = arith.cmpi slt, %select_n3A_690, %select_n3A_713 : vector<64x128xi32>
    %and3A_717 = arith.andi %eq3A_715, %lt3A_716 : vector<64x128xi1>
    %or3A_718 = arith.ori %gt3A_714, %and3A_717 : vector<64x128xi1>
    %eq3A_719 = arith.xori %or3A_718, %xor3A_703 : vector<64x128xi1>
    %eq3A_720 = arith.constant dense<true> : vector<64x128xi1>
    %eq3A_721 = arith.xori %eq3A_719, %eq3A_720 : vector<64x128xi1>
    %select_n3A_722 = arith.select %eq3A_721, %select_n3A_689, %select_n3A_708 : vector<64x128xi1>, vector<64x128xf32>
    %select_n3A_723 = arith.select %eq3A_721, %select_n3A_690, %select_n3A_713 : vector<64x128xi1>, vector<64x128xi32>
    %and3A_724 = arith.constant 32 : i32
    %and3A_725 = vector.broadcast %and3A_724 : i32 to vector<64x128xi32>
    %and3A_726 = arith.andi %add3A, %and3A_725 : vector<64x128xi32>
    %ne3A_727 = arith.constant 0 : i32
    %ne3A_728 = vector.broadcast %ne3A_727 : i32 to vector<64x128xi32>
    %ne3A_729 = arith.cmpi ne, %and3A_726, %ne3A_728 : vector<64x128xi32>
    %and3A_730 = arith.constant 128 : i32
    %and3A_731 = vector.broadcast %and3A_730 : i32 to vector<64x128xi32>
    %and3A_732 = arith.andi %add3A, %and3A_731 : vector<64x128xi32>
    %eq3A_733 = arith.constant 0 : i32
    %eq3A_734 = vector.broadcast %eq3A_733 : i32 to vector<64x128xi32>
    %eq3A_735 = arith.cmpi eq, %and3A_732, %eq3A_734 : vector<64x128xi32>
    %xor3A_736 = arith.xori %eq3A_735, %ne3A_729 : vector<64x128xi1>
    %roll3A_737 = arith.constant 32 : i32
    %roll3A_738 = tpu.dynamic_rotate %select_n3A_722 by %roll3A_737 dim 1 : vector<64x128xf32>, i32 -> vector<64x128xf32>
    %roll3A_739 = arith.constant 96 : i32
    %roll3A_740 = tpu.dynamic_rotate %select_n3A_722 by %roll3A_739 dim 1 : vector<64x128xf32>, i32 -> vector<64x128xf32>
    %select_n3A_741 = arith.select %ne3A_729, %roll3A_738, %roll3A_740 : vector<64x128xi1>, vector<64x128xf32>
    %roll3A_742 = arith.constant 32 : i32
    %roll3A_743 = tpu.dynamic_rotate %select_n3A_723 by %roll3A_742 dim 1 : vector<64x128xi32>, i32 -> vector<64x128xi32>
    %roll3A_744 = arith.constant 96 : i32
    %roll3A_745 = tpu.dynamic_rotate %select_n3A_723 by %roll3A_744 dim 1 : vector<64x128xi32>, i32 -> vector<64x128xi32>
    %select_n3A_746 = arith.select %ne3A_729, %roll3A_743, %roll3A_745 : vector<64x128xi1>, vector<64x128xi32>
    %gt3A_747 = arith.cmpf ogt, %select_n3A_722, %select_n3A_741 : vector<64x128xf32>
    %eq3A_748 = arith.cmpf oeq, %select_n3A_722, %select_n3A_741 : vector<64x128xf32>
    %lt3A_749 = arith.cmpi slt, %select_n3A_723, %select_n3A_746 : vector<64x128xi32>
    %and3A_750 = arith.andi %eq3A_748, %lt3A_749 : vector<64x128xi1>
    %or3A_751 = arith.ori %gt3A_747, %and3A_750 : vector<64x128xi1>
    %eq3A_752 = arith.xori %or3A_751, %xor3A_736 : vector<64x128xi1>
    %eq3A_753 = arith.constant dense<true> : vector<64x128xi1>
    %eq3A_754 = arith.xori %eq3A_752, %eq3A_753 : vector<64x128xi1>
    %select_n3A_755 = arith.select %eq3A_754, %select_n3A_722, %select_n3A_741 : vector<64x128xi1>, vector<64x128xf32>
    %select_n3A_756 = arith.select %eq3A_754, %select_n3A_723, %select_n3A_746 : vector<64x128xi1>, vector<64x128xi32>
    %and3A_757 = arith.constant 16 : i32
    %and3A_758 = vector.broadcast %and3A_757 : i32 to vector<64x128xi32>
    %and3A_759 = arith.andi %add3A, %and3A_758 : vector<64x128xi32>
    %ne3A_760 = arith.constant 0 : i32
    %ne3A_761 = vector.broadcast %ne3A_760 : i32 to vector<64x128xi32>
    %ne3A_762 = arith.cmpi ne, %and3A_759, %ne3A_761 : vector<64x128xi32>
    %and3A_763 = arith.constant 128 : i32
    %and3A_764 = vector.broadcast %and3A_763 : i32 to vector<64x128xi32>
    %and3A_765 = arith.andi %add3A, %and3A_764 : vector<64x128xi32>
    %eq3A_766 = arith.constant 0 : i32
    %eq3A_767 = vector.broadcast %eq3A_766 : i32 to vector<64x128xi32>
    %eq3A_768 = arith.cmpi eq, %and3A_765, %eq3A_767 : vector<64x128xi32>
    %xor3A_769 = arith.xori %eq3A_768, %ne3A_762 : vector<64x128xi1>
    %roll3A_770 = arith.constant 16 : i32
    %roll3A_771 = tpu.dynamic_rotate %select_n3A_755 by %roll3A_770 dim 1 : vector<64x128xf32>, i32 -> vector<64x128xf32>
    %roll3A_772 = arith.constant 112 : i32
    %roll3A_773 = tpu.dynamic_rotate %select_n3A_755 by %roll3A_772 dim 1 : vector<64x128xf32>, i32 -> vector<64x128xf32>
    %select_n3A_774 = arith.select %ne3A_762, %roll3A_771, %roll3A_773 : vector<64x128xi1>, vector<64x128xf32>
    %roll3A_775 = arith.constant 16 : i32
    %roll3A_776 = tpu.dynamic_rotate %select_n3A_756 by %roll3A_775 dim 1 : vector<64x128xi32>, i32 -> vector<64x128xi32>
    %roll3A_777 = arith.constant 112 : i32
    %roll3A_778 = tpu.dynamic_rotate %select_n3A_756 by %roll3A_777 dim 1 : vector<64x128xi32>, i32 -> vector<64x128xi32>
    %select_n3A_779 = arith.select %ne3A_762, %roll3A_776, %roll3A_778 : vector<64x128xi1>, vector<64x128xi32>
    %gt3A_780 = arith.cmpf ogt, %select_n3A_755, %select_n3A_774 : vector<64x128xf32>
    %eq3A_781 = arith.cmpf oeq, %select_n3A_755, %select_n3A_774 : vector<64x128xf32>
    %lt3A_782 = arith.cmpi slt, %select_n3A_756, %select_n3A_779 : vector<64x128xi32>
    %and3A_783 = arith.andi %eq3A_781, %lt3A_782 : vector<64x128xi1>
    %or3A_784 = arith.ori %gt3A_780, %and3A_783 : vector<64x128xi1>
    %eq3A_785 = arith.xori %or3A_784, %xor3A_769 : vector<64x128xi1>
    %eq3A_786 = arith.constant dense<true> : vector<64x128xi1>
    %eq3A_787 = arith.xori %eq3A_785, %eq3A_786 : vector<64x128xi1>
    %select_n3A_788 = arith.select %eq3A_787, %select_n3A_755, %select_n3A_774 : vector<64x128xi1>, vector<64x128xf32>
    %select_n3A_789 = arith.select %eq3A_787, %select_n3A_756, %select_n3A_779 : vector<64x128xi1>, vector<64x128xi32>
    %and3A_790 = arith.constant 8 : i32
    %and3A_791 = vector.broadcast %and3A_790 : i32 to vector<64x128xi32>
    %and3A_792 = arith.andi %add3A, %and3A_791 : vector<64x128xi32>
    %ne3A_793 = arith.constant 0 : i32
    %ne3A_794 = vector.broadcast %ne3A_793 : i32 to vector<64x128xi32>
    %ne3A_795 = arith.cmpi ne, %and3A_792, %ne3A_794 : vector<64x128xi32>
    %and3A_796 = arith.constant 128 : i32
    %and3A_797 = vector.broadcast %and3A_796 : i32 to vector<64x128xi32>
    %and3A_798 = arith.andi %add3A, %and3A_797 : vector<64x128xi32>
    %eq3A_799 = arith.constant 0 : i32
    %eq3A_800 = vector.broadcast %eq3A_799 : i32 to vector<64x128xi32>
    %eq3A_801 = arith.cmpi eq, %and3A_798, %eq3A_800 : vector<64x128xi32>
    %xor3A_802 = arith.xori %eq3A_801, %ne3A_795 : vector<64x128xi1>
    %roll3A_803 = arith.constant 8 : i32
    %roll3A_804 = tpu.dynamic_rotate %select_n3A_788 by %roll3A_803 dim 1 : vector<64x128xf32>, i32 -> vector<64x128xf32>
    %roll3A_805 = arith.constant 120 : i32
    %roll3A_806 = tpu.dynamic_rotate %select_n3A_788 by %roll3A_805 dim 1 : vector<64x128xf32>, i32 -> vector<64x128xf32>
    %select_n3A_807 = arith.select %ne3A_795, %roll3A_804, %roll3A_806 : vector<64x128xi1>, vector<64x128xf32>
    %roll3A_808 = arith.constant 8 : i32
    %roll3A_809 = tpu.dynamic_rotate %select_n3A_789 by %roll3A_808 dim 1 : vector<64x128xi32>, i32 -> vector<64x128xi32>
    %roll3A_810 = arith.constant 120 : i32
    %roll3A_811 = tpu.dynamic_rotate %select_n3A_789 by %roll3A_810 dim 1 : vector<64x128xi32>, i32 -> vector<64x128xi32>
    %select_n3A_812 = arith.select %ne3A_795, %roll3A_809, %roll3A_811 : vector<64x128xi1>, vector<64x128xi32>
    %gt3A_813 = arith.cmpf ogt, %select_n3A_788, %select_n3A_807 : vector<64x128xf32>
    %eq3A_814 = arith.cmpf oeq, %select_n3A_788, %select_n3A_807 : vector<64x128xf32>
    %lt3A_815 = arith.cmpi slt, %select_n3A_789, %select_n3A_812 : vector<64x128xi32>
    %and3A_816 = arith.andi %eq3A_814, %lt3A_815 : vector<64x128xi1>
    %or3A_817 = arith.ori %gt3A_813, %and3A_816 : vector<64x128xi1>
    %eq3A_818 = arith.xori %or3A_817, %xor3A_802 : vector<64x128xi1>
    %eq3A_819 = arith.constant dense<true> : vector<64x128xi1>
    %eq3A_820 = arith.xori %eq3A_818, %eq3A_819 : vector<64x128xi1>
    %select_n3A_821 = arith.select %eq3A_820, %select_n3A_788, %select_n3A_807 : vector<64x128xi1>, vector<64x128xf32>
    %select_n3A_822 = arith.select %eq3A_820, %select_n3A_789, %select_n3A_812 : vector<64x128xi1>, vector<64x128xi32>
    %and3A_823 = arith.constant 4 : i32
    %and3A_824 = vector.broadcast %and3A_823 : i32 to vector<64x128xi32>
    %and3A_825 = arith.andi %add3A, %and3A_824 : vector<64x128xi32>
    %ne3A_826 = arith.constant 0 : i32
    %ne3A_827 = vector.broadcast %ne3A_826 : i32 to vector<64x128xi32>
    %ne3A_828 = arith.cmpi ne, %and3A_825, %ne3A_827 : vector<64x128xi32>
    %and3A_829 = arith.constant 128 : i32
    %and3A_830 = vector.broadcast %and3A_829 : i32 to vector<64x128xi32>
    %and3A_831 = arith.andi %add3A, %and3A_830 : vector<64x128xi32>
    %eq3A_832 = arith.constant 0 : i32
    %eq3A_833 = vector.broadcast %eq3A_832 : i32 to vector<64x128xi32>
    %eq3A_834 = arith.cmpi eq, %and3A_831, %eq3A_833 : vector<64x128xi32>
    %xor3A_835 = arith.xori %eq3A_834, %ne3A_828 : vector<64x128xi1>
    %roll3A_836 = arith.constant 4 : i32
    %roll3A_837 = tpu.dynamic_rotate %select_n3A_821 by %roll3A_836 dim 1 : vector<64x128xf32>, i32 -> vector<64x128xf32>
    %roll3A_838 = arith.constant 124 : i32
    %roll3A_839 = tpu.dynamic_rotate %select_n3A_821 by %roll3A_838 dim 1 : vector<64x128xf32>, i32 -> vector<64x128xf32>
    %select_n3A_840 = arith.select %ne3A_828, %roll3A_837, %roll3A_839 : vector<64x128xi1>, vector<64x128xf32>
    %roll3A_841 = arith.constant 4 : i32
    %roll3A_842 = tpu.dynamic_rotate %select_n3A_822 by %roll3A_841 dim 1 : vector<64x128xi32>, i32 -> vector<64x128xi32>
    %roll3A_843 = arith.constant 124 : i32
    %roll3A_844 = tpu.dynamic_rotate %select_n3A_822 by %roll3A_843 dim 1 : vector<64x128xi32>, i32 -> vector<64x128xi32>
    %select_n3A_845 = arith.select %ne3A_828, %roll3A_842, %roll3A_844 : vector<64x128xi1>, vector<64x128xi32>
    %gt3A_846 = arith.cmpf ogt, %select_n3A_821, %select_n3A_840 : vector<64x128xf32>
    %eq3A_847 = arith.cmpf oeq, %select_n3A_821, %select_n3A_840 : vector<64x128xf32>
    %lt3A_848 = arith.cmpi slt, %select_n3A_822, %select_n3A_845 : vector<64x128xi32>
    %and3A_849 = arith.andi %eq3A_847, %lt3A_848 : vector<64x128xi1>
    %or3A_850 = arith.ori %gt3A_846, %and3A_849 : vector<64x128xi1>
    %eq3A_851 = arith.xori %or3A_850, %xor3A_835 : vector<64x128xi1>
    %eq3A_852 = arith.constant dense<true> : vector<64x128xi1>
    %eq3A_853 = arith.xori %eq3A_851, %eq3A_852 : vector<64x128xi1>
    %select_n3A_854 = arith.select %eq3A_853, %select_n3A_821, %select_n3A_840 : vector<64x128xi1>, vector<64x128xf32>
    %select_n3A_855 = arith.select %eq3A_853, %select_n3A_822, %select_n3A_845 : vector<64x128xi1>, vector<64x128xi32>
    %and3A_856 = arith.constant 2 : i32
    %and3A_857 = vector.broadcast %and3A_856 : i32 to vector<64x128xi32>
    %and3A_858 = arith.andi %add3A, %and3A_857 : vector<64x128xi32>
    %ne3A_859 = arith.constant 0 : i32
    %ne3A_860 = vector.broadcast %ne3A_859 : i32 to vector<64x128xi32>
    %ne3A_861 = arith.cmpi ne, %and3A_858, %ne3A_860 : vector<64x128xi32>
    %and3A_862 = arith.constant 128 : i32
    %and3A_863 = vector.broadcast %and3A_862 : i32 to vector<64x128xi32>
    %and3A_864 = arith.andi %add3A, %and3A_863 : vector<64x128xi32>
    %eq3A_865 = arith.constant 0 : i32
    %eq3A_866 = vector.broadcast %eq3A_865 : i32 to vector<64x128xi32>
    %eq3A_867 = arith.cmpi eq, %and3A_864, %eq3A_866 : vector<64x128xi32>
    %xor3A_868 = arith.xori %eq3A_867, %ne3A_861 : vector<64x128xi1>
    %roll3A_869 = arith.constant 2 : i32
    %roll3A_870 = tpu.dynamic_rotate %select_n3A_854 by %roll3A_869 dim 1 : vector<64x128xf32>, i32 -> vector<64x128xf32>
    %roll3A_871 = arith.constant 126 : i32
    %roll3A_872 = tpu.dynamic_rotate %select_n3A_854 by %roll3A_871 dim 1 : vector<64x128xf32>, i32 -> vector<64x128xf32>
    %select_n3A_873 = arith.select %ne3A_861, %roll3A_870, %roll3A_872 : vector<64x128xi1>, vector<64x128xf32>
    %roll3A_874 = arith.constant 2 : i32
    %roll3A_875 = tpu.dynamic_rotate %select_n3A_855 by %roll3A_874 dim 1 : vector<64x128xi32>, i32 -> vector<64x128xi32>
    %roll3A_876 = arith.constant 126 : i32
    %roll3A_877 = tpu.dynamic_rotate %select_n3A_855 by %roll3A_876 dim 1 : vector<64x128xi32>, i32 -> vector<64x128xi32>
    %select_n3A_878 = arith.select %ne3A_861, %roll3A_875, %roll3A_877 : vector<64x128xi1>, vector<64x128xi32>
    %gt3A_879 = arith.cmpf ogt, %select_n3A_854, %select_n3A_873 : vector<64x128xf32>
    %eq3A_880 = arith.cmpf oeq, %select_n3A_854, %select_n3A_873 : vector<64x128xf32>
    %lt3A_881 = arith.cmpi slt, %select_n3A_855, %select_n3A_878 : vector<64x128xi32>
    %and3A_882 = arith.andi %eq3A_880, %lt3A_881 : vector<64x128xi1>
    %or3A_883 = arith.ori %gt3A_879, %and3A_882 : vector<64x128xi1>
    %eq3A_884 = arith.xori %or3A_883, %xor3A_868 : vector<64x128xi1>
    %eq3A_885 = arith.constant dense<true> : vector<64x128xi1>
    %eq3A_886 = arith.xori %eq3A_884, %eq3A_885 : vector<64x128xi1>
    %select_n3A_887 = arith.select %eq3A_886, %select_n3A_854, %select_n3A_873 : vector<64x128xi1>, vector<64x128xf32>
    %select_n3A_888 = arith.select %eq3A_886, %select_n3A_855, %select_n3A_878 : vector<64x128xi1>, vector<64x128xi32>
    %and3A_889 = arith.constant 1 : i32
    %and3A_890 = vector.broadcast %and3A_889 : i32 to vector<64x128xi32>
    %and3A_891 = arith.andi %add3A, %and3A_890 : vector<64x128xi32>
    %ne3A_892 = arith.constant 0 : i32
    %ne3A_893 = vector.broadcast %ne3A_892 : i32 to vector<64x128xi32>
    %ne3A_894 = arith.cmpi ne, %and3A_891, %ne3A_893 : vector<64x128xi32>
    %and3A_895 = arith.constant 128 : i32
    %and3A_896 = vector.broadcast %and3A_895 : i32 to vector<64x128xi32>
    %and3A_897 = arith.andi %add3A, %and3A_896 : vector<64x128xi32>
    %eq3A_898 = arith.constant 0 : i32
    %eq3A_899 = vector.broadcast %eq3A_898 : i32 to vector<64x128xi32>
    %eq3A_900 = arith.cmpi eq, %and3A_897, %eq3A_899 : vector<64x128xi32>
    %xor3A_901 = arith.xori %eq3A_900, %ne3A_894 : vector<64x128xi1>
    %roll3A_902 = arith.constant 1 : i32
    %roll3A_903 = tpu.dynamic_rotate %select_n3A_887 by %roll3A_902 dim 1 : vector<64x128xf32>, i32 -> vector<64x128xf32>
    %roll3A_904 = arith.constant 127 : i32
    %roll3A_905 = tpu.dynamic_rotate %select_n3A_887 by %roll3A_904 dim 1 : vector<64x128xf32>, i32 -> vector<64x128xf32>
    %select_n3A_906 = arith.select %ne3A_894, %roll3A_903, %roll3A_905 : vector<64x128xi1>, vector<64x128xf32>
    %roll3A_907 = arith.constant 1 : i32
    %roll3A_908 = tpu.dynamic_rotate %select_n3A_888 by %roll3A_907 dim 1 : vector<64x128xi32>, i32 -> vector<64x128xi32>
    %roll3A_909 = arith.constant 127 : i32
    %roll3A_910 = tpu.dynamic_rotate %select_n3A_888 by %roll3A_909 dim 1 : vector<64x128xi32>, i32 -> vector<64x128xi32>
    %select_n3A_911 = arith.select %ne3A_894, %roll3A_908, %roll3A_910 : vector<64x128xi1>, vector<64x128xi32>
    %gt3A_912 = arith.cmpf ogt, %select_n3A_887, %select_n3A_906 : vector<64x128xf32>
    %eq3A_913 = arith.cmpf oeq, %select_n3A_887, %select_n3A_906 : vector<64x128xf32>
    %lt3A_914 = arith.cmpi slt, %select_n3A_888, %select_n3A_911 : vector<64x128xi32>
    %and3A_915 = arith.andi %eq3A_913, %lt3A_914 : vector<64x128xi1>
    %or3A_916 = arith.ori %gt3A_912, %and3A_915 : vector<64x128xi1>
    %eq3A_917 = arith.xori %or3A_916, %xor3A_901 : vector<64x128xi1>
    %eq3A_918 = arith.constant dense<true> : vector<64x128xi1>
    %eq3A_919 = arith.xori %eq3A_917, %eq3A_918 : vector<64x128xi1>
    %select_n3A_920 = arith.select %eq3A_919, %select_n3A_887, %select_n3A_906 : vector<64x128xi1>, vector<64x128xf32>
    %select_n3A_921 = arith.select %eq3A_919, %select_n3A_888, %select_n3A_911 : vector<64x128xi1>, vector<64x128xi32>
    %and3A_922 = arith.constant 128 : i32
    %and3A_923 = vector.broadcast %and3A_922 : i32 to vector<64x128xi32>
    %and3A_924 = arith.andi %add3A, %and3A_923 : vector<64x128xi32>
    %ne3A_925 = arith.constant 0 : i32
    %ne3A_926 = vector.broadcast %ne3A_925 : i32 to vector<64x128xi32>
    %ne3A_927 = arith.cmpi ne, %and3A_924, %ne3A_926 : vector<64x128xi32>
    %and3A_928 = arith.constant 256 : i32
    %and3A_929 = vector.broadcast %and3A_928 : i32 to vector<64x128xi32>
    %and3A_930 = arith.andi %add3A, %and3A_929 : vector<64x128xi32>
    %eq3A_931 = arith.constant 0 : i32
    %eq3A_932 = vector.broadcast %eq3A_931 : i32 to vector<64x128xi32>
    %eq3A_933 = arith.cmpi eq, %and3A_930, %eq3A_932 : vector<64x128xi32>
    %xor3A_934 = arith.xori %eq3A_933, %ne3A_927 : vector<64x128xi1>
    %roll3A_935 = arith.constant 1 : i32
    %roll3A_936 = tpu.dynamic_rotate %select_n3A_920 by %roll3A_935 dim 0 : vector<64x128xf32>, i32 -> vector<64x128xf32>
    %roll3A_937 = arith.constant 63 : i32
    %roll3A_938 = tpu.dynamic_rotate %select_n3A_920 by %roll3A_937 dim 0 : vector<64x128xf32>, i32 -> vector<64x128xf32>
    %select_n3A_939 = arith.select %ne3A_927, %roll3A_936, %roll3A_938 : vector<64x128xi1>, vector<64x128xf32>
    %roll3A_940 = arith.constant 1 : i32
    %roll3A_941 = tpu.dynamic_rotate %select_n3A_921 by %roll3A_940 dim 0 : vector<64x128xi32>, i32 -> vector<64x128xi32>
    %roll3A_942 = arith.constant 63 : i32
    %roll3A_943 = tpu.dynamic_rotate %select_n3A_921 by %roll3A_942 dim 0 : vector<64x128xi32>, i32 -> vector<64x128xi32>
    %select_n3A_944 = arith.select %ne3A_927, %roll3A_941, %roll3A_943 : vector<64x128xi1>, vector<64x128xi32>
    %gt3A_945 = arith.cmpf ogt, %select_n3A_920, %select_n3A_939 : vector<64x128xf32>
    %eq3A_946 = arith.cmpf oeq, %select_n3A_920, %select_n3A_939 : vector<64x128xf32>
    %lt3A_947 = arith.cmpi slt, %select_n3A_921, %select_n3A_944 : vector<64x128xi32>
    %and3A_948 = arith.andi %eq3A_946, %lt3A_947 : vector<64x128xi1>
    %or3A_949 = arith.ori %gt3A_945, %and3A_948 : vector<64x128xi1>
    %eq3A_950 = arith.xori %or3A_949, %xor3A_934 : vector<64x128xi1>
    %eq3A_951 = arith.constant dense<true> : vector<64x128xi1>
    %eq3A_952 = arith.xori %eq3A_950, %eq3A_951 : vector<64x128xi1>
    %select_n3A_953 = arith.select %eq3A_952, %select_n3A_920, %select_n3A_939 : vector<64x128xi1>, vector<64x128xf32>
    %select_n3A_954 = arith.select %eq3A_952, %select_n3A_921, %select_n3A_944 : vector<64x128xi1>, vector<64x128xi32>
    %and3A_955 = arith.constant 64 : i32
    %and3A_956 = vector.broadcast %and3A_955 : i32 to vector<64x128xi32>
    %and3A_957 = arith.andi %add3A, %and3A_956 : vector<64x128xi32>
    %ne3A_958 = arith.constant 0 : i32
    %ne3A_959 = vector.broadcast %ne3A_958 : i32 to vector<64x128xi32>
    %ne3A_960 = arith.cmpi ne, %and3A_957, %ne3A_959 : vector<64x128xi32>
    %and3A_961 = arith.constant 256 : i32
    %and3A_962 = vector.broadcast %and3A_961 : i32 to vector<64x128xi32>
    %and3A_963 = arith.andi %add3A, %and3A_962 : vector<64x128xi32>
    %eq3A_964 = arith.constant 0 : i32
    %eq3A_965 = vector.broadcast %eq3A_964 : i32 to vector<64x128xi32>
    %eq3A_966 = arith.cmpi eq, %and3A_963, %eq3A_965 : vector<64x128xi32>
    %xor3A_967 = arith.xori %eq3A_966, %ne3A_960 : vector<64x128xi1>
    %roll3A_968 = arith.constant 64 : i32
    %roll3A_969 = tpu.dynamic_rotate %select_n3A_953 by %roll3A_968 dim 1 : vector<64x128xf32>, i32 -> vector<64x128xf32>
    %roll3A_970 = arith.constant 64 : i32
    %roll3A_971 = tpu.dynamic_rotate %select_n3A_953 by %roll3A_970 dim 1 : vector<64x128xf32>, i32 -> vector<64x128xf32>
    %select_n3A_972 = arith.select %ne3A_960, %roll3A_969, %roll3A_971 : vector<64x128xi1>, vector<64x128xf32>
    %roll3A_973 = arith.constant 64 : i32
    %roll3A_974 = tpu.dynamic_rotate %select_n3A_954 by %roll3A_973 dim 1 : vector<64x128xi32>, i32 -> vector<64x128xi32>
    %roll3A_975 = arith.constant 64 : i32
    %roll3A_976 = tpu.dynamic_rotate %select_n3A_954 by %roll3A_975 dim 1 : vector<64x128xi32>, i32 -> vector<64x128xi32>
    %select_n3A_977 = arith.select %ne3A_960, %roll3A_974, %roll3A_976 : vector<64x128xi1>, vector<64x128xi32>
    %gt3A_978 = arith.cmpf ogt, %select_n3A_953, %select_n3A_972 : vector<64x128xf32>
    %eq3A_979 = arith.cmpf oeq, %select_n3A_953, %select_n3A_972 : vector<64x128xf32>
    %lt3A_980 = arith.cmpi slt, %select_n3A_954, %select_n3A_977 : vector<64x128xi32>
    %and3A_981 = arith.andi %eq3A_979, %lt3A_980 : vector<64x128xi1>
    %or3A_982 = arith.ori %gt3A_978, %and3A_981 : vector<64x128xi1>
    %eq3A_983 = arith.xori %or3A_982, %xor3A_967 : vector<64x128xi1>
    %eq3A_984 = arith.constant dense<true> : vector<64x128xi1>
    %eq3A_985 = arith.xori %eq3A_983, %eq3A_984 : vector<64x128xi1>
    %select_n3A_986 = arith.select %eq3A_985, %select_n3A_953, %select_n3A_972 : vector<64x128xi1>, vector<64x128xf32>
    %select_n3A_987 = arith.select %eq3A_985, %select_n3A_954, %select_n3A_977 : vector<64x128xi1>, vector<64x128xi32>
    %and3A_988 = arith.constant 32 : i32
    %and3A_989 = vector.broadcast %and3A_988 : i32 to vector<64x128xi32>
    %and3A_990 = arith.andi %add3A, %and3A_989 : vector<64x128xi32>
    %ne3A_991 = arith.constant 0 : i32
    %ne3A_992 = vector.broadcast %ne3A_991 : i32 to vector<64x128xi32>
    %ne3A_993 = arith.cmpi ne, %and3A_990, %ne3A_992 : vector<64x128xi32>
    %and3A_994 = arith.constant 256 : i32
    %and3A_995 = vector.broadcast %and3A_994 : i32 to vector<64x128xi32>
    %and3A_996 = arith.andi %add3A, %and3A_995 : vector<64x128xi32>
    %eq3A_997 = arith.constant 0 : i32
    %eq3A_998 = vector.broadcast %eq3A_997 : i32 to vector<64x128xi32>
    %eq3A_999 = arith.cmpi eq, %and3A_996, %eq3A_998 : vector<64x128xi32>
    %xor3A_1000 = arith.xori %eq3A_999, %ne3A_993 : vector<64x128xi1>
    %roll3A_1001 = arith.constant 32 : i32
    %roll3A_1002 = tpu.dynamic_rotate %select_n3A_986 by %roll3A_1001 dim 1 : vector<64x128xf32>, i32 -> vector<64x128xf32>
    %roll3A_1003 = arith.constant 96 : i32
    %roll3A_1004 = tpu.dynamic_rotate %select_n3A_986 by %roll3A_1003 dim 1 : vector<64x128xf32>, i32 -> vector<64x128xf32>
    %select_n3A_1005 = arith.select %ne3A_993, %roll3A_1002, %roll3A_1004 : vector<64x128xi1>, vector<64x128xf32>
    %roll3A_1006 = arith.constant 32 : i32
    %roll3A_1007 = tpu.dynamic_rotate %select_n3A_987 by %roll3A_1006 dim 1 : vector<64x128xi32>, i32 -> vector<64x128xi32>
    %roll3A_1008 = arith.constant 96 : i32
    %roll3A_1009 = tpu.dynamic_rotate %select_n3A_987 by %roll3A_1008 dim 1 : vector<64x128xi32>, i32 -> vector<64x128xi32>
    %select_n3A_1010 = arith.select %ne3A_993, %roll3A_1007, %roll3A_1009 : vector<64x128xi1>, vector<64x128xi32>
    %gt3A_1011 = arith.cmpf ogt, %select_n3A_986, %select_n3A_1005 : vector<64x128xf32>
    %eq3A_1012 = arith.cmpf oeq, %select_n3A_986, %select_n3A_1005 : vector<64x128xf32>
    %lt3A_1013 = arith.cmpi slt, %select_n3A_987, %select_n3A_1010 : vector<64x128xi32>
    %and3A_1014 = arith.andi %eq3A_1012, %lt3A_1013 : vector<64x128xi1>
    %or3A_1015 = arith.ori %gt3A_1011, %and3A_1014 : vector<64x128xi1>
    %eq3A_1016 = arith.xori %or3A_1015, %xor3A_1000 : vector<64x128xi1>
    %eq3A_1017 = arith.constant dense<true> : vector<64x128xi1>
    %eq3A_1018 = arith.xori %eq3A_1016, %eq3A_1017 : vector<64x128xi1>
    %select_n3A_1019 = arith.select %eq3A_1018, %select_n3A_986, %select_n3A_1005 : vector<64x128xi1>, vector<64x128xf32>
    %select_n3A_1020 = arith.select %eq3A_1018, %select_n3A_987, %select_n3A_1010 : vector<64x128xi1>, vector<64x128xi32>
    %and3A_1021 = arith.constant 16 : i32
    %and3A_1022 = vector.broadcast %and3A_1021 : i32 to vector<64x128xi32>
    %and3A_1023 = arith.andi %add3A, %and3A_1022 : vector<64x128xi32>
    %ne3A_1024 = arith.constant 0 : i32
    %ne3A_1025 = vector.broadcast %ne3A_1024 : i32 to vector<64x128xi32>
    %ne3A_1026 = arith.cmpi ne, %and3A_1023, %ne3A_1025 : vector<64x128xi32>
    %and3A_1027 = arith.constant 256 : i32
    %and3A_1028 = vector.broadcast %and3A_1027 : i32 to vector<64x128xi32>
    %and3A_1029 = arith.andi %add3A, %and3A_1028 : vector<64x128xi32>
    %eq3A_1030 = arith.constant 0 : i32
    %eq3A_1031 = vector.broadcast %eq3A_1030 : i32 to vector<64x128xi32>
    %eq3A_1032 = arith.cmpi eq, %and3A_1029, %eq3A_1031 : vector<64x128xi32>
    %xor3A_1033 = arith.xori %eq3A_1032, %ne3A_1026 : vector<64x128xi1>
    %roll3A_1034 = arith.constant 16 : i32
    %roll3A_1035 = tpu.dynamic_rotate %select_n3A_1019 by %roll3A_1034 dim 1 : vector<64x128xf32>, i32 -> vector<64x128xf32>
    %roll3A_1036 = arith.constant 112 : i32
    %roll3A_1037 = tpu.dynamic_rotate %select_n3A_1019 by %roll3A_1036 dim 1 : vector<64x128xf32>, i32 -> vector<64x128xf32>
    %select_n3A_1038 = arith.select %ne3A_1026, %roll3A_1035, %roll3A_1037 : vector<64x128xi1>, vector<64x128xf32>
    %roll3A_1039 = arith.constant 16 : i32
    %roll3A_1040 = tpu.dynamic_rotate %select_n3A_1020 by %roll3A_1039 dim 1 : vector<64x128xi32>, i32 -> vector<64x128xi32>
    %roll3A_1041 = arith.constant 112 : i32
    %roll3A_1042 = tpu.dynamic_rotate %select_n3A_1020 by %roll3A_1041 dim 1 : vector<64x128xi32>, i32 -> vector<64x128xi32>
    %select_n3A_1043 = arith.select %ne3A_1026, %roll3A_1040, %roll3A_1042 : vector<64x128xi1>, vector<64x128xi32>
    %gt3A_1044 = arith.cmpf ogt, %select_n3A_1019, %select_n3A_1038 : vector<64x128xf32>
    %eq3A_1045 = arith.cmpf oeq, %select_n3A_1019, %select_n3A_1038 : vector<64x128xf32>
    %lt3A_1046 = arith.cmpi slt, %select_n3A_1020, %select_n3A_1043 : vector<64x128xi32>
    %and3A_1047 = arith.andi %eq3A_1045, %lt3A_1046 : vector<64x128xi1>
    %or3A_1048 = arith.ori %gt3A_1044, %and3A_1047 : vector<64x128xi1>
    %eq3A_1049 = arith.xori %or3A_1048, %xor3A_1033 : vector<64x128xi1>
    %eq3A_1050 = arith.constant dense<true> : vector<64x128xi1>
    %eq3A_1051 = arith.xori %eq3A_1049, %eq3A_1050 : vector<64x128xi1>
    %select_n3A_1052 = arith.select %eq3A_1051, %select_n3A_1019, %select_n3A_1038 : vector<64x128xi1>, vector<64x128xf32>
    %select_n3A_1053 = arith.select %eq3A_1051, %select_n3A_1020, %select_n3A_1043 : vector<64x128xi1>, vector<64x128xi32>
    %and3A_1054 = arith.constant 8 : i32
    %and3A_1055 = vector.broadcast %and3A_1054 : i32 to vector<64x128xi32>
    %and3A_1056 = arith.andi %add3A, %and3A_1055 : vector<64x128xi32>
    %ne3A_1057 = arith.constant 0 : i32
    %ne3A_1058 = vector.broadcast %ne3A_1057 : i32 to vector<64x128xi32>
    %ne3A_1059 = arith.cmpi ne, %and3A_1056, %ne3A_1058 : vector<64x128xi32>
    %and3A_1060 = arith.constant 256 : i32
    %and3A_1061 = vector.broadcast %and3A_1060 : i32 to vector<64x128xi32>
    %and3A_1062 = arith.andi %add3A, %and3A_1061 : vector<64x128xi32>
    %eq3A_1063 = arith.constant 0 : i32
    %eq3A_1064 = vector.broadcast %eq3A_1063 : i32 to vector<64x128xi32>
    %eq3A_1065 = arith.cmpi eq, %and3A_1062, %eq3A_1064 : vector<64x128xi32>
    %xor3A_1066 = arith.xori %eq3A_1065, %ne3A_1059 : vector<64x128xi1>
    %roll3A_1067 = arith.constant 8 : i32
    %roll3A_1068 = tpu.dynamic_rotate %select_n3A_1052 by %roll3A_1067 dim 1 : vector<64x128xf32>, i32 -> vector<64x128xf32>
    %roll3A_1069 = arith.constant 120 : i32
    %roll3A_1070 = tpu.dynamic_rotate %select_n3A_1052 by %roll3A_1069 dim 1 : vector<64x128xf32>, i32 -> vector<64x128xf32>
    %select_n3A_1071 = arith.select %ne3A_1059, %roll3A_1068, %roll3A_1070 : vector<64x128xi1>, vector<64x128xf32>
    %roll3A_1072 = arith.constant 8 : i32
    %roll3A_1073 = tpu.dynamic_rotate %select_n3A_1053 by %roll3A_1072 dim 1 : vector<64x128xi32>, i32 -> vector<64x128xi32>
    %roll3A_1074 = arith.constant 120 : i32
    %roll3A_1075 = tpu.dynamic_rotate %select_n3A_1053 by %roll3A_1074 dim 1 : vector<64x128xi32>, i32 -> vector<64x128xi32>
    %select_n3A_1076 = arith.select %ne3A_1059, %roll3A_1073, %roll3A_1075 : vector<64x128xi1>, vector<64x128xi32>
    %gt3A_1077 = arith.cmpf ogt, %select_n3A_1052, %select_n3A_1071 : vector<64x128xf32>
    %eq3A_1078 = arith.cmpf oeq, %select_n3A_1052, %select_n3A_1071 : vector<64x128xf32>
    %lt3A_1079 = arith.cmpi slt, %select_n3A_1053, %select_n3A_1076 : vector<64x128xi32>
    %and3A_1080 = arith.andi %eq3A_1078, %lt3A_1079 : vector<64x128xi1>
    %or3A_1081 = arith.ori %gt3A_1077, %and3A_1080 : vector<64x128xi1>
    %eq3A_1082 = arith.xori %or3A_1081, %xor3A_1066 : vector<64x128xi1>
    %eq3A_1083 = arith.constant dense<true> : vector<64x128xi1>
    %eq3A_1084 = arith.xori %eq3A_1082, %eq3A_1083 : vector<64x128xi1>
    %select_n3A_1085 = arith.select %eq3A_1084, %select_n3A_1052, %select_n3A_1071 : vector<64x128xi1>, vector<64x128xf32>
    %select_n3A_1086 = arith.select %eq3A_1084, %select_n3A_1053, %select_n3A_1076 : vector<64x128xi1>, vector<64x128xi32>
    %and3A_1087 = arith.constant 4 : i32
    %and3A_1088 = vector.broadcast %and3A_1087 : i32 to vector<64x128xi32>
    %and3A_1089 = arith.andi %add3A, %and3A_1088 : vector<64x128xi32>
    %ne3A_1090 = arith.constant 0 : i32
    %ne3A_1091 = vector.broadcast %ne3A_1090 : i32 to vector<64x128xi32>
    %ne3A_1092 = arith.cmpi ne, %and3A_1089, %ne3A_1091 : vector<64x128xi32>
    %and3A_1093 = arith.constant 256 : i32
    %and3A_1094 = vector.broadcast %and3A_1093 : i32 to vector<64x128xi32>
    %and3A_1095 = arith.andi %add3A, %and3A_1094 : vector<64x128xi32>
    %eq3A_1096 = arith.constant 0 : i32
    %eq3A_1097 = vector.broadcast %eq3A_1096 : i32 to vector<64x128xi32>
    %eq3A_1098 = arith.cmpi eq, %and3A_1095, %eq3A_1097 : vector<64x128xi32>
    %xor3A_1099 = arith.xori %eq3A_1098, %ne3A_1092 : vector<64x128xi1>
    %roll3A_1100 = arith.constant 4 : i32
    %roll3A_1101 = tpu.dynamic_rotate %select_n3A_1085 by %roll3A_1100 dim 1 : vector<64x128xf32>, i32 -> vector<64x128xf32>
    %roll3A_1102 = arith.constant 124 : i32
    %roll3A_1103 = tpu.dynamic_rotate %select_n3A_1085 by %roll3A_1102 dim 1 : vector<64x128xf32>, i32 -> vector<64x128xf32>
    %select_n3A_1104 = arith.select %ne3A_1092, %roll3A_1101, %roll3A_1103 : vector<64x128xi1>, vector<64x128xf32>
    %roll3A_1105 = arith.constant 4 : i32
    %roll3A_1106 = tpu.dynamic_rotate %select_n3A_1086 by %roll3A_1105 dim 1 : vector<64x128xi32>, i32 -> vector<64x128xi32>
    %roll3A_1107 = arith.constant 124 : i32
    %roll3A_1108 = tpu.dynamic_rotate %select_n3A_1086 by %roll3A_1107 dim 1 : vector<64x128xi32>, i32 -> vector<64x128xi32>
    %select_n3A_1109 = arith.select %ne3A_1092, %roll3A_1106, %roll3A_1108 : vector<64x128xi1>, vector<64x128xi32>
    %gt3A_1110 = arith.cmpf ogt, %select_n3A_1085, %select_n3A_1104 : vector<64x128xf32>
    %eq3A_1111 = arith.cmpf oeq, %select_n3A_1085, %select_n3A_1104 : vector<64x128xf32>
    %lt3A_1112 = arith.cmpi slt, %select_n3A_1086, %select_n3A_1109 : vector<64x128xi32>
    %and3A_1113 = arith.andi %eq3A_1111, %lt3A_1112 : vector<64x128xi1>
    %or3A_1114 = arith.ori %gt3A_1110, %and3A_1113 : vector<64x128xi1>
    %eq3A_1115 = arith.xori %or3A_1114, %xor3A_1099 : vector<64x128xi1>
    %eq3A_1116 = arith.constant dense<true> : vector<64x128xi1>
    %eq3A_1117 = arith.xori %eq3A_1115, %eq3A_1116 : vector<64x128xi1>
    %select_n3A_1118 = arith.select %eq3A_1117, %select_n3A_1085, %select_n3A_1104 : vector<64x128xi1>, vector<64x128xf32>
    %select_n3A_1119 = arith.select %eq3A_1117, %select_n3A_1086, %select_n3A_1109 : vector<64x128xi1>, vector<64x128xi32>
    %and3A_1120 = arith.constant 2 : i32
    %and3A_1121 = vector.broadcast %and3A_1120 : i32 to vector<64x128xi32>
    %and3A_1122 = arith.andi %add3A, %and3A_1121 : vector<64x128xi32>
    %ne3A_1123 = arith.constant 0 : i32
    %ne3A_1124 = vector.broadcast %ne3A_1123 : i32 to vector<64x128xi32>
    %ne3A_1125 = arith.cmpi ne, %and3A_1122, %ne3A_1124 : vector<64x128xi32>
    %and3A_1126 = arith.constant 256 : i32
    %and3A_1127 = vector.broadcast %and3A_1126 : i32 to vector<64x128xi32>
    %and3A_1128 = arith.andi %add3A, %and3A_1127 : vector<64x128xi32>
    %eq3A_1129 = arith.constant 0 : i32
    %eq3A_1130 = vector.broadcast %eq3A_1129 : i32 to vector<64x128xi32>
    %eq3A_1131 = arith.cmpi eq, %and3A_1128, %eq3A_1130 : vector<64x128xi32>
    %xor3A_1132 = arith.xori %eq3A_1131, %ne3A_1125 : vector<64x128xi1>
    %roll3A_1133 = arith.constant 2 : i32
    %roll3A_1134 = tpu.dynamic_rotate %select_n3A_1118 by %roll3A_1133 dim 1 : vector<64x128xf32>, i32 -> vector<64x128xf32>
    %roll3A_1135 = arith.constant 126 : i32
    %roll3A_1136 = tpu.dynamic_rotate %select_n3A_1118 by %roll3A_1135 dim 1 : vector<64x128xf32>, i32 -> vector<64x128xf32>
    %select_n3A_1137 = arith.select %ne3A_1125, %roll3A_1134, %roll3A_1136 : vector<64x128xi1>, vector<64x128xf32>
    %roll3A_1138 = arith.constant 2 : i32
    %roll3A_1139 = tpu.dynamic_rotate %select_n3A_1119 by %roll3A_1138 dim 1 : vector<64x128xi32>, i32 -> vector<64x128xi32>
    %roll3A_1140 = arith.constant 126 : i32
    %roll3A_1141 = tpu.dynamic_rotate %select_n3A_1119 by %roll3A_1140 dim 1 : vector<64x128xi32>, i32 -> vector<64x128xi32>
    %select_n3A_1142 = arith.select %ne3A_1125, %roll3A_1139, %roll3A_1141 : vector<64x128xi1>, vector<64x128xi32>
    %gt3A_1143 = arith.cmpf ogt, %select_n3A_1118, %select_n3A_1137 : vector<64x128xf32>
    %eq3A_1144 = arith.cmpf oeq, %select_n3A_1118, %select_n3A_1137 : vector<64x128xf32>
    %lt3A_1145 = arith.cmpi slt, %select_n3A_1119, %select_n3A_1142 : vector<64x128xi32>
    %and3A_1146 = arith.andi %eq3A_1144, %lt3A_1145 : vector<64x128xi1>
    %or3A_1147 = arith.ori %gt3A_1143, %and3A_1146 : vector<64x128xi1>
    %eq3A_1148 = arith.xori %or3A_1147, %xor3A_1132 : vector<64x128xi1>
    %eq3A_1149 = arith.constant dense<true> : vector<64x128xi1>
    %eq3A_1150 = arith.xori %eq3A_1148, %eq3A_1149 : vector<64x128xi1>
    %select_n3A_1151 = arith.select %eq3A_1150, %select_n3A_1118, %select_n3A_1137 : vector<64x128xi1>, vector<64x128xf32>
    %select_n3A_1152 = arith.select %eq3A_1150, %select_n3A_1119, %select_n3A_1142 : vector<64x128xi1>, vector<64x128xi32>
    %and3A_1153 = arith.constant 1 : i32
    %and3A_1154 = vector.broadcast %and3A_1153 : i32 to vector<64x128xi32>
    %and3A_1155 = arith.andi %add3A, %and3A_1154 : vector<64x128xi32>
    %ne3A_1156 = arith.constant 0 : i32
    %ne3A_1157 = vector.broadcast %ne3A_1156 : i32 to vector<64x128xi32>
    %ne3A_1158 = arith.cmpi ne, %and3A_1155, %ne3A_1157 : vector<64x128xi32>
    %and3A_1159 = arith.constant 256 : i32
    %and3A_1160 = vector.broadcast %and3A_1159 : i32 to vector<64x128xi32>
    %and3A_1161 = arith.andi %add3A, %and3A_1160 : vector<64x128xi32>
    %eq3A_1162 = arith.constant 0 : i32
    %eq3A_1163 = vector.broadcast %eq3A_1162 : i32 to vector<64x128xi32>
    %eq3A_1164 = arith.cmpi eq, %and3A_1161, %eq3A_1163 : vector<64x128xi32>
    %xor3A_1165 = arith.xori %eq3A_1164, %ne3A_1158 : vector<64x128xi1>
    %roll3A_1166 = arith.constant 1 : i32
    %roll3A_1167 = tpu.dynamic_rotate %select_n3A_1151 by %roll3A_1166 dim 1 : vector<64x128xf32>, i32 -> vector<64x128xf32>
    %roll3A_1168 = arith.constant 127 : i32
    %roll3A_1169 = tpu.dynamic_rotate %select_n3A_1151 by %roll3A_1168 dim 1 : vector<64x128xf32>, i32 -> vector<64x128xf32>
    %select_n3A_1170 = arith.select %ne3A_1158, %roll3A_1167, %roll3A_1169 : vector<64x128xi1>, vector<64x128xf32>
    %roll3A_1171 = arith.constant 1 : i32
    %roll3A_1172 = tpu.dynamic_rotate %select_n3A_1152 by %roll3A_1171 dim 1 : vector<64x128xi32>, i32 -> vector<64x128xi32>
    %roll3A_1173 = arith.constant 127 : i32
    %roll3A_1174 = tpu.dynamic_rotate %select_n3A_1152 by %roll3A_1173 dim 1 : vector<64x128xi32>, i32 -> vector<64x128xi32>
    %select_n3A_1175 = arith.select %ne3A_1158, %roll3A_1172, %roll3A_1174 : vector<64x128xi1>, vector<64x128xi32>
    %gt3A_1176 = arith.cmpf ogt, %select_n3A_1151, %select_n3A_1170 : vector<64x128xf32>
    %eq3A_1177 = arith.cmpf oeq, %select_n3A_1151, %select_n3A_1170 : vector<64x128xf32>
    %lt3A_1178 = arith.cmpi slt, %select_n3A_1152, %select_n3A_1175 : vector<64x128xi32>
    %and3A_1179 = arith.andi %eq3A_1177, %lt3A_1178 : vector<64x128xi1>
    %or3A_1180 = arith.ori %gt3A_1176, %and3A_1179 : vector<64x128xi1>
    %eq3A_1181 = arith.xori %or3A_1180, %xor3A_1165 : vector<64x128xi1>
    %eq3A_1182 = arith.constant dense<true> : vector<64x128xi1>
    %eq3A_1183 = arith.xori %eq3A_1181, %eq3A_1182 : vector<64x128xi1>
    %select_n3A_1184 = arith.select %eq3A_1183, %select_n3A_1151, %select_n3A_1170 : vector<64x128xi1>, vector<64x128xf32>
    %select_n3A_1185 = arith.select %eq3A_1183, %select_n3A_1152, %select_n3A_1175 : vector<64x128xi1>, vector<64x128xi32>
    %and3A_1186 = arith.constant 256 : i32
    %and3A_1187 = vector.broadcast %and3A_1186 : i32 to vector<64x128xi32>
    %and3A_1188 = arith.andi %add3A, %and3A_1187 : vector<64x128xi32>
    %ne3A_1189 = arith.constant 0 : i32
    %ne3A_1190 = vector.broadcast %ne3A_1189 : i32 to vector<64x128xi32>
    %ne3A_1191 = arith.cmpi ne, %and3A_1188, %ne3A_1190 : vector<64x128xi32>
    %and3A_1192 = arith.constant 512 : i32
    %and3A_1193 = vector.broadcast %and3A_1192 : i32 to vector<64x128xi32>
    %and3A_1194 = arith.andi %add3A, %and3A_1193 : vector<64x128xi32>
    %eq3A_1195 = arith.constant 0 : i32
    %eq3A_1196 = vector.broadcast %eq3A_1195 : i32 to vector<64x128xi32>
    %eq3A_1197 = arith.cmpi eq, %and3A_1194, %eq3A_1196 : vector<64x128xi32>
    %xor3A_1198 = arith.xori %eq3A_1197, %ne3A_1191 : vector<64x128xi1>
    %roll3A_1199 = arith.constant 2 : i32
    %roll3A_1200 = tpu.dynamic_rotate %select_n3A_1184 by %roll3A_1199 dim 0 : vector<64x128xf32>, i32 -> vector<64x128xf32>
    %roll3A_1201 = arith.constant 62 : i32
    %roll3A_1202 = tpu.dynamic_rotate %select_n3A_1184 by %roll3A_1201 dim 0 : vector<64x128xf32>, i32 -> vector<64x128xf32>
    %select_n3A_1203 = arith.select %ne3A_1191, %roll3A_1200, %roll3A_1202 : vector<64x128xi1>, vector<64x128xf32>
    %roll3A_1204 = arith.constant 2 : i32
    %roll3A_1205 = tpu.dynamic_rotate %select_n3A_1185 by %roll3A_1204 dim 0 : vector<64x128xi32>, i32 -> vector<64x128xi32>
    %roll3A_1206 = arith.constant 62 : i32
    %roll3A_1207 = tpu.dynamic_rotate %select_n3A_1185 by %roll3A_1206 dim 0 : vector<64x128xi32>, i32 -> vector<64x128xi32>
    %select_n3A_1208 = arith.select %ne3A_1191, %roll3A_1205, %roll3A_1207 : vector<64x128xi1>, vector<64x128xi32>
    %gt3A_1209 = arith.cmpf ogt, %select_n3A_1184, %select_n3A_1203 : vector<64x128xf32>
    %eq3A_1210 = arith.cmpf oeq, %select_n3A_1184, %select_n3A_1203 : vector<64x128xf32>
    %lt3A_1211 = arith.cmpi slt, %select_n3A_1185, %select_n3A_1208 : vector<64x128xi32>
    %and3A_1212 = arith.andi %eq3A_1210, %lt3A_1211 : vector<64x128xi1>
    %or3A_1213 = arith.ori %gt3A_1209, %and3A_1212 : vector<64x128xi1>
    %eq3A_1214 = arith.xori %or3A_1213, %xor3A_1198 : vector<64x128xi1>
    %eq3A_1215 = arith.constant dense<true> : vector<64x128xi1>
    %eq3A_1216 = arith.xori %eq3A_1214, %eq3A_1215 : vector<64x128xi1>
    %select_n3A_1217 = arith.select %eq3A_1216, %select_n3A_1184, %select_n3A_1203 : vector<64x128xi1>, vector<64x128xf32>
    %select_n3A_1218 = arith.select %eq3A_1216, %select_n3A_1185, %select_n3A_1208 : vector<64x128xi1>, vector<64x128xi32>
    %and3A_1219 = arith.constant 128 : i32
    %and3A_1220 = vector.broadcast %and3A_1219 : i32 to vector<64x128xi32>
    %and3A_1221 = arith.andi %add3A, %and3A_1220 : vector<64x128xi32>
    %ne3A_1222 = arith.constant 0 : i32
    %ne3A_1223 = vector.broadcast %ne3A_1222 : i32 to vector<64x128xi32>
    %ne3A_1224 = arith.cmpi ne, %and3A_1221, %ne3A_1223 : vector<64x128xi32>
    %and3A_1225 = arith.constant 512 : i32
    %and3A_1226 = vector.broadcast %and3A_1225 : i32 to vector<64x128xi32>
    %and3A_1227 = arith.andi %add3A, %and3A_1226 : vector<64x128xi32>
    %eq3A_1228 = arith.constant 0 : i32
    %eq3A_1229 = vector.broadcast %eq3A_1228 : i32 to vector<64x128xi32>
    %eq3A_1230 = arith.cmpi eq, %and3A_1227, %eq3A_1229 : vector<64x128xi32>
    %xor3A_1231 = arith.xori %eq3A_1230, %ne3A_1224 : vector<64x128xi1>
    %roll3A_1232 = arith.constant 1 : i32
    %roll3A_1233 = tpu.dynamic_rotate %select_n3A_1217 by %roll3A_1232 dim 0 : vector<64x128xf32>, i32 -> vector<64x128xf32>
    %roll3A_1234 = arith.constant 63 : i32
    %roll3A_1235 = tpu.dynamic_rotate %select_n3A_1217 by %roll3A_1234 dim 0 : vector<64x128xf32>, i32 -> vector<64x128xf32>
    %select_n3A_1236 = arith.select %ne3A_1224, %roll3A_1233, %roll3A_1235 : vector<64x128xi1>, vector<64x128xf32>
    %roll3A_1237 = arith.constant 1 : i32
    %roll3A_1238 = tpu.dynamic_rotate %select_n3A_1218 by %roll3A_1237 dim 0 : vector<64x128xi32>, i32 -> vector<64x128xi32>
    %roll3A_1239 = arith.constant 63 : i32
    %roll3A_1240 = tpu.dynamic_rotate %select_n3A_1218 by %roll3A_1239 dim 0 : vector<64x128xi32>, i32 -> vector<64x128xi32>
    %select_n3A_1241 = arith.select %ne3A_1224, %roll3A_1238, %roll3A_1240 : vector<64x128xi1>, vector<64x128xi32>
    %gt3A_1242 = arith.cmpf ogt, %select_n3A_1217, %select_n3A_1236 : vector<64x128xf32>
    %eq3A_1243 = arith.cmpf oeq, %select_n3A_1217, %select_n3A_1236 : vector<64x128xf32>
    %lt3A_1244 = arith.cmpi slt, %select_n3A_1218, %select_n3A_1241 : vector<64x128xi32>
    %and3A_1245 = arith.andi %eq3A_1243, %lt3A_1244 : vector<64x128xi1>
    %or3A_1246 = arith.ori %gt3A_1242, %and3A_1245 : vector<64x128xi1>
    %eq3A_1247 = arith.xori %or3A_1246, %xor3A_1231 : vector<64x128xi1>
    %eq3A_1248 = arith.constant dense<true> : vector<64x128xi1>
    %eq3A_1249 = arith.xori %eq3A_1247, %eq3A_1248 : vector<64x128xi1>
    %select_n3A_1250 = arith.select %eq3A_1249, %select_n3A_1217, %select_n3A_1236 : vector<64x128xi1>, vector<64x128xf32>
    %select_n3A_1251 = arith.select %eq3A_1249, %select_n3A_1218, %select_n3A_1241 : vector<64x128xi1>, vector<64x128xi32>
    %and3A_1252 = arith.constant 64 : i32
    %and3A_1253 = vector.broadcast %and3A_1252 : i32 to vector<64x128xi32>
    %and3A_1254 = arith.andi %add3A, %and3A_1253 : vector<64x128xi32>
    %ne3A_1255 = arith.constant 0 : i32
    %ne3A_1256 = vector.broadcast %ne3A_1255 : i32 to vector<64x128xi32>
    %ne3A_1257 = arith.cmpi ne, %and3A_1254, %ne3A_1256 : vector<64x128xi32>
    %and3A_1258 = arith.constant 512 : i32
    %and3A_1259 = vector.broadcast %and3A_1258 : i32 to vector<64x128xi32>
    %and3A_1260 = arith.andi %add3A, %and3A_1259 : vector<64x128xi32>
    %eq3A_1261 = arith.constant 0 : i32
    %eq3A_1262 = vector.broadcast %eq3A_1261 : i32 to vector<64x128xi32>
    %eq3A_1263 = arith.cmpi eq, %and3A_1260, %eq3A_1262 : vector<64x128xi32>
    %xor3A_1264 = arith.xori %eq3A_1263, %ne3A_1257 : vector<64x128xi1>
    %roll3A_1265 = arith.constant 64 : i32
    %roll3A_1266 = tpu.dynamic_rotate %select_n3A_1250 by %roll3A_1265 dim 1 : vector<64x128xf32>, i32 -> vector<64x128xf32>
    %roll3A_1267 = arith.constant 64 : i32
    %roll3A_1268 = tpu.dynamic_rotate %select_n3A_1250 by %roll3A_1267 dim 1 : vector<64x128xf32>, i32 -> vector<64x128xf32>
    %select_n3A_1269 = arith.select %ne3A_1257, %roll3A_1266, %roll3A_1268 : vector<64x128xi1>, vector<64x128xf32>
    %roll3A_1270 = arith.constant 64 : i32
    %roll3A_1271 = tpu.dynamic_rotate %select_n3A_1251 by %roll3A_1270 dim 1 : vector<64x128xi32>, i32 -> vector<64x128xi32>
    %roll3A_1272 = arith.constant 64 : i32
    %roll3A_1273 = tpu.dynamic_rotate %select_n3A_1251 by %roll3A_1272 dim 1 : vector<64x128xi32>, i32 -> vector<64x128xi32>
    %select_n3A_1274 = arith.select %ne3A_1257, %roll3A_1271, %roll3A_1273 : vector<64x128xi1>, vector<64x128xi32>
    %gt3A_1275 = arith.cmpf ogt, %select_n3A_1250, %select_n3A_1269 : vector<64x128xf32>
    %eq3A_1276 = arith.cmpf oeq, %select_n3A_1250, %select_n3A_1269 : vector<64x128xf32>
    %lt3A_1277 = arith.cmpi slt, %select_n3A_1251, %select_n3A_1274 : vector<64x128xi32>
    %and3A_1278 = arith.andi %eq3A_1276, %lt3A_1277 : vector<64x128xi1>
    %or3A_1279 = arith.ori %gt3A_1275, %and3A_1278 : vector<64x128xi1>
    %eq3A_1280 = arith.xori %or3A_1279, %xor3A_1264 : vector<64x128xi1>
    %eq3A_1281 = arith.constant dense<true> : vector<64x128xi1>
    %eq3A_1282 = arith.xori %eq3A_1280, %eq3A_1281 : vector<64x128xi1>
    %select_n3A_1283 = arith.select %eq3A_1282, %select_n3A_1250, %select_n3A_1269 : vector<64x128xi1>, vector<64x128xf32>
    %select_n3A_1284 = arith.select %eq3A_1282, %select_n3A_1251, %select_n3A_1274 : vector<64x128xi1>, vector<64x128xi32>
    %and3A_1285 = arith.constant 32 : i32
    %and3A_1286 = vector.broadcast %and3A_1285 : i32 to vector<64x128xi32>
    %and3A_1287 = arith.andi %add3A, %and3A_1286 : vector<64x128xi32>
    %ne3A_1288 = arith.constant 0 : i32
    %ne3A_1289 = vector.broadcast %ne3A_1288 : i32 to vector<64x128xi32>
    %ne3A_1290 = arith.cmpi ne, %and3A_1287, %ne3A_1289 : vector<64x128xi32>
    %and3A_1291 = arith.constant 512 : i32
    %and3A_1292 = vector.broadcast %and3A_1291 : i32 to vector<64x128xi32>
    %and3A_1293 = arith.andi %add3A, %and3A_1292 : vector<64x128xi32>
    %eq3A_1294 = arith.constant 0 : i32
    %eq3A_1295 = vector.broadcast %eq3A_1294 : i32 to vector<64x128xi32>
    %eq3A_1296 = arith.cmpi eq, %and3A_1293, %eq3A_1295 : vector<64x128xi32>
    %xor3A_1297 = arith.xori %eq3A_1296, %ne3A_1290 : vector<64x128xi1>
    %roll3A_1298 = arith.constant 32 : i32
    %roll3A_1299 = tpu.dynamic_rotate %select_n3A_1283 by %roll3A_1298 dim 1 : vector<64x128xf32>, i32 -> vector<64x128xf32>
    %roll3A_1300 = arith.constant 96 : i32
    %roll3A_1301 = tpu.dynamic_rotate %select_n3A_1283 by %roll3A_1300 dim 1 : vector<64x128xf32>, i32 -> vector<64x128xf32>
    %select_n3A_1302 = arith.select %ne3A_1290, %roll3A_1299, %roll3A_1301 : vector<64x128xi1>, vector<64x128xf32>
    %roll3A_1303 = arith.constant 32 : i32
    %roll3A_1304 = tpu.dynamic_rotate %select_n3A_1284 by %roll3A_1303 dim 1 : vector<64x128xi32>, i32 -> vector<64x128xi32>
    %roll3A_1305 = arith.constant 96 : i32
    %roll3A_1306 = tpu.dynamic_rotate %select_n3A_1284 by %roll3A_1305 dim 1 : vector<64x128xi32>, i32 -> vector<64x128xi32>
    %select_n3A_1307 = arith.select %ne3A_1290, %roll3A_1304, %roll3A_1306 : vector<64x128xi1>, vector<64x128xi32>
    %gt3A_1308 = arith.cmpf ogt, %select_n3A_1283, %select_n3A_1302 : vector<64x128xf32>
    %eq3A_1309 = arith.cmpf oeq, %select_n3A_1283, %select_n3A_1302 : vector<64x128xf32>
    %lt3A_1310 = arith.cmpi slt, %select_n3A_1284, %select_n3A_1307 : vector<64x128xi32>
    %and3A_1311 = arith.andi %eq3A_1309, %lt3A_1310 : vector<64x128xi1>
    %or3A_1312 = arith.ori %gt3A_1308, %and3A_1311 : vector<64x128xi1>
    %eq3A_1313 = arith.xori %or3A_1312, %xor3A_1297 : vector<64x128xi1>
    %eq3A_1314 = arith.constant dense<true> : vector<64x128xi1>
    %eq3A_1315 = arith.xori %eq3A_1313, %eq3A_1314 : vector<64x128xi1>
    %select_n3A_1316 = arith.select %eq3A_1315, %select_n3A_1283, %select_n3A_1302 : vector<64x128xi1>, vector<64x128xf32>
    %select_n3A_1317 = arith.select %eq3A_1315, %select_n3A_1284, %select_n3A_1307 : vector<64x128xi1>, vector<64x128xi32>
    %and3A_1318 = arith.constant 16 : i32
    %and3A_1319 = vector.broadcast %and3A_1318 : i32 to vector<64x128xi32>
    %and3A_1320 = arith.andi %add3A, %and3A_1319 : vector<64x128xi32>
    %ne3A_1321 = arith.constant 0 : i32
    %ne3A_1322 = vector.broadcast %ne3A_1321 : i32 to vector<64x128xi32>
    %ne3A_1323 = arith.cmpi ne, %and3A_1320, %ne3A_1322 : vector<64x128xi32>
    %and3A_1324 = arith.constant 512 : i32
    %and3A_1325 = vector.broadcast %and3A_1324 : i32 to vector<64x128xi32>
    %and3A_1326 = arith.andi %add3A, %and3A_1325 : vector<64x128xi32>
    %eq3A_1327 = arith.constant 0 : i32
    %eq3A_1328 = vector.broadcast %eq3A_1327 : i32 to vector<64x128xi32>
    %eq3A_1329 = arith.cmpi eq, %and3A_1326, %eq3A_1328 : vector<64x128xi32>
    %xor3A_1330 = arith.xori %eq3A_1329, %ne3A_1323 : vector<64x128xi1>
    %roll3A_1331 = arith.constant 16 : i32
    %roll3A_1332 = tpu.dynamic_rotate %select_n3A_1316 by %roll3A_1331 dim 1 : vector<64x128xf32>, i32 -> vector<64x128xf32>
    %roll3A_1333 = arith.constant 112 : i32
    %roll3A_1334 = tpu.dynamic_rotate %select_n3A_1316 by %roll3A_1333 dim 1 : vector<64x128xf32>, i32 -> vector<64x128xf32>
    %select_n3A_1335 = arith.select %ne3A_1323, %roll3A_1332, %roll3A_1334 : vector<64x128xi1>, vector<64x128xf32>
    %roll3A_1336 = arith.constant 16 : i32
    %roll3A_1337 = tpu.dynamic_rotate %select_n3A_1317 by %roll3A_1336 dim 1 : vector<64x128xi32>, i32 -> vector<64x128xi32>
    %roll3A_1338 = arith.constant 112 : i32
    %roll3A_1339 = tpu.dynamic_rotate %select_n3A_1317 by %roll3A_1338 dim 1 : vector<64x128xi32>, i32 -> vector<64x128xi32>
    %select_n3A_1340 = arith.select %ne3A_1323, %roll3A_1337, %roll3A_1339 : vector<64x128xi1>, vector<64x128xi32>
    %gt3A_1341 = arith.cmpf ogt, %select_n3A_1316, %select_n3A_1335 : vector<64x128xf32>
    %eq3A_1342 = arith.cmpf oeq, %select_n3A_1316, %select_n3A_1335 : vector<64x128xf32>
    %lt3A_1343 = arith.cmpi slt, %select_n3A_1317, %select_n3A_1340 : vector<64x128xi32>
    %and3A_1344 = arith.andi %eq3A_1342, %lt3A_1343 : vector<64x128xi1>
    %or3A_1345 = arith.ori %gt3A_1341, %and3A_1344 : vector<64x128xi1>
    %eq3A_1346 = arith.xori %or3A_1345, %xor3A_1330 : vector<64x128xi1>
    %eq3A_1347 = arith.constant dense<true> : vector<64x128xi1>
    %eq3A_1348 = arith.xori %eq3A_1346, %eq3A_1347 : vector<64x128xi1>
    %select_n3A_1349 = arith.select %eq3A_1348, %select_n3A_1316, %select_n3A_1335 : vector<64x128xi1>, vector<64x128xf32>
    %select_n3A_1350 = arith.select %eq3A_1348, %select_n3A_1317, %select_n3A_1340 : vector<64x128xi1>, vector<64x128xi32>
    %and3A_1351 = arith.constant 8 : i32
    %and3A_1352 = vector.broadcast %and3A_1351 : i32 to vector<64x128xi32>
    %and3A_1353 = arith.andi %add3A, %and3A_1352 : vector<64x128xi32>
    %ne3A_1354 = arith.constant 0 : i32
    %ne3A_1355 = vector.broadcast %ne3A_1354 : i32 to vector<64x128xi32>
    %ne3A_1356 = arith.cmpi ne, %and3A_1353, %ne3A_1355 : vector<64x128xi32>
    %and3A_1357 = arith.constant 512 : i32
    %and3A_1358 = vector.broadcast %and3A_1357 : i32 to vector<64x128xi32>
    %and3A_1359 = arith.andi %add3A, %and3A_1358 : vector<64x128xi32>
    %eq3A_1360 = arith.constant 0 : i32
    %eq3A_1361 = vector.broadcast %eq3A_1360 : i32 to vector<64x128xi32>
    %eq3A_1362 = arith.cmpi eq, %and3A_1359, %eq3A_1361 : vector<64x128xi32>
    %xor3A_1363 = arith.xori %eq3A_1362, %ne3A_1356 : vector<64x128xi1>
    %roll3A_1364 = arith.constant 8 : i32
    %roll3A_1365 = tpu.dynamic_rotate %select_n3A_1349 by %roll3A_1364 dim 1 : vector<64x128xf32>, i32 -> vector<64x128xf32>
    %roll3A_1366 = arith.constant 120 : i32
    %roll3A_1367 = tpu.dynamic_rotate %select_n3A_1349 by %roll3A_1366 dim 1 : vector<64x128xf32>, i32 -> vector<64x128xf32>
    %select_n3A_1368 = arith.select %ne3A_1356, %roll3A_1365, %roll3A_1367 : vector<64x128xi1>, vector<64x128xf32>
    %roll3A_1369 = arith.constant 8 : i32
    %roll3A_1370 = tpu.dynamic_rotate %select_n3A_1350 by %roll3A_1369 dim 1 : vector<64x128xi32>, i32 -> vector<64x128xi32>
    %roll3A_1371 = arith.constant 120 : i32
    %roll3A_1372 = tpu.dynamic_rotate %select_n3A_1350 by %roll3A_1371 dim 1 : vector<64x128xi32>, i32 -> vector<64x128xi32>
    %select_n3A_1373 = arith.select %ne3A_1356, %roll3A_1370, %roll3A_1372 : vector<64x128xi1>, vector<64x128xi32>
    %gt3A_1374 = arith.cmpf ogt, %select_n3A_1349, %select_n3A_1368 : vector<64x128xf32>
    %eq3A_1375 = arith.cmpf oeq, %select_n3A_1349, %select_n3A_1368 : vector<64x128xf32>
    %lt3A_1376 = arith.cmpi slt, %select_n3A_1350, %select_n3A_1373 : vector<64x128xi32>
    %and3A_1377 = arith.andi %eq3A_1375, %lt3A_1376 : vector<64x128xi1>
    %or3A_1378 = arith.ori %gt3A_1374, %and3A_1377 : vector<64x128xi1>
    %eq3A_1379 = arith.xori %or3A_1378, %xor3A_1363 : vector<64x128xi1>
    %eq3A_1380 = arith.constant dense<true> : vector<64x128xi1>
    %eq3A_1381 = arith.xori %eq3A_1379, %eq3A_1380 : vector<64x128xi1>
    %select_n3A_1382 = arith.select %eq3A_1381, %select_n3A_1349, %select_n3A_1368 : vector<64x128xi1>, vector<64x128xf32>
    %select_n3A_1383 = arith.select %eq3A_1381, %select_n3A_1350, %select_n3A_1373 : vector<64x128xi1>, vector<64x128xi32>
    %and3A_1384 = arith.constant 4 : i32
    %and3A_1385 = vector.broadcast %and3A_1384 : i32 to vector<64x128xi32>
    %and3A_1386 = arith.andi %add3A, %and3A_1385 : vector<64x128xi32>
    %ne3A_1387 = arith.constant 0 : i32
    %ne3A_1388 = vector.broadcast %ne3A_1387 : i32 to vector<64x128xi32>
    %ne3A_1389 = arith.cmpi ne, %and3A_1386, %ne3A_1388 : vector<64x128xi32>
    %and3A_1390 = arith.constant 512 : i32
    %and3A_1391 = vector.broadcast %and3A_1390 : i32 to vector<64x128xi32>
    %and3A_1392 = arith.andi %add3A, %and3A_1391 : vector<64x128xi32>
    %eq3A_1393 = arith.constant 0 : i32
    %eq3A_1394 = vector.broadcast %eq3A_1393 : i32 to vector<64x128xi32>
    %eq3A_1395 = arith.cmpi eq, %and3A_1392, %eq3A_1394 : vector<64x128xi32>
    %xor3A_1396 = arith.xori %eq3A_1395, %ne3A_1389 : vector<64x128xi1>
    %roll3A_1397 = arith.constant 4 : i32
    %roll3A_1398 = tpu.dynamic_rotate %select_n3A_1382 by %roll3A_1397 dim 1 : vector<64x128xf32>, i32 -> vector<64x128xf32>
    %roll3A_1399 = arith.constant 124 : i32
    %roll3A_1400 = tpu.dynamic_rotate %select_n3A_1382 by %roll3A_1399 dim 1 : vector<64x128xf32>, i32 -> vector<64x128xf32>
    %select_n3A_1401 = arith.select %ne3A_1389, %roll3A_1398, %roll3A_1400 : vector<64x128xi1>, vector<64x128xf32>
    %roll3A_1402 = arith.constant 4 : i32
    %roll3A_1403 = tpu.dynamic_rotate %select_n3A_1383 by %roll3A_1402 dim 1 : vector<64x128xi32>, i32 -> vector<64x128xi32>
    %roll3A_1404 = arith.constant 124 : i32
    %roll3A_1405 = tpu.dynamic_rotate %select_n3A_1383 by %roll3A_1404 dim 1 : vector<64x128xi32>, i32 -> vector<64x128xi32>
    %select_n3A_1406 = arith.select %ne3A_1389, %roll3A_1403, %roll3A_1405 : vector<64x128xi1>, vector<64x128xi32>
    %gt3A_1407 = arith.cmpf ogt, %select_n3A_1382, %select_n3A_1401 : vector<64x128xf32>
    %eq3A_1408 = arith.cmpf oeq, %select_n3A_1382, %select_n3A_1401 : vector<64x128xf32>
    %lt3A_1409 = arith.cmpi slt, %select_n3A_1383, %select_n3A_1406 : vector<64x128xi32>
    %and3A_1410 = arith.andi %eq3A_1408, %lt3A_1409 : vector<64x128xi1>
    %or3A_1411 = arith.ori %gt3A_1407, %and3A_1410 : vector<64x128xi1>
    %eq3A_1412 = arith.xori %or3A_1411, %xor3A_1396 : vector<64x128xi1>
    %eq3A_1413 = arith.constant dense<true> : vector<64x128xi1>
    %eq3A_1414 = arith.xori %eq3A_1412, %eq3A_1413 : vector<64x128xi1>
    %select_n3A_1415 = arith.select %eq3A_1414, %select_n3A_1382, %select_n3A_1401 : vector<64x128xi1>, vector<64x128xf32>
    %select_n3A_1416 = arith.select %eq3A_1414, %select_n3A_1383, %select_n3A_1406 : vector<64x128xi1>, vector<64x128xi32>
    %and3A_1417 = arith.constant 2 : i32
    %and3A_1418 = vector.broadcast %and3A_1417 : i32 to vector<64x128xi32>
    %and3A_1419 = arith.andi %add3A, %and3A_1418 : vector<64x128xi32>
    %ne3A_1420 = arith.constant 0 : i32
    %ne3A_1421 = vector.broadcast %ne3A_1420 : i32 to vector<64x128xi32>
    %ne3A_1422 = arith.cmpi ne, %and3A_1419, %ne3A_1421 : vector<64x128xi32>
    %and3A_1423 = arith.constant 512 : i32
    %and3A_1424 = vector.broadcast %and3A_1423 : i32 to vector<64x128xi32>
    %and3A_1425 = arith.andi %add3A, %and3A_1424 : vector<64x128xi32>
    %eq3A_1426 = arith.constant 0 : i32
    %eq3A_1427 = vector.broadcast %eq3A_1426 : i32 to vector<64x128xi32>
    %eq3A_1428 = arith.cmpi eq, %and3A_1425, %eq3A_1427 : vector<64x128xi32>
    %xor3A_1429 = arith.xori %eq3A_1428, %ne3A_1422 : vector<64x128xi1>
    %roll3A_1430 = arith.constant 2 : i32
    %roll3A_1431 = tpu.dynamic_rotate %select_n3A_1415 by %roll3A_1430 dim 1 : vector<64x128xf32>, i32 -> vector<64x128xf32>
    %roll3A_1432 = arith.constant 126 : i32
    %roll3A_1433 = tpu.dynamic_rotate %select_n3A_1415 by %roll3A_1432 dim 1 : vector<64x128xf32>, i32 -> vector<64x128xf32>
    %select_n3A_1434 = arith.select %ne3A_1422, %roll3A_1431, %roll3A_1433 : vector<64x128xi1>, vector<64x128xf32>
    %roll3A_1435 = arith.constant 2 : i32
    %roll3A_1436 = tpu.dynamic_rotate %select_n3A_1416 by %roll3A_1435 dim 1 : vector<64x128xi32>, i32 -> vector<64x128xi32>
    %roll3A_1437 = arith.constant 126 : i32
    %roll3A_1438 = tpu.dynamic_rotate %select_n3A_1416 by %roll3A_1437 dim 1 : vector<64x128xi32>, i32 -> vector<64x128xi32>
    %select_n3A_1439 = arith.select %ne3A_1422, %roll3A_1436, %roll3A_1438 : vector<64x128xi1>, vector<64x128xi32>
    %gt3A_1440 = arith.cmpf ogt, %select_n3A_1415, %select_n3A_1434 : vector<64x128xf32>
    %eq3A_1441 = arith.cmpf oeq, %select_n3A_1415, %select_n3A_1434 : vector<64x128xf32>
    %lt3A_1442 = arith.cmpi slt, %select_n3A_1416, %select_n3A_1439 : vector<64x128xi32>
    %and3A_1443 = arith.andi %eq3A_1441, %lt3A_1442 : vector<64x128xi1>
    %or3A_1444 = arith.ori %gt3A_1440, %and3A_1443 : vector<64x128xi1>
    %eq3A_1445 = arith.xori %or3A_1444, %xor3A_1429 : vector<64x128xi1>
    %eq3A_1446 = arith.constant dense<true> : vector<64x128xi1>
    %eq3A_1447 = arith.xori %eq3A_1445, %eq3A_1446 : vector<64x128xi1>
    %select_n3A_1448 = arith.select %eq3A_1447, %select_n3A_1415, %select_n3A_1434 : vector<64x128xi1>, vector<64x128xf32>
    %select_n3A_1449 = arith.select %eq3A_1447, %select_n3A_1416, %select_n3A_1439 : vector<64x128xi1>, vector<64x128xi32>
    %and3A_1450 = arith.constant 1 : i32
    %and3A_1451 = vector.broadcast %and3A_1450 : i32 to vector<64x128xi32>
    %and3A_1452 = arith.andi %add3A, %and3A_1451 : vector<64x128xi32>
    %ne3A_1453 = arith.constant 0 : i32
    %ne3A_1454 = vector.broadcast %ne3A_1453 : i32 to vector<64x128xi32>
    %ne3A_1455 = arith.cmpi ne, %and3A_1452, %ne3A_1454 : vector<64x128xi32>
    %and3A_1456 = arith.constant 512 : i32
    %and3A_1457 = vector.broadcast %and3A_1456 : i32 to vector<64x128xi32>
    %and3A_1458 = arith.andi %add3A, %and3A_1457 : vector<64x128xi32>
    %eq3A_1459 = arith.constant 0 : i32
    %eq3A_1460 = vector.broadcast %eq3A_1459 : i32 to vector<64x128xi32>
    %eq3A_1461 = arith.cmpi eq, %and3A_1458, %eq3A_1460 : vector<64x128xi32>
    %xor3A_1462 = arith.xori %eq3A_1461, %ne3A_1455 : vector<64x128xi1>
    %roll3A_1463 = arith.constant 1 : i32
    %roll3A_1464 = tpu.dynamic_rotate %select_n3A_1448 by %roll3A_1463 dim 1 : vector<64x128xf32>, i32 -> vector<64x128xf32>
    %roll3A_1465 = arith.constant 127 : i32
    %roll3A_1466 = tpu.dynamic_rotate %select_n3A_1448 by %roll3A_1465 dim 1 : vector<64x128xf32>, i32 -> vector<64x128xf32>
    %select_n3A_1467 = arith.select %ne3A_1455, %roll3A_1464, %roll3A_1466 : vector<64x128xi1>, vector<64x128xf32>
    %roll3A_1468 = arith.constant 1 : i32
    %roll3A_1469 = tpu.dynamic_rotate %select_n3A_1449 by %roll3A_1468 dim 1 : vector<64x128xi32>, i32 -> vector<64x128xi32>
    %roll3A_1470 = arith.constant 127 : i32
    %roll3A_1471 = tpu.dynamic_rotate %select_n3A_1449 by %roll3A_1470 dim 1 : vector<64x128xi32>, i32 -> vector<64x128xi32>
    %select_n3A_1472 = arith.select %ne3A_1455, %roll3A_1469, %roll3A_1471 : vector<64x128xi1>, vector<64x128xi32>
    %gt3A_1473 = arith.cmpf ogt, %select_n3A_1448, %select_n3A_1467 : vector<64x128xf32>
    %eq3A_1474 = arith.cmpf oeq, %select_n3A_1448, %select_n3A_1467 : vector<64x128xf32>
    %lt3A_1475 = arith.cmpi slt, %select_n3A_1449, %select_n3A_1472 : vector<64x128xi32>
    %and3A_1476 = arith.andi %eq3A_1474, %lt3A_1475 : vector<64x128xi1>
    %or3A_1477 = arith.ori %gt3A_1473, %and3A_1476 : vector<64x128xi1>
    %eq3A_1478 = arith.xori %or3A_1477, %xor3A_1462 : vector<64x128xi1>
    %eq3A_1479 = arith.constant dense<true> : vector<64x128xi1>
    %eq3A_1480 = arith.xori %eq3A_1478, %eq3A_1479 : vector<64x128xi1>
    %select_n3A_1481 = arith.select %eq3A_1480, %select_n3A_1448, %select_n3A_1467 : vector<64x128xi1>, vector<64x128xf32>
    %select_n3A_1482 = arith.select %eq3A_1480, %select_n3A_1449, %select_n3A_1472 : vector<64x128xi1>, vector<64x128xi32>
    %and3A_1483 = arith.constant 512 : i32
    %and3A_1484 = vector.broadcast %and3A_1483 : i32 to vector<64x128xi32>
    %and3A_1485 = arith.andi %add3A, %and3A_1484 : vector<64x128xi32>
    %ne3A_1486 = arith.constant 0 : i32
    %ne3A_1487 = vector.broadcast %ne3A_1486 : i32 to vector<64x128xi32>
    %ne3A_1488 = arith.cmpi ne, %and3A_1485, %ne3A_1487 : vector<64x128xi32>
    %and3A_1489 = arith.constant 1024 : i32
    %and3A_1490 = vector.broadcast %and3A_1489 : i32 to vector<64x128xi32>
    %and3A_1491 = arith.andi %add3A, %and3A_1490 : vector<64x128xi32>
    %eq3A_1492 = arith.constant 0 : i32
    %eq3A_1493 = vector.broadcast %eq3A_1492 : i32 to vector<64x128xi32>
    %eq3A_1494 = arith.cmpi eq, %and3A_1491, %eq3A_1493 : vector<64x128xi32>
    %xor3A_1495 = arith.xori %eq3A_1494, %ne3A_1488 : vector<64x128xi1>
    %roll3A_1496 = arith.constant 4 : i32
    %roll3A_1497 = tpu.dynamic_rotate %select_n3A_1481 by %roll3A_1496 dim 0 : vector<64x128xf32>, i32 -> vector<64x128xf32>
    %roll3A_1498 = arith.constant 60 : i32
    %roll3A_1499 = tpu.dynamic_rotate %select_n3A_1481 by %roll3A_1498 dim 0 : vector<64x128xf32>, i32 -> vector<64x128xf32>
    %select_n3A_1500 = arith.select %ne3A_1488, %roll3A_1497, %roll3A_1499 : vector<64x128xi1>, vector<64x128xf32>
    %roll3A_1501 = arith.constant 4 : i32
    %roll3A_1502 = tpu.dynamic_rotate %select_n3A_1482 by %roll3A_1501 dim 0 : vector<64x128xi32>, i32 -> vector<64x128xi32>
    %roll3A_1503 = arith.constant 60 : i32
    %roll3A_1504 = tpu.dynamic_rotate %select_n3A_1482 by %roll3A_1503 dim 0 : vector<64x128xi32>, i32 -> vector<64x128xi32>
    %select_n3A_1505 = arith.select %ne3A_1488, %roll3A_1502, %roll3A_1504 : vector<64x128xi1>, vector<64x128xi32>
    %gt3A_1506 = arith.cmpf ogt, %select_n3A_1481, %select_n3A_1500 : vector<64x128xf32>
    %eq3A_1507 = arith.cmpf oeq, %select_n3A_1481, %select_n3A_1500 : vector<64x128xf32>
    %lt3A_1508 = arith.cmpi slt, %select_n3A_1482, %select_n3A_1505 : vector<64x128xi32>
    %and3A_1509 = arith.andi %eq3A_1507, %lt3A_1508 : vector<64x128xi1>
    %or3A_1510 = arith.ori %gt3A_1506, %and3A_1509 : vector<64x128xi1>
    %eq3A_1511 = arith.xori %or3A_1510, %xor3A_1495 : vector<64x128xi1>
    %eq3A_1512 = arith.constant dense<true> : vector<64x128xi1>
    %eq3A_1513 = arith.xori %eq3A_1511, %eq3A_1512 : vector<64x128xi1>
    %select_n3A_1514 = arith.select %eq3A_1513, %select_n3A_1481, %select_n3A_1500 : vector<64x128xi1>, vector<64x128xf32>
    %select_n3A_1515 = arith.select %eq3A_1513, %select_n3A_1482, %select_n3A_1505 : vector<64x128xi1>, vector<64x128xi32>
    %and3A_1516 = arith.constant 256 : i32
    %and3A_1517 = vector.broadcast %and3A_1516 : i32 to vector<64x128xi32>
    %and3A_1518 = arith.andi %add3A, %and3A_1517 : vector<64x128xi32>
    %ne3A_1519 = arith.constant 0 : i32
    %ne3A_1520 = vector.broadcast %ne3A_1519 : i32 to vector<64x128xi32>
    %ne3A_1521 = arith.cmpi ne, %and3A_1518, %ne3A_1520 : vector<64x128xi32>
    %and3A_1522 = arith.constant 1024 : i32
    %and3A_1523 = vector.broadcast %and3A_1522 : i32 to vector<64x128xi32>
    %and3A_1524 = arith.andi %add3A, %and3A_1523 : vector<64x128xi32>
    %eq3A_1525 = arith.constant 0 : i32
    %eq3A_1526 = vector.broadcast %eq3A_1525 : i32 to vector<64x128xi32>
    %eq3A_1527 = arith.cmpi eq, %and3A_1524, %eq3A_1526 : vector<64x128xi32>
    %xor3A_1528 = arith.xori %eq3A_1527, %ne3A_1521 : vector<64x128xi1>
    %roll3A_1529 = arith.constant 2 : i32
    %roll3A_1530 = tpu.dynamic_rotate %select_n3A_1514 by %roll3A_1529 dim 0 : vector<64x128xf32>, i32 -> vector<64x128xf32>
    %roll3A_1531 = arith.constant 62 : i32
    %roll3A_1532 = tpu.dynamic_rotate %select_n3A_1514 by %roll3A_1531 dim 0 : vector<64x128xf32>, i32 -> vector<64x128xf32>
    %select_n3A_1533 = arith.select %ne3A_1521, %roll3A_1530, %roll3A_1532 : vector<64x128xi1>, vector<64x128xf32>
    %roll3A_1534 = arith.constant 2 : i32
    %roll3A_1535 = tpu.dynamic_rotate %select_n3A_1515 by %roll3A_1534 dim 0 : vector<64x128xi32>, i32 -> vector<64x128xi32>
    %roll3A_1536 = arith.constant 62 : i32
    %roll3A_1537 = tpu.dynamic_rotate %select_n3A_1515 by %roll3A_1536 dim 0 : vector<64x128xi32>, i32 -> vector<64x128xi32>
    %select_n3A_1538 = arith.select %ne3A_1521, %roll3A_1535, %roll3A_1537 : vector<64x128xi1>, vector<64x128xi32>
    %gt3A_1539 = arith.cmpf ogt, %select_n3A_1514, %select_n3A_1533 : vector<64x128xf32>
    %eq3A_1540 = arith.cmpf oeq, %select_n3A_1514, %select_n3A_1533 : vector<64x128xf32>
    %lt3A_1541 = arith.cmpi slt, %select_n3A_1515, %select_n3A_1538 : vector<64x128xi32>
    %and3A_1542 = arith.andi %eq3A_1540, %lt3A_1541 : vector<64x128xi1>
    %or3A_1543 = arith.ori %gt3A_1539, %and3A_1542 : vector<64x128xi1>
    %eq3A_1544 = arith.xori %or3A_1543, %xor3A_1528 : vector<64x128xi1>
    %eq3A_1545 = arith.constant dense<true> : vector<64x128xi1>
    %eq3A_1546 = arith.xori %eq3A_1544, %eq3A_1545 : vector<64x128xi1>
    %select_n3A_1547 = arith.select %eq3A_1546, %select_n3A_1514, %select_n3A_1533 : vector<64x128xi1>, vector<64x128xf32>
    %select_n3A_1548 = arith.select %eq3A_1546, %select_n3A_1515, %select_n3A_1538 : vector<64x128xi1>, vector<64x128xi32>
    %and3A_1549 = arith.constant 128 : i32
    %and3A_1550 = vector.broadcast %and3A_1549 : i32 to vector<64x128xi32>
    %and3A_1551 = arith.andi %add3A, %and3A_1550 : vector<64x128xi32>
    %ne3A_1552 = arith.constant 0 : i32
    %ne3A_1553 = vector.broadcast %ne3A_1552 : i32 to vector<64x128xi32>
    %ne3A_1554 = arith.cmpi ne, %and3A_1551, %ne3A_1553 : vector<64x128xi32>
    %and3A_1555 = arith.constant 1024 : i32
    %and3A_1556 = vector.broadcast %and3A_1555 : i32 to vector<64x128xi32>
    %and3A_1557 = arith.andi %add3A, %and3A_1556 : vector<64x128xi32>
    %eq3A_1558 = arith.constant 0 : i32
    %eq3A_1559 = vector.broadcast %eq3A_1558 : i32 to vector<64x128xi32>
    %eq3A_1560 = arith.cmpi eq, %and3A_1557, %eq3A_1559 : vector<64x128xi32>
    %xor3A_1561 = arith.xori %eq3A_1560, %ne3A_1554 : vector<64x128xi1>
    %roll3A_1562 = arith.constant 1 : i32
    %roll3A_1563 = tpu.dynamic_rotate %select_n3A_1547 by %roll3A_1562 dim 0 : vector<64x128xf32>, i32 -> vector<64x128xf32>
    %roll3A_1564 = arith.constant 63 : i32
    %roll3A_1565 = tpu.dynamic_rotate %select_n3A_1547 by %roll3A_1564 dim 0 : vector<64x128xf32>, i32 -> vector<64x128xf32>
    %select_n3A_1566 = arith.select %ne3A_1554, %roll3A_1563, %roll3A_1565 : vector<64x128xi1>, vector<64x128xf32>
    %roll3A_1567 = arith.constant 1 : i32
    %roll3A_1568 = tpu.dynamic_rotate %select_n3A_1548 by %roll3A_1567 dim 0 : vector<64x128xi32>, i32 -> vector<64x128xi32>
    %roll3A_1569 = arith.constant 63 : i32
    %roll3A_1570 = tpu.dynamic_rotate %select_n3A_1548 by %roll3A_1569 dim 0 : vector<64x128xi32>, i32 -> vector<64x128xi32>
    %select_n3A_1571 = arith.select %ne3A_1554, %roll3A_1568, %roll3A_1570 : vector<64x128xi1>, vector<64x128xi32>
    %gt3A_1572 = arith.cmpf ogt, %select_n3A_1547, %select_n3A_1566 : vector<64x128xf32>
    %eq3A_1573 = arith.cmpf oeq, %select_n3A_1547, %select_n3A_1566 : vector<64x128xf32>
    %lt3A_1574 = arith.cmpi slt, %select_n3A_1548, %select_n3A_1571 : vector<64x128xi32>
    %and3A_1575 = arith.andi %eq3A_1573, %lt3A_1574 : vector<64x128xi1>
    %or3A_1576 = arith.ori %gt3A_1572, %and3A_1575 : vector<64x128xi1>
    %eq3A_1577 = arith.xori %or3A_1576, %xor3A_1561 : vector<64x128xi1>
    %eq3A_1578 = arith.constant dense<true> : vector<64x128xi1>
    %eq3A_1579 = arith.xori %eq3A_1577, %eq3A_1578 : vector<64x128xi1>
    %select_n3A_1580 = arith.select %eq3A_1579, %select_n3A_1547, %select_n3A_1566 : vector<64x128xi1>, vector<64x128xf32>
    %select_n3A_1581 = arith.select %eq3A_1579, %select_n3A_1548, %select_n3A_1571 : vector<64x128xi1>, vector<64x128xi32>
    %and3A_1582 = arith.constant 64 : i32
    %and3A_1583 = vector.broadcast %and3A_1582 : i32 to vector<64x128xi32>
    %and3A_1584 = arith.andi %add3A, %and3A_1583 : vector<64x128xi32>
    %ne3A_1585 = arith.constant 0 : i32
    %ne3A_1586 = vector.broadcast %ne3A_1585 : i32 to vector<64x128xi32>
    %ne3A_1587 = arith.cmpi ne, %and3A_1584, %ne3A_1586 : vector<64x128xi32>
    %and3A_1588 = arith.constant 1024 : i32
    %and3A_1589 = vector.broadcast %and3A_1588 : i32 to vector<64x128xi32>
    %and3A_1590 = arith.andi %add3A, %and3A_1589 : vector<64x128xi32>
    %eq3A_1591 = arith.constant 0 : i32
    %eq3A_1592 = vector.broadcast %eq3A_1591 : i32 to vector<64x128xi32>
    %eq3A_1593 = arith.cmpi eq, %and3A_1590, %eq3A_1592 : vector<64x128xi32>
    %xor3A_1594 = arith.xori %eq3A_1593, %ne3A_1587 : vector<64x128xi1>
    %roll3A_1595 = arith.constant 64 : i32
    %roll3A_1596 = tpu.dynamic_rotate %select_n3A_1580 by %roll3A_1595 dim 1 : vector<64x128xf32>, i32 -> vector<64x128xf32>
    %roll3A_1597 = arith.constant 64 : i32
    %roll3A_1598 = tpu.dynamic_rotate %select_n3A_1580 by %roll3A_1597 dim 1 : vector<64x128xf32>, i32 -> vector<64x128xf32>
    %select_n3A_1599 = arith.select %ne3A_1587, %roll3A_1596, %roll3A_1598 : vector<64x128xi1>, vector<64x128xf32>
    %roll3A_1600 = arith.constant 64 : i32
    %roll3A_1601 = tpu.dynamic_rotate %select_n3A_1581 by %roll3A_1600 dim 1 : vector<64x128xi32>, i32 -> vector<64x128xi32>
    %roll3A_1602 = arith.constant 64 : i32
    %roll3A_1603 = tpu.dynamic_rotate %select_n3A_1581 by %roll3A_1602 dim 1 : vector<64x128xi32>, i32 -> vector<64x128xi32>
    %select_n3A_1604 = arith.select %ne3A_1587, %roll3A_1601, %roll3A_1603 : vector<64x128xi1>, vector<64x128xi32>
    %gt3A_1605 = arith.cmpf ogt, %select_n3A_1580, %select_n3A_1599 : vector<64x128xf32>
    %eq3A_1606 = arith.cmpf oeq, %select_n3A_1580, %select_n3A_1599 : vector<64x128xf32>
    %lt3A_1607 = arith.cmpi slt, %select_n3A_1581, %select_n3A_1604 : vector<64x128xi32>
    %and3A_1608 = arith.andi %eq3A_1606, %lt3A_1607 : vector<64x128xi1>
    %or3A_1609 = arith.ori %gt3A_1605, %and3A_1608 : vector<64x128xi1>
    %eq3A_1610 = arith.xori %or3A_1609, %xor3A_1594 : vector<64x128xi1>
    %eq3A_1611 = arith.constant dense<true> : vector<64x128xi1>
    %eq3A_1612 = arith.xori %eq3A_1610, %eq3A_1611 : vector<64x128xi1>
    %select_n3A_1613 = arith.select %eq3A_1612, %select_n3A_1580, %select_n3A_1599 : vector<64x128xi1>, vector<64x128xf32>
    %select_n3A_1614 = arith.select %eq3A_1612, %select_n3A_1581, %select_n3A_1604 : vector<64x128xi1>, vector<64x128xi32>
    %and3A_1615 = arith.constant 32 : i32
    %and3A_1616 = vector.broadcast %and3A_1615 : i32 to vector<64x128xi32>
    %and3A_1617 = arith.andi %add3A, %and3A_1616 : vector<64x128xi32>
    %ne3A_1618 = arith.constant 0 : i32
    %ne3A_1619 = vector.broadcast %ne3A_1618 : i32 to vector<64x128xi32>
    %ne3A_1620 = arith.cmpi ne, %and3A_1617, %ne3A_1619 : vector<64x128xi32>
    %and3A_1621 = arith.constant 1024 : i32
    %and3A_1622 = vector.broadcast %and3A_1621 : i32 to vector<64x128xi32>
    %and3A_1623 = arith.andi %add3A, %and3A_1622 : vector<64x128xi32>
    %eq3A_1624 = arith.constant 0 : i32
    %eq3A_1625 = vector.broadcast %eq3A_1624 : i32 to vector<64x128xi32>
    %eq3A_1626 = arith.cmpi eq, %and3A_1623, %eq3A_1625 : vector<64x128xi32>
    %xor3A_1627 = arith.xori %eq3A_1626, %ne3A_1620 : vector<64x128xi1>
    %roll3A_1628 = arith.constant 32 : i32
    %roll3A_1629 = tpu.dynamic_rotate %select_n3A_1613 by %roll3A_1628 dim 1 : vector<64x128xf32>, i32 -> vector<64x128xf32>
    %roll3A_1630 = arith.constant 96 : i32
    %roll3A_1631 = tpu.dynamic_rotate %select_n3A_1613 by %roll3A_1630 dim 1 : vector<64x128xf32>, i32 -> vector<64x128xf32>
    %select_n3A_1632 = arith.select %ne3A_1620, %roll3A_1629, %roll3A_1631 : vector<64x128xi1>, vector<64x128xf32>
    %roll3A_1633 = arith.constant 32 : i32
    %roll3A_1634 = tpu.dynamic_rotate %select_n3A_1614 by %roll3A_1633 dim 1 : vector<64x128xi32>, i32 -> vector<64x128xi32>
    %roll3A_1635 = arith.constant 96 : i32
    %roll3A_1636 = tpu.dynamic_rotate %select_n3A_1614 by %roll3A_1635 dim 1 : vector<64x128xi32>, i32 -> vector<64x128xi32>
    %select_n3A_1637 = arith.select %ne3A_1620, %roll3A_1634, %roll3A_1636 : vector<64x128xi1>, vector<64x128xi32>
    %gt3A_1638 = arith.cmpf ogt, %select_n3A_1613, %select_n3A_1632 : vector<64x128xf32>
    %eq3A_1639 = arith.cmpf oeq, %select_n3A_1613, %select_n3A_1632 : vector<64x128xf32>
    %lt3A_1640 = arith.cmpi slt, %select_n3A_1614, %select_n3A_1637 : vector<64x128xi32>
    %and3A_1641 = arith.andi %eq3A_1639, %lt3A_1640 : vector<64x128xi1>
    %or3A_1642 = arith.ori %gt3A_1638, %and3A_1641 : vector<64x128xi1>
    %eq3A_1643 = arith.xori %or3A_1642, %xor3A_1627 : vector<64x128xi1>
    %eq3A_1644 = arith.constant dense<true> : vector<64x128xi1>
    %eq3A_1645 = arith.xori %eq3A_1643, %eq3A_1644 : vector<64x128xi1>
    %select_n3A_1646 = arith.select %eq3A_1645, %select_n3A_1613, %select_n3A_1632 : vector<64x128xi1>, vector<64x128xf32>
    %select_n3A_1647 = arith.select %eq3A_1645, %select_n3A_1614, %select_n3A_1637 : vector<64x128xi1>, vector<64x128xi32>
    %and3A_1648 = arith.constant 16 : i32
    %and3A_1649 = vector.broadcast %and3A_1648 : i32 to vector<64x128xi32>
    %and3A_1650 = arith.andi %add3A, %and3A_1649 : vector<64x128xi32>
    %ne3A_1651 = arith.constant 0 : i32
    %ne3A_1652 = vector.broadcast %ne3A_1651 : i32 to vector<64x128xi32>
    %ne3A_1653 = arith.cmpi ne, %and3A_1650, %ne3A_1652 : vector<64x128xi32>
    %and3A_1654 = arith.constant 1024 : i32
    %and3A_1655 = vector.broadcast %and3A_1654 : i32 to vector<64x128xi32>
    %and3A_1656 = arith.andi %add3A, %and3A_1655 : vector<64x128xi32>
    %eq3A_1657 = arith.constant 0 : i32
    %eq3A_1658 = vector.broadcast %eq3A_1657 : i32 to vector<64x128xi32>
    %eq3A_1659 = arith.cmpi eq, %and3A_1656, %eq3A_1658 : vector<64x128xi32>
    %xor3A_1660 = arith.xori %eq3A_1659, %ne3A_1653 : vector<64x128xi1>
    %roll3A_1661 = arith.constant 16 : i32
    %roll3A_1662 = tpu.dynamic_rotate %select_n3A_1646 by %roll3A_1661 dim 1 : vector<64x128xf32>, i32 -> vector<64x128xf32>
    %roll3A_1663 = arith.constant 112 : i32
    %roll3A_1664 = tpu.dynamic_rotate %select_n3A_1646 by %roll3A_1663 dim 1 : vector<64x128xf32>, i32 -> vector<64x128xf32>
    %select_n3A_1665 = arith.select %ne3A_1653, %roll3A_1662, %roll3A_1664 : vector<64x128xi1>, vector<64x128xf32>
    %roll3A_1666 = arith.constant 16 : i32
    %roll3A_1667 = tpu.dynamic_rotate %select_n3A_1647 by %roll3A_1666 dim 1 : vector<64x128xi32>, i32 -> vector<64x128xi32>
    %roll3A_1668 = arith.constant 112 : i32
    %roll3A_1669 = tpu.dynamic_rotate %select_n3A_1647 by %roll3A_1668 dim 1 : vector<64x128xi32>, i32 -> vector<64x128xi32>
    %select_n3A_1670 = arith.select %ne3A_1653, %roll3A_1667, %roll3A_1669 : vector<64x128xi1>, vector<64x128xi32>
    %gt3A_1671 = arith.cmpf ogt, %select_n3A_1646, %select_n3A_1665 : vector<64x128xf32>
    %eq3A_1672 = arith.cmpf oeq, %select_n3A_1646, %select_n3A_1665 : vector<64x128xf32>
    %lt3A_1673 = arith.cmpi slt, %select_n3A_1647, %select_n3A_1670 : vector<64x128xi32>
    %and3A_1674 = arith.andi %eq3A_1672, %lt3A_1673 : vector<64x128xi1>
    %or3A_1675 = arith.ori %gt3A_1671, %and3A_1674 : vector<64x128xi1>
    %eq3A_1676 = arith.xori %or3A_1675, %xor3A_1660 : vector<64x128xi1>
    %eq3A_1677 = arith.constant dense<true> : vector<64x128xi1>
    %eq3A_1678 = arith.xori %eq3A_1676, %eq3A_1677 : vector<64x128xi1>
    %select_n3A_1679 = arith.select %eq3A_1678, %select_n3A_1646, %select_n3A_1665 : vector<64x128xi1>, vector<64x128xf32>
    %select_n3A_1680 = arith.select %eq3A_1678, %select_n3A_1647, %select_n3A_1670 : vector<64x128xi1>, vector<64x128xi32>
    %and3A_1681 = arith.constant 8 : i32
    %and3A_1682 = vector.broadcast %and3A_1681 : i32 to vector<64x128xi32>
    %and3A_1683 = arith.andi %add3A, %and3A_1682 : vector<64x128xi32>
    %ne3A_1684 = arith.constant 0 : i32
    %ne3A_1685 = vector.broadcast %ne3A_1684 : i32 to vector<64x128xi32>
    %ne3A_1686 = arith.cmpi ne, %and3A_1683, %ne3A_1685 : vector<64x128xi32>
    %and3A_1687 = arith.constant 1024 : i32
    %and3A_1688 = vector.broadcast %and3A_1687 : i32 to vector<64x128xi32>
    %and3A_1689 = arith.andi %add3A, %and3A_1688 : vector<64x128xi32>
    %eq3A_1690 = arith.constant 0 : i32
    %eq3A_1691 = vector.broadcast %eq3A_1690 : i32 to vector<64x128xi32>
    %eq3A_1692 = arith.cmpi eq, %and3A_1689, %eq3A_1691 : vector<64x128xi32>
    %xor3A_1693 = arith.xori %eq3A_1692, %ne3A_1686 : vector<64x128xi1>
    %roll3A_1694 = arith.constant 8 : i32
    %roll3A_1695 = tpu.dynamic_rotate %select_n3A_1679 by %roll3A_1694 dim 1 : vector<64x128xf32>, i32 -> vector<64x128xf32>
    %roll3A_1696 = arith.constant 120 : i32
    %roll3A_1697 = tpu.dynamic_rotate %select_n3A_1679 by %roll3A_1696 dim 1 : vector<64x128xf32>, i32 -> vector<64x128xf32>
    %select_n3A_1698 = arith.select %ne3A_1686, %roll3A_1695, %roll3A_1697 : vector<64x128xi1>, vector<64x128xf32>
    %roll3A_1699 = arith.constant 8 : i32
    %roll3A_1700 = tpu.dynamic_rotate %select_n3A_1680 by %roll3A_1699 dim 1 : vector<64x128xi32>, i32 -> vector<64x128xi32>
    %roll3A_1701 = arith.constant 120 : i32
    %roll3A_1702 = tpu.dynamic_rotate %select_n3A_1680 by %roll3A_1701 dim 1 : vector<64x128xi32>, i32 -> vector<64x128xi32>
    %select_n3A_1703 = arith.select %ne3A_1686, %roll3A_1700, %roll3A_1702 : vector<64x128xi1>, vector<64x128xi32>
    %gt3A_1704 = arith.cmpf ogt, %select_n3A_1679, %select_n3A_1698 : vector<64x128xf32>
    %eq3A_1705 = arith.cmpf oeq, %select_n3A_1679, %select_n3A_1698 : vector<64x128xf32>
    %lt3A_1706 = arith.cmpi slt, %select_n3A_1680, %select_n3A_1703 : vector<64x128xi32>
    %and3A_1707 = arith.andi %eq3A_1705, %lt3A_1706 : vector<64x128xi1>
    %or3A_1708 = arith.ori %gt3A_1704, %and3A_1707 : vector<64x128xi1>
    %eq3A_1709 = arith.xori %or3A_1708, %xor3A_1693 : vector<64x128xi1>
    %eq3A_1710 = arith.constant dense<true> : vector<64x128xi1>
    %eq3A_1711 = arith.xori %eq3A_1709, %eq3A_1710 : vector<64x128xi1>
    %select_n3A_1712 = arith.select %eq3A_1711, %select_n3A_1679, %select_n3A_1698 : vector<64x128xi1>, vector<64x128xf32>
    %select_n3A_1713 = arith.select %eq3A_1711, %select_n3A_1680, %select_n3A_1703 : vector<64x128xi1>, vector<64x128xi32>
    %and3A_1714 = arith.constant 4 : i32
    %and3A_1715 = vector.broadcast %and3A_1714 : i32 to vector<64x128xi32>
    %and3A_1716 = arith.andi %add3A, %and3A_1715 : vector<64x128xi32>
    %ne3A_1717 = arith.constant 0 : i32
    %ne3A_1718 = vector.broadcast %ne3A_1717 : i32 to vector<64x128xi32>
    %ne3A_1719 = arith.cmpi ne, %and3A_1716, %ne3A_1718 : vector<64x128xi32>
    %and3A_1720 = arith.constant 1024 : i32
    %and3A_1721 = vector.broadcast %and3A_1720 : i32 to vector<64x128xi32>
    %and3A_1722 = arith.andi %add3A, %and3A_1721 : vector<64x128xi32>
    %eq3A_1723 = arith.constant 0 : i32
    %eq3A_1724 = vector.broadcast %eq3A_1723 : i32 to vector<64x128xi32>
    %eq3A_1725 = arith.cmpi eq, %and3A_1722, %eq3A_1724 : vector<64x128xi32>
    %xor3A_1726 = arith.xori %eq3A_1725, %ne3A_1719 : vector<64x128xi1>
    %roll3A_1727 = arith.constant 4 : i32
    %roll3A_1728 = tpu.dynamic_rotate %select_n3A_1712 by %roll3A_1727 dim 1 : vector<64x128xf32>, i32 -> vector<64x128xf32>
    %roll3A_1729 = arith.constant 124 : i32
    %roll3A_1730 = tpu.dynamic_rotate %select_n3A_1712 by %roll3A_1729 dim 1 : vector<64x128xf32>, i32 -> vector<64x128xf32>
    %select_n3A_1731 = arith.select %ne3A_1719, %roll3A_1728, %roll3A_1730 : vector<64x128xi1>, vector<64x128xf32>
    %roll3A_1732 = arith.constant 4 : i32
    %roll3A_1733 = tpu.dynamic_rotate %select_n3A_1713 by %roll3A_1732 dim 1 : vector<64x128xi32>, i32 -> vector<64x128xi32>
    %roll3A_1734 = arith.constant 124 : i32
    %roll3A_1735 = tpu.dynamic_rotate %select_n3A_1713 by %roll3A_1734 dim 1 : vector<64x128xi32>, i32 -> vector<64x128xi32>
    %select_n3A_1736 = arith.select %ne3A_1719, %roll3A_1733, %roll3A_1735 : vector<64x128xi1>, vector<64x128xi32>
    %gt3A_1737 = arith.cmpf ogt, %select_n3A_1712, %select_n3A_1731 : vector<64x128xf32>
    %eq3A_1738 = arith.cmpf oeq, %select_n3A_1712, %select_n3A_1731 : vector<64x128xf32>
    %lt3A_1739 = arith.cmpi slt, %select_n3A_1713, %select_n3A_1736 : vector<64x128xi32>
    %and3A_1740 = arith.andi %eq3A_1738, %lt3A_1739 : vector<64x128xi1>
    %or3A_1741 = arith.ori %gt3A_1737, %and3A_1740 : vector<64x128xi1>
    %eq3A_1742 = arith.xori %or3A_1741, %xor3A_1726 : vector<64x128xi1>
    %eq3A_1743 = arith.constant dense<true> : vector<64x128xi1>
    %eq3A_1744 = arith.xori %eq3A_1742, %eq3A_1743 : vector<64x128xi1>
    %select_n3A_1745 = arith.select %eq3A_1744, %select_n3A_1712, %select_n3A_1731 : vector<64x128xi1>, vector<64x128xf32>
    %select_n3A_1746 = arith.select %eq3A_1744, %select_n3A_1713, %select_n3A_1736 : vector<64x128xi1>, vector<64x128xi32>
    %and3A_1747 = arith.constant 2 : i32
    %and3A_1748 = vector.broadcast %and3A_1747 : i32 to vector<64x128xi32>
    %and3A_1749 = arith.andi %add3A, %and3A_1748 : vector<64x128xi32>
    %ne3A_1750 = arith.constant 0 : i32
    %ne3A_1751 = vector.broadcast %ne3A_1750 : i32 to vector<64x128xi32>
    %ne3A_1752 = arith.cmpi ne, %and3A_1749, %ne3A_1751 : vector<64x128xi32>
    %and3A_1753 = arith.constant 1024 : i32
    %and3A_1754 = vector.broadcast %and3A_1753 : i32 to vector<64x128xi32>
    %and3A_1755 = arith.andi %add3A, %and3A_1754 : vector<64x128xi32>
    %eq3A_1756 = arith.constant 0 : i32
    %eq3A_1757 = vector.broadcast %eq3A_1756 : i32 to vector<64x128xi32>
    %eq3A_1758 = arith.cmpi eq, %and3A_1755, %eq3A_1757 : vector<64x128xi32>
    %xor3A_1759 = arith.xori %eq3A_1758, %ne3A_1752 : vector<64x128xi1>
    %roll3A_1760 = arith.constant 2 : i32
    %roll3A_1761 = tpu.dynamic_rotate %select_n3A_1745 by %roll3A_1760 dim 1 : vector<64x128xf32>, i32 -> vector<64x128xf32>
    %roll3A_1762 = arith.constant 126 : i32
    %roll3A_1763 = tpu.dynamic_rotate %select_n3A_1745 by %roll3A_1762 dim 1 : vector<64x128xf32>, i32 -> vector<64x128xf32>
    %select_n3A_1764 = arith.select %ne3A_1752, %roll3A_1761, %roll3A_1763 : vector<64x128xi1>, vector<64x128xf32>
    %roll3A_1765 = arith.constant 2 : i32
    %roll3A_1766 = tpu.dynamic_rotate %select_n3A_1746 by %roll3A_1765 dim 1 : vector<64x128xi32>, i32 -> vector<64x128xi32>
    %roll3A_1767 = arith.constant 126 : i32
    %roll3A_1768 = tpu.dynamic_rotate %select_n3A_1746 by %roll3A_1767 dim 1 : vector<64x128xi32>, i32 -> vector<64x128xi32>
    %select_n3A_1769 = arith.select %ne3A_1752, %roll3A_1766, %roll3A_1768 : vector<64x128xi1>, vector<64x128xi32>
    %gt3A_1770 = arith.cmpf ogt, %select_n3A_1745, %select_n3A_1764 : vector<64x128xf32>
    %eq3A_1771 = arith.cmpf oeq, %select_n3A_1745, %select_n3A_1764 : vector<64x128xf32>
    %lt3A_1772 = arith.cmpi slt, %select_n3A_1746, %select_n3A_1769 : vector<64x128xi32>
    %and3A_1773 = arith.andi %eq3A_1771, %lt3A_1772 : vector<64x128xi1>
    %or3A_1774 = arith.ori %gt3A_1770, %and3A_1773 : vector<64x128xi1>
    %eq3A_1775 = arith.xori %or3A_1774, %xor3A_1759 : vector<64x128xi1>
    %eq3A_1776 = arith.constant dense<true> : vector<64x128xi1>
    %eq3A_1777 = arith.xori %eq3A_1775, %eq3A_1776 : vector<64x128xi1>
    %select_n3A_1778 = arith.select %eq3A_1777, %select_n3A_1745, %select_n3A_1764 : vector<64x128xi1>, vector<64x128xf32>
    %select_n3A_1779 = arith.select %eq3A_1777, %select_n3A_1746, %select_n3A_1769 : vector<64x128xi1>, vector<64x128xi32>
    %and3A_1780 = arith.constant 1 : i32
    %and3A_1781 = vector.broadcast %and3A_1780 : i32 to vector<64x128xi32>
    %and3A_1782 = arith.andi %add3A, %and3A_1781 : vector<64x128xi32>
    %ne3A_1783 = arith.constant 0 : i32
    %ne3A_1784 = vector.broadcast %ne3A_1783 : i32 to vector<64x128xi32>
    %ne3A_1785 = arith.cmpi ne, %and3A_1782, %ne3A_1784 : vector<64x128xi32>
    %and3A_1786 = arith.constant 1024 : i32
    %and3A_1787 = vector.broadcast %and3A_1786 : i32 to vector<64x128xi32>
    %and3A_1788 = arith.andi %add3A, %and3A_1787 : vector<64x128xi32>
    %eq3A_1789 = arith.constant 0 : i32
    %eq3A_1790 = vector.broadcast %eq3A_1789 : i32 to vector<64x128xi32>
    %eq3A_1791 = arith.cmpi eq, %and3A_1788, %eq3A_1790 : vector<64x128xi32>
    %xor3A_1792 = arith.xori %eq3A_1791, %ne3A_1785 : vector<64x128xi1>
    %roll3A_1793 = arith.constant 1 : i32
    %roll3A_1794 = tpu.dynamic_rotate %select_n3A_1778 by %roll3A_1793 dim 1 : vector<64x128xf32>, i32 -> vector<64x128xf32>
    %roll3A_1795 = arith.constant 127 : i32
    %roll3A_1796 = tpu.dynamic_rotate %select_n3A_1778 by %roll3A_1795 dim 1 : vector<64x128xf32>, i32 -> vector<64x128xf32>
    %select_n3A_1797 = arith.select %ne3A_1785, %roll3A_1794, %roll3A_1796 : vector<64x128xi1>, vector<64x128xf32>
    %roll3A_1798 = arith.constant 1 : i32
    %roll3A_1799 = tpu.dynamic_rotate %select_n3A_1779 by %roll3A_1798 dim 1 : vector<64x128xi32>, i32 -> vector<64x128xi32>
    %roll3A_1800 = arith.constant 127 : i32
    %roll3A_1801 = tpu.dynamic_rotate %select_n3A_1779 by %roll3A_1800 dim 1 : vector<64x128xi32>, i32 -> vector<64x128xi32>
    %select_n3A_1802 = arith.select %ne3A_1785, %roll3A_1799, %roll3A_1801 : vector<64x128xi1>, vector<64x128xi32>
    %gt3A_1803 = arith.cmpf ogt, %select_n3A_1778, %select_n3A_1797 : vector<64x128xf32>
    %eq3A_1804 = arith.cmpf oeq, %select_n3A_1778, %select_n3A_1797 : vector<64x128xf32>
    %lt3A_1805 = arith.cmpi slt, %select_n3A_1779, %select_n3A_1802 : vector<64x128xi32>
    %and3A_1806 = arith.andi %eq3A_1804, %lt3A_1805 : vector<64x128xi1>
    %or3A_1807 = arith.ori %gt3A_1803, %and3A_1806 : vector<64x128xi1>
    %eq3A_1808 = arith.xori %or3A_1807, %xor3A_1792 : vector<64x128xi1>
    %eq3A_1809 = arith.constant dense<true> : vector<64x128xi1>
    %eq3A_1810 = arith.xori %eq3A_1808, %eq3A_1809 : vector<64x128xi1>
    %select_n3A_1811 = arith.select %eq3A_1810, %select_n3A_1778, %select_n3A_1797 : vector<64x128xi1>, vector<64x128xf32>
    %select_n3A_1812 = arith.select %eq3A_1810, %select_n3A_1779, %select_n3A_1802 : vector<64x128xi1>, vector<64x128xi32>
    %and3A_1813 = arith.constant 1024 : i32
    %and3A_1814 = vector.broadcast %and3A_1813 : i32 to vector<64x128xi32>
    %and3A_1815 = arith.andi %add3A, %and3A_1814 : vector<64x128xi32>
    %ne3A_1816 = arith.constant 0 : i32
    %ne3A_1817 = vector.broadcast %ne3A_1816 : i32 to vector<64x128xi32>
    %ne3A_1818 = arith.cmpi ne, %and3A_1815, %ne3A_1817 : vector<64x128xi32>
    %and3A_1819 = arith.constant 2048 : i32
    %and3A_1820 = vector.broadcast %and3A_1819 : i32 to vector<64x128xi32>
    %and3A_1821 = arith.andi %add3A, %and3A_1820 : vector<64x128xi32>
    %eq3A_1822 = arith.constant 0 : i32
    %eq3A_1823 = vector.broadcast %eq3A_1822 : i32 to vector<64x128xi32>
    %eq3A_1824 = arith.cmpi eq, %and3A_1821, %eq3A_1823 : vector<64x128xi32>
    %xor3A_1825 = arith.xori %eq3A_1824, %ne3A_1818 : vector<64x128xi1>
    %roll3A_1826 = arith.constant 8 : i32
    %roll3A_1827 = tpu.dynamic_rotate %select_n3A_1811 by %roll3A_1826 dim 0 : vector<64x128xf32>, i32 -> vector<64x128xf32>
    %roll3A_1828 = arith.constant 56 : i32
    %roll3A_1829 = tpu.dynamic_rotate %select_n3A_1811 by %roll3A_1828 dim 0 : vector<64x128xf32>, i32 -> vector<64x128xf32>
    %select_n3A_1830 = arith.select %ne3A_1818, %roll3A_1827, %roll3A_1829 : vector<64x128xi1>, vector<64x128xf32>
    %roll3A_1831 = arith.constant 8 : i32
    %roll3A_1832 = tpu.dynamic_rotate %select_n3A_1812 by %roll3A_1831 dim 0 : vector<64x128xi32>, i32 -> vector<64x128xi32>
    %roll3A_1833 = arith.constant 56 : i32
    %roll3A_1834 = tpu.dynamic_rotate %select_n3A_1812 by %roll3A_1833 dim 0 : vector<64x128xi32>, i32 -> vector<64x128xi32>
    %select_n3A_1835 = arith.select %ne3A_1818, %roll3A_1832, %roll3A_1834 : vector<64x128xi1>, vector<64x128xi32>
    %gt3A_1836 = arith.cmpf ogt, %select_n3A_1811, %select_n3A_1830 : vector<64x128xf32>
    %eq3A_1837 = arith.cmpf oeq, %select_n3A_1811, %select_n3A_1830 : vector<64x128xf32>
    %lt3A_1838 = arith.cmpi slt, %select_n3A_1812, %select_n3A_1835 : vector<64x128xi32>
    %and3A_1839 = arith.andi %eq3A_1837, %lt3A_1838 : vector<64x128xi1>
    %or3A_1840 = arith.ori %gt3A_1836, %and3A_1839 : vector<64x128xi1>
    %eq3A_1841 = arith.xori %or3A_1840, %xor3A_1825 : vector<64x128xi1>
    %eq3A_1842 = arith.constant dense<true> : vector<64x128xi1>
    %eq3A_1843 = arith.xori %eq3A_1841, %eq3A_1842 : vector<64x128xi1>
    %select_n3A_1844 = arith.select %eq3A_1843, %select_n3A_1811, %select_n3A_1830 : vector<64x128xi1>, vector<64x128xf32>
    %select_n3A_1845 = arith.select %eq3A_1843, %select_n3A_1812, %select_n3A_1835 : vector<64x128xi1>, vector<64x128xi32>
    %and3A_1846 = arith.constant 512 : i32
    %and3A_1847 = vector.broadcast %and3A_1846 : i32 to vector<64x128xi32>
    %and3A_1848 = arith.andi %add3A, %and3A_1847 : vector<64x128xi32>
    %ne3A_1849 = arith.constant 0 : i32
    %ne3A_1850 = vector.broadcast %ne3A_1849 : i32 to vector<64x128xi32>
    %ne3A_1851 = arith.cmpi ne, %and3A_1848, %ne3A_1850 : vector<64x128xi32>
    %and3A_1852 = arith.constant 2048 : i32
    %and3A_1853 = vector.broadcast %and3A_1852 : i32 to vector<64x128xi32>
    %and3A_1854 = arith.andi %add3A, %and3A_1853 : vector<64x128xi32>
    %eq3A_1855 = arith.constant 0 : i32
    %eq3A_1856 = vector.broadcast %eq3A_1855 : i32 to vector<64x128xi32>
    %eq3A_1857 = arith.cmpi eq, %and3A_1854, %eq3A_1856 : vector<64x128xi32>
    %xor3A_1858 = arith.xori %eq3A_1857, %ne3A_1851 : vector<64x128xi1>
    %roll3A_1859 = arith.constant 4 : i32
    %roll3A_1860 = tpu.dynamic_rotate %select_n3A_1844 by %roll3A_1859 dim 0 : vector<64x128xf32>, i32 -> vector<64x128xf32>
    %roll3A_1861 = arith.constant 60 : i32
    %roll3A_1862 = tpu.dynamic_rotate %select_n3A_1844 by %roll3A_1861 dim 0 : vector<64x128xf32>, i32 -> vector<64x128xf32>
    %select_n3A_1863 = arith.select %ne3A_1851, %roll3A_1860, %roll3A_1862 : vector<64x128xi1>, vector<64x128xf32>
    %roll3A_1864 = arith.constant 4 : i32
    %roll3A_1865 = tpu.dynamic_rotate %select_n3A_1845 by %roll3A_1864 dim 0 : vector<64x128xi32>, i32 -> vector<64x128xi32>
    %roll3A_1866 = arith.constant 60 : i32
    %roll3A_1867 = tpu.dynamic_rotate %select_n3A_1845 by %roll3A_1866 dim 0 : vector<64x128xi32>, i32 -> vector<64x128xi32>
    %select_n3A_1868 = arith.select %ne3A_1851, %roll3A_1865, %roll3A_1867 : vector<64x128xi1>, vector<64x128xi32>
    %gt3A_1869 = arith.cmpf ogt, %select_n3A_1844, %select_n3A_1863 : vector<64x128xf32>
    %eq3A_1870 = arith.cmpf oeq, %select_n3A_1844, %select_n3A_1863 : vector<64x128xf32>
    %lt3A_1871 = arith.cmpi slt, %select_n3A_1845, %select_n3A_1868 : vector<64x128xi32>
    %and3A_1872 = arith.andi %eq3A_1870, %lt3A_1871 : vector<64x128xi1>
    %or3A_1873 = arith.ori %gt3A_1869, %and3A_1872 : vector<64x128xi1>
    %eq3A_1874 = arith.xori %or3A_1873, %xor3A_1858 : vector<64x128xi1>
    %eq3A_1875 = arith.constant dense<true> : vector<64x128xi1>
    %eq3A_1876 = arith.xori %eq3A_1874, %eq3A_1875 : vector<64x128xi1>
    %select_n3A_1877 = arith.select %eq3A_1876, %select_n3A_1844, %select_n3A_1863 : vector<64x128xi1>, vector<64x128xf32>
    %select_n3A_1878 = arith.select %eq3A_1876, %select_n3A_1845, %select_n3A_1868 : vector<64x128xi1>, vector<64x128xi32>
    %and3A_1879 = arith.constant 256 : i32
    %and3A_1880 = vector.broadcast %and3A_1879 : i32 to vector<64x128xi32>
    %and3A_1881 = arith.andi %add3A, %and3A_1880 : vector<64x128xi32>
    %ne3A_1882 = arith.constant 0 : i32
    %ne3A_1883 = vector.broadcast %ne3A_1882 : i32 to vector<64x128xi32>
    %ne3A_1884 = arith.cmpi ne, %and3A_1881, %ne3A_1883 : vector<64x128xi32>
    %and3A_1885 = arith.constant 2048 : i32
    %and3A_1886 = vector.broadcast %and3A_1885 : i32 to vector<64x128xi32>
    %and3A_1887 = arith.andi %add3A, %and3A_1886 : vector<64x128xi32>
    %eq3A_1888 = arith.constant 0 : i32
    %eq3A_1889 = vector.broadcast %eq3A_1888 : i32 to vector<64x128xi32>
    %eq3A_1890 = arith.cmpi eq, %and3A_1887, %eq3A_1889 : vector<64x128xi32>
    %xor3A_1891 = arith.xori %eq3A_1890, %ne3A_1884 : vector<64x128xi1>
    %roll3A_1892 = arith.constant 2 : i32
    %roll3A_1893 = tpu.dynamic_rotate %select_n3A_1877 by %roll3A_1892 dim 0 : vector<64x128xf32>, i32 -> vector<64x128xf32>
    %roll3A_1894 = arith.constant 62 : i32
    %roll3A_1895 = tpu.dynamic_rotate %select_n3A_1877 by %roll3A_1894 dim 0 : vector<64x128xf32>, i32 -> vector<64x128xf32>
    %select_n3A_1896 = arith.select %ne3A_1884, %roll3A_1893, %roll3A_1895 : vector<64x128xi1>, vector<64x128xf32>
    %roll3A_1897 = arith.constant 2 : i32
    %roll3A_1898 = tpu.dynamic_rotate %select_n3A_1878 by %roll3A_1897 dim 0 : vector<64x128xi32>, i32 -> vector<64x128xi32>
    %roll3A_1899 = arith.constant 62 : i32
    %roll3A_1900 = tpu.dynamic_rotate %select_n3A_1878 by %roll3A_1899 dim 0 : vector<64x128xi32>, i32 -> vector<64x128xi32>
    %select_n3A_1901 = arith.select %ne3A_1884, %roll3A_1898, %roll3A_1900 : vector<64x128xi1>, vector<64x128xi32>
    %gt3A_1902 = arith.cmpf ogt, %select_n3A_1877, %select_n3A_1896 : vector<64x128xf32>
    %eq3A_1903 = arith.cmpf oeq, %select_n3A_1877, %select_n3A_1896 : vector<64x128xf32>
    %lt3A_1904 = arith.cmpi slt, %select_n3A_1878, %select_n3A_1901 : vector<64x128xi32>
    %and3A_1905 = arith.andi %eq3A_1903, %lt3A_1904 : vector<64x128xi1>
    %or3A_1906 = arith.ori %gt3A_1902, %and3A_1905 : vector<64x128xi1>
    %eq3A_1907 = arith.xori %or3A_1906, %xor3A_1891 : vector<64x128xi1>
    %eq3A_1908 = arith.constant dense<true> : vector<64x128xi1>
    %eq3A_1909 = arith.xori %eq3A_1907, %eq3A_1908 : vector<64x128xi1>
    %select_n3A_1910 = arith.select %eq3A_1909, %select_n3A_1877, %select_n3A_1896 : vector<64x128xi1>, vector<64x128xf32>
    %select_n3A_1911 = arith.select %eq3A_1909, %select_n3A_1878, %select_n3A_1901 : vector<64x128xi1>, vector<64x128xi32>
    %and3A_1912 = arith.constant 128 : i32
    %and3A_1913 = vector.broadcast %and3A_1912 : i32 to vector<64x128xi32>
    %and3A_1914 = arith.andi %add3A, %and3A_1913 : vector<64x128xi32>
    %ne3A_1915 = arith.constant 0 : i32
    %ne3A_1916 = vector.broadcast %ne3A_1915 : i32 to vector<64x128xi32>
    %ne3A_1917 = arith.cmpi ne, %and3A_1914, %ne3A_1916 : vector<64x128xi32>
    %and3A_1918 = arith.constant 2048 : i32
    %and3A_1919 = vector.broadcast %and3A_1918 : i32 to vector<64x128xi32>
    %and3A_1920 = arith.andi %add3A, %and3A_1919 : vector<64x128xi32>
    %eq3A_1921 = arith.constant 0 : i32
    %eq3A_1922 = vector.broadcast %eq3A_1921 : i32 to vector<64x128xi32>
    %eq3A_1923 = arith.cmpi eq, %and3A_1920, %eq3A_1922 : vector<64x128xi32>
    %xor3A_1924 = arith.xori %eq3A_1923, %ne3A_1917 : vector<64x128xi1>
    %roll3A_1925 = arith.constant 1 : i32
    %roll3A_1926 = tpu.dynamic_rotate %select_n3A_1910 by %roll3A_1925 dim 0 : vector<64x128xf32>, i32 -> vector<64x128xf32>
    %roll3A_1927 = arith.constant 63 : i32
    %roll3A_1928 = tpu.dynamic_rotate %select_n3A_1910 by %roll3A_1927 dim 0 : vector<64x128xf32>, i32 -> vector<64x128xf32>
    %select_n3A_1929 = arith.select %ne3A_1917, %roll3A_1926, %roll3A_1928 : vector<64x128xi1>, vector<64x128xf32>
    %roll3A_1930 = arith.constant 1 : i32
    %roll3A_1931 = tpu.dynamic_rotate %select_n3A_1911 by %roll3A_1930 dim 0 : vector<64x128xi32>, i32 -> vector<64x128xi32>
    %roll3A_1932 = arith.constant 63 : i32
    %roll3A_1933 = tpu.dynamic_rotate %select_n3A_1911 by %roll3A_1932 dim 0 : vector<64x128xi32>, i32 -> vector<64x128xi32>
    %select_n3A_1934 = arith.select %ne3A_1917, %roll3A_1931, %roll3A_1933 : vector<64x128xi1>, vector<64x128xi32>
    %gt3A_1935 = arith.cmpf ogt, %select_n3A_1910, %select_n3A_1929 : vector<64x128xf32>
    %eq3A_1936 = arith.cmpf oeq, %select_n3A_1910, %select_n3A_1929 : vector<64x128xf32>
    %lt3A_1937 = arith.cmpi slt, %select_n3A_1911, %select_n3A_1934 : vector<64x128xi32>
    %and3A_1938 = arith.andi %eq3A_1936, %lt3A_1937 : vector<64x128xi1>
    %or3A_1939 = arith.ori %gt3A_1935, %and3A_1938 : vector<64x128xi1>
    %eq3A_1940 = arith.xori %or3A_1939, %xor3A_1924 : vector<64x128xi1>
    %eq3A_1941 = arith.constant dense<true> : vector<64x128xi1>
    %eq3A_1942 = arith.xori %eq3A_1940, %eq3A_1941 : vector<64x128xi1>
    %select_n3A_1943 = arith.select %eq3A_1942, %select_n3A_1910, %select_n3A_1929 : vector<64x128xi1>, vector<64x128xf32>
    %select_n3A_1944 = arith.select %eq3A_1942, %select_n3A_1911, %select_n3A_1934 : vector<64x128xi1>, vector<64x128xi32>
    %and3A_1945 = arith.constant 64 : i32
    %and3A_1946 = vector.broadcast %and3A_1945 : i32 to vector<64x128xi32>
    %and3A_1947 = arith.andi %add3A, %and3A_1946 : vector<64x128xi32>
    %ne3A_1948 = arith.constant 0 : i32
    %ne3A_1949 = vector.broadcast %ne3A_1948 : i32 to vector<64x128xi32>
    %ne3A_1950 = arith.cmpi ne, %and3A_1947, %ne3A_1949 : vector<64x128xi32>
    %and3A_1951 = arith.constant 2048 : i32
    %and3A_1952 = vector.broadcast %and3A_1951 : i32 to vector<64x128xi32>
    %and3A_1953 = arith.andi %add3A, %and3A_1952 : vector<64x128xi32>
    %eq3A_1954 = arith.constant 0 : i32
    %eq3A_1955 = vector.broadcast %eq3A_1954 : i32 to vector<64x128xi32>
    %eq3A_1956 = arith.cmpi eq, %and3A_1953, %eq3A_1955 : vector<64x128xi32>
    %xor3A_1957 = arith.xori %eq3A_1956, %ne3A_1950 : vector<64x128xi1>
    %roll3A_1958 = arith.constant 64 : i32
    %roll3A_1959 = tpu.dynamic_rotate %select_n3A_1943 by %roll3A_1958 dim 1 : vector<64x128xf32>, i32 -> vector<64x128xf32>
    %roll3A_1960 = arith.constant 64 : i32
    %roll3A_1961 = tpu.dynamic_rotate %select_n3A_1943 by %roll3A_1960 dim 1 : vector<64x128xf32>, i32 -> vector<64x128xf32>
    %select_n3A_1962 = arith.select %ne3A_1950, %roll3A_1959, %roll3A_1961 : vector<64x128xi1>, vector<64x128xf32>
    %roll3A_1963 = arith.constant 64 : i32
    %roll3A_1964 = tpu.dynamic_rotate %select_n3A_1944 by %roll3A_1963 dim 1 : vector<64x128xi32>, i32 -> vector<64x128xi32>
    %roll3A_1965 = arith.constant 64 : i32
    %roll3A_1966 = tpu.dynamic_rotate %select_n3A_1944 by %roll3A_1965 dim 1 : vector<64x128xi32>, i32 -> vector<64x128xi32>
    %select_n3A_1967 = arith.select %ne3A_1950, %roll3A_1964, %roll3A_1966 : vector<64x128xi1>, vector<64x128xi32>
    %gt3A_1968 = arith.cmpf ogt, %select_n3A_1943, %select_n3A_1962 : vector<64x128xf32>
    %eq3A_1969 = arith.cmpf oeq, %select_n3A_1943, %select_n3A_1962 : vector<64x128xf32>
    %lt3A_1970 = arith.cmpi slt, %select_n3A_1944, %select_n3A_1967 : vector<64x128xi32>
    %and3A_1971 = arith.andi %eq3A_1969, %lt3A_1970 : vector<64x128xi1>
    %or3A_1972 = arith.ori %gt3A_1968, %and3A_1971 : vector<64x128xi1>
    %eq3A_1973 = arith.xori %or3A_1972, %xor3A_1957 : vector<64x128xi1>
    %eq3A_1974 = arith.constant dense<true> : vector<64x128xi1>
    %eq3A_1975 = arith.xori %eq3A_1973, %eq3A_1974 : vector<64x128xi1>
    %select_n3A_1976 = arith.select %eq3A_1975, %select_n3A_1943, %select_n3A_1962 : vector<64x128xi1>, vector<64x128xf32>
    %select_n3A_1977 = arith.select %eq3A_1975, %select_n3A_1944, %select_n3A_1967 : vector<64x128xi1>, vector<64x128xi32>
    %and3A_1978 = arith.constant 32 : i32
    %and3A_1979 = vector.broadcast %and3A_1978 : i32 to vector<64x128xi32>
    %and3A_1980 = arith.andi %add3A, %and3A_1979 : vector<64x128xi32>
    %ne3A_1981 = arith.constant 0 : i32
    %ne3A_1982 = vector.broadcast %ne3A_1981 : i32 to vector<64x128xi32>
    %ne3A_1983 = arith.cmpi ne, %and3A_1980, %ne3A_1982 : vector<64x128xi32>
    %and3A_1984 = arith.constant 2048 : i32
    %and3A_1985 = vector.broadcast %and3A_1984 : i32 to vector<64x128xi32>
    %and3A_1986 = arith.andi %add3A, %and3A_1985 : vector<64x128xi32>
    %eq3A_1987 = arith.constant 0 : i32
    %eq3A_1988 = vector.broadcast %eq3A_1987 : i32 to vector<64x128xi32>
    %eq3A_1989 = arith.cmpi eq, %and3A_1986, %eq3A_1988 : vector<64x128xi32>
    %xor3A_1990 = arith.xori %eq3A_1989, %ne3A_1983 : vector<64x128xi1>
    %roll3A_1991 = arith.constant 32 : i32
    %roll3A_1992 = tpu.dynamic_rotate %select_n3A_1976 by %roll3A_1991 dim 1 : vector<64x128xf32>, i32 -> vector<64x128xf32>
    %roll3A_1993 = arith.constant 96 : i32
    %roll3A_1994 = tpu.dynamic_rotate %select_n3A_1976 by %roll3A_1993 dim 1 : vector<64x128xf32>, i32 -> vector<64x128xf32>
    %select_n3A_1995 = arith.select %ne3A_1983, %roll3A_1992, %roll3A_1994 : vector<64x128xi1>, vector<64x128xf32>
    %roll3A_1996 = arith.constant 32 : i32
    %roll3A_1997 = tpu.dynamic_rotate %select_n3A_1977 by %roll3A_1996 dim 1 : vector<64x128xi32>, i32 -> vector<64x128xi32>
    %roll3A_1998 = arith.constant 96 : i32
    %roll3A_1999 = tpu.dynamic_rotate %select_n3A_1977 by %roll3A_1998 dim 1 : vector<64x128xi32>, i32 -> vector<64x128xi32>
    %select_n3A_2000 = arith.select %ne3A_1983, %roll3A_1997, %roll3A_1999 : vector<64x128xi1>, vector<64x128xi32>
    %gt3A_2001 = arith.cmpf ogt, %select_n3A_1976, %select_n3A_1995 : vector<64x128xf32>
    %eq3A_2002 = arith.cmpf oeq, %select_n3A_1976, %select_n3A_1995 : vector<64x128xf32>
    %lt3A_2003 = arith.cmpi slt, %select_n3A_1977, %select_n3A_2000 : vector<64x128xi32>
    %and3A_2004 = arith.andi %eq3A_2002, %lt3A_2003 : vector<64x128xi1>
    %or3A_2005 = arith.ori %gt3A_2001, %and3A_2004 : vector<64x128xi1>
    %eq3A_2006 = arith.xori %or3A_2005, %xor3A_1990 : vector<64x128xi1>
    %eq3A_2007 = arith.constant dense<true> : vector<64x128xi1>
    %eq3A_2008 = arith.xori %eq3A_2006, %eq3A_2007 : vector<64x128xi1>
    %select_n3A_2009 = arith.select %eq3A_2008, %select_n3A_1976, %select_n3A_1995 : vector<64x128xi1>, vector<64x128xf32>
    %select_n3A_2010 = arith.select %eq3A_2008, %select_n3A_1977, %select_n3A_2000 : vector<64x128xi1>, vector<64x128xi32>
    %and3A_2011 = arith.constant 16 : i32
    %and3A_2012 = vector.broadcast %and3A_2011 : i32 to vector<64x128xi32>
    %and3A_2013 = arith.andi %add3A, %and3A_2012 : vector<64x128xi32>
    %ne3A_2014 = arith.constant 0 : i32
    %ne3A_2015 = vector.broadcast %ne3A_2014 : i32 to vector<64x128xi32>
    %ne3A_2016 = arith.cmpi ne, %and3A_2013, %ne3A_2015 : vector<64x128xi32>
    %and3A_2017 = arith.constant 2048 : i32
    %and3A_2018 = vector.broadcast %and3A_2017 : i32 to vector<64x128xi32>
    %and3A_2019 = arith.andi %add3A, %and3A_2018 : vector<64x128xi32>
    %eq3A_2020 = arith.constant 0 : i32
    %eq3A_2021 = vector.broadcast %eq3A_2020 : i32 to vector<64x128xi32>
    %eq3A_2022 = arith.cmpi eq, %and3A_2019, %eq3A_2021 : vector<64x128xi32>
    %xor3A_2023 = arith.xori %eq3A_2022, %ne3A_2016 : vector<64x128xi1>
    %roll3A_2024 = arith.constant 16 : i32
    %roll3A_2025 = tpu.dynamic_rotate %select_n3A_2009 by %roll3A_2024 dim 1 : vector<64x128xf32>, i32 -> vector<64x128xf32>
    %roll3A_2026 = arith.constant 112 : i32
    %roll3A_2027 = tpu.dynamic_rotate %select_n3A_2009 by %roll3A_2026 dim 1 : vector<64x128xf32>, i32 -> vector<64x128xf32>
    %select_n3A_2028 = arith.select %ne3A_2016, %roll3A_2025, %roll3A_2027 : vector<64x128xi1>, vector<64x128xf32>
    %roll3A_2029 = arith.constant 16 : i32
    %roll3A_2030 = tpu.dynamic_rotate %select_n3A_2010 by %roll3A_2029 dim 1 : vector<64x128xi32>, i32 -> vector<64x128xi32>
    %roll3A_2031 = arith.constant 112 : i32
    %roll3A_2032 = tpu.dynamic_rotate %select_n3A_2010 by %roll3A_2031 dim 1 : vector<64x128xi32>, i32 -> vector<64x128xi32>
    %select_n3A_2033 = arith.select %ne3A_2016, %roll3A_2030, %roll3A_2032 : vector<64x128xi1>, vector<64x128xi32>
    %gt3A_2034 = arith.cmpf ogt, %select_n3A_2009, %select_n3A_2028 : vector<64x128xf32>
    %eq3A_2035 = arith.cmpf oeq, %select_n3A_2009, %select_n3A_2028 : vector<64x128xf32>
    %lt3A_2036 = arith.cmpi slt, %select_n3A_2010, %select_n3A_2033 : vector<64x128xi32>
    %and3A_2037 = arith.andi %eq3A_2035, %lt3A_2036 : vector<64x128xi1>
    %or3A_2038 = arith.ori %gt3A_2034, %and3A_2037 : vector<64x128xi1>
    %eq3A_2039 = arith.xori %or3A_2038, %xor3A_2023 : vector<64x128xi1>
    %eq3A_2040 = arith.constant dense<true> : vector<64x128xi1>
    %eq3A_2041 = arith.xori %eq3A_2039, %eq3A_2040 : vector<64x128xi1>
    %select_n3A_2042 = arith.select %eq3A_2041, %select_n3A_2009, %select_n3A_2028 : vector<64x128xi1>, vector<64x128xf32>
    %select_n3A_2043 = arith.select %eq3A_2041, %select_n3A_2010, %select_n3A_2033 : vector<64x128xi1>, vector<64x128xi32>
    %and3A_2044 = arith.constant 8 : i32
    %and3A_2045 = vector.broadcast %and3A_2044 : i32 to vector<64x128xi32>
    %and3A_2046 = arith.andi %add3A, %and3A_2045 : vector<64x128xi32>
    %ne3A_2047 = arith.constant 0 : i32
    %ne3A_2048 = vector.broadcast %ne3A_2047 : i32 to vector<64x128xi32>
    %ne3A_2049 = arith.cmpi ne, %and3A_2046, %ne3A_2048 : vector<64x128xi32>
    %and3A_2050 = arith.constant 2048 : i32
    %and3A_2051 = vector.broadcast %and3A_2050 : i32 to vector<64x128xi32>
    %and3A_2052 = arith.andi %add3A, %and3A_2051 : vector<64x128xi32>
    %eq3A_2053 = arith.constant 0 : i32
    %eq3A_2054 = vector.broadcast %eq3A_2053 : i32 to vector<64x128xi32>
    %eq3A_2055 = arith.cmpi eq, %and3A_2052, %eq3A_2054 : vector<64x128xi32>
    %xor3A_2056 = arith.xori %eq3A_2055, %ne3A_2049 : vector<64x128xi1>
    %roll3A_2057 = arith.constant 8 : i32
    %roll3A_2058 = tpu.dynamic_rotate %select_n3A_2042 by %roll3A_2057 dim 1 : vector<64x128xf32>, i32 -> vector<64x128xf32>
    %roll3A_2059 = arith.constant 120 : i32
    %roll3A_2060 = tpu.dynamic_rotate %select_n3A_2042 by %roll3A_2059 dim 1 : vector<64x128xf32>, i32 -> vector<64x128xf32>
    %select_n3A_2061 = arith.select %ne3A_2049, %roll3A_2058, %roll3A_2060 : vector<64x128xi1>, vector<64x128xf32>
    %roll3A_2062 = arith.constant 8 : i32
    %roll3A_2063 = tpu.dynamic_rotate %select_n3A_2043 by %roll3A_2062 dim 1 : vector<64x128xi32>, i32 -> vector<64x128xi32>
    %roll3A_2064 = arith.constant 120 : i32
    %roll3A_2065 = tpu.dynamic_rotate %select_n3A_2043 by %roll3A_2064 dim 1 : vector<64x128xi32>, i32 -> vector<64x128xi32>
    %select_n3A_2066 = arith.select %ne3A_2049, %roll3A_2063, %roll3A_2065 : vector<64x128xi1>, vector<64x128xi32>
    %gt3A_2067 = arith.cmpf ogt, %select_n3A_2042, %select_n3A_2061 : vector<64x128xf32>
    %eq3A_2068 = arith.cmpf oeq, %select_n3A_2042, %select_n3A_2061 : vector<64x128xf32>
    %lt3A_2069 = arith.cmpi slt, %select_n3A_2043, %select_n3A_2066 : vector<64x128xi32>
    %and3A_2070 = arith.andi %eq3A_2068, %lt3A_2069 : vector<64x128xi1>
    %or3A_2071 = arith.ori %gt3A_2067, %and3A_2070 : vector<64x128xi1>
    %eq3A_2072 = arith.xori %or3A_2071, %xor3A_2056 : vector<64x128xi1>
    %eq3A_2073 = arith.constant dense<true> : vector<64x128xi1>
    %eq3A_2074 = arith.xori %eq3A_2072, %eq3A_2073 : vector<64x128xi1>
    %select_n3A_2075 = arith.select %eq3A_2074, %select_n3A_2042, %select_n3A_2061 : vector<64x128xi1>, vector<64x128xf32>
    %select_n3A_2076 = arith.select %eq3A_2074, %select_n3A_2043, %select_n3A_2066 : vector<64x128xi1>, vector<64x128xi32>
    %and3A_2077 = arith.constant 4 : i32
    %and3A_2078 = vector.broadcast %and3A_2077 : i32 to vector<64x128xi32>
    %and3A_2079 = arith.andi %add3A, %and3A_2078 : vector<64x128xi32>
    %ne3A_2080 = arith.constant 0 : i32
    %ne3A_2081 = vector.broadcast %ne3A_2080 : i32 to vector<64x128xi32>
    %ne3A_2082 = arith.cmpi ne, %and3A_2079, %ne3A_2081 : vector<64x128xi32>
    %and3A_2083 = arith.constant 2048 : i32
    %and3A_2084 = vector.broadcast %and3A_2083 : i32 to vector<64x128xi32>
    %and3A_2085 = arith.andi %add3A, %and3A_2084 : vector<64x128xi32>
    %eq3A_2086 = arith.constant 0 : i32
    %eq3A_2087 = vector.broadcast %eq3A_2086 : i32 to vector<64x128xi32>
    %eq3A_2088 = arith.cmpi eq, %and3A_2085, %eq3A_2087 : vector<64x128xi32>
    %xor3A_2089 = arith.xori %eq3A_2088, %ne3A_2082 : vector<64x128xi1>
    %roll3A_2090 = arith.constant 4 : i32
    %roll3A_2091 = tpu.dynamic_rotate %select_n3A_2075 by %roll3A_2090 dim 1 : vector<64x128xf32>, i32 -> vector<64x128xf32>
    %roll3A_2092 = arith.constant 124 : i32
    %roll3A_2093 = tpu.dynamic_rotate %select_n3A_2075 by %roll3A_2092 dim 1 : vector<64x128xf32>, i32 -> vector<64x128xf32>
    %select_n3A_2094 = arith.select %ne3A_2082, %roll3A_2091, %roll3A_2093 : vector<64x128xi1>, vector<64x128xf32>
    %roll3A_2095 = arith.constant 4 : i32
    %roll3A_2096 = tpu.dynamic_rotate %select_n3A_2076 by %roll3A_2095 dim 1 : vector<64x128xi32>, i32 -> vector<64x128xi32>
    %roll3A_2097 = arith.constant 124 : i32
    %roll3A_2098 = tpu.dynamic_rotate %select_n3A_2076 by %roll3A_2097 dim 1 : vector<64x128xi32>, i32 -> vector<64x128xi32>
    %select_n3A_2099 = arith.select %ne3A_2082, %roll3A_2096, %roll3A_2098 : vector<64x128xi1>, vector<64x128xi32>
    %gt3A_2100 = arith.cmpf ogt, %select_n3A_2075, %select_n3A_2094 : vector<64x128xf32>
    %eq3A_2101 = arith.cmpf oeq, %select_n3A_2075, %select_n3A_2094 : vector<64x128xf32>
    %lt3A_2102 = arith.cmpi slt, %select_n3A_2076, %select_n3A_2099 : vector<64x128xi32>
    %and3A_2103 = arith.andi %eq3A_2101, %lt3A_2102 : vector<64x128xi1>
    %or3A_2104 = arith.ori %gt3A_2100, %and3A_2103 : vector<64x128xi1>
    %eq3A_2105 = arith.xori %or3A_2104, %xor3A_2089 : vector<64x128xi1>
    %eq3A_2106 = arith.constant dense<true> : vector<64x128xi1>
    %eq3A_2107 = arith.xori %eq3A_2105, %eq3A_2106 : vector<64x128xi1>
    %select_n3A_2108 = arith.select %eq3A_2107, %select_n3A_2075, %select_n3A_2094 : vector<64x128xi1>, vector<64x128xf32>
    %select_n3A_2109 = arith.select %eq3A_2107, %select_n3A_2076, %select_n3A_2099 : vector<64x128xi1>, vector<64x128xi32>
    %and3A_2110 = arith.constant 2 : i32
    %and3A_2111 = vector.broadcast %and3A_2110 : i32 to vector<64x128xi32>
    %and3A_2112 = arith.andi %add3A, %and3A_2111 : vector<64x128xi32>
    %ne3A_2113 = arith.constant 0 : i32
    %ne3A_2114 = vector.broadcast %ne3A_2113 : i32 to vector<64x128xi32>
    %ne3A_2115 = arith.cmpi ne, %and3A_2112, %ne3A_2114 : vector<64x128xi32>
    %and3A_2116 = arith.constant 2048 : i32
    %and3A_2117 = vector.broadcast %and3A_2116 : i32 to vector<64x128xi32>
    %and3A_2118 = arith.andi %add3A, %and3A_2117 : vector<64x128xi32>
    %eq3A_2119 = arith.constant 0 : i32
    %eq3A_2120 = vector.broadcast %eq3A_2119 : i32 to vector<64x128xi32>
    %eq3A_2121 = arith.cmpi eq, %and3A_2118, %eq3A_2120 : vector<64x128xi32>
    %xor3A_2122 = arith.xori %eq3A_2121, %ne3A_2115 : vector<64x128xi1>
    %roll3A_2123 = arith.constant 2 : i32
    %roll3A_2124 = tpu.dynamic_rotate %select_n3A_2108 by %roll3A_2123 dim 1 : vector<64x128xf32>, i32 -> vector<64x128xf32>
    %roll3A_2125 = arith.constant 126 : i32
    %roll3A_2126 = tpu.dynamic_rotate %select_n3A_2108 by %roll3A_2125 dim 1 : vector<64x128xf32>, i32 -> vector<64x128xf32>
    %select_n3A_2127 = arith.select %ne3A_2115, %roll3A_2124, %roll3A_2126 : vector<64x128xi1>, vector<64x128xf32>
    %roll3A_2128 = arith.constant 2 : i32
    %roll3A_2129 = tpu.dynamic_rotate %select_n3A_2109 by %roll3A_2128 dim 1 : vector<64x128xi32>, i32 -> vector<64x128xi32>
    %roll3A_2130 = arith.constant 126 : i32
    %roll3A_2131 = tpu.dynamic_rotate %select_n3A_2109 by %roll3A_2130 dim 1 : vector<64x128xi32>, i32 -> vector<64x128xi32>
    %select_n3A_2132 = arith.select %ne3A_2115, %roll3A_2129, %roll3A_2131 : vector<64x128xi1>, vector<64x128xi32>
    %gt3A_2133 = arith.cmpf ogt, %select_n3A_2108, %select_n3A_2127 : vector<64x128xf32>
    %eq3A_2134 = arith.cmpf oeq, %select_n3A_2108, %select_n3A_2127 : vector<64x128xf32>
    %lt3A_2135 = arith.cmpi slt, %select_n3A_2109, %select_n3A_2132 : vector<64x128xi32>
    %and3A_2136 = arith.andi %eq3A_2134, %lt3A_2135 : vector<64x128xi1>
    %or3A_2137 = arith.ori %gt3A_2133, %and3A_2136 : vector<64x128xi1>
    %eq3A_2138 = arith.xori %or3A_2137, %xor3A_2122 : vector<64x128xi1>
    %eq3A_2139 = arith.constant dense<true> : vector<64x128xi1>
    %eq3A_2140 = arith.xori %eq3A_2138, %eq3A_2139 : vector<64x128xi1>
    %select_n3A_2141 = arith.select %eq3A_2140, %select_n3A_2108, %select_n3A_2127 : vector<64x128xi1>, vector<64x128xf32>
    %select_n3A_2142 = arith.select %eq3A_2140, %select_n3A_2109, %select_n3A_2132 : vector<64x128xi1>, vector<64x128xi32>
    %and3A_2143 = arith.constant 1 : i32
    %and3A_2144 = vector.broadcast %and3A_2143 : i32 to vector<64x128xi32>
    %and3A_2145 = arith.andi %add3A, %and3A_2144 : vector<64x128xi32>
    %ne3A_2146 = arith.constant 0 : i32
    %ne3A_2147 = vector.broadcast %ne3A_2146 : i32 to vector<64x128xi32>
    %ne3A_2148 = arith.cmpi ne, %and3A_2145, %ne3A_2147 : vector<64x128xi32>
    %and3A_2149 = arith.constant 2048 : i32
    %and3A_2150 = vector.broadcast %and3A_2149 : i32 to vector<64x128xi32>
    %and3A_2151 = arith.andi %add3A, %and3A_2150 : vector<64x128xi32>
    %eq3A_2152 = arith.constant 0 : i32
    %eq3A_2153 = vector.broadcast %eq3A_2152 : i32 to vector<64x128xi32>
    %eq3A_2154 = arith.cmpi eq, %and3A_2151, %eq3A_2153 : vector<64x128xi32>
    %xor3A_2155 = arith.xori %eq3A_2154, %ne3A_2148 : vector<64x128xi1>
    %roll3A_2156 = arith.constant 1 : i32
    %roll3A_2157 = tpu.dynamic_rotate %select_n3A_2141 by %roll3A_2156 dim 1 : vector<64x128xf32>, i32 -> vector<64x128xf32>
    %roll3A_2158 = arith.constant 127 : i32
    %roll3A_2159 = tpu.dynamic_rotate %select_n3A_2141 by %roll3A_2158 dim 1 : vector<64x128xf32>, i32 -> vector<64x128xf32>
    %select_n3A_2160 = arith.select %ne3A_2148, %roll3A_2157, %roll3A_2159 : vector<64x128xi1>, vector<64x128xf32>
    %roll3A_2161 = arith.constant 1 : i32
    %roll3A_2162 = tpu.dynamic_rotate %select_n3A_2142 by %roll3A_2161 dim 1 : vector<64x128xi32>, i32 -> vector<64x128xi32>
    %roll3A_2163 = arith.constant 127 : i32
    %roll3A_2164 = tpu.dynamic_rotate %select_n3A_2142 by %roll3A_2163 dim 1 : vector<64x128xi32>, i32 -> vector<64x128xi32>
    %select_n3A_2165 = arith.select %ne3A_2148, %roll3A_2162, %roll3A_2164 : vector<64x128xi1>, vector<64x128xi32>
    %gt3A_2166 = arith.cmpf ogt, %select_n3A_2141, %select_n3A_2160 : vector<64x128xf32>
    %eq3A_2167 = arith.cmpf oeq, %select_n3A_2141, %select_n3A_2160 : vector<64x128xf32>
    %lt3A_2168 = arith.cmpi slt, %select_n3A_2142, %select_n3A_2165 : vector<64x128xi32>
    %and3A_2169 = arith.andi %eq3A_2167, %lt3A_2168 : vector<64x128xi1>
    %or3A_2170 = arith.ori %gt3A_2166, %and3A_2169 : vector<64x128xi1>
    %eq3A_2171 = arith.xori %or3A_2170, %xor3A_2155 : vector<64x128xi1>
    %eq3A_2172 = arith.constant dense<true> : vector<64x128xi1>
    %eq3A_2173 = arith.xori %eq3A_2171, %eq3A_2172 : vector<64x128xi1>
    %select_n3A_2174 = arith.select %eq3A_2173, %select_n3A_2141, %select_n3A_2160 : vector<64x128xi1>, vector<64x128xf32>
    %select_n3A_2175 = arith.select %eq3A_2173, %select_n3A_2142, %select_n3A_2165 : vector<64x128xi1>, vector<64x128xi32>
    %and3A_2176 = arith.constant 2048 : i32
    %and3A_2177 = vector.broadcast %and3A_2176 : i32 to vector<64x128xi32>
    %and3A_2178 = arith.andi %add3A, %and3A_2177 : vector<64x128xi32>
    %ne3A_2179 = arith.constant 0 : i32
    %ne3A_2180 = vector.broadcast %ne3A_2179 : i32 to vector<64x128xi32>
    %ne3A_2181 = arith.cmpi ne, %and3A_2178, %ne3A_2180 : vector<64x128xi32>
    %and3A_2182 = arith.constant 4096 : i32
    %and3A_2183 = vector.broadcast %and3A_2182 : i32 to vector<64x128xi32>
    %and3A_2184 = arith.andi %add3A, %and3A_2183 : vector<64x128xi32>
    %eq3A_2185 = arith.constant 0 : i32
    %eq3A_2186 = vector.broadcast %eq3A_2185 : i32 to vector<64x128xi32>
    %eq3A_2187 = arith.cmpi eq, %and3A_2184, %eq3A_2186 : vector<64x128xi32>
    %xor3A_2188 = arith.xori %eq3A_2187, %ne3A_2181 : vector<64x128xi1>
    %roll3A_2189 = arith.constant 16 : i32
    %roll3A_2190 = tpu.dynamic_rotate %select_n3A_2174 by %roll3A_2189 dim 0 : vector<64x128xf32>, i32 -> vector<64x128xf32>
    %roll3A_2191 = arith.constant 48 : i32
    %roll3A_2192 = tpu.dynamic_rotate %select_n3A_2174 by %roll3A_2191 dim 0 : vector<64x128xf32>, i32 -> vector<64x128xf32>
    %select_n3A_2193 = arith.select %ne3A_2181, %roll3A_2190, %roll3A_2192 : vector<64x128xi1>, vector<64x128xf32>
    %roll3A_2194 = arith.constant 16 : i32
    %roll3A_2195 = tpu.dynamic_rotate %select_n3A_2175 by %roll3A_2194 dim 0 : vector<64x128xi32>, i32 -> vector<64x128xi32>
    %roll3A_2196 = arith.constant 48 : i32
    %roll3A_2197 = tpu.dynamic_rotate %select_n3A_2175 by %roll3A_2196 dim 0 : vector<64x128xi32>, i32 -> vector<64x128xi32>
    %select_n3A_2198 = arith.select %ne3A_2181, %roll3A_2195, %roll3A_2197 : vector<64x128xi1>, vector<64x128xi32>
    %gt3A_2199 = arith.cmpf ogt, %select_n3A_2174, %select_n3A_2193 : vector<64x128xf32>
    %eq3A_2200 = arith.cmpf oeq, %select_n3A_2174, %select_n3A_2193 : vector<64x128xf32>
    %lt3A_2201 = arith.cmpi slt, %select_n3A_2175, %select_n3A_2198 : vector<64x128xi32>
    %and3A_2202 = arith.andi %eq3A_2200, %lt3A_2201 : vector<64x128xi1>
    %or3A_2203 = arith.ori %gt3A_2199, %and3A_2202 : vector<64x128xi1>
    %eq3A_2204 = arith.xori %or3A_2203, %xor3A_2188 : vector<64x128xi1>
    %eq3A_2205 = arith.constant dense<true> : vector<64x128xi1>
    %eq3A_2206 = arith.xori %eq3A_2204, %eq3A_2205 : vector<64x128xi1>
    %select_n3A_2207 = arith.select %eq3A_2206, %select_n3A_2174, %select_n3A_2193 : vector<64x128xi1>, vector<64x128xf32>
    %select_n3A_2208 = arith.select %eq3A_2206, %select_n3A_2175, %select_n3A_2198 : vector<64x128xi1>, vector<64x128xi32>
    %and3A_2209 = arith.constant 1024 : i32
    %and3A_2210 = vector.broadcast %and3A_2209 : i32 to vector<64x128xi32>
    %and3A_2211 = arith.andi %add3A, %and3A_2210 : vector<64x128xi32>
    %ne3A_2212 = arith.constant 0 : i32
    %ne3A_2213 = vector.broadcast %ne3A_2212 : i32 to vector<64x128xi32>
    %ne3A_2214 = arith.cmpi ne, %and3A_2211, %ne3A_2213 : vector<64x128xi32>
    %and3A_2215 = arith.constant 4096 : i32
    %and3A_2216 = vector.broadcast %and3A_2215 : i32 to vector<64x128xi32>
    %and3A_2217 = arith.andi %add3A, %and3A_2216 : vector<64x128xi32>
    %eq3A_2218 = arith.constant 0 : i32
    %eq3A_2219 = vector.broadcast %eq3A_2218 : i32 to vector<64x128xi32>
    %eq3A_2220 = arith.cmpi eq, %and3A_2217, %eq3A_2219 : vector<64x128xi32>
    %xor3A_2221 = arith.xori %eq3A_2220, %ne3A_2214 : vector<64x128xi1>
    %roll3A_2222 = arith.constant 8 : i32
    %roll3A_2223 = tpu.dynamic_rotate %select_n3A_2207 by %roll3A_2222 dim 0 : vector<64x128xf32>, i32 -> vector<64x128xf32>
    %roll3A_2224 = arith.constant 56 : i32
    %roll3A_2225 = tpu.dynamic_rotate %select_n3A_2207 by %roll3A_2224 dim 0 : vector<64x128xf32>, i32 -> vector<64x128xf32>
    %select_n3A_2226 = arith.select %ne3A_2214, %roll3A_2223, %roll3A_2225 : vector<64x128xi1>, vector<64x128xf32>
    %roll3A_2227 = arith.constant 8 : i32
    %roll3A_2228 = tpu.dynamic_rotate %select_n3A_2208 by %roll3A_2227 dim 0 : vector<64x128xi32>, i32 -> vector<64x128xi32>
    %roll3A_2229 = arith.constant 56 : i32
    %roll3A_2230 = tpu.dynamic_rotate %select_n3A_2208 by %roll3A_2229 dim 0 : vector<64x128xi32>, i32 -> vector<64x128xi32>
    %select_n3A_2231 = arith.select %ne3A_2214, %roll3A_2228, %roll3A_2230 : vector<64x128xi1>, vector<64x128xi32>
    %gt3A_2232 = arith.cmpf ogt, %select_n3A_2207, %select_n3A_2226 : vector<64x128xf32>
    %eq3A_2233 = arith.cmpf oeq, %select_n3A_2207, %select_n3A_2226 : vector<64x128xf32>
    %lt3A_2234 = arith.cmpi slt, %select_n3A_2208, %select_n3A_2231 : vector<64x128xi32>
    %and3A_2235 = arith.andi %eq3A_2233, %lt3A_2234 : vector<64x128xi1>
    %or3A_2236 = arith.ori %gt3A_2232, %and3A_2235 : vector<64x128xi1>
    %eq3A_2237 = arith.xori %or3A_2236, %xor3A_2221 : vector<64x128xi1>
    %eq3A_2238 = arith.constant dense<true> : vector<64x128xi1>
    %eq3A_2239 = arith.xori %eq3A_2237, %eq3A_2238 : vector<64x128xi1>
    %select_n3A_2240 = arith.select %eq3A_2239, %select_n3A_2207, %select_n3A_2226 : vector<64x128xi1>, vector<64x128xf32>
    %select_n3A_2241 = arith.select %eq3A_2239, %select_n3A_2208, %select_n3A_2231 : vector<64x128xi1>, vector<64x128xi32>
    %and3A_2242 = arith.constant 512 : i32
    %and3A_2243 = vector.broadcast %and3A_2242 : i32 to vector<64x128xi32>
    %and3A_2244 = arith.andi %add3A, %and3A_2243 : vector<64x128xi32>
    %ne3A_2245 = arith.constant 0 : i32
    %ne3A_2246 = vector.broadcast %ne3A_2245 : i32 to vector<64x128xi32>
    %ne3A_2247 = arith.cmpi ne, %and3A_2244, %ne3A_2246 : vector<64x128xi32>
    %and3A_2248 = arith.constant 4096 : i32
    %and3A_2249 = vector.broadcast %and3A_2248 : i32 to vector<64x128xi32>
    %and3A_2250 = arith.andi %add3A, %and3A_2249 : vector<64x128xi32>
    %eq3A_2251 = arith.constant 0 : i32
    %eq3A_2252 = vector.broadcast %eq3A_2251 : i32 to vector<64x128xi32>
    %eq3A_2253 = arith.cmpi eq, %and3A_2250, %eq3A_2252 : vector<64x128xi32>
    %xor3A_2254 = arith.xori %eq3A_2253, %ne3A_2247 : vector<64x128xi1>
    %roll3A_2255 = arith.constant 4 : i32
    %roll3A_2256 = tpu.dynamic_rotate %select_n3A_2240 by %roll3A_2255 dim 0 : vector<64x128xf32>, i32 -> vector<64x128xf32>
    %roll3A_2257 = arith.constant 60 : i32
    %roll3A_2258 = tpu.dynamic_rotate %select_n3A_2240 by %roll3A_2257 dim 0 : vector<64x128xf32>, i32 -> vector<64x128xf32>
    %select_n3A_2259 = arith.select %ne3A_2247, %roll3A_2256, %roll3A_2258 : vector<64x128xi1>, vector<64x128xf32>
    %roll3A_2260 = arith.constant 4 : i32
    %roll3A_2261 = tpu.dynamic_rotate %select_n3A_2241 by %roll3A_2260 dim 0 : vector<64x128xi32>, i32 -> vector<64x128xi32>
    %roll3A_2262 = arith.constant 60 : i32
    %roll3A_2263 = tpu.dynamic_rotate %select_n3A_2241 by %roll3A_2262 dim 0 : vector<64x128xi32>, i32 -> vector<64x128xi32>
    %select_n3A_2264 = arith.select %ne3A_2247, %roll3A_2261, %roll3A_2263 : vector<64x128xi1>, vector<64x128xi32>
    %gt3A_2265 = arith.cmpf ogt, %select_n3A_2240, %select_n3A_2259 : vector<64x128xf32>
    %eq3A_2266 = arith.cmpf oeq, %select_n3A_2240, %select_n3A_2259 : vector<64x128xf32>
    %lt3A_2267 = arith.cmpi slt, %select_n3A_2241, %select_n3A_2264 : vector<64x128xi32>
    %and3A_2268 = arith.andi %eq3A_2266, %lt3A_2267 : vector<64x128xi1>
    %or3A_2269 = arith.ori %gt3A_2265, %and3A_2268 : vector<64x128xi1>
    %eq3A_2270 = arith.xori %or3A_2269, %xor3A_2254 : vector<64x128xi1>
    %eq3A_2271 = arith.constant dense<true> : vector<64x128xi1>
    %eq3A_2272 = arith.xori %eq3A_2270, %eq3A_2271 : vector<64x128xi1>
    %select_n3A_2273 = arith.select %eq3A_2272, %select_n3A_2240, %select_n3A_2259 : vector<64x128xi1>, vector<64x128xf32>
    %select_n3A_2274 = arith.select %eq3A_2272, %select_n3A_2241, %select_n3A_2264 : vector<64x128xi1>, vector<64x128xi32>
    %and3A_2275 = arith.constant 256 : i32
    %and3A_2276 = vector.broadcast %and3A_2275 : i32 to vector<64x128xi32>
    %and3A_2277 = arith.andi %add3A, %and3A_2276 : vector<64x128xi32>
    %ne3A_2278 = arith.constant 0 : i32
    %ne3A_2279 = vector.broadcast %ne3A_2278 : i32 to vector<64x128xi32>
    %ne3A_2280 = arith.cmpi ne, %and3A_2277, %ne3A_2279 : vector<64x128xi32>
    %and3A_2281 = arith.constant 4096 : i32
    %and3A_2282 = vector.broadcast %and3A_2281 : i32 to vector<64x128xi32>
    %and3A_2283 = arith.andi %add3A, %and3A_2282 : vector<64x128xi32>
    %eq3A_2284 = arith.constant 0 : i32
    %eq3A_2285 = vector.broadcast %eq3A_2284 : i32 to vector<64x128xi32>
    %eq3A_2286 = arith.cmpi eq, %and3A_2283, %eq3A_2285 : vector<64x128xi32>
    %xor3A_2287 = arith.xori %eq3A_2286, %ne3A_2280 : vector<64x128xi1>
    %roll3A_2288 = arith.constant 2 : i32
    %roll3A_2289 = tpu.dynamic_rotate %select_n3A_2273 by %roll3A_2288 dim 0 : vector<64x128xf32>, i32 -> vector<64x128xf32>
    %roll3A_2290 = arith.constant 62 : i32
    %roll3A_2291 = tpu.dynamic_rotate %select_n3A_2273 by %roll3A_2290 dim 0 : vector<64x128xf32>, i32 -> vector<64x128xf32>
    %select_n3A_2292 = arith.select %ne3A_2280, %roll3A_2289, %roll3A_2291 : vector<64x128xi1>, vector<64x128xf32>
    %roll3A_2293 = arith.constant 2 : i32
    %roll3A_2294 = tpu.dynamic_rotate %select_n3A_2274 by %roll3A_2293 dim 0 : vector<64x128xi32>, i32 -> vector<64x128xi32>
    %roll3A_2295 = arith.constant 62 : i32
    %roll3A_2296 = tpu.dynamic_rotate %select_n3A_2274 by %roll3A_2295 dim 0 : vector<64x128xi32>, i32 -> vector<64x128xi32>
    %select_n3A_2297 = arith.select %ne3A_2280, %roll3A_2294, %roll3A_2296 : vector<64x128xi1>, vector<64x128xi32>
    %gt3A_2298 = arith.cmpf ogt, %select_n3A_2273, %select_n3A_2292 : vector<64x128xf32>
    %eq3A_2299 = arith.cmpf oeq, %select_n3A_2273, %select_n3A_2292 : vector<64x128xf32>
    %lt3A_2300 = arith.cmpi slt, %select_n3A_2274, %select_n3A_2297 : vector<64x128xi32>
    %and3A_2301 = arith.andi %eq3A_2299, %lt3A_2300 : vector<64x128xi1>
    %or3A_2302 = arith.ori %gt3A_2298, %and3A_2301 : vector<64x128xi1>
    %eq3A_2303 = arith.xori %or3A_2302, %xor3A_2287 : vector<64x128xi1>
    %eq3A_2304 = arith.constant dense<true> : vector<64x128xi1>
    %eq3A_2305 = arith.xori %eq3A_2303, %eq3A_2304 : vector<64x128xi1>
    %select_n3A_2306 = arith.select %eq3A_2305, %select_n3A_2273, %select_n3A_2292 : vector<64x128xi1>, vector<64x128xf32>
    %select_n3A_2307 = arith.select %eq3A_2305, %select_n3A_2274, %select_n3A_2297 : vector<64x128xi1>, vector<64x128xi32>
    %and3A_2308 = arith.constant 128 : i32
    %and3A_2309 = vector.broadcast %and3A_2308 : i32 to vector<64x128xi32>
    %and3A_2310 = arith.andi %add3A, %and3A_2309 : vector<64x128xi32>
    %ne3A_2311 = arith.constant 0 : i32
    %ne3A_2312 = vector.broadcast %ne3A_2311 : i32 to vector<64x128xi32>
    %ne3A_2313 = arith.cmpi ne, %and3A_2310, %ne3A_2312 : vector<64x128xi32>
    %and3A_2314 = arith.constant 4096 : i32
    %and3A_2315 = vector.broadcast %and3A_2314 : i32 to vector<64x128xi32>
    %and3A_2316 = arith.andi %add3A, %and3A_2315 : vector<64x128xi32>
    %eq3A_2317 = arith.constant 0 : i32
    %eq3A_2318 = vector.broadcast %eq3A_2317 : i32 to vector<64x128xi32>
    %eq3A_2319 = arith.cmpi eq, %and3A_2316, %eq3A_2318 : vector<64x128xi32>
    %xor3A_2320 = arith.xori %eq3A_2319, %ne3A_2313 : vector<64x128xi1>
    %roll3A_2321 = arith.constant 1 : i32
    %roll3A_2322 = tpu.dynamic_rotate %select_n3A_2306 by %roll3A_2321 dim 0 : vector<64x128xf32>, i32 -> vector<64x128xf32>
    %roll3A_2323 = arith.constant 63 : i32
    %roll3A_2324 = tpu.dynamic_rotate %select_n3A_2306 by %roll3A_2323 dim 0 : vector<64x128xf32>, i32 -> vector<64x128xf32>
    %select_n3A_2325 = arith.select %ne3A_2313, %roll3A_2322, %roll3A_2324 : vector<64x128xi1>, vector<64x128xf32>
    %roll3A_2326 = arith.constant 1 : i32
    %roll3A_2327 = tpu.dynamic_rotate %select_n3A_2307 by %roll3A_2326 dim 0 : vector<64x128xi32>, i32 -> vector<64x128xi32>
    %roll3A_2328 = arith.constant 63 : i32
    %roll3A_2329 = tpu.dynamic_rotate %select_n3A_2307 by %roll3A_2328 dim 0 : vector<64x128xi32>, i32 -> vector<64x128xi32>
    %select_n3A_2330 = arith.select %ne3A_2313, %roll3A_2327, %roll3A_2329 : vector<64x128xi1>, vector<64x128xi32>
    %gt3A_2331 = arith.cmpf ogt, %select_n3A_2306, %select_n3A_2325 : vector<64x128xf32>
    %eq3A_2332 = arith.cmpf oeq, %select_n3A_2306, %select_n3A_2325 : vector<64x128xf32>
    %lt3A_2333 = arith.cmpi slt, %select_n3A_2307, %select_n3A_2330 : vector<64x128xi32>
    %and3A_2334 = arith.andi %eq3A_2332, %lt3A_2333 : vector<64x128xi1>
    %or3A_2335 = arith.ori %gt3A_2331, %and3A_2334 : vector<64x128xi1>
    %eq3A_2336 = arith.xori %or3A_2335, %xor3A_2320 : vector<64x128xi1>
    %eq3A_2337 = arith.constant dense<true> : vector<64x128xi1>
    %eq3A_2338 = arith.xori %eq3A_2336, %eq3A_2337 : vector<64x128xi1>
    %select_n3A_2339 = arith.select %eq3A_2338, %select_n3A_2306, %select_n3A_2325 : vector<64x128xi1>, vector<64x128xf32>
    %select_n3A_2340 = arith.select %eq3A_2338, %select_n3A_2307, %select_n3A_2330 : vector<64x128xi1>, vector<64x128xi32>
    %and3A_2341 = arith.constant 64 : i32
    %and3A_2342 = vector.broadcast %and3A_2341 : i32 to vector<64x128xi32>
    %and3A_2343 = arith.andi %add3A, %and3A_2342 : vector<64x128xi32>
    %ne3A_2344 = arith.constant 0 : i32
    %ne3A_2345 = vector.broadcast %ne3A_2344 : i32 to vector<64x128xi32>
    %ne3A_2346 = arith.cmpi ne, %and3A_2343, %ne3A_2345 : vector<64x128xi32>
    %and3A_2347 = arith.constant 4096 : i32
    %and3A_2348 = vector.broadcast %and3A_2347 : i32 to vector<64x128xi32>
    %and3A_2349 = arith.andi %add3A, %and3A_2348 : vector<64x128xi32>
    %eq3A_2350 = arith.constant 0 : i32
    %eq3A_2351 = vector.broadcast %eq3A_2350 : i32 to vector<64x128xi32>
    %eq3A_2352 = arith.cmpi eq, %and3A_2349, %eq3A_2351 : vector<64x128xi32>
    %xor3A_2353 = arith.xori %eq3A_2352, %ne3A_2346 : vector<64x128xi1>
    %roll3A_2354 = arith.constant 64 : i32
    %roll3A_2355 = tpu.dynamic_rotate %select_n3A_2339 by %roll3A_2354 dim 1 : vector<64x128xf32>, i32 -> vector<64x128xf32>
    %roll3A_2356 = arith.constant 64 : i32
    %roll3A_2357 = tpu.dynamic_rotate %select_n3A_2339 by %roll3A_2356 dim 1 : vector<64x128xf32>, i32 -> vector<64x128xf32>
    %select_n3A_2358 = arith.select %ne3A_2346, %roll3A_2355, %roll3A_2357 : vector<64x128xi1>, vector<64x128xf32>
    %roll3A_2359 = arith.constant 64 : i32
    %roll3A_2360 = tpu.dynamic_rotate %select_n3A_2340 by %roll3A_2359 dim 1 : vector<64x128xi32>, i32 -> vector<64x128xi32>
    %roll3A_2361 = arith.constant 64 : i32
    %roll3A_2362 = tpu.dynamic_rotate %select_n3A_2340 by %roll3A_2361 dim 1 : vector<64x128xi32>, i32 -> vector<64x128xi32>
    %select_n3A_2363 = arith.select %ne3A_2346, %roll3A_2360, %roll3A_2362 : vector<64x128xi1>, vector<64x128xi32>
    %gt3A_2364 = arith.cmpf ogt, %select_n3A_2339, %select_n3A_2358 : vector<64x128xf32>
    %eq3A_2365 = arith.cmpf oeq, %select_n3A_2339, %select_n3A_2358 : vector<64x128xf32>
    %lt3A_2366 = arith.cmpi slt, %select_n3A_2340, %select_n3A_2363 : vector<64x128xi32>
    %and3A_2367 = arith.andi %eq3A_2365, %lt3A_2366 : vector<64x128xi1>
    %or3A_2368 = arith.ori %gt3A_2364, %and3A_2367 : vector<64x128xi1>
    %eq3A_2369 = arith.xori %or3A_2368, %xor3A_2353 : vector<64x128xi1>
    %eq3A_2370 = arith.constant dense<true> : vector<64x128xi1>
    %eq3A_2371 = arith.xori %eq3A_2369, %eq3A_2370 : vector<64x128xi1>
    %select_n3A_2372 = arith.select %eq3A_2371, %select_n3A_2339, %select_n3A_2358 : vector<64x128xi1>, vector<64x128xf32>
    %select_n3A_2373 = arith.select %eq3A_2371, %select_n3A_2340, %select_n3A_2363 : vector<64x128xi1>, vector<64x128xi32>
    %and3A_2374 = arith.constant 32 : i32
    %and3A_2375 = vector.broadcast %and3A_2374 : i32 to vector<64x128xi32>
    %and3A_2376 = arith.andi %add3A, %and3A_2375 : vector<64x128xi32>
    %ne3A_2377 = arith.constant 0 : i32
    %ne3A_2378 = vector.broadcast %ne3A_2377 : i32 to vector<64x128xi32>
    %ne3A_2379 = arith.cmpi ne, %and3A_2376, %ne3A_2378 : vector<64x128xi32>
    %and3A_2380 = arith.constant 4096 : i32
    %and3A_2381 = vector.broadcast %and3A_2380 : i32 to vector<64x128xi32>
    %and3A_2382 = arith.andi %add3A, %and3A_2381 : vector<64x128xi32>
    %eq3A_2383 = arith.constant 0 : i32
    %eq3A_2384 = vector.broadcast %eq3A_2383 : i32 to vector<64x128xi32>
    %eq3A_2385 = arith.cmpi eq, %and3A_2382, %eq3A_2384 : vector<64x128xi32>
    %xor3A_2386 = arith.xori %eq3A_2385, %ne3A_2379 : vector<64x128xi1>
    %roll3A_2387 = arith.constant 32 : i32
    %roll3A_2388 = tpu.dynamic_rotate %select_n3A_2372 by %roll3A_2387 dim 1 : vector<64x128xf32>, i32 -> vector<64x128xf32>
    %roll3A_2389 = arith.constant 96 : i32
    %roll3A_2390 = tpu.dynamic_rotate %select_n3A_2372 by %roll3A_2389 dim 1 : vector<64x128xf32>, i32 -> vector<64x128xf32>
    %select_n3A_2391 = arith.select %ne3A_2379, %roll3A_2388, %roll3A_2390 : vector<64x128xi1>, vector<64x128xf32>
    %roll3A_2392 = arith.constant 32 : i32
    %roll3A_2393 = tpu.dynamic_rotate %select_n3A_2373 by %roll3A_2392 dim 1 : vector<64x128xi32>, i32 -> vector<64x128xi32>
    %roll3A_2394 = arith.constant 96 : i32
    %roll3A_2395 = tpu.dynamic_rotate %select_n3A_2373 by %roll3A_2394 dim 1 : vector<64x128xi32>, i32 -> vector<64x128xi32>
    %select_n3A_2396 = arith.select %ne3A_2379, %roll3A_2393, %roll3A_2395 : vector<64x128xi1>, vector<64x128xi32>
    %gt3A_2397 = arith.cmpf ogt, %select_n3A_2372, %select_n3A_2391 : vector<64x128xf32>
    %eq3A_2398 = arith.cmpf oeq, %select_n3A_2372, %select_n3A_2391 : vector<64x128xf32>
    %lt3A_2399 = arith.cmpi slt, %select_n3A_2373, %select_n3A_2396 : vector<64x128xi32>
    %and3A_2400 = arith.andi %eq3A_2398, %lt3A_2399 : vector<64x128xi1>
    %or3A_2401 = arith.ori %gt3A_2397, %and3A_2400 : vector<64x128xi1>
    %eq3A_2402 = arith.xori %or3A_2401, %xor3A_2386 : vector<64x128xi1>
    %eq3A_2403 = arith.constant dense<true> : vector<64x128xi1>
    %eq3A_2404 = arith.xori %eq3A_2402, %eq3A_2403 : vector<64x128xi1>
    %select_n3A_2405 = arith.select %eq3A_2404, %select_n3A_2372, %select_n3A_2391 : vector<64x128xi1>, vector<64x128xf32>
    %select_n3A_2406 = arith.select %eq3A_2404, %select_n3A_2373, %select_n3A_2396 : vector<64x128xi1>, vector<64x128xi32>
    %and3A_2407 = arith.constant 16 : i32
    %and3A_2408 = vector.broadcast %and3A_2407 : i32 to vector<64x128xi32>
    %and3A_2409 = arith.andi %add3A, %and3A_2408 : vector<64x128xi32>
    %ne3A_2410 = arith.constant 0 : i32
    %ne3A_2411 = vector.broadcast %ne3A_2410 : i32 to vector<64x128xi32>
    %ne3A_2412 = arith.cmpi ne, %and3A_2409, %ne3A_2411 : vector<64x128xi32>
    %and3A_2413 = arith.constant 4096 : i32
    %and3A_2414 = vector.broadcast %and3A_2413 : i32 to vector<64x128xi32>
    %and3A_2415 = arith.andi %add3A, %and3A_2414 : vector<64x128xi32>
    %eq3A_2416 = arith.constant 0 : i32
    %eq3A_2417 = vector.broadcast %eq3A_2416 : i32 to vector<64x128xi32>
    %eq3A_2418 = arith.cmpi eq, %and3A_2415, %eq3A_2417 : vector<64x128xi32>
    %xor3A_2419 = arith.xori %eq3A_2418, %ne3A_2412 : vector<64x128xi1>
    %roll3A_2420 = arith.constant 16 : i32
    %roll3A_2421 = tpu.dynamic_rotate %select_n3A_2405 by %roll3A_2420 dim 1 : vector<64x128xf32>, i32 -> vector<64x128xf32>
    %roll3A_2422 = arith.constant 112 : i32
    %roll3A_2423 = tpu.dynamic_rotate %select_n3A_2405 by %roll3A_2422 dim 1 : vector<64x128xf32>, i32 -> vector<64x128xf32>
    %select_n3A_2424 = arith.select %ne3A_2412, %roll3A_2421, %roll3A_2423 : vector<64x128xi1>, vector<64x128xf32>
    %roll3A_2425 = arith.constant 16 : i32
    %roll3A_2426 = tpu.dynamic_rotate %select_n3A_2406 by %roll3A_2425 dim 1 : vector<64x128xi32>, i32 -> vector<64x128xi32>
    %roll3A_2427 = arith.constant 112 : i32
    %roll3A_2428 = tpu.dynamic_rotate %select_n3A_2406 by %roll3A_2427 dim 1 : vector<64x128xi32>, i32 -> vector<64x128xi32>
    %select_n3A_2429 = arith.select %ne3A_2412, %roll3A_2426, %roll3A_2428 : vector<64x128xi1>, vector<64x128xi32>
    %gt3A_2430 = arith.cmpf ogt, %select_n3A_2405, %select_n3A_2424 : vector<64x128xf32>
    %eq3A_2431 = arith.cmpf oeq, %select_n3A_2405, %select_n3A_2424 : vector<64x128xf32>
    %lt3A_2432 = arith.cmpi slt, %select_n3A_2406, %select_n3A_2429 : vector<64x128xi32>
    %and3A_2433 = arith.andi %eq3A_2431, %lt3A_2432 : vector<64x128xi1>
    %or3A_2434 = arith.ori %gt3A_2430, %and3A_2433 : vector<64x128xi1>
    %eq3A_2435 = arith.xori %or3A_2434, %xor3A_2419 : vector<64x128xi1>
    %eq3A_2436 = arith.constant dense<true> : vector<64x128xi1>
    %eq3A_2437 = arith.xori %eq3A_2435, %eq3A_2436 : vector<64x128xi1>
    %select_n3A_2438 = arith.select %eq3A_2437, %select_n3A_2405, %select_n3A_2424 : vector<64x128xi1>, vector<64x128xf32>
    %select_n3A_2439 = arith.select %eq3A_2437, %select_n3A_2406, %select_n3A_2429 : vector<64x128xi1>, vector<64x128xi32>
    %and3A_2440 = arith.constant 8 : i32
    %and3A_2441 = vector.broadcast %and3A_2440 : i32 to vector<64x128xi32>
    %and3A_2442 = arith.andi %add3A, %and3A_2441 : vector<64x128xi32>
    %ne3A_2443 = arith.constant 0 : i32
    %ne3A_2444 = vector.broadcast %ne3A_2443 : i32 to vector<64x128xi32>
    %ne3A_2445 = arith.cmpi ne, %and3A_2442, %ne3A_2444 : vector<64x128xi32>
    %and3A_2446 = arith.constant 4096 : i32
    %and3A_2447 = vector.broadcast %and3A_2446 : i32 to vector<64x128xi32>
    %and3A_2448 = arith.andi %add3A, %and3A_2447 : vector<64x128xi32>
    %eq3A_2449 = arith.constant 0 : i32
    %eq3A_2450 = vector.broadcast %eq3A_2449 : i32 to vector<64x128xi32>
    %eq3A_2451 = arith.cmpi eq, %and3A_2448, %eq3A_2450 : vector<64x128xi32>
    %xor3A_2452 = arith.xori %eq3A_2451, %ne3A_2445 : vector<64x128xi1>
    %roll3A_2453 = arith.constant 8 : i32
    %roll3A_2454 = tpu.dynamic_rotate %select_n3A_2438 by %roll3A_2453 dim 1 : vector<64x128xf32>, i32 -> vector<64x128xf32>
    %roll3A_2455 = arith.constant 120 : i32
    %roll3A_2456 = tpu.dynamic_rotate %select_n3A_2438 by %roll3A_2455 dim 1 : vector<64x128xf32>, i32 -> vector<64x128xf32>
    %select_n3A_2457 = arith.select %ne3A_2445, %roll3A_2454, %roll3A_2456 : vector<64x128xi1>, vector<64x128xf32>
    %roll3A_2458 = arith.constant 8 : i32
    %roll3A_2459 = tpu.dynamic_rotate %select_n3A_2439 by %roll3A_2458 dim 1 : vector<64x128xi32>, i32 -> vector<64x128xi32>
    %roll3A_2460 = arith.constant 120 : i32
    %roll3A_2461 = tpu.dynamic_rotate %select_n3A_2439 by %roll3A_2460 dim 1 : vector<64x128xi32>, i32 -> vector<64x128xi32>
    %select_n3A_2462 = arith.select %ne3A_2445, %roll3A_2459, %roll3A_2461 : vector<64x128xi1>, vector<64x128xi32>
    %gt3A_2463 = arith.cmpf ogt, %select_n3A_2438, %select_n3A_2457 : vector<64x128xf32>
    %eq3A_2464 = arith.cmpf oeq, %select_n3A_2438, %select_n3A_2457 : vector<64x128xf32>
    %lt3A_2465 = arith.cmpi slt, %select_n3A_2439, %select_n3A_2462 : vector<64x128xi32>
    %and3A_2466 = arith.andi %eq3A_2464, %lt3A_2465 : vector<64x128xi1>
    %or3A_2467 = arith.ori %gt3A_2463, %and3A_2466 : vector<64x128xi1>
    %eq3A_2468 = arith.xori %or3A_2467, %xor3A_2452 : vector<64x128xi1>
    %eq3A_2469 = arith.constant dense<true> : vector<64x128xi1>
    %eq3A_2470 = arith.xori %eq3A_2468, %eq3A_2469 : vector<64x128xi1>
    %select_n3A_2471 = arith.select %eq3A_2470, %select_n3A_2438, %select_n3A_2457 : vector<64x128xi1>, vector<64x128xf32>
    %select_n3A_2472 = arith.select %eq3A_2470, %select_n3A_2439, %select_n3A_2462 : vector<64x128xi1>, vector<64x128xi32>
    %and3A_2473 = arith.constant 4 : i32
    %and3A_2474 = vector.broadcast %and3A_2473 : i32 to vector<64x128xi32>
    %and3A_2475 = arith.andi %add3A, %and3A_2474 : vector<64x128xi32>
    %ne3A_2476 = arith.constant 0 : i32
    %ne3A_2477 = vector.broadcast %ne3A_2476 : i32 to vector<64x128xi32>
    %ne3A_2478 = arith.cmpi ne, %and3A_2475, %ne3A_2477 : vector<64x128xi32>
    %and3A_2479 = arith.constant 4096 : i32
    %and3A_2480 = vector.broadcast %and3A_2479 : i32 to vector<64x128xi32>
    %and3A_2481 = arith.andi %add3A, %and3A_2480 : vector<64x128xi32>
    %eq3A_2482 = arith.constant 0 : i32
    %eq3A_2483 = vector.broadcast %eq3A_2482 : i32 to vector<64x128xi32>
    %eq3A_2484 = arith.cmpi eq, %and3A_2481, %eq3A_2483 : vector<64x128xi32>
    %xor3A_2485 = arith.xori %eq3A_2484, %ne3A_2478 : vector<64x128xi1>
    %roll3A_2486 = arith.constant 4 : i32
    %roll3A_2487 = tpu.dynamic_rotate %select_n3A_2471 by %roll3A_2486 dim 1 : vector<64x128xf32>, i32 -> vector<64x128xf32>
    %roll3A_2488 = arith.constant 124 : i32
    %roll3A_2489 = tpu.dynamic_rotate %select_n3A_2471 by %roll3A_2488 dim 1 : vector<64x128xf32>, i32 -> vector<64x128xf32>
    %select_n3A_2490 = arith.select %ne3A_2478, %roll3A_2487, %roll3A_2489 : vector<64x128xi1>, vector<64x128xf32>
    %roll3A_2491 = arith.constant 4 : i32
    %roll3A_2492 = tpu.dynamic_rotate %select_n3A_2472 by %roll3A_2491 dim 1 : vector<64x128xi32>, i32 -> vector<64x128xi32>
    %roll3A_2493 = arith.constant 124 : i32
    %roll3A_2494 = tpu.dynamic_rotate %select_n3A_2472 by %roll3A_2493 dim 1 : vector<64x128xi32>, i32 -> vector<64x128xi32>
    %select_n3A_2495 = arith.select %ne3A_2478, %roll3A_2492, %roll3A_2494 : vector<64x128xi1>, vector<64x128xi32>
    %gt3A_2496 = arith.cmpf ogt, %select_n3A_2471, %select_n3A_2490 : vector<64x128xf32>
    %eq3A_2497 = arith.cmpf oeq, %select_n3A_2471, %select_n3A_2490 : vector<64x128xf32>
    %lt3A_2498 = arith.cmpi slt, %select_n3A_2472, %select_n3A_2495 : vector<64x128xi32>
    %and3A_2499 = arith.andi %eq3A_2497, %lt3A_2498 : vector<64x128xi1>
    %or3A_2500 = arith.ori %gt3A_2496, %and3A_2499 : vector<64x128xi1>
    %eq3A_2501 = arith.xori %or3A_2500, %xor3A_2485 : vector<64x128xi1>
    %eq3A_2502 = arith.constant dense<true> : vector<64x128xi1>
    %eq3A_2503 = arith.xori %eq3A_2501, %eq3A_2502 : vector<64x128xi1>
    %select_n3A_2504 = arith.select %eq3A_2503, %select_n3A_2471, %select_n3A_2490 : vector<64x128xi1>, vector<64x128xf32>
    %select_n3A_2505 = arith.select %eq3A_2503, %select_n3A_2472, %select_n3A_2495 : vector<64x128xi1>, vector<64x128xi32>
    %and3A_2506 = arith.constant 2 : i32
    %and3A_2507 = vector.broadcast %and3A_2506 : i32 to vector<64x128xi32>
    %and3A_2508 = arith.andi %add3A, %and3A_2507 : vector<64x128xi32>
    %ne3A_2509 = arith.constant 0 : i32
    %ne3A_2510 = vector.broadcast %ne3A_2509 : i32 to vector<64x128xi32>
    %ne3A_2511 = arith.cmpi ne, %and3A_2508, %ne3A_2510 : vector<64x128xi32>
    %and3A_2512 = arith.constant 4096 : i32
    %and3A_2513 = vector.broadcast %and3A_2512 : i32 to vector<64x128xi32>
    %and3A_2514 = arith.andi %add3A, %and3A_2513 : vector<64x128xi32>
    %eq3A_2515 = arith.constant 0 : i32
    %eq3A_2516 = vector.broadcast %eq3A_2515 : i32 to vector<64x128xi32>
    %eq3A_2517 = arith.cmpi eq, %and3A_2514, %eq3A_2516 : vector<64x128xi32>
    %xor3A_2518 = arith.xori %eq3A_2517, %ne3A_2511 : vector<64x128xi1>
    %roll3A_2519 = arith.constant 2 : i32
    %roll3A_2520 = tpu.dynamic_rotate %select_n3A_2504 by %roll3A_2519 dim 1 : vector<64x128xf32>, i32 -> vector<64x128xf32>
    %roll3A_2521 = arith.constant 126 : i32
    %roll3A_2522 = tpu.dynamic_rotate %select_n3A_2504 by %roll3A_2521 dim 1 : vector<64x128xf32>, i32 -> vector<64x128xf32>
    %select_n3A_2523 = arith.select %ne3A_2511, %roll3A_2520, %roll3A_2522 : vector<64x128xi1>, vector<64x128xf32>
    %roll3A_2524 = arith.constant 2 : i32
    %roll3A_2525 = tpu.dynamic_rotate %select_n3A_2505 by %roll3A_2524 dim 1 : vector<64x128xi32>, i32 -> vector<64x128xi32>
    %roll3A_2526 = arith.constant 126 : i32
    %roll3A_2527 = tpu.dynamic_rotate %select_n3A_2505 by %roll3A_2526 dim 1 : vector<64x128xi32>, i32 -> vector<64x128xi32>
    %select_n3A_2528 = arith.select %ne3A_2511, %roll3A_2525, %roll3A_2527 : vector<64x128xi1>, vector<64x128xi32>
    %gt3A_2529 = arith.cmpf ogt, %select_n3A_2504, %select_n3A_2523 : vector<64x128xf32>
    %eq3A_2530 = arith.cmpf oeq, %select_n3A_2504, %select_n3A_2523 : vector<64x128xf32>
    %lt3A_2531 = arith.cmpi slt, %select_n3A_2505, %select_n3A_2528 : vector<64x128xi32>
    %and3A_2532 = arith.andi %eq3A_2530, %lt3A_2531 : vector<64x128xi1>
    %or3A_2533 = arith.ori %gt3A_2529, %and3A_2532 : vector<64x128xi1>
    %eq3A_2534 = arith.xori %or3A_2533, %xor3A_2518 : vector<64x128xi1>
    %eq3A_2535 = arith.constant dense<true> : vector<64x128xi1>
    %eq3A_2536 = arith.xori %eq3A_2534, %eq3A_2535 : vector<64x128xi1>
    %select_n3A_2537 = arith.select %eq3A_2536, %select_n3A_2504, %select_n3A_2523 : vector<64x128xi1>, vector<64x128xf32>
    %select_n3A_2538 = arith.select %eq3A_2536, %select_n3A_2505, %select_n3A_2528 : vector<64x128xi1>, vector<64x128xi32>
    %and3A_2539 = arith.constant 1 : i32
    %and3A_2540 = vector.broadcast %and3A_2539 : i32 to vector<64x128xi32>
    %and3A_2541 = arith.andi %add3A, %and3A_2540 : vector<64x128xi32>
    %ne3A_2542 = arith.constant 0 : i32
    %ne3A_2543 = vector.broadcast %ne3A_2542 : i32 to vector<64x128xi32>
    %ne3A_2544 = arith.cmpi ne, %and3A_2541, %ne3A_2543 : vector<64x128xi32>
    %and3A_2545 = arith.constant 4096 : i32
    %and3A_2546 = vector.broadcast %and3A_2545 : i32 to vector<64x128xi32>
    %and3A_2547 = arith.andi %add3A, %and3A_2546 : vector<64x128xi32>
    %eq3A_2548 = arith.constant 0 : i32
    %eq3A_2549 = vector.broadcast %eq3A_2548 : i32 to vector<64x128xi32>
    %eq3A_2550 = arith.cmpi eq, %and3A_2547, %eq3A_2549 : vector<64x128xi32>
    %xor3A_2551 = arith.xori %eq3A_2550, %ne3A_2544 : vector<64x128xi1>
    %roll3A_2552 = arith.constant 1 : i32
    %roll3A_2553 = tpu.dynamic_rotate %select_n3A_2537 by %roll3A_2552 dim 1 : vector<64x128xf32>, i32 -> vector<64x128xf32>
    %roll3A_2554 = arith.constant 127 : i32
    %roll3A_2555 = tpu.dynamic_rotate %select_n3A_2537 by %roll3A_2554 dim 1 : vector<64x128xf32>, i32 -> vector<64x128xf32>
    %select_n3A_2556 = arith.select %ne3A_2544, %roll3A_2553, %roll3A_2555 : vector<64x128xi1>, vector<64x128xf32>
    %roll3A_2557 = arith.constant 1 : i32
    %roll3A_2558 = tpu.dynamic_rotate %select_n3A_2538 by %roll3A_2557 dim 1 : vector<64x128xi32>, i32 -> vector<64x128xi32>
    %roll3A_2559 = arith.constant 127 : i32
    %roll3A_2560 = tpu.dynamic_rotate %select_n3A_2538 by %roll3A_2559 dim 1 : vector<64x128xi32>, i32 -> vector<64x128xi32>
    %select_n3A_2561 = arith.select %ne3A_2544, %roll3A_2558, %roll3A_2560 : vector<64x128xi1>, vector<64x128xi32>
    %gt3A_2562 = arith.cmpf ogt, %select_n3A_2537, %select_n3A_2556 : vector<64x128xf32>
    %eq3A_2563 = arith.cmpf oeq, %select_n3A_2537, %select_n3A_2556 : vector<64x128xf32>
    %lt3A_2564 = arith.cmpi slt, %select_n3A_2538, %select_n3A_2561 : vector<64x128xi32>
    %and3A_2565 = arith.andi %eq3A_2563, %lt3A_2564 : vector<64x128xi1>
    %or3A_2566 = arith.ori %gt3A_2562, %and3A_2565 : vector<64x128xi1>
    %eq3A_2567 = arith.xori %or3A_2566, %xor3A_2551 : vector<64x128xi1>
    %eq3A_2568 = arith.constant dense<true> : vector<64x128xi1>
    %eq3A_2569 = arith.xori %eq3A_2567, %eq3A_2568 : vector<64x128xi1>
    %select_n3A_2570 = arith.select %eq3A_2569, %select_n3A_2537, %select_n3A_2556 : vector<64x128xi1>, vector<64x128xf32>
    %select_n3A_2571 = arith.select %eq3A_2569, %select_n3A_2538, %select_n3A_2561 : vector<64x128xi1>, vector<64x128xi32>
    %and3A_2572 = arith.constant 4096 : i32
    %and3A_2573 = vector.broadcast %and3A_2572 : i32 to vector<64x128xi32>
    %and3A_2574 = arith.andi %add3A, %and3A_2573 : vector<64x128xi32>
    %ne3A_2575 = arith.constant 0 : i32
    %ne3A_2576 = vector.broadcast %ne3A_2575 : i32 to vector<64x128xi32>
    %ne3A_2577 = arith.cmpi ne, %and3A_2574, %ne3A_2576 : vector<64x128xi32>
    %and3A_2578 = arith.constant 8192 : i32
    %and3A_2579 = vector.broadcast %and3A_2578 : i32 to vector<64x128xi32>
    %and3A_2580 = arith.andi %add3A, %and3A_2579 : vector<64x128xi32>
    %eq3A_2581 = arith.constant 0 : i32
    %eq3A_2582 = vector.broadcast %eq3A_2581 : i32 to vector<64x128xi32>
    %eq3A_2583 = arith.cmpi eq, %and3A_2580, %eq3A_2582 : vector<64x128xi32>
    %xor3A_2584 = arith.xori %eq3A_2583, %ne3A_2577 : vector<64x128xi1>
    %roll3A_2585 = arith.constant 32 : i32
    %roll3A_2586 = tpu.dynamic_rotate %select_n3A_2570 by %roll3A_2585 dim 0 : vector<64x128xf32>, i32 -> vector<64x128xf32>
    %roll3A_2587 = arith.constant 32 : i32
    %roll3A_2588 = tpu.dynamic_rotate %select_n3A_2570 by %roll3A_2587 dim 0 : vector<64x128xf32>, i32 -> vector<64x128xf32>
    %select_n3A_2589 = arith.select %ne3A_2577, %roll3A_2586, %roll3A_2588 : vector<64x128xi1>, vector<64x128xf32>
    %roll3A_2590 = arith.constant 32 : i32
    %roll3A_2591 = tpu.dynamic_rotate %select_n3A_2571 by %roll3A_2590 dim 0 : vector<64x128xi32>, i32 -> vector<64x128xi32>
    %roll3A_2592 = arith.constant 32 : i32
    %roll3A_2593 = tpu.dynamic_rotate %select_n3A_2571 by %roll3A_2592 dim 0 : vector<64x128xi32>, i32 -> vector<64x128xi32>
    %select_n3A_2594 = arith.select %ne3A_2577, %roll3A_2591, %roll3A_2593 : vector<64x128xi1>, vector<64x128xi32>
    %gt3A_2595 = arith.cmpf ogt, %select_n3A_2570, %select_n3A_2589 : vector<64x128xf32>
    %eq3A_2596 = arith.cmpf oeq, %select_n3A_2570, %select_n3A_2589 : vector<64x128xf32>
    %lt3A_2597 = arith.cmpi slt, %select_n3A_2571, %select_n3A_2594 : vector<64x128xi32>
    %and3A_2598 = arith.andi %eq3A_2596, %lt3A_2597 : vector<64x128xi1>
    %or3A_2599 = arith.ori %gt3A_2595, %and3A_2598 : vector<64x128xi1>
    %eq3A_2600 = arith.xori %or3A_2599, %xor3A_2584 : vector<64x128xi1>
    %eq3A_2601 = arith.constant dense<true> : vector<64x128xi1>
    %eq3A_2602 = arith.xori %eq3A_2600, %eq3A_2601 : vector<64x128xi1>
    %select_n3A_2603 = arith.select %eq3A_2602, %select_n3A_2570, %select_n3A_2589 : vector<64x128xi1>, vector<64x128xf32>
    %select_n3A_2604 = arith.select %eq3A_2602, %select_n3A_2571, %select_n3A_2594 : vector<64x128xi1>, vector<64x128xi32>
    %and3A_2605 = arith.constant 2048 : i32
    %and3A_2606 = vector.broadcast %and3A_2605 : i32 to vector<64x128xi32>
    %and3A_2607 = arith.andi %add3A, %and3A_2606 : vector<64x128xi32>
    %ne3A_2608 = arith.constant 0 : i32
    %ne3A_2609 = vector.broadcast %ne3A_2608 : i32 to vector<64x128xi32>
    %ne3A_2610 = arith.cmpi ne, %and3A_2607, %ne3A_2609 : vector<64x128xi32>
    %and3A_2611 = arith.constant 8192 : i32
    %and3A_2612 = vector.broadcast %and3A_2611 : i32 to vector<64x128xi32>
    %and3A_2613 = arith.andi %add3A, %and3A_2612 : vector<64x128xi32>
    %eq3A_2614 = arith.constant 0 : i32
    %eq3A_2615 = vector.broadcast %eq3A_2614 : i32 to vector<64x128xi32>
    %eq3A_2616 = arith.cmpi eq, %and3A_2613, %eq3A_2615 : vector<64x128xi32>
    %xor3A_2617 = arith.xori %eq3A_2616, %ne3A_2610 : vector<64x128xi1>
    %roll3A_2618 = arith.constant 16 : i32
    %roll3A_2619 = tpu.dynamic_rotate %select_n3A_2603 by %roll3A_2618 dim 0 : vector<64x128xf32>, i32 -> vector<64x128xf32>
    %roll3A_2620 = arith.constant 48 : i32
    %roll3A_2621 = tpu.dynamic_rotate %select_n3A_2603 by %roll3A_2620 dim 0 : vector<64x128xf32>, i32 -> vector<64x128xf32>
    %select_n3A_2622 = arith.select %ne3A_2610, %roll3A_2619, %roll3A_2621 : vector<64x128xi1>, vector<64x128xf32>
    %roll3A_2623 = arith.constant 16 : i32
    %roll3A_2624 = tpu.dynamic_rotate %select_n3A_2604 by %roll3A_2623 dim 0 : vector<64x128xi32>, i32 -> vector<64x128xi32>
    %roll3A_2625 = arith.constant 48 : i32
    %roll3A_2626 = tpu.dynamic_rotate %select_n3A_2604 by %roll3A_2625 dim 0 : vector<64x128xi32>, i32 -> vector<64x128xi32>
    %select_n3A_2627 = arith.select %ne3A_2610, %roll3A_2624, %roll3A_2626 : vector<64x128xi1>, vector<64x128xi32>
    %gt3A_2628 = arith.cmpf ogt, %select_n3A_2603, %select_n3A_2622 : vector<64x128xf32>
    %eq3A_2629 = arith.cmpf oeq, %select_n3A_2603, %select_n3A_2622 : vector<64x128xf32>
    %lt3A_2630 = arith.cmpi slt, %select_n3A_2604, %select_n3A_2627 : vector<64x128xi32>
    %and3A_2631 = arith.andi %eq3A_2629, %lt3A_2630 : vector<64x128xi1>
    %or3A_2632 = arith.ori %gt3A_2628, %and3A_2631 : vector<64x128xi1>
    %eq3A_2633 = arith.xori %or3A_2632, %xor3A_2617 : vector<64x128xi1>
    %eq3A_2634 = arith.constant dense<true> : vector<64x128xi1>
    %eq3A_2635 = arith.xori %eq3A_2633, %eq3A_2634 : vector<64x128xi1>
    %select_n3A_2636 = arith.select %eq3A_2635, %select_n3A_2603, %select_n3A_2622 : vector<64x128xi1>, vector<64x128xf32>
    %select_n3A_2637 = arith.select %eq3A_2635, %select_n3A_2604, %select_n3A_2627 : vector<64x128xi1>, vector<64x128xi32>
    %and3A_2638 = arith.constant 1024 : i32
    %and3A_2639 = vector.broadcast %and3A_2638 : i32 to vector<64x128xi32>
    %and3A_2640 = arith.andi %add3A, %and3A_2639 : vector<64x128xi32>
    %ne3A_2641 = arith.constant 0 : i32
    %ne3A_2642 = vector.broadcast %ne3A_2641 : i32 to vector<64x128xi32>
    %ne3A_2643 = arith.cmpi ne, %and3A_2640, %ne3A_2642 : vector<64x128xi32>
    %and3A_2644 = arith.constant 8192 : i32
    %and3A_2645 = vector.broadcast %and3A_2644 : i32 to vector<64x128xi32>
    %and3A_2646 = arith.andi %add3A, %and3A_2645 : vector<64x128xi32>
    %eq3A_2647 = arith.constant 0 : i32
    %eq3A_2648 = vector.broadcast %eq3A_2647 : i32 to vector<64x128xi32>
    %eq3A_2649 = arith.cmpi eq, %and3A_2646, %eq3A_2648 : vector<64x128xi32>
    %xor3A_2650 = arith.xori %eq3A_2649, %ne3A_2643 : vector<64x128xi1>
    %roll3A_2651 = arith.constant 8 : i32
    %roll3A_2652 = tpu.dynamic_rotate %select_n3A_2636 by %roll3A_2651 dim 0 : vector<64x128xf32>, i32 -> vector<64x128xf32>
    %roll3A_2653 = arith.constant 56 : i32
    %roll3A_2654 = tpu.dynamic_rotate %select_n3A_2636 by %roll3A_2653 dim 0 : vector<64x128xf32>, i32 -> vector<64x128xf32>
    %select_n3A_2655 = arith.select %ne3A_2643, %roll3A_2652, %roll3A_2654 : vector<64x128xi1>, vector<64x128xf32>
    %roll3A_2656 = arith.constant 8 : i32
    %roll3A_2657 = tpu.dynamic_rotate %select_n3A_2637 by %roll3A_2656 dim 0 : vector<64x128xi32>, i32 -> vector<64x128xi32>
    %roll3A_2658 = arith.constant 56 : i32
    %roll3A_2659 = tpu.dynamic_rotate %select_n3A_2637 by %roll3A_2658 dim 0 : vector<64x128xi32>, i32 -> vector<64x128xi32>
    %select_n3A_2660 = arith.select %ne3A_2643, %roll3A_2657, %roll3A_2659 : vector<64x128xi1>, vector<64x128xi32>
    %gt3A_2661 = arith.cmpf ogt, %select_n3A_2636, %select_n3A_2655 : vector<64x128xf32>
    %eq3A_2662 = arith.cmpf oeq, %select_n3A_2636, %select_n3A_2655 : vector<64x128xf32>
    %lt3A_2663 = arith.cmpi slt, %select_n3A_2637, %select_n3A_2660 : vector<64x128xi32>
    %and3A_2664 = arith.andi %eq3A_2662, %lt3A_2663 : vector<64x128xi1>
    %or3A_2665 = arith.ori %gt3A_2661, %and3A_2664 : vector<64x128xi1>
    %eq3A_2666 = arith.xori %or3A_2665, %xor3A_2650 : vector<64x128xi1>
    %eq3A_2667 = arith.constant dense<true> : vector<64x128xi1>
    %eq3A_2668 = arith.xori %eq3A_2666, %eq3A_2667 : vector<64x128xi1>
    %select_n3A_2669 = arith.select %eq3A_2668, %select_n3A_2636, %select_n3A_2655 : vector<64x128xi1>, vector<64x128xf32>
    %select_n3A_2670 = arith.select %eq3A_2668, %select_n3A_2637, %select_n3A_2660 : vector<64x128xi1>, vector<64x128xi32>
    %and3A_2671 = arith.constant 512 : i32
    %and3A_2672 = vector.broadcast %and3A_2671 : i32 to vector<64x128xi32>
    %and3A_2673 = arith.andi %add3A, %and3A_2672 : vector<64x128xi32>
    %ne3A_2674 = arith.constant 0 : i32
    %ne3A_2675 = vector.broadcast %ne3A_2674 : i32 to vector<64x128xi32>
    %ne3A_2676 = arith.cmpi ne, %and3A_2673, %ne3A_2675 : vector<64x128xi32>
    %and3A_2677 = arith.constant 8192 : i32
    %and3A_2678 = vector.broadcast %and3A_2677 : i32 to vector<64x128xi32>
    %and3A_2679 = arith.andi %add3A, %and3A_2678 : vector<64x128xi32>
    %eq3A_2680 = arith.constant 0 : i32
    %eq3A_2681 = vector.broadcast %eq3A_2680 : i32 to vector<64x128xi32>
    %eq3A_2682 = arith.cmpi eq, %and3A_2679, %eq3A_2681 : vector<64x128xi32>
    %xor3A_2683 = arith.xori %eq3A_2682, %ne3A_2676 : vector<64x128xi1>
    %roll3A_2684 = arith.constant 4 : i32
    %roll3A_2685 = tpu.dynamic_rotate %select_n3A_2669 by %roll3A_2684 dim 0 : vector<64x128xf32>, i32 -> vector<64x128xf32>
    %roll3A_2686 = arith.constant 60 : i32
    %roll3A_2687 = tpu.dynamic_rotate %select_n3A_2669 by %roll3A_2686 dim 0 : vector<64x128xf32>, i32 -> vector<64x128xf32>
    %select_n3A_2688 = arith.select %ne3A_2676, %roll3A_2685, %roll3A_2687 : vector<64x128xi1>, vector<64x128xf32>
    %roll3A_2689 = arith.constant 4 : i32
    %roll3A_2690 = tpu.dynamic_rotate %select_n3A_2670 by %roll3A_2689 dim 0 : vector<64x128xi32>, i32 -> vector<64x128xi32>
    %roll3A_2691 = arith.constant 60 : i32
    %roll3A_2692 = tpu.dynamic_rotate %select_n3A_2670 by %roll3A_2691 dim 0 : vector<64x128xi32>, i32 -> vector<64x128xi32>
    %select_n3A_2693 = arith.select %ne3A_2676, %roll3A_2690, %roll3A_2692 : vector<64x128xi1>, vector<64x128xi32>
    %gt3A_2694 = arith.cmpf ogt, %select_n3A_2669, %select_n3A_2688 : vector<64x128xf32>
    %eq3A_2695 = arith.cmpf oeq, %select_n3A_2669, %select_n3A_2688 : vector<64x128xf32>
    %lt3A_2696 = arith.cmpi slt, %select_n3A_2670, %select_n3A_2693 : vector<64x128xi32>
    %and3A_2697 = arith.andi %eq3A_2695, %lt3A_2696 : vector<64x128xi1>
    %or3A_2698 = arith.ori %gt3A_2694, %and3A_2697 : vector<64x128xi1>
    %eq3A_2699 = arith.xori %or3A_2698, %xor3A_2683 : vector<64x128xi1>
    %eq3A_2700 = arith.constant dense<true> : vector<64x128xi1>
    %eq3A_2701 = arith.xori %eq3A_2699, %eq3A_2700 : vector<64x128xi1>
    %select_n3A_2702 = arith.select %eq3A_2701, %select_n3A_2669, %select_n3A_2688 : vector<64x128xi1>, vector<64x128xf32>
    %select_n3A_2703 = arith.select %eq3A_2701, %select_n3A_2670, %select_n3A_2693 : vector<64x128xi1>, vector<64x128xi32>
    %and3A_2704 = arith.constant 256 : i32
    %and3A_2705 = vector.broadcast %and3A_2704 : i32 to vector<64x128xi32>
    %and3A_2706 = arith.andi %add3A, %and3A_2705 : vector<64x128xi32>
    %ne3A_2707 = arith.constant 0 : i32
    %ne3A_2708 = vector.broadcast %ne3A_2707 : i32 to vector<64x128xi32>
    %ne3A_2709 = arith.cmpi ne, %and3A_2706, %ne3A_2708 : vector<64x128xi32>
    %and3A_2710 = arith.constant 8192 : i32
    %and3A_2711 = vector.broadcast %and3A_2710 : i32 to vector<64x128xi32>
    %and3A_2712 = arith.andi %add3A, %and3A_2711 : vector<64x128xi32>
    %eq3A_2713 = arith.constant 0 : i32
    %eq3A_2714 = vector.broadcast %eq3A_2713 : i32 to vector<64x128xi32>
    %eq3A_2715 = arith.cmpi eq, %and3A_2712, %eq3A_2714 : vector<64x128xi32>
    %xor3A_2716 = arith.xori %eq3A_2715, %ne3A_2709 : vector<64x128xi1>
    %roll3A_2717 = arith.constant 2 : i32
    %roll3A_2718 = tpu.dynamic_rotate %select_n3A_2702 by %roll3A_2717 dim 0 : vector<64x128xf32>, i32 -> vector<64x128xf32>
    %roll3A_2719 = arith.constant 62 : i32
    %roll3A_2720 = tpu.dynamic_rotate %select_n3A_2702 by %roll3A_2719 dim 0 : vector<64x128xf32>, i32 -> vector<64x128xf32>
    %select_n3A_2721 = arith.select %ne3A_2709, %roll3A_2718, %roll3A_2720 : vector<64x128xi1>, vector<64x128xf32>
    %roll3A_2722 = arith.constant 2 : i32
    %roll3A_2723 = tpu.dynamic_rotate %select_n3A_2703 by %roll3A_2722 dim 0 : vector<64x128xi32>, i32 -> vector<64x128xi32>
    %roll3A_2724 = arith.constant 62 : i32
    %roll3A_2725 = tpu.dynamic_rotate %select_n3A_2703 by %roll3A_2724 dim 0 : vector<64x128xi32>, i32 -> vector<64x128xi32>
    %select_n3A_2726 = arith.select %ne3A_2709, %roll3A_2723, %roll3A_2725 : vector<64x128xi1>, vector<64x128xi32>
    %gt3A_2727 = arith.cmpf ogt, %select_n3A_2702, %select_n3A_2721 : vector<64x128xf32>
    %eq3A_2728 = arith.cmpf oeq, %select_n3A_2702, %select_n3A_2721 : vector<64x128xf32>
    %lt3A_2729 = arith.cmpi slt, %select_n3A_2703, %select_n3A_2726 : vector<64x128xi32>
    %and3A_2730 = arith.andi %eq3A_2728, %lt3A_2729 : vector<64x128xi1>
    %or3A_2731 = arith.ori %gt3A_2727, %and3A_2730 : vector<64x128xi1>
    %eq3A_2732 = arith.xori %or3A_2731, %xor3A_2716 : vector<64x128xi1>
    %eq3A_2733 = arith.constant dense<true> : vector<64x128xi1>
    %eq3A_2734 = arith.xori %eq3A_2732, %eq3A_2733 : vector<64x128xi1>
    %select_n3A_2735 = arith.select %eq3A_2734, %select_n3A_2702, %select_n3A_2721 : vector<64x128xi1>, vector<64x128xf32>
    %select_n3A_2736 = arith.select %eq3A_2734, %select_n3A_2703, %select_n3A_2726 : vector<64x128xi1>, vector<64x128xi32>
    %and3A_2737 = arith.constant 128 : i32
    %and3A_2738 = vector.broadcast %and3A_2737 : i32 to vector<64x128xi32>
    %and3A_2739 = arith.andi %add3A, %and3A_2738 : vector<64x128xi32>
    %ne3A_2740 = arith.constant 0 : i32
    %ne3A_2741 = vector.broadcast %ne3A_2740 : i32 to vector<64x128xi32>
    %ne3A_2742 = arith.cmpi ne, %and3A_2739, %ne3A_2741 : vector<64x128xi32>
    %and3A_2743 = arith.constant 8192 : i32
    %and3A_2744 = vector.broadcast %and3A_2743 : i32 to vector<64x128xi32>
    %and3A_2745 = arith.andi %add3A, %and3A_2744 : vector<64x128xi32>
    %eq3A_2746 = arith.constant 0 : i32
    %eq3A_2747 = vector.broadcast %eq3A_2746 : i32 to vector<64x128xi32>
    %eq3A_2748 = arith.cmpi eq, %and3A_2745, %eq3A_2747 : vector<64x128xi32>
    %xor3A_2749 = arith.xori %eq3A_2748, %ne3A_2742 : vector<64x128xi1>
    %roll3A_2750 = arith.constant 1 : i32
    %roll3A_2751 = tpu.dynamic_rotate %select_n3A_2735 by %roll3A_2750 dim 0 : vector<64x128xf32>, i32 -> vector<64x128xf32>
    %roll3A_2752 = arith.constant 63 : i32
    %roll3A_2753 = tpu.dynamic_rotate %select_n3A_2735 by %roll3A_2752 dim 0 : vector<64x128xf32>, i32 -> vector<64x128xf32>
    %select_n3A_2754 = arith.select %ne3A_2742, %roll3A_2751, %roll3A_2753 : vector<64x128xi1>, vector<64x128xf32>
    %roll3A_2755 = arith.constant 1 : i32
    %roll3A_2756 = tpu.dynamic_rotate %select_n3A_2736 by %roll3A_2755 dim 0 : vector<64x128xi32>, i32 -> vector<64x128xi32>
    %roll3A_2757 = arith.constant 63 : i32
    %roll3A_2758 = tpu.dynamic_rotate %select_n3A_2736 by %roll3A_2757 dim 0 : vector<64x128xi32>, i32 -> vector<64x128xi32>
    %select_n3A_2759 = arith.select %ne3A_2742, %roll3A_2756, %roll3A_2758 : vector<64x128xi1>, vector<64x128xi32>
    %gt3A_2760 = arith.cmpf ogt, %select_n3A_2735, %select_n3A_2754 : vector<64x128xf32>
    %eq3A_2761 = arith.cmpf oeq, %select_n3A_2735, %select_n3A_2754 : vector<64x128xf32>
    %lt3A_2762 = arith.cmpi slt, %select_n3A_2736, %select_n3A_2759 : vector<64x128xi32>
    %and3A_2763 = arith.andi %eq3A_2761, %lt3A_2762 : vector<64x128xi1>
    %or3A_2764 = arith.ori %gt3A_2760, %and3A_2763 : vector<64x128xi1>
    %eq3A_2765 = arith.xori %or3A_2764, %xor3A_2749 : vector<64x128xi1>
    %eq3A_2766 = arith.constant dense<true> : vector<64x128xi1>
    %eq3A_2767 = arith.xori %eq3A_2765, %eq3A_2766 : vector<64x128xi1>
    %select_n3A_2768 = arith.select %eq3A_2767, %select_n3A_2735, %select_n3A_2754 : vector<64x128xi1>, vector<64x128xf32>
    %select_n3A_2769 = arith.select %eq3A_2767, %select_n3A_2736, %select_n3A_2759 : vector<64x128xi1>, vector<64x128xi32>
    %and3A_2770 = arith.constant 64 : i32
    %and3A_2771 = vector.broadcast %and3A_2770 : i32 to vector<64x128xi32>
    %and3A_2772 = arith.andi %add3A, %and3A_2771 : vector<64x128xi32>
    %ne3A_2773 = arith.constant 0 : i32
    %ne3A_2774 = vector.broadcast %ne3A_2773 : i32 to vector<64x128xi32>
    %ne3A_2775 = arith.cmpi ne, %and3A_2772, %ne3A_2774 : vector<64x128xi32>
    %and3A_2776 = arith.constant 8192 : i32
    %and3A_2777 = vector.broadcast %and3A_2776 : i32 to vector<64x128xi32>
    %and3A_2778 = arith.andi %add3A, %and3A_2777 : vector<64x128xi32>
    %eq3A_2779 = arith.constant 0 : i32
    %eq3A_2780 = vector.broadcast %eq3A_2779 : i32 to vector<64x128xi32>
    %eq3A_2781 = arith.cmpi eq, %and3A_2778, %eq3A_2780 : vector<64x128xi32>
    %xor3A_2782 = arith.xori %eq3A_2781, %ne3A_2775 : vector<64x128xi1>
    %roll3A_2783 = arith.constant 64 : i32
    %roll3A_2784 = tpu.dynamic_rotate %select_n3A_2768 by %roll3A_2783 dim 1 : vector<64x128xf32>, i32 -> vector<64x128xf32>
    %roll3A_2785 = arith.constant 64 : i32
    %roll3A_2786 = tpu.dynamic_rotate %select_n3A_2768 by %roll3A_2785 dim 1 : vector<64x128xf32>, i32 -> vector<64x128xf32>
    %select_n3A_2787 = arith.select %ne3A_2775, %roll3A_2784, %roll3A_2786 : vector<64x128xi1>, vector<64x128xf32>
    %roll3A_2788 = arith.constant 64 : i32
    %roll3A_2789 = tpu.dynamic_rotate %select_n3A_2769 by %roll3A_2788 dim 1 : vector<64x128xi32>, i32 -> vector<64x128xi32>
    %roll3A_2790 = arith.constant 64 : i32
    %roll3A_2791 = tpu.dynamic_rotate %select_n3A_2769 by %roll3A_2790 dim 1 : vector<64x128xi32>, i32 -> vector<64x128xi32>
    %select_n3A_2792 = arith.select %ne3A_2775, %roll3A_2789, %roll3A_2791 : vector<64x128xi1>, vector<64x128xi32>
    %gt3A_2793 = arith.cmpf ogt, %select_n3A_2768, %select_n3A_2787 : vector<64x128xf32>
    %eq3A_2794 = arith.cmpf oeq, %select_n3A_2768, %select_n3A_2787 : vector<64x128xf32>
    %lt3A_2795 = arith.cmpi slt, %select_n3A_2769, %select_n3A_2792 : vector<64x128xi32>
    %and3A_2796 = arith.andi %eq3A_2794, %lt3A_2795 : vector<64x128xi1>
    %or3A_2797 = arith.ori %gt3A_2793, %and3A_2796 : vector<64x128xi1>
    %eq3A_2798 = arith.xori %or3A_2797, %xor3A_2782 : vector<64x128xi1>
    %eq3A_2799 = arith.constant dense<true> : vector<64x128xi1>
    %eq3A_2800 = arith.xori %eq3A_2798, %eq3A_2799 : vector<64x128xi1>
    %select_n3A_2801 = arith.select %eq3A_2800, %select_n3A_2768, %select_n3A_2787 : vector<64x128xi1>, vector<64x128xf32>
    %select_n3A_2802 = arith.select %eq3A_2800, %select_n3A_2769, %select_n3A_2792 : vector<64x128xi1>, vector<64x128xi32>
    %and3A_2803 = arith.constant 32 : i32
    %and3A_2804 = vector.broadcast %and3A_2803 : i32 to vector<64x128xi32>
    %and3A_2805 = arith.andi %add3A, %and3A_2804 : vector<64x128xi32>
    %ne3A_2806 = arith.constant 0 : i32
    %ne3A_2807 = vector.broadcast %ne3A_2806 : i32 to vector<64x128xi32>
    %ne3A_2808 = arith.cmpi ne, %and3A_2805, %ne3A_2807 : vector<64x128xi32>
    %and3A_2809 = arith.constant 8192 : i32
    %and3A_2810 = vector.broadcast %and3A_2809 : i32 to vector<64x128xi32>
    %and3A_2811 = arith.andi %add3A, %and3A_2810 : vector<64x128xi32>
    %eq3A_2812 = arith.constant 0 : i32
    %eq3A_2813 = vector.broadcast %eq3A_2812 : i32 to vector<64x128xi32>
    %eq3A_2814 = arith.cmpi eq, %and3A_2811, %eq3A_2813 : vector<64x128xi32>
    %xor3A_2815 = arith.xori %eq3A_2814, %ne3A_2808 : vector<64x128xi1>
    %roll3A_2816 = arith.constant 32 : i32
    %roll3A_2817 = tpu.dynamic_rotate %select_n3A_2801 by %roll3A_2816 dim 1 : vector<64x128xf32>, i32 -> vector<64x128xf32>
    %roll3A_2818 = arith.constant 96 : i32
    %roll3A_2819 = tpu.dynamic_rotate %select_n3A_2801 by %roll3A_2818 dim 1 : vector<64x128xf32>, i32 -> vector<64x128xf32>
    %select_n3A_2820 = arith.select %ne3A_2808, %roll3A_2817, %roll3A_2819 : vector<64x128xi1>, vector<64x128xf32>
    %roll3A_2821 = arith.constant 32 : i32
    %roll3A_2822 = tpu.dynamic_rotate %select_n3A_2802 by %roll3A_2821 dim 1 : vector<64x128xi32>, i32 -> vector<64x128xi32>
    %roll3A_2823 = arith.constant 96 : i32
    %roll3A_2824 = tpu.dynamic_rotate %select_n3A_2802 by %roll3A_2823 dim 1 : vector<64x128xi32>, i32 -> vector<64x128xi32>
    %select_n3A_2825 = arith.select %ne3A_2808, %roll3A_2822, %roll3A_2824 : vector<64x128xi1>, vector<64x128xi32>
    %gt3A_2826 = arith.cmpf ogt, %select_n3A_2801, %select_n3A_2820 : vector<64x128xf32>
    %eq3A_2827 = arith.cmpf oeq, %select_n3A_2801, %select_n3A_2820 : vector<64x128xf32>
    %lt3A_2828 = arith.cmpi slt, %select_n3A_2802, %select_n3A_2825 : vector<64x128xi32>
    %and3A_2829 = arith.andi %eq3A_2827, %lt3A_2828 : vector<64x128xi1>
    %or3A_2830 = arith.ori %gt3A_2826, %and3A_2829 : vector<64x128xi1>
    %eq3A_2831 = arith.xori %or3A_2830, %xor3A_2815 : vector<64x128xi1>
    %eq3A_2832 = arith.constant dense<true> : vector<64x128xi1>
    %eq3A_2833 = arith.xori %eq3A_2831, %eq3A_2832 : vector<64x128xi1>
    %select_n3A_2834 = arith.select %eq3A_2833, %select_n3A_2801, %select_n3A_2820 : vector<64x128xi1>, vector<64x128xf32>
    %select_n3A_2835 = arith.select %eq3A_2833, %select_n3A_2802, %select_n3A_2825 : vector<64x128xi1>, vector<64x128xi32>
    %and3A_2836 = arith.constant 16 : i32
    %and3A_2837 = vector.broadcast %and3A_2836 : i32 to vector<64x128xi32>
    %and3A_2838 = arith.andi %add3A, %and3A_2837 : vector<64x128xi32>
    %ne3A_2839 = arith.constant 0 : i32
    %ne3A_2840 = vector.broadcast %ne3A_2839 : i32 to vector<64x128xi32>
    %ne3A_2841 = arith.cmpi ne, %and3A_2838, %ne3A_2840 : vector<64x128xi32>
    %and3A_2842 = arith.constant 8192 : i32
    %and3A_2843 = vector.broadcast %and3A_2842 : i32 to vector<64x128xi32>
    %and3A_2844 = arith.andi %add3A, %and3A_2843 : vector<64x128xi32>
    %eq3A_2845 = arith.constant 0 : i32
    %eq3A_2846 = vector.broadcast %eq3A_2845 : i32 to vector<64x128xi32>
    %eq3A_2847 = arith.cmpi eq, %and3A_2844, %eq3A_2846 : vector<64x128xi32>
    %xor3A_2848 = arith.xori %eq3A_2847, %ne3A_2841 : vector<64x128xi1>
    %roll3A_2849 = arith.constant 16 : i32
    %roll3A_2850 = tpu.dynamic_rotate %select_n3A_2834 by %roll3A_2849 dim 1 : vector<64x128xf32>, i32 -> vector<64x128xf32>
    %roll3A_2851 = arith.constant 112 : i32
    %roll3A_2852 = tpu.dynamic_rotate %select_n3A_2834 by %roll3A_2851 dim 1 : vector<64x128xf32>, i32 -> vector<64x128xf32>
    %select_n3A_2853 = arith.select %ne3A_2841, %roll3A_2850, %roll3A_2852 : vector<64x128xi1>, vector<64x128xf32>
    %roll3A_2854 = arith.constant 16 : i32
    %roll3A_2855 = tpu.dynamic_rotate %select_n3A_2835 by %roll3A_2854 dim 1 : vector<64x128xi32>, i32 -> vector<64x128xi32>
    %roll3A_2856 = arith.constant 112 : i32
    %roll3A_2857 = tpu.dynamic_rotate %select_n3A_2835 by %roll3A_2856 dim 1 : vector<64x128xi32>, i32 -> vector<64x128xi32>
    %select_n3A_2858 = arith.select %ne3A_2841, %roll3A_2855, %roll3A_2857 : vector<64x128xi1>, vector<64x128xi32>
    %gt3A_2859 = arith.cmpf ogt, %select_n3A_2834, %select_n3A_2853 : vector<64x128xf32>
    %eq3A_2860 = arith.cmpf oeq, %select_n3A_2834, %select_n3A_2853 : vector<64x128xf32>
    %lt3A_2861 = arith.cmpi slt, %select_n3A_2835, %select_n3A_2858 : vector<64x128xi32>
    %and3A_2862 = arith.andi %eq3A_2860, %lt3A_2861 : vector<64x128xi1>
    %or3A_2863 = arith.ori %gt3A_2859, %and3A_2862 : vector<64x128xi1>
    %eq3A_2864 = arith.xori %or3A_2863, %xor3A_2848 : vector<64x128xi1>
    %eq3A_2865 = arith.constant dense<true> : vector<64x128xi1>
    %eq3A_2866 = arith.xori %eq3A_2864, %eq3A_2865 : vector<64x128xi1>
    %select_n3A_2867 = arith.select %eq3A_2866, %select_n3A_2834, %select_n3A_2853 : vector<64x128xi1>, vector<64x128xf32>
    %select_n3A_2868 = arith.select %eq3A_2866, %select_n3A_2835, %select_n3A_2858 : vector<64x128xi1>, vector<64x128xi32>
    %and3A_2869 = arith.constant 8 : i32
    %and3A_2870 = vector.broadcast %and3A_2869 : i32 to vector<64x128xi32>
    %and3A_2871 = arith.andi %add3A, %and3A_2870 : vector<64x128xi32>
    %ne3A_2872 = arith.constant 0 : i32
    %ne3A_2873 = vector.broadcast %ne3A_2872 : i32 to vector<64x128xi32>
    %ne3A_2874 = arith.cmpi ne, %and3A_2871, %ne3A_2873 : vector<64x128xi32>
    %and3A_2875 = arith.constant 8192 : i32
    %and3A_2876 = vector.broadcast %and3A_2875 : i32 to vector<64x128xi32>
    %and3A_2877 = arith.andi %add3A, %and3A_2876 : vector<64x128xi32>
    %eq3A_2878 = arith.constant 0 : i32
    %eq3A_2879 = vector.broadcast %eq3A_2878 : i32 to vector<64x128xi32>
    %eq3A_2880 = arith.cmpi eq, %and3A_2877, %eq3A_2879 : vector<64x128xi32>
    %xor3A_2881 = arith.xori %eq3A_2880, %ne3A_2874 : vector<64x128xi1>
    %roll3A_2882 = arith.constant 8 : i32
    %roll3A_2883 = tpu.dynamic_rotate %select_n3A_2867 by %roll3A_2882 dim 1 : vector<64x128xf32>, i32 -> vector<64x128xf32>
    %roll3A_2884 = arith.constant 120 : i32
    %roll3A_2885 = tpu.dynamic_rotate %select_n3A_2867 by %roll3A_2884 dim 1 : vector<64x128xf32>, i32 -> vector<64x128xf32>
    %select_n3A_2886 = arith.select %ne3A_2874, %roll3A_2883, %roll3A_2885 : vector<64x128xi1>, vector<64x128xf32>
    %roll3A_2887 = arith.constant 8 : i32
    %roll3A_2888 = tpu.dynamic_rotate %select_n3A_2868 by %roll3A_2887 dim 1 : vector<64x128xi32>, i32 -> vector<64x128xi32>
    %roll3A_2889 = arith.constant 120 : i32
    %roll3A_2890 = tpu.dynamic_rotate %select_n3A_2868 by %roll3A_2889 dim 1 : vector<64x128xi32>, i32 -> vector<64x128xi32>
    %select_n3A_2891 = arith.select %ne3A_2874, %roll3A_2888, %roll3A_2890 : vector<64x128xi1>, vector<64x128xi32>
    %gt3A_2892 = arith.cmpf ogt, %select_n3A_2867, %select_n3A_2886 : vector<64x128xf32>
    %eq3A_2893 = arith.cmpf oeq, %select_n3A_2867, %select_n3A_2886 : vector<64x128xf32>
    %lt3A_2894 = arith.cmpi slt, %select_n3A_2868, %select_n3A_2891 : vector<64x128xi32>
    %and3A_2895 = arith.andi %eq3A_2893, %lt3A_2894 : vector<64x128xi1>
    %or3A_2896 = arith.ori %gt3A_2892, %and3A_2895 : vector<64x128xi1>
    %eq3A_2897 = arith.xori %or3A_2896, %xor3A_2881 : vector<64x128xi1>
    %eq3A_2898 = arith.constant dense<true> : vector<64x128xi1>
    %eq3A_2899 = arith.xori %eq3A_2897, %eq3A_2898 : vector<64x128xi1>
    %select_n3A_2900 = arith.select %eq3A_2899, %select_n3A_2867, %select_n3A_2886 : vector<64x128xi1>, vector<64x128xf32>
    %select_n3A_2901 = arith.select %eq3A_2899, %select_n3A_2868, %select_n3A_2891 : vector<64x128xi1>, vector<64x128xi32>
    %and3A_2902 = arith.constant 4 : i32
    %and3A_2903 = vector.broadcast %and3A_2902 : i32 to vector<64x128xi32>
    %and3A_2904 = arith.andi %add3A, %and3A_2903 : vector<64x128xi32>
    %ne3A_2905 = arith.constant 0 : i32
    %ne3A_2906 = vector.broadcast %ne3A_2905 : i32 to vector<64x128xi32>
    %ne3A_2907 = arith.cmpi ne, %and3A_2904, %ne3A_2906 : vector<64x128xi32>
    %and3A_2908 = arith.constant 8192 : i32
    %and3A_2909 = vector.broadcast %and3A_2908 : i32 to vector<64x128xi32>
    %and3A_2910 = arith.andi %add3A, %and3A_2909 : vector<64x128xi32>
    %eq3A_2911 = arith.constant 0 : i32
    %eq3A_2912 = vector.broadcast %eq3A_2911 : i32 to vector<64x128xi32>
    %eq3A_2913 = arith.cmpi eq, %and3A_2910, %eq3A_2912 : vector<64x128xi32>
    %xor3A_2914 = arith.xori %eq3A_2913, %ne3A_2907 : vector<64x128xi1>
    %roll3A_2915 = arith.constant 4 : i32
    %roll3A_2916 = tpu.dynamic_rotate %select_n3A_2900 by %roll3A_2915 dim 1 : vector<64x128xf32>, i32 -> vector<64x128xf32>
    %roll3A_2917 = arith.constant 124 : i32
    %roll3A_2918 = tpu.dynamic_rotate %select_n3A_2900 by %roll3A_2917 dim 1 : vector<64x128xf32>, i32 -> vector<64x128xf32>
    %select_n3A_2919 = arith.select %ne3A_2907, %roll3A_2916, %roll3A_2918 : vector<64x128xi1>, vector<64x128xf32>
    %roll3A_2920 = arith.constant 4 : i32
    %roll3A_2921 = tpu.dynamic_rotate %select_n3A_2901 by %roll3A_2920 dim 1 : vector<64x128xi32>, i32 -> vector<64x128xi32>
    %roll3A_2922 = arith.constant 124 : i32
    %roll3A_2923 = tpu.dynamic_rotate %select_n3A_2901 by %roll3A_2922 dim 1 : vector<64x128xi32>, i32 -> vector<64x128xi32>
    %select_n3A_2924 = arith.select %ne3A_2907, %roll3A_2921, %roll3A_2923 : vector<64x128xi1>, vector<64x128xi32>
    %gt3A_2925 = arith.cmpf ogt, %select_n3A_2900, %select_n3A_2919 : vector<64x128xf32>
    %eq3A_2926 = arith.cmpf oeq, %select_n3A_2900, %select_n3A_2919 : vector<64x128xf32>
    %lt3A_2927 = arith.cmpi slt, %select_n3A_2901, %select_n3A_2924 : vector<64x128xi32>
    %and3A_2928 = arith.andi %eq3A_2926, %lt3A_2927 : vector<64x128xi1>
    %or3A_2929 = arith.ori %gt3A_2925, %and3A_2928 : vector<64x128xi1>
    %eq3A_2930 = arith.xori %or3A_2929, %xor3A_2914 : vector<64x128xi1>
    %eq3A_2931 = arith.constant dense<true> : vector<64x128xi1>
    %eq3A_2932 = arith.xori %eq3A_2930, %eq3A_2931 : vector<64x128xi1>
    %select_n3A_2933 = arith.select %eq3A_2932, %select_n3A_2900, %select_n3A_2919 : vector<64x128xi1>, vector<64x128xf32>
    %select_n3A_2934 = arith.select %eq3A_2932, %select_n3A_2901, %select_n3A_2924 : vector<64x128xi1>, vector<64x128xi32>
    %and3A_2935 = arith.constant 2 : i32
    %and3A_2936 = vector.broadcast %and3A_2935 : i32 to vector<64x128xi32>
    %and3A_2937 = arith.andi %add3A, %and3A_2936 : vector<64x128xi32>
    %ne3A_2938 = arith.constant 0 : i32
    %ne3A_2939 = vector.broadcast %ne3A_2938 : i32 to vector<64x128xi32>
    %ne3A_2940 = arith.cmpi ne, %and3A_2937, %ne3A_2939 : vector<64x128xi32>
    %and3A_2941 = arith.constant 8192 : i32
    %and3A_2942 = vector.broadcast %and3A_2941 : i32 to vector<64x128xi32>
    %and3A_2943 = arith.andi %add3A, %and3A_2942 : vector<64x128xi32>
    %eq3A_2944 = arith.constant 0 : i32
    %eq3A_2945 = vector.broadcast %eq3A_2944 : i32 to vector<64x128xi32>
    %eq3A_2946 = arith.cmpi eq, %and3A_2943, %eq3A_2945 : vector<64x128xi32>
    %xor3A_2947 = arith.xori %eq3A_2946, %ne3A_2940 : vector<64x128xi1>
    %roll3A_2948 = arith.constant 2 : i32
    %roll3A_2949 = tpu.dynamic_rotate %select_n3A_2933 by %roll3A_2948 dim 1 : vector<64x128xf32>, i32 -> vector<64x128xf32>
    %roll3A_2950 = arith.constant 126 : i32
    %roll3A_2951 = tpu.dynamic_rotate %select_n3A_2933 by %roll3A_2950 dim 1 : vector<64x128xf32>, i32 -> vector<64x128xf32>
    %select_n3A_2952 = arith.select %ne3A_2940, %roll3A_2949, %roll3A_2951 : vector<64x128xi1>, vector<64x128xf32>
    %roll3A_2953 = arith.constant 2 : i32
    %roll3A_2954 = tpu.dynamic_rotate %select_n3A_2934 by %roll3A_2953 dim 1 : vector<64x128xi32>, i32 -> vector<64x128xi32>
    %roll3A_2955 = arith.constant 126 : i32
    %roll3A_2956 = tpu.dynamic_rotate %select_n3A_2934 by %roll3A_2955 dim 1 : vector<64x128xi32>, i32 -> vector<64x128xi32>
    %select_n3A_2957 = arith.select %ne3A_2940, %roll3A_2954, %roll3A_2956 : vector<64x128xi1>, vector<64x128xi32>
    %gt3A_2958 = arith.cmpf ogt, %select_n3A_2933, %select_n3A_2952 : vector<64x128xf32>
    %eq3A_2959 = arith.cmpf oeq, %select_n3A_2933, %select_n3A_2952 : vector<64x128xf32>
    %lt3A_2960 = arith.cmpi slt, %select_n3A_2934, %select_n3A_2957 : vector<64x128xi32>
    %and3A_2961 = arith.andi %eq3A_2959, %lt3A_2960 : vector<64x128xi1>
    %or3A_2962 = arith.ori %gt3A_2958, %and3A_2961 : vector<64x128xi1>
    %eq3A_2963 = arith.xori %or3A_2962, %xor3A_2947 : vector<64x128xi1>
    %eq3A_2964 = arith.constant dense<true> : vector<64x128xi1>
    %eq3A_2965 = arith.xori %eq3A_2963, %eq3A_2964 : vector<64x128xi1>
    %select_n3A_2966 = arith.select %eq3A_2965, %select_n3A_2933, %select_n3A_2952 : vector<64x128xi1>, vector<64x128xf32>
    %select_n3A_2967 = arith.select %eq3A_2965, %select_n3A_2934, %select_n3A_2957 : vector<64x128xi1>, vector<64x128xi32>
    %and3A_2968 = arith.constant 1 : i32
    %and3A_2969 = vector.broadcast %and3A_2968 : i32 to vector<64x128xi32>
    %and3A_2970 = arith.andi %add3A, %and3A_2969 : vector<64x128xi32>
    %ne3A_2971 = arith.constant 0 : i32
    %ne3A_2972 = vector.broadcast %ne3A_2971 : i32 to vector<64x128xi32>
    %ne3A_2973 = arith.cmpi ne, %and3A_2970, %ne3A_2972 : vector<64x128xi32>
    %and3A_2974 = arith.constant 8192 : i32
    %and3A_2975 = vector.broadcast %and3A_2974 : i32 to vector<64x128xi32>
    %and3A_2976 = arith.andi %add3A, %and3A_2975 : vector<64x128xi32>
    %eq3A_2977 = arith.constant 0 : i32
    %eq3A_2978 = vector.broadcast %eq3A_2977 : i32 to vector<64x128xi32>
    %eq3A_2979 = arith.cmpi eq, %and3A_2976, %eq3A_2978 : vector<64x128xi32>
    %xor3A_2980 = arith.xori %eq3A_2979, %ne3A_2973 : vector<64x128xi1>
    %roll3A_2981 = arith.constant 1 : i32
    %roll3A_2982 = tpu.dynamic_rotate %select_n3A_2966 by %roll3A_2981 dim 1 : vector<64x128xf32>, i32 -> vector<64x128xf32>
    %roll3A_2983 = arith.constant 127 : i32
    %roll3A_2984 = tpu.dynamic_rotate %select_n3A_2966 by %roll3A_2983 dim 1 : vector<64x128xf32>, i32 -> vector<64x128xf32>
    %select_n3A_2985 = arith.select %ne3A_2973, %roll3A_2982, %roll3A_2984 : vector<64x128xi1>, vector<64x128xf32>
    %roll3A_2986 = arith.constant 1 : i32
    %roll3A_2987 = tpu.dynamic_rotate %select_n3A_2967 by %roll3A_2986 dim 1 : vector<64x128xi32>, i32 -> vector<64x128xi32>
    %roll3A_2988 = arith.constant 127 : i32
    %roll3A_2989 = tpu.dynamic_rotate %select_n3A_2967 by %roll3A_2988 dim 1 : vector<64x128xi32>, i32 -> vector<64x128xi32>
    %select_n3A_2990 = arith.select %ne3A_2973, %roll3A_2987, %roll3A_2989 : vector<64x128xi1>, vector<64x128xi32>
    %gt3A_2991 = arith.cmpf ogt, %select_n3A_2966, %select_n3A_2985 : vector<64x128xf32>
    %eq3A_2992 = arith.cmpf oeq, %select_n3A_2966, %select_n3A_2985 : vector<64x128xf32>
    %lt3A_2993 = arith.cmpi slt, %select_n3A_2967, %select_n3A_2990 : vector<64x128xi32>
    %and3A_2994 = arith.andi %eq3A_2992, %lt3A_2993 : vector<64x128xi1>
    %or3A_2995 = arith.ori %gt3A_2991, %and3A_2994 : vector<64x128xi1>
    %eq3A_2996 = arith.xori %or3A_2995, %xor3A_2980 : vector<64x128xi1>
    %eq3A_2997 = arith.constant dense<true> : vector<64x128xi1>
    %eq3A_2998 = arith.xori %eq3A_2996, %eq3A_2997 : vector<64x128xi1>
    %select_n3A_2999 = arith.select %eq3A_2998, %select_n3A_2966, %select_n3A_2985 : vector<64x128xi1>, vector<64x128xf32>
    %select_n3A_3000 = arith.select %eq3A_2998, %select_n3A_2967, %select_n3A_2990 : vector<64x128xi1>, vector<64x128xi32>
    %swap3A = arith.constant 0 : index
    %swap3A_3001 = arith.constant 0 : index
    %swap3A_3002 = arith.constant 0 : index
    %swap3A_3003 = vector.load %arg2[%swap3A, %swap3A_3001, %swap3A_3002] : memref<1x64x128xi32, #tpu.memory_space<vmem>>, vector<1x64x128xi32>
    %swap3A_3004 = vector.shape_cast %swap3A_3003 : vector<1x64x128xi32> to vector<64x128xi32>
    %swap3A_3005 = vector.shape_cast %select_n3A_3000 : vector<64x128xi32> to vector<1x64x128xi32>
    tpu.vector_store %arg2[%swap3A, %swap3A_3001, %swap3A_3002], %swap3A_3005 {strides = array<i32>} : memref<1x64x128xi32, #tpu.memory_space<vmem>>, vector<1x64x128xi32>,
    %custom_jvp_call3A = arith.constant 0.000000e+00 : f32
    %max3A = vector.broadcast %custom_jvp_call3A : f32 to vector<64x128xf32>
    %max3A_3006 = arith.maximumf %select_n3A_2999, %max3A : vector<64x128xf32>
    %sub3A = vector.broadcast %custom_jvp_call3A : f32 to vector<64x128xf32>
    %sub3A_3007 = arith.subf %select_n3A_2999, %sub3A : vector<64x128xf32>
    %ne3A_3008 = arith.cmpf one, %sub3A_3007, %sub3A_3007 : vector<64x128xf32>
    %add3A_3009 = vector.broadcast %custom_jvp_call3A : f32 to vector<64x128xf32>
    %add3A_3010 = arith.addf %select_n3A_2999, %add3A_3009 : vector<64x128xf32>
    %abs3A = math.absf %sub3A_3007 : vector<64x128xf32>
    %neg3A = arith.constant 0.000000e+00 : f32
    %neg3A_3011 = vector.broadcast %neg3A : f32 to vector<64x128xf32>
    %neg3A_3012 = arith.subf %neg3A_3011, %abs3A : vector<64x128xf32>
    %exp3A = math.exp %neg3A_3012 : vector<64x128xf32>
    %log1p3A = math.log1p %exp3A : vector<64x128xf32>
    %add3A_3013 = arith.addf %max3A_3006, %log1p3A : vector<64x128xf32>
    %select_n3A_3014 = arith.select %ne3A_3008, %add3A_3010, %add3A_3013 : vector<64x128xi1>, vector<64x128xf32>
    %swap3A_3015 = arith.constant 0 : index
    %swap3A_3016 = arith.constant 0 : index
    %swap3A_3017 = arith.constant 0 : index
    %swap3A_3018 = vector.load %arg3[%swap3A_3015, %swap3A_3016, %swap3A_3017] : memref<1x64x128xf32, #tpu.memory_space<vmem>>, vector<1x64x128xf32>
    %swap3A_3019 = vector.shape_cast %swap3A_3018 : vector<1x64x128xf32> to vector<64x128xf32>
    %swap3A_3020 = vector.shape_cast %select_n3A_3014 : vector<64x128xf32> to vector<1x64x128xf32>
    tpu.vector_store %arg3[%swap3A_3015, %swap3A_3016, %swap3A_3017], %swap3A_3020 {strides = array<i32>} : memref<1x64x128xf32, #tpu.memory_space<vmem>>, vector<1x64x128xf32>,
    return
  }
  func.func @transform_0(%arg0: i32) -> (i32, i32, i32) {
    %c0_i32 = arith.constant 0 : i32
    %c0_i32_0 = arith.constant 0 : i32
    %c0_i32_1 = arith.constant 0 : i32
    return %arg0, %c0_i32, %c0_i32_0 : i32, i32, i32
  }
  func.func @transform_1(%arg0: i32) -> (i32, i32, i32) {
    %c0_i32 = arith.constant 0 : i32
    %c0_i32_0 = arith.constant 0 : i32
    %c0_i32_1 = arith.constant 0 : i32
    return %arg0, %c0_i32, %c0_i32_0 : i32, i32, i32
  }
  func.func @transform_2(%arg0: i32) -> (i32, i32, i32) {
    %c0_i32 = arith.constant 0 : i32
    %c0_i32_0 = arith.constant 0 : i32
    %c0_i32_1 = arith.constant 0 : i32
    return %arg0, %c0_i32, %c0_i32_0 : i32, i32, i32
  }
}

</mosaic_0001>

<sc_bundles>
// kernel: gather_offload_async_start.1
scs
__scs_entry_jumppad:
0x0: {  	(pc) =	sbr.rel $0x88, $3  }
0x1: {  	(tag) =	ssettag $0x0;
	lr =	simm.s32 $0x1  }
0x2: {  	[smem:$0x3F9C] =	sst lr;
	_ =	strace $0xD0000000  }
0x3: {  	_ = 	snop  }
0x4: {  	_ = 	snop  }
0x5: {  	_ = 	snop  }
0x6: {  	_ = 	snop  }
0x7: {  	_ = 	snop  }
__scs_overlays_trampoline_lowered:
0x8: {  	[smem:$0x3FAB] =	sst s0  }
0x9: {  	[smem:$0x3FAC] =	sst s1  }
0xa: {  	[smem:$0x3FAD] =	sst s2  }
0xb: {  	[smem:$0x3FAE] =	sst s3  }
0xc: {  	[smem:$0x3FAF] =	sst s4  }
0xd: {  	[smem:$0x3FB0] =	sst s5  }
0xe: {  	[smem:$0x3FB1] =	sst s6  }
0xf: {  	[smem:$0x3FB2] =	sst s7  }
0x10: {  	[smem:$0x3FB3] =	sst s8  }
0x11: {  	[smem:$0x3FB4] =	sst s9;
	s0 =	simm.s32 @!p0 $0x0  }
0x12: {  	s1 =	sld [smem:$0x3F9A];
	s0 =	simm.s32 @p0 $0x1  }
0x13: {  	[smem:$0x3FB5] =	sst s0;
	s0 =	simm.s32 @!p1 $0x0  }
0x14: {  	s2 =	sld [smem:$0x3F99];
	s0 =	simm.s32 @p1 $0x1  }
0x15: {  	[smem:$0x3FB6] =	sst s0;
	s0 =	simm.s32 @!p2 $0x0  }
0x16: {  	s3 =	sld [smem:$0x3FDB];
	s0 =	simm.s32 @p2 $0x1  }
0x17: {  	s4 =	simm.s32 $0x1BF5;
	[smem:$0x3FB8] =	sst s0  }
0x18: {  	s0 =	sld [smem:$0x3F9B];
	_ =	swait.ge [sflag:s4], $0x0  }
0x19: {  	s7 =	sld [smem:$0x3F9C]  }
0x1a: {  	s8 =	sadd.s32 $0xFFFFE003, lr  }
0x1b: {  	s9 =	sadd.s32 $0xFFFFFEF7, lr;
	s5 =	simm.s32 $0xFFFFFFFF;
	p2 =	slt.u32 s8, $0xFFFFF086  }
0x1c: {  	p1 =	slt.u32 s9, $0xF7A;
	s5 =	simm.s32 @!p2 $0x0  }
0x1d: {  	s5 =	simm.s32 @p1 $0x1;
	p0 =	seq.s32 s7, s2  }
0x1e: {  	s7 =	smul.u32 @!p0 $0xF7A, s2;
	p2 =	seq.s32 @!p0 s5, $0x0  }
0x1f: {  	s9 =	smul.u32 $0xF7A, s1;
	s8 =	simm.s32 @!p0 $0x1BF5;
	p2 =	por !p2, p0  }
0x20: {  	[sflag:s8] =	ssyncset.s32 @!p0 $0xFFFFF086;
	s6 =	sadd.s32 @!p0 s3, s7;
	s7 =	simm.s32 @!p0 $0x108  }
0x21: {  	s3 =	sadd.s32 s3, s9;
	s6 =	sadd.s32 @!p0 $0x88, s6;
	s7 =	simm.s32 @p2 $0x1082  }
0x22: {  	[simem:s7], [sflag:s8] =	dma.local @!p0 [hbm:s6], $0xF7A  }
0x23: {  	s9 =	sor.u32 $0xD0000000, s2;
	s6 =	simm.s32 $0x108;
	_ =	swait.ge @!p0 [sflag:s8], $0x0  }
0x24: {  	s3 =	sadd.s32 $0x88, s3;
	s6 =	simm.s32 @!p1 $0x1082;
	[sflag:s4] =	ssyncset.s32 $0xFFFFF086  }
0x25: {  	[simem:s6], [sflag:s4] =	dma.local [hbm:s3], $0xF7A  }
0x26: {  	[smem:$0x3F9C] =	sst s1;
	(tag) =	ssettag s2;
	_ =	strace s9  }
0x27: {  	s1 =	sld [smem:$0x3FAC]  }
0x28: {  	s2 =	sld [smem:$0x3FAD]  }
0x29: {  	s4 =	sld [smem:$0x3FAF]  }
0x2a: {  	p0 =	seq.s32 s5, $0x0;
	s5 =	sld [smem:$0x3FB0]  }
0x2b: {  	s6 =	sld [smem:$0x3FB1]  }
0x2c: {  	s7 =	sld [smem:$0x3FB2]  }
0x2d: {  	s3 =	simm.s32 $0x108;
	s8 =	sld [smem:$0x3FB3]  }
0x2e: {  	s3 =	simm.s32 @!p0 $0x1082;
	s9 =	sld [smem:$0x3FB4]  }
0x2f: {  	lr =	sadd.s32 s0, s3;
	s0 =	sld [smem:$0x3FAB]  }
0x30: {  	s3 =	sld [smem:$0x3FAE]  }
0x31: {  	[smem:$0x3FB7] =	sst s10  }
0x32: {  	s10 =	sld [smem:$0x3FB5];
	_ =	sdelay $0x3  }
0x33: {  	p0 =	seq.s32 s10, $0x1;
	s10 =	sld [smem:$0x3FB7];
	_ =	sdelay $0x3  }
0x34: {  	[smem:$0x3FB7] =	sst s10  }
0x35: {  	s10 =	sld [smem:$0x3FB6];
	_ =	sdelay $0x3  }
0x36: {  	p1 =	seq.s32 s10, $0x1;
	s10 =	sld [smem:$0x3FB7];
	_ =	sdelay $0x3  }
0x37: {  	[smem:$0x3FB7] =	sst s10  }
0x38: {  	s10 =	sld [smem:$0x3FB8]  }
0x39: {  	_ = 	snop;
	(pc) =	sbr.ind lr, $3  }
0x3a: {  	_ = 	snop  }
0x3b: {  	_ = 	snop  }
0x3c: {  	p2 =	seq.s32 s10, $0x1;
	s10 =	sld [smem:$0x3FB7]  }
0x3d: {  	_ =	shalt  }
0x3e: {  	_ =	shalt  }
0x3f: {  	_ =	shalt  }
0x40: {  	_ =	shalt  }
0x41: {  	_ =	shalt  }
0x42: {  	_ =	shalt  }
0x43: {  	_ =	shalt  }
0x44: {  	_ =	shalt  }
0x45: {  	_ =	shalt  }
0x46: {  	_ =	shalt  }
0x47: {  	_ =	shalt  }
0x48: {  	_ =	shalt  }
0x49: {  	_ =	shalt  }
0x4a: {  	_ =	shalt  }
0x4b: {  	_ =	shalt  }
0x4c: {  	_ =	shalt  }
0x4d: {  	_ =	shalt  }
0x4e: {  	_ =	shalt  }
0x4f: {  	_ =	shalt  }
0x50: {  	_ =	shalt  }
0x51: {  	_ =	shalt  }
0x52: {  	_ =	shalt  }
0x53: {  	_ =	shalt  }
0x54: {  	_ =	shalt  }
0x55: {  	_ =	shalt  }
0x56: {  	_ =	shalt  }
0x57: {  	_ =	shalt  }
0x58: {  	_ =	shalt  }
0x59: {  	_ =	shalt  }
0x5a: {  	_ =	shalt  }
0x5b: {  	_ =	shalt  }
0x5c: {  	_ =	shalt  }
0x5d: {  	_ =	shalt  }
0x5e: {  	_ =	shalt  }
0x5f: {  	_ =	shalt  }
0x60: {  	_ =	shalt  }
0x61: {  	_ =	shalt  }
0x62: {  	_ =	shalt  }
0x63: {  	_ =	shalt  }
0x64: {  	_ =	shalt  }
0x65: {  	_ =	shalt  }
0x66: {  	_ =	shalt  }
0x67: {  	_ =	shalt  }
0x68: {  	_ =	shalt  }
0x69: {  	_ =	shalt  }
0x6a: {  	_ =	shalt  }
0x6b: {  	_ =	shalt  }
0x6c: {  	_ =	shalt  }
0x6d: {  	_ =	shalt  }
0x6e: {  	_ =	shalt  }
0x6f: {  	_ =	shalt  }
0x70: {  	_ =	shalt  }
0x71: {  	_ =	shalt  }
0x72: {  	_ =	shalt  }
0x73: {  	_ =	shalt  }
0x74: {  	_ =	shalt  }
0x75: {  	_ =	shalt  }
0x76: {  	_ =	shalt  }
0x77: {  	_ =	shalt  }
0x78: {  	_ =	shalt  }
0x79: {  	_ =	shalt  }
0x7a: {  	_ =	shalt  }
0x7b: {  	_ =	shalt  }
0x7c: {  	_ =	shalt  }
0x7d: {  	_ =	shalt  }
0x7e: {  	_ =	shalt  }
0x7f: {  	_ =	shalt  }
0x80: {  	_ =	shalt  }
0x81: {  	_ =	shalt  }
0x82: {  	_ =	shalt  }
0x83: {  	_ =	shalt  }
0x84: {  	_ =	shalt  }
0x85: {  	_ =	shalt  }
0x86: {  	_ =	shalt  }
0x87: {  	_ =	shalt  }
.Lfunc_end0:
.L_simem_size_0:
called_computation.1_lowered:
.L_overlay_start_0:
0x88: {  	s2 =	sld [smem:$0x3FD9]  }
0x89: {  	s3 =	sld [smem:$0x3FFE];
	_ =	sdelay $0x1  }
0x8a: {  	s1 =	srdreg.scid  }
0x8b: {  	s0 =	sand.u32 $0x1, s1  }
0x8c: {  	s15 =	sshll.u32 s0, $0xA;
	s2 =	sadd.s32 s3, s2  }
0x8d: {  	s2 =	sadd.s32 s2, s15  }
0x8e: {  	[smem:$0x3FC3] =	sst s2  }
0x8f: {  	_ = 	snop  }
0x90: {  	s16 =	sld [smem:$0x3FD0];
	_ =	sdelay $0x2  }
0x91: {  	s4 =	simm.s32 $0xB;
	s5 =	simm.s32 $0x10;
	s2 =	sld [smem:$0x3FC9]  }
0x92: {  	[smem:s5], [sflag:s4] =	dma.local [hbm:s16], $0x1  }
0x93: {  	_ =	swait.eq [sflag:s4], $0x1  }
0x94: {  	[sflag:s4] =	ssyncset.done $0x0  }
0x95: {  	[sflag:s4] =	ssyncadd.s32 $0xFFFFFFFF  }
0x96: {  	s17 =	sld [smem:$0x10];
	(tm) =	ssettm $0x1  }
0x97: {  	s18 =	sld [smem:$0x3FFB];
	_ =	sdelay $0x3  }
0x98: {  	_ =	strace s18  }
0x99: {  	s3 =	sld [smem:$0x3FFC];
	_ =	sdelay $0x3  }
0x9a: {  	_ =	strace s3  }
0x9b: {  	s3 =	sld [smem:$0x3FFD];
	_ =	sdelay $0x3  }
0x9c: {  	_ =	strace s3  }
0x9d: {  	_ =	strace $0x8FFFFFFF  }
0x9e: {  	s19 =	sld [smem:$0x3FDB];
	_ =	sdelay $0x1  }
0x9f: {  	s20 =	simm.s32 $_scs_section_size  }
0xa0: {  	s6 =	simm.s32 $_size__tile_overlayer_lowered;
	s7 =	simm.s32 $_tile_overlayer_lowered  }
0xa1: {  	s8 =	simm.s32 $0x1BFF;
	s21 =	sshll.u32 s7, $0x1;
	s5 =	sadd.s32 s20, s19  }
0xa2: {  	s22 =	simm.s32 $0x0;
	s6 =	sshll.u32 s6, $0x1;
	s7 =	sadd.s32 s21, s5  }
0xa3: {  	[timem:s22], [sflag:s8] =	dma.local [hbm:s7], s6  }
0xa4: {  	_ =	swait.ge [sflag:s8], s6  }
0xa5: {  	s6 =	ssub.s32 $0x0, s6;
	[sflag:s8] =	ssyncset.done $0x0  }
0xa6: {  	[sflag:s8] =	ssyncadd.s32 s6;
	_ =	sdelay $0x1  }
0xa7: {  	s23 =	simm.s32 $0x1B8B  }
0xa8: {  	_ =	swait.ge [sflag:s23], $0x1  }
0xa9: {  	[sflag:s23] =	ssyncset.done $0x0  }
0xaa: {  	[sflag:s23] =	ssyncadd.s32 $0xFFFFFFFF  }
0xab: {  	s6 =	sld [smem:$0x0]  }
0xac: {  	s7 =	sand.u32 $0xFFFFFFFE, s1  }
0xad: {  	p0 =	sne.s32 s1, s7  }
0xae: {  	s7 =	sshll.u32 @p0 s7, $0xE  }
0xaf: {  	s7 =	sadd.s32 @p0 $0x11B8D, s7;
	s8 =	sshll.u32 @p0 s6, $0x11  }
0xb0: {  	s7 =	sor.u32 @p0 s8, s7  }
0xb1: {  	[sflag:s7] =	ssyncadd.remote.s32 @p0 $0x1;
	_ =	sdelay $0x1  }
0xb2: {  	s7 =	simm.s32 @p0 $0x1B8D  }
0xb3: {  	_ =	swait.eq @p0 [sflag:s7], $0x1  }
0xb4: {  	[sflag:s7] =	ssyncadd.s32 @p0 $0xFFFFFFFF  }
0xb5: {  	s8 =	sshll.u32 @!p0 s1, $0xE  }
0xb6: {  	s8 =	sor.u32 @!p0 $0x4000, s8;
	s7 =	simm.s32 @!p0 $0x1B8D  }
0xb7: {  	s6 =	sshll.u32 @!p0 s6, $0x11;
	s8 =	sadd.s32 @!p0 $0x11B8D, s8;
	_ =	swait.eq @!p0 [sflag:s7], $0x1  }
0xb8: {  	s6 =	sor.u32 @!p0 s6, s8;
	[sflag:s7] =	ssyncadd.s32 @!p0 $0xFFFFFFFF  }
0xb9: {  	s25 =	simm.s32 $0x1B8E;
	s24 =	sld [smem:$0x3FFE];
	[sflag:s6] =	ssyncadd.remote.s32 @!p0 $0x1  }
0xba: {  	s26 =	simm.s32 $execute0_lowered;
	[smem:$0x3FD2] =	sst s25  }
0xbb: {  	s7 =	sshll.u32 s26, $0x1;
	_ =	strace $0x80000055;
	[dreg:$0x1] =	wrdreg $0xFFFFFFFF  }
0xbc: {  	s28 =	simm.s32 $_size_execute0_lowered;
	s5 =	sadd.s32 s5, s7;
	[dreg:$0x0] =	wrdreg $0x0  }
0xbd: {  	s7 =	sshll.u32 s28, $0x1;
	[dreg:$0x2] =	wrdreg s5  }
0xbe: {  	[dreg:$0x3] =	wrdreg s7  }
0xbf: {  	[dreg:$0x4] =	wrdreg $0xC0  }
0xc0: {  	_ =	task [dreg:s22], $0x5FFFF  }
0xc1: {  	[dreg:$0x1] =	wrdreg $0xFFFFFFFF  }
0xc2: {  	[dreg:$0x0] =	wrdreg $0x60  }
0xc3: {  	[dreg:$0x2] =	wrdreg s2  }
0xc4: {  	[dreg:$0x3] =	wrdreg s24  }
0xc5: {  	[dreg:$0x4] =	wrdreg s17  }
0xc6: {  	[dreg:$0x5] =	wrdreg $0xA  }
0xc7: {  	_ =	task.clear_ibuf [dreg:s22], $0x6FFFF;
	_ =	strace $0x90000055  }
0xc8: {  	s29 =	simm.s32 $0xA;
	_ =	strace $0x80000057  }
0xc9: {  	_ =	swait.ge [sflag:s29], $0x1  }
0xca: {  	[sflag:s29] =	ssyncadd.s32 $0xFFFFFFFF  }
0xcb: {  	_ =	strace $0x90000057  }
0xcc: {  	_ =	sfence  }
0xcd: {  	s30 =	sld [smem:$0x0];
	_ =	sdelay $0x2  }
0xce: {  	s31 =	sshll.u32 s1, $0xD;
	s1 =	sshrl.u32 s1, $0x2  }
0xcf: {  	s4 =	sand.u32 $0x4000, s31;
	s1 =	sadd.s32 s1, s30  }
0xd0: {  	s0 =	sor.u32 s4, s0;
	s1 =	sshll.u32 s1, $0x11  }
0xd1: {  	s0 =	sor.u32 s1, s0  }
0xd2: {  	s0 =	sadd.s32 $0x8F2B, s0  }
0xd3: {  	[sflag:s0] =	ssyncadd.remote.s32 $0x1  }
0xd4: {  	_ =	sfence.sel $0xFFFF  }
0xd5: {  	[dreg:$0x0] =	wrdreg $0xFFFFFFFF;
	(pc) =	sbr.abs _section_cstart, $3  }
0xd6: {  	[dreg:$0x1] =	wrdreg $0xFFFFFFFF  }
0xd7: {  	_ =	task.clear_ibuf [dreg:s22], $0x2FFFF;
	_ =	strace $0x9FFFFFFF  }
0xd8: {  	(tm) =	ssettm $0x7FFFFFFF  }
0xd9: {  	_ =	shalt  }
tec
execute0_lowered:
.L_overlay_start_1:
0x0: {  	(tag) =	ssettag $0x1  }
0x1: {  	s2 =	rddreg [dreg:$0x0]  }
0x2: {  	s7 =	rddreg [dreg:$0x1]  }
0x3: {  	s3 =	rddreg [dreg:$0x2]  }
0x4: {  	s0 =	rddreg [dreg:$0x3];
	s1 =	srdreg.scid;
	_ =	strace $0x80000056  }
0x5: {  	s4 =	simm.s32 $0x1;
	s9 =	simm.s32 $0x3;
	s5 =	sshll.u32 s1, $0x4  }
.Ltmp0:
0x6: {  	s1 =	stileid.u32;
	s5 =	sand.u32 $0x10, s5;
	(pc) =	sbr.rel .LBB2_1-.Ltmp0, $4  }
0x7: {  	s11 =	simm.s32 $0x0;
	p0 =	por $0x0, $0x0;
	s6 =	sor.u32 s1, s5  }
0x8: {  	[sflag:s4] =	ssyncpa.u1 $0x0;
	s5 =	simm.s32 $0x2;
	s6 =	sshll.u32 s6, $0x6  }
0x9: {  	s7 =	sadd.s32 $0x200, s7;
	[sflag:s5] =	ssyncpa.u1 $0x0;
	s8 =	sadd.s32 $0x40, s6  }
0xa: {  	vm0 =	vmmov $0xff;
	vm1 =	vcmask $0x3F20;
	[sflag:s9] =	ssyncpa.u1 $0x0;
	s10 =	smov.u32 s6;
	s9 =	simm.s32 $0x0  }
.LBB2_9:
0xb: {  	p1 =	slt.u32 s9, $0x2;
	s11 =	sadd.s32 $0x20, s10  }
0xc: {  	s13 =	smov.u32 s6;
	s9 =	sadd.s32 $0x1, s9;
	p2 =	slt.s32 s11, s8  }
0xd: {  	s13 =	smov.u32 @p2 s11;
	p2 =	sne.s32 s9, $0x4  }
.Ltmp1:
0xe: {  	_ = 	snop;
	(pc) =	sbr.rel @!p2 .LBB2_10-.Ltmp1, $4  }
0xf: {  	s12 =	simm.s32 @!p1 $0x3  }
0x10: {  	_ =	swait.ge @!p1 [sflag:s12], $0x8000  }
0x11: {  	p0 =	por !p0, !p0;
	[sflag:s12] =	ssyncset.done @!p1 $0x0  }
0x12: {  	s11 =	smov.u32 s10;
	s10 =	smov.u32 s13;
	[sflag:s12] =	ssyncadd.s32 @!p1 $0xFFFF8000  }
.LBB2_1:
0x13: {  	p1 =	sgt.u32 s9, $0x1  }
0x14: {  	s12 =	sshll.u32 @!p1 s9, $0x5;
	s13 =	sshrl.u32 @!p1 s10, $0x3  }
0x15: {  	s14 =	sand.u32 @!p1 $0x7, s10;
	s12 =	sxor.u32 @!p1 $0x20, s12;
	s13 =	sadd.s32 @!p1 s7, s13  }
0x16: {  	[tilespmem:s12], [sflag:$0x2] =	stream.linear.gather @!p1 [hbm4b:s13+s14], $0x20, $0x38;
	[tilespmem:$0x10040] =	vst v63  }
0x17: {  	p1 =	seq.s32 s9, $0x0  }
0x18: {  	p2 =	seq.s32 @!p1 s9, $0x3  }
0x19: {  	p1 =	por p1, p2  }
.Ltmp2:
0x1a: {  	_ = 	snop;
	(pc) =	sbr.rel @p1 .LBB2_9-.Ltmp2, $1  }
0x1b: {  	_ =	sdelay $0x3  }
0x1c: {  	s12 =	simm.s32 $0x1  }
0x1d: {  	_ =	swait.ge [sflag:s5], $0x20;
	s13 =	sand.u32 $0x1, s9;
	s12 =	simm.s32 @!p0 $0x0  }
0x1e: {  	s15 =	simm.s32 $0x0;
	p1 =	por $0x1, $0x1;
	s12 =	sshll.u32 s12, $0x11  }
0x1f: {  	[sflag:s5] =	ssyncset.done $0x0;
	s13 =	sshll.u32 s13, $0x5;
	s14 =	sshrl.u32 s12, $0x2  }
0x20: {  	[sflag:s5] =	ssyncadd.s32 $0xFFFFFFE0;
	s12 =	sor.u32 $0x40, s14;
	s14 =	sadd.s32 $0x40, s14  }
.LBB2_3:
0x21: {  	s16 =	sshll.u32 s15, $0x4  }
0x22: {  	s16 =	sand.u32 $0x3FFFFFF0, s16  }
0x23: {  	s16 =	sadd.s32 s16, s13  }
0x24: {  	v0 =	vld.msk [tilespmem:s16+$0x0 ss:$0x1], $0xffff;
	_ =	sdelay $0x4  }
0x25: {  	v1 =	vshrl.u32 v0, $0x2  }
0x26: {  	vm2 =	veq.s32 v0, $0x80000000;
	v1 =	vand.u32 $0x1FFF, v1  }
0x27: {  	v0 =	vshll.u32 v0, $0x17;
	v1 =	vsel vm2, $0xFFFFFFFF, v1  }
0x28: {  	v0 =	vand.u32 $0x1800000, v0;
	v2 =	vshll.u32 v1, $0xA  }
0x29: {  	v0 =	vsel vm2, $0xFF800000, v0;
	v1 =	vshll.u32 v1, $0x7;
	v2 =	vand.u32 $0xFFFFE000, v2  }
0x2a: {  	v1 =	vand.u32 $0x380, v1;
	v0 =	vadd.s32 v0, v2  }
0x2b: {  	v0 =	vor.u32 v1, v0  }
0x2c: {  	v0 =	vshrl.u32 v0, $0x3  }
0x2d: {  	s31 =	sshll.u32 s15, $0x10  }
0x2e: {  	s15 =	sshra.s32 s31, $0x2  }
0x2f: {  	s15 =	sadd.s32 s15, s14  }
0x30: {  	s17 =	sadd.s32 $0x0, s15  }
0x31: {  	[tilespmem:s17], [sflag:$0x1] =	stream.indirect_vreg.gather [hbm:s2], $0x80, v0, vm0, $0x38;
	[tilespmem:$0x10040] =	vst v63  }
0x32: {  	p2 =	por p1, p1;
	s16 =	simm.s32 $0x1000;
	v1 =	vadd.s32 $0x80, v0;
	s17 =	sadd.s32 $0x2000, s17  }
.LBB2_4:
0x33: {  	[tilespmem:s17], [sflag:$0x1] =	stream.indirect_vreg.gather [hbm:s2], $0x80, v0, vm1, $0x38;
	[tilespmem:$0x10040] =	vst v63  }
0x34: {  	v0 =	vmov v1;
	s17 =	smov.u32 s16;
	p1 =	sne.s32 s16, $0x7000  }
.Ltmp3:
0x35: {  	s16 =	sadd.s32 $0x1000, s16;
	(pc) =	sbr.rel @p1 .LBB2_4-.Ltmp3, $4  }
0x36: {  	s17 =	sshra.s32 s17, $0x2  }
0x37: {  	s17 =	sadd.s32 s17, s15  }
0x38: {  	[tilespmem:s17], [sflag:$0x1] =	stream.indirect_vreg.gather [hbm:s2], $0x80, v1, vm0, $0x38;
	[tilespmem:$0x10040] =	vst v63  }
0x39: {  	s17 =	sadd.s32 $0x2000, s17;
	v1 =	vadd.s32 $0x80, v1  }
0x3a: {  	_ = 	snop  }
.Ltmp4:
0x3b: {  	_ = 	snop;
	(pc) =	sbr.rel @p2 .LBB2_3-.Ltmp4, $3  }
0x3c: {  	_ =	sdelay $0x1  }
0x3d: {  	[tilespmem:s17], [sflag:$0x1] =	stream.indirect_vreg.gather [hbm:s2], $0x80, v0, vm1, $0x38;
	[tilespmem:$0x10040] =	vst v63  }
0x3e: {  	s15 =	simm.s32 $0x1;
	p1 =	por $0x0, $0x0  }
0x3f: {  	s13 =	sshll.u32 s11, $0x7  }
0x40: {  	s31 =	sshll.u32 s11, $0x4;
	s13 =	sand.u32 $0xFFFFFC00, s13  }
0x41: {  	_ =	swait.ge [sflag:s4], $0x8000;
	s11 =	sand.u32 $0x70, s31;
	s13 =	sadd.s32 s13, s3  }
0x42: {  	s14 =	sadd.s32 $0x2000, s12;
	[sflag:s4] =	ssyncset.done $0x0;
	s11 =	sadd.s32 s11, s13  }
0x43: {  	[sflag:s4] =	ssyncadd.s32 $0xFFFF8000;
	s13 =	simm.s32 $0x400;
	s15 =	sadd.s32 $0x0, s11  }
.LBB2_7:
0x44: {  	[hbm:s15] =	stream.linear.scatter [tilespmem:s12], [sflag:$0x3], $0x2000, $0x38;
	[tilespmem:$0x10040] =	vst v63  }
0x45: {  	s15 =	smov.u32 s13;
	s12 =	smov.u32 s14;
	p1 =	sne.s32 s13, $0xC00  }
.Ltmp5:
0x46: {  	s13 =	sadd.s32 $0x400, s13;
	(pc) =	sbr.rel @p1 .LBB2_7-.Ltmp5, $2  }
0x47: {  	_ =	sdelay $0x2  }
0x48: {  	s14 =	sadd.s32 $0x2000, s14;
	s15 =	sadd.s32 s15, s11  }
.Ltmp6:
0x49: {  	(pc) =	sbr.rel .LBB2_9-.Ltmp6, $2  }
0x4a: {  	_ =	sdelay $0x2  }
0x4b: {  	[hbm:s15] =	stream.linear.scatter [tilespmem:s12], [sflag:$0x3], $0x2000, $0x38;
	[tilespmem:$0x10040] =	vst v63  }
.LBB2_10:
0x4c: {  	_ =	sfence.sel $0x180000  }
0x4d: {  	s2 =	simm.s32 $0x2;
	[bflag:$0x0] =	sbarrier.arrive $0xFFFF  }
0x4e: {  	s30 =	simm.s32 $0x3;
	[sflag:s2] =	ssyncpa.u1 $0x1  }
0x4f: {  	s31 =	simm.s32 $0x1;
	[sflag:s30] =	ssyncpa.u1 $0x1  }
0x50: {  	[sflag:s31] =	ssyncpa.u1 $0x1  }
0x51: {  	p0 =	sne.s32 s1, $0x0;
	_ =	strace $0x90000056  }
0x52: {  	s0 =	sadd.s32 @!p0 $0x100000, s0;
	[bflag:$0x2] =	sbarrier.arrive $0xFFFF  }
0x53: {  	[sflag:s0] =	ssyncadd.tile.s32 @!p0 $0x1;
	_ =	shalt  }
.Lfunc_end2:
_tile_overlayer_lowered:
.L_overlay_start_2:
0x54: {  	(tag) =	ssettag $0x2  }
0x55: {  	s0 =	rddreg [dreg:$0x0];
	s2 =	stileid.u32  }
0x56: {  	s1 =	rddreg [dreg:$0x1];
	p0 =	sne.s32 s2, $0x0  }
0x57: {  	s3 =	rddreg [dreg:$0x2];
	[bflag:$0x3] =	sbarrier.arrive $0xFFFF;
	s2 =	simm.s32 @!p0 $0x1C01  }
0x58: {  	[timem:s3], [sflag:s2] =	dma.local @!p0 [hbm:s0], s1  }
0x59: {  	s0 =	simm.s32 @!p0 $0x1  }
0x5a: {  	_ =	swait.ge @!p0 [sflag:s0], s1  }
0x5b: {  	s1 =	ssub.s32 @!p0 $0x0, s1;
	[sflag:s0] =	ssyncset.done @!p0 $0x0  }
0x5c: {  	[sflag:s0] =	ssyncadd.s32 @!p0 s1  }
0x5d: {  	[bflag:$0x3] =	sbarrier.arrive $0xFFFF  }
0x5e: {  	_ =	shalt  }

// kernel: gather_offload_async_start.2
scs
__scs_entry_jumppad:
0x0: {  	(pc) =	sbr.rel $0x88, $3  }
0x1: {  	(tag) =	ssettag $0x0;
	lr =	simm.s32 $0x1  }
0x2: {  	[smem:$0x3F9C] =	sst lr;
	_ =	strace $0xD0000000  }
0x3: {  	_ = 	snop  }
0x4: {  	_ = 	snop  }
0x5: {  	_ = 	snop  }
0x6: {  	_ = 	snop  }
0x7: {  	_ = 	snop  }
__scs_overlays_trampoline_lowered:
0x8: {  	[smem:$0x3FAB] =	sst s0  }
0x9: {  	[smem:$0x3FAC] =	sst s1  }
0xa: {  	[smem:$0x3FAD] =	sst s2  }
0xb: {  	[smem:$0x3FAE] =	sst s3  }
0xc: {  	[smem:$0x3FAF] =	sst s4  }
0xd: {  	[smem:$0x3FB0] =	sst s5  }
0xe: {  	[smem:$0x3FB1] =	sst s6  }
0xf: {  	[smem:$0x3FB2] =	sst s7  }
0x10: {  	[smem:$0x3FB3] =	sst s8  }
0x11: {  	[smem:$0x3FB4] =	sst s9;
	s0 =	simm.s32 @!p0 $0x0  }
0x12: {  	s1 =	sld [smem:$0x3F9A];
	s0 =	simm.s32 @p0 $0x1  }
0x13: {  	[smem:$0x3FB5] =	sst s0;
	s0 =	simm.s32 @!p1 $0x0  }
0x14: {  	s2 =	sld [smem:$0x3F99];
	s0 =	simm.s32 @p1 $0x1  }
0x15: {  	[smem:$0x3FB6] =	sst s0;
	s0 =	simm.s32 @!p2 $0x0  }
0x16: {  	s3 =	sld [smem:$0x3FDB];
	s0 =	simm.s32 @p2 $0x1  }
0x17: {  	s4 =	simm.s32 $0x1BF5;
	[smem:$0x3FB8] =	sst s0  }
0x18: {  	s0 =	sld [smem:$0x3F9B];
	_ =	swait.ge [sflag:s4], $0x0  }
0x19: {  	s7 =	sld [smem:$0x3F9C]  }
0x1a: {  	s8 =	sadd.s32 $0xFFFFE003, lr  }
0x1b: {  	s9 =	sadd.s32 $0xFFFFFEF7, lr;
	s5 =	simm.s32 $0xFFFFFFFF;
	p2 =	slt.u32 s8, $0xFFFFF086  }
0x1c: {  	p1 =	slt.u32 s9, $0xF7A;
	s5 =	simm.s32 @!p2 $0x0  }
0x1d: {  	s5 =	simm.s32 @p1 $0x1;
	p0 =	seq.s32 s7, s2  }
0x1e: {  	s7 =	smul.u32 @!p0 $0xF7A, s2;
	p2 =	seq.s32 @!p0 s5, $0x0  }
0x1f: {  	s9 =	smul.u32 $0xF7A, s1;
	s8 =	simm.s32 @!p0 $0x1BF5;
	p2 =	por !p2, p0  }
0x20: {  	[sflag:s8] =	ssyncset.s32 @!p0 $0xFFFFF086;
	s6 =	sadd.s32 @!p0 s3, s7;
	s7 =	simm.s32 @!p0 $0x108  }
0x21: {  	s3 =	sadd.s32 s3, s9;
	s6 =	sadd.s32 @!p0 $0x88, s6;
	s7 =	simm.s32 @p2 $0x1082  }
0x22: {  	[simem:s7], [sflag:s8] =	dma.local @!p0 [hbm:s6], $0xF7A  }
0x23: {  	s9 =	sor.u32 $0xD0000000, s2;
	s6 =	simm.s32 $0x108;
	_ =	swait.ge @!p0 [sflag:s8], $0x0  }
0x24: {  	s3 =	sadd.s32 $0x88, s3;
	s6 =	simm.s32 @!p1 $0x1082;
	[sflag:s4] =	ssyncset.s32 $0xFFFFF086  }
0x25: {  	[simem:s6], [sflag:s4] =	dma.local [hbm:s3], $0xF7A  }
0x26: {  	[smem:$0x3F9C] =	sst s1;
	(tag) =	ssettag s2;
	_ =	strace s9  }
0x27: {  	s1 =	sld [smem:$0x3FAC]  }
0x28: {  	s2 =	sld [smem:$0x3FAD]  }
0x29: {  	s4 =	sld [smem:$0x3FAF]  }
0x2a: {  	p0 =	seq.s32 s5, $0x0;
	s5 =	sld [smem:$0x3FB0]  }
0x2b: {  	s6 =	sld [smem:$0x3FB1]  }
0x2c: {  	s7 =	sld [smem:$0x3FB2]  }
0x2d: {  	s3 =	simm.s32 $0x108;
	s8 =	sld [smem:$0x3FB3]  }
0x2e: {  	s3 =	simm.s32 @!p0 $0x1082;
	s9 =	sld [smem:$0x3FB4]  }
0x2f: {  	lr =	sadd.s32 s0, s3;
	s0 =	sld [smem:$0x3FAB]  }
0x30: {  	s3 =	sld [smem:$0x3FAE]  }
0x31: {  	[smem:$0x3FB7] =	sst s10  }
0x32: {  	s10 =	sld [smem:$0x3FB5];
	_ =	sdelay $0x3  }
0x33: {  	p0 =	seq.s32 s10, $0x1;
	s10 =	sld [smem:$0x3FB7];
	_ =	sdelay $0x3  }
0x34: {  	[smem:$0x3FB7] =	sst s10  }
0x35: {  	s10 =	sld [smem:$0x3FB6];
	_ =	sdelay $0x3  }
0x36: {  	p1 =	seq.s32 s10, $0x1;
	s10 =	sld [smem:$0x3FB7];
	_ =	sdelay $0x3  }
0x37: {  	[smem:$0x3FB7] =	sst s10  }
0x38: {  	s10 =	sld [smem:$0x3FB8]  }
0x39: {  	_ = 	snop;
	(pc) =	sbr.ind lr, $3  }
0x3a: {  	_ = 	snop  }
0x3b: {  	_ = 	snop  }
0x3c: {  	p2 =	seq.s32 s10, $0x1;
	s10 =	sld [smem:$0x3FB7]  }
0x3d: {  	_ =	shalt  }
0x3e: {  	_ =	shalt  }
0x3f: {  	_ =	shalt  }
0x40: {  	_ =	shalt  }
0x41: {  	_ =	shalt  }
0x42: {  	_ =	shalt  }
0x43: {  	_ =	shalt  }
0x44: {  	_ =	shalt  }
0x45: {  	_ =	shalt  }
0x46: {  	_ =	shalt  }
0x47: {  	_ =	shalt  }
0x48: {  	_ =	shalt  }
0x49: {  	_ =	shalt  }
0x4a: {  	_ =	shalt  }
0x4b: {  	_ =	shalt  }
0x4c: {  	_ =	shalt  }
0x4d: {  	_ =	shalt  }
0x4e: {  	_ =	shalt  }
0x4f: {  	_ =	shalt  }
0x50: {  	_ =	shalt  }
0x51: {  	_ =	shalt  }
0x52: {  	_ =	shalt  }
0x53: {  	_ =	shalt  }
0x54: {  	_ =	shalt  }
0x55: {  	_ =	shalt  }
0x56: {  	_ =	shalt  }
0x57: {  	_ =	shalt  }
0x58: {  	_ =	shalt  }
0x59: {  	_ =	shalt  }
0x5a: {  	_ =	shalt  }
0x5b: {  	_ =	shalt  }
0x5c: {  	_ =	shalt  }
0x5d: {  	_ =	shalt  }
0x5e: {  	_ =	shalt  }
0x5f: {  	_ =	shalt  }
0x60: {  	_ =	shalt  }
0x61: {  	_ =	shalt  }
0x62: {  	_ =	shalt  }
0x63: {  	_ =	shalt  }
0x64: {  	_ =	shalt  }
0x65: {  	_ =	shalt  }
0x66: {  	_ =	shalt  }
0x67: {  	_ =	shalt  }
0x68: {  	_ =	shalt  }
0x69: {  	_ =	shalt  }
0x6a: {  	_ =	shalt  }
0x6b: {  	_ =	shalt  }
0x6c: {  	_ =	shalt  }
0x6d: {  	_ =	shalt  }
0x6e: {  	_ =	shalt  }
0x6f: {  	_ =	shalt  }
0x70: {  	_ =	shalt  }
0x71: {  	_ =	shalt  }
0x72: {  	_ =	shalt  }
0x73: {  	_ =	shalt  }
0x74: {  	_ =	shalt  }
0x75: {  	_ =	shalt  }
0x76: {  	_ =	shalt  }
0x77: {  	_ =	shalt  }
0x78: {  	_ =	shalt  }
0x79: {  	_ =	shalt  }
0x7a: {  	_ =	shalt  }
0x7b: {  	_ =	shalt  }
0x7c: {  	_ =	shalt  }
0x7d: {  	_ =	shalt  }
0x7e: {  	_ =	shalt  }
0x7f: {  	_ =	shalt  }
0x80: {  	_ =	shalt  }
0x81: {  	_ =	shalt  }
0x82: {  	_ =	shalt  }
0x83: {  	_ =	shalt  }
0x84: {  	_ =	shalt  }
0x85: {  	_ =	shalt  }
0x86: {  	_ =	shalt  }
0x87: {  	_ =	shalt  }
.Lfunc_end0:
.L_simem_size_0:
called_computation.2_lowered:
.L_overlay_start_0:
0x88: {  	s2 =	sld [smem:$0x3FD9]  }
0x89: {  	s3 =	sld [smem:$0x3FFE];
	_ =	sdelay $0x1  }
0x8a: {  	s1 =	srdreg.scid  }
0x8b: {  	s0 =	sand.u32 $0x1, s1  }
0x8c: {  	s15 =	sshll.u32 s0, $0xA;
	s2 =	sadd.s32 s3, s2  }
0x8d: {  	s2 =	sadd.s32 s2, s15  }
0x8e: {  	[smem:$0x3FC3] =	sst s2  }
0x8f: {  	_ = 	snop  }
0x90: {  	s2 =	sld [smem:$0x3FD0];
	_ =	sdelay $0x2  }
0x91: {  	s16 =	simm.s32 $0xB;
	s4 =	simm.s32 $0x10  }
0x92: {  	[smem:s4], [sflag:s16] =	dma.local [hbm:s2], $0x1  }
0x93: {  	_ =	swait.eq [sflag:s16], $0x1  }
0x94: {  	[sflag:s16] =	ssyncset.done $0x0  }
0x95: {  	[sflag:s16] =	ssyncadd.s32 $0xFFFFFFFF  }
0x96: {  	s17 =	sld [smem:$0x10];
	(tm) =	ssettm $0x1  }
0x97: {  	s18 =	sld [smem:$0x3FFB];
	_ =	sdelay $0x3  }
0x98: {  	_ =	strace s18  }
0x99: {  	s2 =	sld [smem:$0x3FFC];
	_ =	sdelay $0x3  }
0x9a: {  	_ =	strace s2  }
0x9b: {  	s2 =	sld [smem:$0x3FFD];
	_ =	sdelay $0x3  }
0x9c: {  	_ =	strace s2  }
0x9d: {  	_ =	strace $0x8FFFFFFF  }
0x9e: {  	s19 =	sld [smem:$0x3FDB];
	_ =	sdelay $0x1  }
0x9f: {  	s20 =	simm.s32 $_scs_section_size  }
0xa0: {  	s5 =	simm.s32 $_size__tile_overlayer_lowered;
	s6 =	simm.s32 $_tile_overlayer_lowered  }
0xa1: {  	s7 =	simm.s32 $0x1BFF;
	s21 =	sshll.u32 s6, $0x1;
	s4 =	sadd.s32 s20, s19  }
0xa2: {  	s22 =	simm.s32 $0x0;
	s5 =	sshll.u32 s5, $0x1;
	s6 =	sadd.s32 s21, s4  }
0xa3: {  	[timem:s22], [sflag:s7] =	dma.local [hbm:s6], s5  }
0xa4: {  	_ =	swait.ge [sflag:s7], s5  }
0xa5: {  	s5 =	ssub.s32 $0x0, s5;
	[sflag:s7] =	ssyncset.done $0x0  }
0xa6: {  	[sflag:s7] =	ssyncadd.s32 s5;
	_ =	sdelay $0x1  }
0xa7: {  	s23 =	simm.s32 $0x1B8B  }
0xa8: {  	_ =	swait.ge [sflag:s23], $0x1  }
0xa9: {  	[sflag:s23] =	ssyncset.done $0x0  }
0xaa: {  	[sflag:s23] =	ssyncadd.s32 $0xFFFFFFFF  }
0xab: {  	s5 =	sld [smem:$0x0]  }
0xac: {  	s6 =	sand.u32 $0xFFFFFFFE, s1  }
0xad: {  	p0 =	sne.s32 s1, s6  }
0xae: {  	s6 =	sshll.u32 @p0 s6, $0xE  }
0xaf: {  	s6 =	sadd.s32 @p0 $0x11B8D, s6;
	s7 =	sshll.u32 @p0 s5, $0x11  }
0xb0: {  	s6 =	sor.u32 @p0 s7, s6  }
0xb1: {  	[sflag:s6] =	ssyncadd.remote.s32 @p0 $0x1;
	_ =	sdelay $0x1  }
0xb2: {  	s6 =	simm.s32 @p0 $0x1B8D  }
0xb3: {  	_ =	swait.eq @p0 [sflag:s6], $0x1  }
0xb4: {  	[sflag:s6] =	ssyncadd.s32 @p0 $0xFFFFFFFF  }
0xb5: {  	s7 =	sshll.u32 @!p0 s1, $0xE  }
0xb6: {  	s7 =	sor.u32 @!p0 $0x4000, s7;
	s6 =	simm.s32 @!p0 $0x1B8D  }
0xb7: {  	s5 =	sshll.u32 @!p0 s5, $0x11;
	s7 =	sadd.s32 @!p0 $0x11B8D, s7;
	_ =	swait.eq @!p0 [sflag:s6], $0x1  }
0xb8: {  	s5 =	sor.u32 @!p0 s5, s7;
	[sflag:s6] =	ssyncadd.s32 @!p0 $0xFFFFFFFF  }
0xb9: {  	s25 =	simm.s32 $0x1B8E;
	s24 =	sld [smem:$0x3FFE];
	[sflag:s5] =	ssyncadd.remote.s32 @!p0 $0x1  }
0xba: {  	s26 =	simm.s32 $execute0_lowered;
	[smem:$0x3FD2] =	sst s25  }
0xbb: {  	s6 =	sshll.u32 s26, $0x1;
	_ =	strace $0x80000049;
	[dreg:$0x1] =	wrdreg $0xFFFFFFFF  }
0xbc: {  	s28 =	simm.s32 $_size_execute0_lowered;
	s4 =	sadd.s32 s4, s6;
	[dreg:$0x0] =	wrdreg $0x0  }
0xbd: {  	s6 =	sshll.u32 s28, $0x1;
	[dreg:$0x2] =	wrdreg s4  }
0xbe: {  	[dreg:$0x3] =	wrdreg s6  }
0xbf: {  	[dreg:$0x4] =	wrdreg $0xC0  }
0xc0: {  	_ =	task [dreg:s22], $0x5FFFF  }
0xc1: {  	[dreg:$0x1] =	wrdreg $0xFFFFFFFF  }
0xc2: {  	[dreg:$0x0] =	wrdreg $0x60  }
0xc3: {  	[dreg:$0x2] =	wrdreg s17  }
0xc4: {  	[dreg:$0x3] =	wrdreg s24  }
0xc5: {  	[dreg:$0x4] =	wrdreg $0x9  }
0xc6: {  	_ =	task.clear_ibuf [dreg:s22], $0x5FFFF;
	_ =	strace $0x90000049  }
0xc7: {  	s29 =	simm.s32 $0x9;
	_ =	strace $0x8000004B  }
0xc8: {  	_ =	swait.ge [sflag:s29], $0x1  }
0xc9: {  	[sflag:s29] =	ssyncadd.s32 $0xFFFFFFFF  }
0xca: {  	_ =	strace $0x9000004B  }
0xcb: {  	_ =	sfence  }
0xcc: {  	s30 =	sld [smem:$0x0];
	_ =	sdelay $0x2  }
0xcd: {  	s31 =	sshll.u32 s1, $0xD;
	s1 =	sshrl.u32 s1, $0x2  }
0xce: {  	s4 =	sand.u32 $0x4000, s31;
	s1 =	sadd.s32 s1, s30  }
0xcf: {  	s0 =	sor.u32 s4, s0;
	s1 =	sshll.u32 s1, $0x11  }
0xd0: {  	s0 =	sor.u32 s1, s0  }
0xd1: {  	s0 =	sadd.s32 $0x8F2B, s0  }
0xd2: {  	[sflag:s0] =	ssyncadd.remote.s32 $0x1  }
0xd3: {  	_ =	sfence.sel $0xFFFF  }
0xd4: {  	[dreg:$0x0] =	wrdreg $0xFFFFFFFF;
	(pc) =	sbr.abs _section_cstart, $3  }
0xd5: {  	[dreg:$0x1] =	wrdreg $0xFFFFFFFF  }
0xd6: {  	_ =	task.clear_ibuf [dreg:s22], $0x2FFFF;
	_ =	strace $0x9FFFFFFF  }
0xd7: {  	(tm) =	ssettm $0x7FFFFFFF  }
tec
execute0_lowered:
.L_overlay_start_1:
0x0: {  	(tag) =	ssettag $0x1  }
0x1: {  	s1 =	srdreg.scid;
	s2 =	rddreg [dreg:$0x0]  }
0x2: {  	s0 =	stileid.u32;
	s8 =	rddreg [dreg:$0x1]  }
0x3: {  	s5 =	simm.s32 $0x1;
	s9 =	simm.s32 $0x1;
	s1 =	sshll.u32 s1, $0x5  }
0x4: {  	s10 =	simm.s32 $0x3;
	s3 =	sshll.u32 s0, $0x6;
	s4 =	sand.u32 $0x20, s1  }
0x5: {  	s13 =	simm.s32 $0x0;
	s12 =	simm.s32 $0x0;
	s3 =	sor.u32 s3, s4  }
0x6: {  	s1 =	rddreg [dreg:$0x2];
	_ =	strace $0x8000004A;
	s7 =	ssub.s32 $0x800, s3  }
.Ltmp0:
0x7: {  	s4 =	sadd.s32 $0x200, s8;
	s6 =	sand.u32 $0x3E0, s7;
	(pc) =	sbr.rel .LBB2_1-.Ltmp0, $4  }
0x8: {  	[sflag:s5] =	ssyncpa.u1 $0x0;
	s8 =	sadd.s32 $0x1600, s8;
	p0 =	sne.s32 s6, $0x0  }
0x9: {  	s7 =	sshrl.u32 s7, $0xA;
	s6 =	simm.s32 $0x2;
	s9 =	simm.s32 @!p0 $0x0  }
0xa: {  	s11 =	smov.u32 s3;
	[sflag:s6] =	ssyncpa.u1 $0x0;
	s7 =	sadd.s32 s9, s7  }
0xb: {  	vm0 =	vmmov $0xffff;
	[sflag:s10] =	ssyncpa.u1 $0x0;
	s10 =	simm.s32 $0x0;
	s9 =	sadd.s32 $0x1, s7  }
.LBB2_5:
0xc: {  	s15 =	sadd.s32 $0x400, s11  }
0xd: {  	p1 =	sgt.s32 s15, $0x7FF  }
0xe: {  	s15 =	smov.u32 @p1 s3;
	p1 =	sne.s32 s12, s9  }
.Ltmp1:
0xf: {  	p0 =	slt.u32 s12, $0x2;
	(pc) =	sbr.rel @!p1 .LBB2_6-.Ltmp1, $4  }
0x10: {  	s14 =	simm.s32 @!p0 $0x3  }
0x11: {  	_ =	swait.ge @!p0 [sflag:s14], $0x20  }
0x12: {  	s16 =	sadd.s32 $0x1, s12;
	s13 =	smov.u32 s11;
	[sflag:s14] =	ssyncset.done @!p0 $0x0  }
0x13: {  	s12 =	smov.u32 s16;
	s11 =	smov.u32 s15;
	[sflag:s14] =	ssyncadd.s32 @!p0 $0xFFFFFFE0  }
.LBB2_1:
0x14: {  	p0 =	sge.u32 s12, s7  }
0x15: {  	s14 =	sxor.u32 @!p0 $0xFFFFFFFF, s12  }
0x16: {  	s31 =	sadd.s32 $0xFFFFFFFF, s12;
	s15 =	sshrl.u32 @!p0 s11, $0x3;
	s14 =	sshll.u32 @!p0 s14, $0x5  }
0x17: {  	s16 =	sand.u32 @!p0 $0x7, s11;
	s15 =	sadd.s32 @!p0 s4, s15;
	s14 =	sand.u32 @!p0 $0x20, s14  }
0x18: {  	[tilespmem:s14], [sflag:$0x2] =	stream.linear.gather @!p0 [hbm4b:s15+s16], $0x20, $0x38;
	[tilespmem:$0x80] =	vst v63  }
0x19: {  	p0 =	sge.u32 s31, s7  }
.Ltmp2:
0x1a: {  	_ = 	snop;
	(pc) =	sbr.rel @p0 .LBB2_5-.Ltmp2, $1  }
0x1b: {  	_ =	sdelay $0x3  }
0x1c: {  	_ =	swait.ge [sflag:s6], $0x20;
	s14 =	sshll.u32 s12, $0x5;
	s16 =	simm.s32 $0x0  }
0x1d: {  	p0 =	por $0x1, $0x1;
	[sflag:s6] =	ssyncset.done $0x0;
	s15 =	sand.u32 $0x20, s14  }
0x1e: {  	[sflag:s6] =	ssyncadd.s32 $0xFFFFFFE0;
	(ifvalue) =	ssetifvalue $0x7FFFFFFF;
	s14 =	sor.u32 $0x40, s15  }
.LBB2_3:
0x1f: {  	s17 =	sadd.s32 s16, s15  }
0x20: {  	v0 =	vld.msk [tilespmem:s17+$0x0 ss:$0x1], $0xffff;
	_ =	sdelay $0x4  }
0x21: {  	v1 =	vshrl.u32 v0, $0x2  }
0x22: {  	vm1 =	veq.s32 v0, $0x80000000;
	v1 =	vand.u32 $0x1FFF, v1  }
0x23: {  	v0 =	vand.u32 $0x3, v0;
	v1 =	vsel vm1, $0xFFFFFFFF, v1  }
0x24: {  	v0 =	vsel vm1, $0xFFFFFFFF, v0;
	v2 =	vshll.u32 v1, $0x2  }
0x25: {  	v3 =	vand.u32 $0xFFFF8000, v0;
	v0 =	vshll.u32 v0, $0x7;
	v2 =	vand.u32 $0xFFFFFE00, v2  }
0x26: {  	v0 =	vand.u32 $0x180, v0;
	v2 =	vadd.s32 v3, v2  }
0x27: {  	v1 =	vand.u32 $0x7F, v1;
	v0 =	vor.u32 v0, v2  }
0x28: {  	p1 =	por p0, p0;
	v0 =	vor.u32 v1, v0  }
.Ltmp3:
0x29: {  	_ = 	snop;
	(pc) =	sbr.rel @p1 .LBB2_3-.Ltmp3, $4  }
0x2a: {  	_ = 	snop  }
0x2b: {  	s31 =	sadd.s32 s16, s14  }
0x2c: {  	s16 =	simm.s32 $0x10;
	p0 =	por $0x0, $0x0;
	(ifvalue) =	ssetifvalue $0x7FFFFFFF  }
0x2d: {  	[tilespmem:s31], [sflag:$0x1] =	stream.indirect_vreg.gather [hbm4b:s2+s10], $0x1, v0, vm0, $0x4038;
	[tilespmem:$0x80] =	vst v63  }
.Ltmp4:
0x2e: {  	(pc) =	sbr.rel .LBB2_5-.Ltmp4, $4  }
0x2f: {  	_ =	swait.ge [sflag:s5], $0x20  }
0x30: {  	s15 =	sshrl.u32 s13, $0x3;
	[sflag:s5] =	ssyncset.done $0x0  }
0x31: {  	s31 =	sand.u32 $0x7, s13;
	s15 =	sadd.s32 s8, s15;
	[sflag:s5] =	ssyncadd.s32 $0xFFFFFFE0  }
0x32: {  	[hbm4b:s15+s31] =	stream.linear.scatter [tilespmem:s14], [sflag:$0x3], $0x20, $0x38;
	[tilespmem:$0x80] =	vst v63  }
.LBB2_6:
0x33: {  	_ =	sfence.sel $0x180000  }
0x34: {  	s2 =	simm.s32 $0x2;
	[bflag:$0x0] =	sbarrier.arrive $0xFFFF  }
0x35: {  	s30 =	simm.s32 $0x3;
	[sflag:s2] =	ssyncpa.u1 $0x1  }
0x36: {  	s31 =	simm.s32 $0x1;
	[sflag:s30] =	ssyncpa.u1 $0x1  }
0x37: {  	[sflag:s31] =	ssyncpa.u1 $0x1  }
0x38: {  	p0 =	sne.s32 s0, $0x0;
	_ =	strace $0x9000004A  }
0x39: {  	s0 =	sadd.s32 @!p0 $0x100000, s1;
	[bflag:$0x2] =	sbarrier.arrive $0xFFFF  }
0x3a: {  	[sflag:s0] =	ssyncadd.tile.s32 @!p0 $0x1;
	_ =	shalt  }
.Lfunc_end2:
_tile_overlayer_lowered:
.L_overlay_start_2:
0x3b: {  	(tag) =	ssettag $0x2  }
0x3c: {  	s0 =	rddreg [dreg:$0x0];
	s2 =	stileid.u32  }
0x3d: {  	s1 =	rddreg [dreg:$0x1];
	p0 =	sne.s32 s2, $0x0  }
0x3e: {  	s3 =	rddreg [dreg:$0x2];
	[bflag:$0x3] =	sbarrier.arrive $0xFFFF;
	s2 =	simm.s32 @!p0 $0x1C01  }
0x3f: {  	[timem:s3], [sflag:s2] =	dma.local @!p0 [hbm:s0], s1  }
0x40: {  	s0 =	simm.s32 @!p0 $0x1  }
0x41: {  	_ =	swait.ge @!p0 [sflag:s0], s1  }
0x42: {  	s1 =	ssub.s32 @!p0 $0x0, s1;
	[sflag:s0] =	ssyncset.done @!p0 $0x0  }
0x43: {  	[sflag:s0] =	ssyncadd.s32 @!p0 s1  }
0x44: {  	[bflag:$0x3] =	sbarrier.arrive $0xFFFF  }
0x45: {  	_ =	shalt  }

// kernel: gather_offload_async_start.3
scs
__scs_entry_jumppad:
0x0: {  	(pc) =	sbr.rel $0x88, $3  }
0x1: {  	(tag) =	ssettag $0x0;
	lr =	simm.s32 $0x1  }
0x2: {  	[smem:$0x3F9C] =	sst lr;
	_ =	strace $0xD0000000  }
0x3: {  	_ = 	snop  }
0x4: {  	_ = 	snop  }
0x5: {  	_ = 	snop  }
0x6: {  	_ = 	snop  }
0x7: {  	_ = 	snop  }
__scs_overlays_trampoline_lowered:
0x8: {  	[smem:$0x3FAB] =	sst s0  }
0x9: {  	[smem:$0x3FAC] =	sst s1  }
0xa: {  	[smem:$0x3FAD] =	sst s2  }
0xb: {  	[smem:$0x3FAE] =	sst s3  }
0xc: {  	[smem:$0x3FAF] =	sst s4  }
0xd: {  	[smem:$0x3FB0] =	sst s5  }
0xe: {  	[smem:$0x3FB1] =	sst s6  }
0xf: {  	[smem:$0x3FB2] =	sst s7  }
0x10: {  	[smem:$0x3FB3] =	sst s8  }
0x11: {  	[smem:$0x3FB4] =	sst s9;
	s0 =	simm.s32 @!p0 $0x0  }
0x12: {  	s1 =	sld [smem:$0x3F9A];
	s0 =	simm.s32 @p0 $0x1  }
0x13: {  	[smem:$0x3FB5] =	sst s0;
	s0 =	simm.s32 @!p1 $0x0  }
0x14: {  	s2 =	sld [smem:$0x3F99];
	s0 =	simm.s32 @p1 $0x1  }
0x15: {  	[smem:$0x3FB6] =	sst s0;
	s0 =	simm.s32 @!p2 $0x0  }
0x16: {  	s3 =	sld [smem:$0x3FDB];
	s0 =	simm.s32 @p2 $0x1  }
0x17: {  	s4 =	simm.s32 $0x1BF5;
	[smem:$0x3FB8] =	sst s0  }
0x18: {  	s0 =	sld [smem:$0x3F9B];
	_ =	swait.ge [sflag:s4], $0x0  }
0x19: {  	s7 =	sld [smem:$0x3F9C]  }
0x1a: {  	s8 =	sadd.s32 $0xFFFFE003, lr  }
0x1b: {  	s9 =	sadd.s32 $0xFFFFFEF7, lr;
	s5 =	simm.s32 $0xFFFFFFFF;
	p2 =	slt.u32 s8, $0xFFFFF086  }
0x1c: {  	p1 =	slt.u32 s9, $0xF7A;
	s5 =	simm.s32 @!p2 $0x0  }
0x1d: {  	s5 =	simm.s32 @p1 $0x1;
	p0 =	seq.s32 s7, s2  }
0x1e: {  	s7 =	smul.u32 @!p0 $0xF7A, s2;
	p2 =	seq.s32 @!p0 s5, $0x0  }
0x1f: {  	s9 =	smul.u32 $0xF7A, s1;
	s8 =	simm.s32 @!p0 $0x1BF5;
	p2 =	por !p2, p0  }
0x20: {  	[sflag:s8] =	ssyncset.s32 @!p0 $0xFFFFF086;
	s6 =	sadd.s32 @!p0 s3, s7;
	s7 =	simm.s32 @!p0 $0x108  }
0x21: {  	s3 =	sadd.s32 s3, s9;
	s6 =	sadd.s32 @!p0 $0x88, s6;
	s7 =	simm.s32 @p2 $0x1082  }
0x22: {  	[simem:s7], [sflag:s8] =	dma.local @!p0 [hbm:s6], $0xF7A  }
0x23: {  	s9 =	sor.u32 $0xD0000000, s2;
	s6 =	simm.s32 $0x108;
	_ =	swait.ge @!p0 [sflag:s8], $0x0  }
0x24: {  	s3 =	sadd.s32 $0x88, s3;
	s6 =	simm.s32 @!p1 $0x1082;
	[sflag:s4] =	ssyncset.s32 $0xFFFFF086  }
0x25: {  	[simem:s6], [sflag:s4] =	dma.local [hbm:s3], $0xF7A  }
0x26: {  	[smem:$0x3F9C] =	sst s1;
	(tag) =	ssettag s2;
	_ =	strace s9  }
0x27: {  	s1 =	sld [smem:$0x3FAC]  }
0x28: {  	s2 =	sld [smem:$0x3FAD]  }
0x29: {  	s4 =	sld [smem:$0x3FAF]  }
0x2a: {  	p0 =	seq.s32 s5, $0x0;
	s5 =	sld [smem:$0x3FB0]  }
0x2b: {  	s6 =	sld [smem:$0x3FB1]  }
0x2c: {  	s7 =	sld [smem:$0x3FB2]  }
0x2d: {  	s3 =	simm.s32 $0x108;
	s8 =	sld [smem:$0x3FB3]  }
0x2e: {  	s3 =	simm.s32 @!p0 $0x1082;
	s9 =	sld [smem:$0x3FB4]  }
0x2f: {  	lr =	sadd.s32 s0, s3;
	s0 =	sld [smem:$0x3FAB]  }
0x30: {  	s3 =	sld [smem:$0x3FAE]  }
0x31: {  	[smem:$0x3FB7] =	sst s10  }
0x32: {  	s10 =	sld [smem:$0x3FB5];
	_ =	sdelay $0x3  }
0x33: {  	p0 =	seq.s32 s10, $0x1;
	s10 =	sld [smem:$0x3FB7];
	_ =	sdelay $0x3  }
0x34: {  	[smem:$0x3FB7] =	sst s10  }
0x35: {  	s10 =	sld [smem:$0x3FB6];
	_ =	sdelay $0x3  }
0x36: {  	p1 =	seq.s32 s10, $0x1;
	s10 =	sld [smem:$0x3FB7];
	_ =	sdelay $0x3  }
0x37: {  	[smem:$0x3FB7] =	sst s10  }
0x38: {  	s10 =	sld [smem:$0x3FB8]  }
0x39: {  	_ = 	snop;
	(pc) =	sbr.ind lr, $3  }
0x3a: {  	_ = 	snop  }
0x3b: {  	_ = 	snop  }
0x3c: {  	p2 =	seq.s32 s10, $0x1;
	s10 =	sld [smem:$0x3FB7]  }
0x3d: {  	_ =	shalt  }
0x3e: {  	_ =	shalt  }
0x3f: {  	_ =	shalt  }
0x40: {  	_ =	shalt  }
0x41: {  	_ =	shalt  }
0x42: {  	_ =	shalt  }
0x43: {  	_ =	shalt  }
0x44: {  	_ =	shalt  }
0x45: {  	_ =	shalt  }
0x46: {  	_ =	shalt  }
0x47: {  	_ =	shalt  }
0x48: {  	_ =	shalt  }
0x49: {  	_ =	shalt  }
0x4a: {  	_ =	shalt  }
0x4b: {  	_ =	shalt  }
0x4c: {  	_ =	shalt  }
0x4d: {  	_ =	shalt  }
0x4e: {  	_ =	shalt  }
0x4f: {  	_ =	shalt  }
0x50: {  	_ =	shalt  }
0x51: {  	_ =	shalt  }
0x52: {  	_ =	shalt  }
0x53: {  	_ =	shalt  }
0x54: {  	_ =	shalt  }
0x55: {  	_ =	shalt  }
0x56: {  	_ =	shalt  }
0x57: {  	_ =	shalt  }
0x58: {  	_ =	shalt  }
0x59: {  	_ =	shalt  }
0x5a: {  	_ =	shalt  }
0x5b: {  	_ =	shalt  }
0x5c: {  	_ =	shalt  }
0x5d: {  	_ =	shalt  }
0x5e: {  	_ =	shalt  }
0x5f: {  	_ =	shalt  }
0x60: {  	_ =	shalt  }
0x61: {  	_ =	shalt  }
0x62: {  	_ =	shalt  }
0x63: {  	_ =	shalt  }
0x64: {  	_ =	shalt  }
0x65: {  	_ =	shalt  }
0x66: {  	_ =	shalt  }
0x67: {  	_ =	shalt  }
0x68: {  	_ =	shalt  }
0x69: {  	_ =	shalt  }
0x6a: {  	_ =	shalt  }
0x6b: {  	_ =	shalt  }
0x6c: {  	_ =	shalt  }
0x6d: {  	_ =	shalt  }
0x6e: {  	_ =	shalt  }
0x6f: {  	_ =	shalt  }
0x70: {  	_ =	shalt  }
0x71: {  	_ =	shalt  }
0x72: {  	_ =	shalt  }
0x73: {  	_ =	shalt  }
0x74: {  	_ =	shalt  }
0x75: {  	_ =	shalt  }
0x76: {  	_ =	shalt  }
0x77: {  	_ =	shalt  }
0x78: {  	_ =	shalt  }
0x79: {  	_ =	shalt  }
0x7a: {  	_ =	shalt  }
0x7b: {  	_ =	shalt  }
0x7c: {  	_ =	shalt  }
0x7d: {  	_ =	shalt  }
0x7e: {  	_ =	shalt  }
0x7f: {  	_ =	shalt  }
0x80: {  	_ =	shalt  }
0x81: {  	_ =	shalt  }
0x82: {  	_ =	shalt  }
0x83: {  	_ =	shalt  }
0x84: {  	_ =	shalt  }
0x85: {  	_ =	shalt  }
0x86: {  	_ =	shalt  }
0x87: {  	_ =	shalt  }
.Lfunc_end0:
.L_simem_size_0:
called_computation.3_lowered:
.L_overlay_start_0:
0x88: {  	s2 =	sld [smem:$0x3FD9]  }
0x89: {  	s3 =	sld [smem:$0x3FFE];
	_ =	sdelay $0x1  }
0x8a: {  	s1 =	srdreg.scid  }
0x8b: {  	s0 =	sand.u32 $0x1, s1  }
0x8c: {  	s14 =	sshll.u32 s0, $0xA;
	s2 =	sadd.s32 s3, s2  }
0x8d: {  	s2 =	sadd.s32 s2, s14  }
0x8e: {  	[smem:$0x3FC3] =	sst s2  }
0x8f: {  	_ = 	snop  }
0x90: {  	s2 =	sld [smem:$0x3FD0];
	_ =	sdelay $0x2  }
0x91: {  	s15 =	simm.s32 $0xB;
	s4 =	simm.s32 $0x10  }
0x92: {  	[smem:s4], [sflag:s15] =	dma.local [hbm:s2], $0x1  }
0x93: {  	_ =	swait.eq [sflag:s15], $0x1  }
0x94: {  	[sflag:s15] =	ssyncset.done $0x0  }
0x95: {  	[sflag:s15] =	ssyncadd.s32 $0xFFFFFFFF  }
0x96: {  	s16 =	sld [smem:$0x10];
	(tm) =	ssettm $0x1  }
0x97: {  	s17 =	sld [smem:$0x3FFB];
	_ =	sdelay $0x3  }
0x98: {  	_ =	strace s17  }
0x99: {  	s3 =	sld [smem:$0x3FFC];
	_ =	sdelay $0x3  }
0x9a: {  	_ =	strace s3  }
0x9b: {  	s3 =	sld [smem:$0x3FFD];
	_ =	sdelay $0x3  }
0x9c: {  	_ =	strace s3  }
0x9d: {  	_ =	strace $0x8FFFFFFF  }
0x9e: {  	s18 =	sld [smem:$0x3FDB];
	_ =	sdelay $0x1  }
0x9f: {  	s19 =	simm.s32 $_scs_section_size  }
0xa0: {  	s5 =	simm.s32 $_size__tile_overlayer_lowered;
	s6 =	simm.s32 $_tile_overlayer_lowered  }
0xa1: {  	s22 =	simm.s32 $0x1BFF;
	s21 =	sshll.u32 s6, $0x1;
	s3 =	sadd.s32 s19, s18  }
0xa2: {  	s7 =	simm.s32 $0x0;
	s20 =	sshll.u32 s5, $0x1;
	s5 =	sadd.s32 s21, s3  }
0xa3: {  	[timem:s7], [sflag:s22] =	dma.local [hbm:s5], s20  }
0xa4: {  	_ =	swait.ge [sflag:s22], s20  }
0xa5: {  	s4 =	ssub.s32 $0x0, s20;
	[sflag:s22] =	ssyncset.done $0x0  }
0xa6: {  	[sflag:s22] =	ssyncadd.s32 s4;
	_ =	sdelay $0x1  }
0xa7: {  	s23 =	simm.s32 $0x1B8B  }
0xa8: {  	_ =	swait.ge [sflag:s23], $0x1  }
0xa9: {  	[sflag:s23] =	ssyncset.done $0x0  }
0xaa: {  	s25 =	simm.s32 $0x1B8E;
	s24 =	sld [smem:$0x3FFE];
	[sflag:s23] =	ssyncadd.s32 $0xFFFFFFFF  }
0xab: {  	s26 =	simm.s32 $execute0_lowered;
	[smem:$0x3FD2] =	sst s25  }
0xac: {  	s5 =	sshll.u32 s26, $0x1;
	_ =	strace $0x80000046;
	[dreg:$0x1] =	wrdreg $0xFFFFFFFF  }
0xad: {  	s28 =	simm.s32 $_size_execute0_lowered;
	s3 =	sadd.s32 s3, s5;
	[dreg:$0x0] =	wrdreg $0x0  }
0xae: {  	s5 =	sshll.u32 s28, $0x1;
	[dreg:$0x2] =	wrdreg s3  }
0xaf: {  	[dreg:$0x3] =	wrdreg s5  }
0xb0: {  	[dreg:$0x4] =	wrdreg $0xC0  }
0xb1: {  	_ =	task [dreg:s7], $0x5FFFF  }
0xb2: {  	[dreg:$0x1] =	wrdreg $0xFFFFFFFF  }
0xb3: {  	[dreg:$0x0] =	wrdreg $0x60  }
0xb4: {  	[dreg:$0x2] =	wrdreg s16  }
0xb5: {  	[dreg:$0x3] =	wrdreg s24  }
0xb6: {  	[dreg:$0x4] =	wrdreg $0xA  }
0xb7: {  	_ =	task.clear_ibuf [dreg:s7], $0x5FFFF;
	_ =	strace $0x90000046  }
0xb8: {  	s29 =	simm.s32 $0xA;
	_ =	strace $0x80000048  }
0xb9: {  	_ =	swait.ge [sflag:s29], $0x1  }
0xba: {  	[sflag:s29] =	ssyncadd.s32 $0xFFFFFFFF  }
0xbb: {  	_ =	strace $0x90000048  }
0xbc: {  	_ =	sfence  }
0xbd: {  	s30 =	sld [smem:$0x0];
	_ =	sdelay $0x2  }
0xbe: {  	s31 =	sshll.u32 s1, $0xD;
	s1 =	sshrl.u32 s1, $0x2  }
0xbf: {  	s3 =	sand.u32 $0x4000, s31;
	s1 =	sadd.s32 s1, s30  }
0xc0: {  	s0 =	sor.u32 s3, s0;
	s1 =	sshll.u32 s1, $0x11  }
0xc1: {  	s0 =	sor.u32 s1, s0  }
0xc2: {  	s0 =	sadd.s32 $0x8F2B, s0  }
0xc3: {  	[sflag:s0] =	ssyncadd.remote.s32 $0x1  }
0xc4: {  	_ =	sfence.sel $0xFFFF  }
0xc5: {  	[dreg:$0x0] =	wrdreg $0xFFFFFFFF;
	(pc) =	sbr.abs _section_cstart, $3  }
0xc6: {  	[dreg:$0x1] =	wrdreg $0xFFFFFFFF  }
0xc7: {  	_ =	task.clear_ibuf [dreg:s7], $0x2FFFF;
	_ =	strace $0x9FFFFFFF  }
0xc8: {  	(tm) =	ssettm $0x7FFFFFFF  }
0xc9: {  	_ =	shalt  }
tec
execute0_lowered:
.L_overlay_start_1:
0x0: {  	(tag) =	ssettag $0x1  }
0x1: {  	s1 =	srdreg.scid  }
0x2: {  	s0 =	stileid.u32;
	s2 =	rddreg [dreg:$0x0]  }
0x3: {  	s3 =	rddreg [dreg:$0x1];
	s5 =	simm.s32 $0x1;
	s1 =	sshll.u32 s1, $0x5  }
0x4: {  	s8 =	simm.s32 $0x1;
	s4 =	sshll.u32 s0, $0x6;
	s1 =	sand.u32 $0x20, s1  }
0x5: {  	s9 =	simm.s32 $0x3;
	s10 =	simm.s32 $0x0;
	s4 =	sor.u32 s4, s1  }
0x6: {  	s13 =	simm.s32 $0x0;
	s1 =	rddreg [dreg:$0x2];
	s7 =	ssub.s32 $0x800, s4  }
.Ltmp0:
0x7: {  	_ =	strace $0x80000047;
	s6 =	sand.u32 $0x3E0, s7;
	(pc) =	sbr.rel .LBB2_1-.Ltmp0, $4  }
0x8: {  	s12 =	simm.s32 $0x0;
	[sflag:s5] =	ssyncpa.u1 $0x0;
	p0 =	sne.s32 s6, $0x0  }
0x9: {  	s7 =	sshrl.u32 s7, $0xA;
	s6 =	simm.s32 $0x2;
	s8 =	simm.s32 @!p0 $0x0  }
0xa: {  	s11 =	smov.u32 s4;
	[sflag:s6] =	ssyncpa.u1 $0x0;
	s7 =	sadd.s32 s8, s7  }
0xb: {  	vm0 =	vmmov $0xffff;
	s8 =	sadd.s32 $0x1400, s3;
	[sflag:s9] =	ssyncpa.u1 $0x0;
	s9 =	sadd.s32 $0x1, s7  }
.LBB2_5:
0xc: {  	s15 =	sadd.s32 $0x400, s11  }
0xd: {  	p1 =	sgt.s32 s15, $0x7FF  }
0xe: {  	s15 =	smov.u32 @p1 s4;
	p1 =	sne.s32 s12, s9  }
.Ltmp1:
0xf: {  	p0 =	slt.u32 s12, $0x2;
	(pc) =	sbr.rel @!p1 .LBB2_6-.Ltmp1, $4  }
0x10: {  	s14 =	simm.s32 @!p0 $0x3  }
0x11: {  	_ =	swait.ge @!p0 [sflag:s14], $0x20  }
0x12: {  	s16 =	sadd.s32 $0x1, s12;
	s13 =	smov.u32 s11;
	[sflag:s14] =	ssyncset.done @!p0 $0x0  }
0x13: {  	s12 =	smov.u32 s16;
	s11 =	smov.u32 s15;
	[sflag:s14] =	ssyncadd.s32 @!p0 $0xFFFFFFE0  }
.LBB2_1:
0x14: {  	p0 =	sge.u32 s12, s7  }
0x15: {  	s14 =	sxor.u32 @!p0 $0xFFFFFFFF, s12  }
0x16: {  	s31 =	sadd.s32 $0xFFFFFFFF, s12;
	s15 =	sshrl.u32 @!p0 s11, $0x3;
	s14 =	sshll.u32 @!p0 s14, $0x5  }
0x17: {  	s16 =	sand.u32 @!p0 $0x7, s11;
	s15 =	sadd.s32 @!p0 s3, s15;
	s14 =	sand.u32 @!p0 $0x20, s14  }
0x18: {  	[tilespmem:s14], [sflag:$0x2] =	stream.linear.gather @!p0 [hbm4b:s15+s16], $0x20, $0x38;
	[tilespmem:$0x80] =	vst v63  }
0x19: {  	p0 =	sge.u32 s31, s7  }
.Ltmp2:
0x1a: {  	_ = 	snop;
	(pc) =	sbr.rel @p0 .LBB2_5-.Ltmp2, $1  }
0x1b: {  	_ =	sdelay $0x3  }
0x1c: {  	_ =	swait.ge [sflag:s6], $0x20;
	s14 =	sshll.u32 s12, $0x5;
	s16 =	simm.s32 $0x0  }
0x1d: {  	p0 =	por $0x1, $0x1;
	[sflag:s6] =	ssyncset.done $0x0;
	s15 =	sand.u32 $0x20, s14  }
0x1e: {  	[sflag:s6] =	ssyncadd.s32 $0xFFFFFFE0;
	(ifvalue) =	ssetifvalue $0x7FFFFFFF;
	s14 =	sor.u32 $0x40, s15  }
.LBB2_3:
0x1f: {  	s17 =	sadd.s32 s16, s15  }
0x20: {  	v0 =	vld.msk [tilespmem:s17+$0x0 ss:$0x1], $0xffff;
	_ =	sdelay $0x4  }
0x21: {  	v1 =	vshrl.u32 v0, $0x2  }
0x22: {  	vm1 =	veq.s32 v0, $0x80000000;
	v1 =	vand.u32 $0x1FFF, v1  }
0x23: {  	v0 =	vand.u32 $0x3, v0;
	v1 =	vsel vm1, $0xFFFFFFFF, v1  }
0x24: {  	v0 =	vsel vm1, $0xFFFFFFFF, v0;
	v2 =	vshll.u32 v1, $0x2  }
0x25: {  	v3 =	vand.u32 $0xFFFF8000, v0;
	v0 =	vshll.u32 v0, $0x7;
	v2 =	vand.u32 $0xFFFFFE00, v2  }
0x26: {  	v0 =	vand.u32 $0x180, v0;
	v2 =	vadd.s32 v3, v2  }
0x27: {  	v1 =	vand.u32 $0x7F, v1;
	v0 =	vor.u32 v0, v2  }
0x28: {  	p1 =	por p0, p0;
	v0 =	vor.u32 v1, v0  }
.Ltmp3:
0x29: {  	_ = 	snop;
	(pc) =	sbr.rel @p1 .LBB2_3-.Ltmp3, $4  }
0x2a: {  	_ = 	snop  }
0x2b: {  	s31 =	sadd.s32 s16, s14  }
0x2c: {  	s16 =	simm.s32 $0x10;
	p0 =	por $0x0, $0x0;
	(ifvalue) =	ssetifvalue $0x7FFFFFFF  }
0x2d: {  	[tilespmem:s31], [sflag:$0x1] =	stream.indirect_vreg.gather [hbm4b:s2+s10], $0x1, v0, vm0, $0x4038;
	[tilespmem:$0x80] =	vst v63  }
.Ltmp4:
0x2e: {  	(pc) =	sbr.rel .LBB2_5-.Ltmp4, $4  }
0x2f: {  	_ =	swait.ge [sflag:s5], $0x20  }
0x30: {  	s15 =	sshrl.u32 s13, $0x3;
	[sflag:s5] =	ssyncset.done $0x0  }
0x31: {  	s31 =	sand.u32 $0x7, s13;
	s15 =	sadd.s32 s8, s15;
	[sflag:s5] =	ssyncadd.s32 $0xFFFFFFE0  }
0x32: {  	[hbm4b:s15+s31] =	stream.linear.scatter [tilespmem:s14], [sflag:$0x3], $0x20, $0x38;
	[tilespmem:$0x80] =	vst v63  }
.LBB2_6:
0x33: {  	_ =	sfence.sel $0x180000  }
0x34: {  	s2 =	simm.s32 $0x2;
	[bflag:$0x0] =	sbarrier.arrive $0xFFFF  }
0x35: {  	s30 =	simm.s32 $0x3;
	[sflag:s2] =	ssyncpa.u1 $0x1  }
0x36: {  	s31 =	simm.s32 $0x1;
	[sflag:s30] =	ssyncpa.u1 $0x1  }
0x37: {  	[sflag:s31] =	ssyncpa.u1 $0x1  }
0x38: {  	p0 =	sne.s32 s0, $0x0;
	_ =	strace $0x90000047  }
0x39: {  	s0 =	sadd.s32 @!p0 $0x100000, s1;
	[bflag:$0x2] =	sbarrier.arrive $0xFFFF  }
0x3a: {  	[sflag:s0] =	ssyncadd.tile.s32 @!p0 $0x1;
	_ =	shalt  }
.Lfunc_end2:
_tile_overlayer_lowered:
.L_overlay_start_2:
0x3b: {  	(tag) =	ssettag $0x2  }
0x3c: {  	s0 =	rddreg [dreg:$0x0];
	s2 =	stileid.u32  }
0x3d: {  	s1 =	rddreg [dreg:$0x1];
	p0 =	sne.s32 s2, $0x0  }
0x3e: {  	s3 =	rddreg [dreg:$0x2];
	[bflag:$0x3] =	sbarrier.arrive $0xFFFF;
	s2 =	simm.s32 @!p0 $0x1C01  }
0x3f: {  	[timem:s3], [sflag:s2] =	dma.local @!p0 [hbm:s0], s1  }
0x40: {  	s0 =	simm.s32 @!p0 $0x1  }
0x41: {  	_ =	swait.ge @!p0 [sflag:s0], s1  }
0x42: {  	s1 =	ssub.s32 @!p0 $0x0, s1;
	[sflag:s0] =	ssyncset.done @!p0 $0x0  }
0x43: {  	[sflag:s0] =	ssyncadd.s32 @!p0 s1  }
0x44: {  	[bflag:$0x3] =	sbarrier.arrive $0xFFFF  }
0x45: {  	_ =	shalt  }

// kernel: gather_offload_async_start.4
scs
__scs_entry_jumppad:
0x0: {  	(pc) =	sbr.rel $0x88, $3  }
0x1: {  	(tag) =	ssettag $0x0;
	lr =	simm.s32 $0x1  }
0x2: {  	[smem:$0x3F9C] =	sst lr;
	_ =	strace $0xD0000000  }
0x3: {  	_ = 	snop  }
0x4: {  	_ = 	snop  }
0x5: {  	_ = 	snop  }
0x6: {  	_ = 	snop  }
0x7: {  	_ = 	snop  }
__scs_overlays_trampoline_lowered:
0x8: {  	[smem:$0x3FAB] =	sst s0  }
0x9: {  	[smem:$0x3FAC] =	sst s1  }
0xa: {  	[smem:$0x3FAD] =	sst s2  }
0xb: {  	[smem:$0x3FAE] =	sst s3  }
0xc: {  	[smem:$0x3FAF] =	sst s4  }
0xd: {  	[smem:$0x3FB0] =	sst s5  }
0xe: {  	[smem:$0x3FB1] =	sst s6  }
0xf: {  	[smem:$0x3FB2] =	sst s7  }
0x10: {  	[smem:$0x3FB3] =	sst s8  }
0x11: {  	[smem:$0x3FB4] =	sst s9;
	s0 =	simm.s32 @!p0 $0x0  }
0x12: {  	s1 =	sld [smem:$0x3F9A];
	s0 =	simm.s32 @p0 $0x1  }
0x13: {  	[smem:$0x3FB5] =	sst s0;
	s0 =	simm.s32 @!p1 $0x0  }
0x14: {  	s2 =	sld [smem:$0x3F99];
	s0 =	simm.s32 @p1 $0x1  }
0x15: {  	[smem:$0x3FB6] =	sst s0;
	s0 =	simm.s32 @!p2 $0x0  }
0x16: {  	s3 =	sld [smem:$0x3FDB];
	s0 =	simm.s32 @p2 $0x1  }
0x17: {  	s4 =	simm.s32 $0x1BF5;
	[smem:$0x3FB8] =	sst s0  }
0x18: {  	s0 =	sld [smem:$0x3F9B];
	_ =	swait.ge [sflag:s4], $0x0  }
0x19: {  	s7 =	sld [smem:$0x3F9C]  }
0x1a: {  	s8 =	sadd.s32 $0xFFFFE003, lr  }
0x1b: {  	s9 =	sadd.s32 $0xFFFFFEF7, lr;
	s5 =	simm.s32 $0xFFFFFFFF;
	p2 =	slt.u32 s8, $0xFFFFF086  }
0x1c: {  	p1 =	slt.u32 s9, $0xF7A;
	s5 =	simm.s32 @!p2 $0x0  }
0x1d: {  	s5 =	simm.s32 @p1 $0x1;
	p0 =	seq.s32 s7, s2  }
0x1e: {  	s7 =	smul.u32 @!p0 $0xF7A, s2;
	p2 =	seq.s32 @!p0 s5, $0x0  }
0x1f: {  	s9 =	smul.u32 $0xF7A, s1;
	s8 =	simm.s32 @!p0 $0x1BF5;
	p2 =	por !p2, p0  }
0x20: {  	[sflag:s8] =	ssyncset.s32 @!p0 $0xFFFFF086;
	s6 =	sadd.s32 @!p0 s3, s7;
	s7 =	simm.s32 @!p0 $0x108  }
0x21: {  	s3 =	sadd.s32 s3, s9;
	s6 =	sadd.s32 @!p0 $0x88, s6;
	s7 =	simm.s32 @p2 $0x1082  }
0x22: {  	[simem:s7], [sflag:s8] =	dma.local @!p0 [hbm:s6], $0xF7A  }
0x23: {  	s9 =	sor.u32 $0xD0000000, s2;
	s6 =	simm.s32 $0x108;
	_ =	swait.ge @!p0 [sflag:s8], $0x0  }
0x24: {  	s3 =	sadd.s32 $0x88, s3;
	s6 =	simm.s32 @!p1 $0x1082;
	[sflag:s4] =	ssyncset.s32 $0xFFFFF086  }
0x25: {  	[simem:s6], [sflag:s4] =	dma.local [hbm:s3], $0xF7A  }
0x26: {  	[smem:$0x3F9C] =	sst s1;
	(tag) =	ssettag s2;
	_ =	strace s9  }
0x27: {  	s1 =	sld [smem:$0x3FAC]  }
0x28: {  	s2 =	sld [smem:$0x3FAD]  }
0x29: {  	s4 =	sld [smem:$0x3FAF]  }
0x2a: {  	p0 =	seq.s32 s5, $0x0;
	s5 =	sld [smem:$0x3FB0]  }
0x2b: {  	s6 =	sld [smem:$0x3FB1]  }
0x2c: {  	s7 =	sld [smem:$0x3FB2]  }
0x2d: {  	s3 =	simm.s32 $0x108;
	s8 =	sld [smem:$0x3FB3]  }
0x2e: {  	s3 =	simm.s32 @!p0 $0x1082;
	s9 =	sld [smem:$0x3FB4]  }
0x2f: {  	lr =	sadd.s32 s0, s3;
	s0 =	sld [smem:$0x3FAB]  }
0x30: {  	s3 =	sld [smem:$0x3FAE]  }
0x31: {  	[smem:$0x3FB7] =	sst s10  }
0x32: {  	s10 =	sld [smem:$0x3FB5];
	_ =	sdelay $0x3  }
0x33: {  	p0 =	seq.s32 s10, $0x1;
	s10 =	sld [smem:$0x3FB7];
	_ =	sdelay $0x3  }
0x34: {  	[smem:$0x3FB7] =	sst s10  }
0x35: {  	s10 =	sld [smem:$0x3FB6];
	_ =	sdelay $0x3  }
0x36: {  	p1 =	seq.s32 s10, $0x1;
	s10 =	sld [smem:$0x3FB7];
	_ =	sdelay $0x3  }
0x37: {  	[smem:$0x3FB7] =	sst s10  }
0x38: {  	s10 =	sld [smem:$0x3FB8]  }
0x39: {  	_ = 	snop;
	(pc) =	sbr.ind lr, $3  }
0x3a: {  	_ = 	snop  }
0x3b: {  	_ = 	snop  }
0x3c: {  	p2 =	seq.s32 s10, $0x1;
	s10 =	sld [smem:$0x3FB7]  }
0x3d: {  	_ =	shalt  }
0x3e: {  	_ =	shalt  }
0x3f: {  	_ =	shalt  }
0x40: {  	_ =	shalt  }
0x41: {  	_ =	shalt  }
0x42: {  	_ =	shalt  }
0x43: {  	_ =	shalt  }
0x44: {  	_ =	shalt  }
0x45: {  	_ =	shalt  }
0x46: {  	_ =	shalt  }
0x47: {  	_ =	shalt  }
0x48: {  	_ =	shalt  }
0x49: {  	_ =	shalt  }
0x4a: {  	_ =	shalt  }
0x4b: {  	_ =	shalt  }
0x4c: {  	_ =	shalt  }
0x4d: {  	_ =	shalt  }
0x4e: {  	_ =	shalt  }
0x4f: {  	_ =	shalt  }
0x50: {  	_ =	shalt  }
0x51: {  	_ =	shalt  }
0x52: {  	_ =	shalt  }
0x53: {  	_ =	shalt  }
0x54: {  	_ =	shalt  }
0x55: {  	_ =	shalt  }
0x56: {  	_ =	shalt  }
0x57: {  	_ =	shalt  }
0x58: {  	_ =	shalt  }
0x59: {  	_ =	shalt  }
0x5a: {  	_ =	shalt  }
0x5b: {  	_ =	shalt  }
0x5c: {  	_ =	shalt  }
0x5d: {  	_ =	shalt  }
0x5e: {  	_ =	shalt  }
0x5f: {  	_ =	shalt  }
0x60: {  	_ =	shalt  }
0x61: {  	_ =	shalt  }
0x62: {  	_ =	shalt  }
0x63: {  	_ =	shalt  }
0x64: {  	_ =	shalt  }
0x65: {  	_ =	shalt  }
0x66: {  	_ =	shalt  }
0x67: {  	_ =	shalt  }
0x68: {  	_ =	shalt  }
0x69: {  	_ =	shalt  }
0x6a: {  	_ =	shalt  }
0x6b: {  	_ =	shalt  }
0x6c: {  	_ =	shalt  }
0x6d: {  	_ =	shalt  }
0x6e: {  	_ =	shalt  }
0x6f: {  	_ =	shalt  }
0x70: {  	_ =	shalt  }
0x71: {  	_ =	shalt  }
0x72: {  	_ =	shalt  }
0x73: {  	_ =	shalt  }
0x74: {  	_ =	shalt  }
0x75: {  	_ =	shalt  }
0x76: {  	_ =	shalt  }
0x77: {  	_ =	shalt  }
0x78: {  	_ =	shalt  }
0x79: {  	_ =	shalt  }
0x7a: {  	_ =	shalt  }
0x7b: {  	_ =	shalt  }
0x7c: {  	_ =	shalt  }
0x7d: {  	_ =	shalt  }
0x7e: {  	_ =	shalt  }
0x7f: {  	_ =	shalt  }
0x80: {  	_ =	shalt  }
0x81: {  	_ =	shalt  }
0x82: {  	_ =	shalt  }
0x83: {  	_ =	shalt  }
0x84: {  	_ =	shalt  }
0x85: {  	_ =	shalt  }
0x86: {  	_ =	shalt  }
0x87: {  	_ =	shalt  }
.Lfunc_end0:
.L_simem_size_0:
called_computation.4_lowered:
.L_overlay_start_0:
0x88: {  	s2 =	sld [smem:$0x3FD9]  }
0x89: {  	s3 =	sld [smem:$0x3FFE];
	_ =	sdelay $0x1  }
0x8a: {  	s1 =	srdreg.scid  }
0x8b: {  	s0 =	sand.u32 $0x1, s1  }
0x8c: {  	s14 =	sshll.u32 s0, $0xA;
	s2 =	sadd.s32 s3, s2  }
0x8d: {  	s2 =	sadd.s32 s2, s14  }
0x8e: {  	[smem:$0x3FC3] =	sst s2  }
0x8f: {  	_ = 	snop  }
0x90: {  	s2 =	sld [smem:$0x3FD0];
	_ =	sdelay $0x2  }
0x91: {  	s15 =	simm.s32 $0xB;
	s4 =	simm.s32 $0x10  }
0x92: {  	[smem:s4], [sflag:s15] =	dma.local [hbm:s2], $0x1  }
0x93: {  	_ =	swait.eq [sflag:s15], $0x1  }
0x94: {  	[sflag:s15] =	ssyncset.done $0x0  }
0x95: {  	[sflag:s15] =	ssyncadd.s32 $0xFFFFFFFF  }
0x96: {  	s16 =	sld [smem:$0x10];
	(tm) =	ssettm $0x1  }
0x97: {  	s17 =	sld [smem:$0x3FFB];
	_ =	sdelay $0x3  }
0x98: {  	_ =	strace s17  }
0x99: {  	s3 =	sld [smem:$0x3FFC];
	_ =	sdelay $0x3  }
0x9a: {  	_ =	strace s3  }
0x9b: {  	s3 =	sld [smem:$0x3FFD];
	_ =	sdelay $0x3  }
0x9c: {  	_ =	strace s3  }
0x9d: {  	_ =	strace $0x8FFFFFFF  }
0x9e: {  	s18 =	sld [smem:$0x3FDB];
	_ =	sdelay $0x1  }
0x9f: {  	s19 =	simm.s32 $_scs_section_size  }
0xa0: {  	s5 =	simm.s32 $_size__tile_overlayer_lowered;
	s6 =	simm.s32 $_tile_overlayer_lowered  }
0xa1: {  	s22 =	simm.s32 $0x1BFF;
	s21 =	sshll.u32 s6, $0x1;
	s3 =	sadd.s32 s19, s18  }
0xa2: {  	s7 =	simm.s32 $0x0;
	s20 =	sshll.u32 s5, $0x1;
	s5 =	sadd.s32 s21, s3  }
0xa3: {  	[timem:s7], [sflag:s22] =	dma.local [hbm:s5], s20  }
0xa4: {  	_ =	swait.ge [sflag:s22], s20  }
0xa5: {  	s4 =	ssub.s32 $0x0, s20;
	[sflag:s22] =	ssyncset.done $0x0  }
0xa6: {  	[sflag:s22] =	ssyncadd.s32 s4;
	_ =	sdelay $0x1  }
0xa7: {  	s23 =	simm.s32 $0x1B8B  }
0xa8: {  	_ =	swait.ge [sflag:s23], $0x1  }
0xa9: {  	[sflag:s23] =	ssyncset.done $0x0  }
0xaa: {  	s25 =	simm.s32 $0x1B8E;
	s24 =	sld [smem:$0x3FFE];
	[sflag:s23] =	ssyncadd.s32 $0xFFFFFFFF  }
0xab: {  	s26 =	simm.s32 $execute0_lowered;
	[smem:$0x3FD2] =	sst s25  }
0xac: {  	s5 =	sshll.u32 s26, $0x1;
	_ =	strace $0x8000004C;
	[dreg:$0x1] =	wrdreg $0xFFFFFFFF  }
0xad: {  	s28 =	simm.s32 $_size_execute0_lowered;
	s3 =	sadd.s32 s3, s5;
	[dreg:$0x0] =	wrdreg $0x0  }
0xae: {  	s5 =	sshll.u32 s28, $0x1;
	[dreg:$0x2] =	wrdreg s3  }
0xaf: {  	[dreg:$0x3] =	wrdreg s5  }
0xb0: {  	[dreg:$0x4] =	wrdreg $0xC0  }
0xb1: {  	_ =	task [dreg:s7], $0x5FFFF  }
0xb2: {  	[dreg:$0x1] =	wrdreg $0xFFFFFFFF  }
0xb3: {  	[dreg:$0x0] =	wrdreg $0x60  }
0xb4: {  	[dreg:$0x2] =	wrdreg s24  }
0xb5: {  	[dreg:$0x3] =	wrdreg s16  }
0xb6: {  	[dreg:$0x4] =	wrdreg $0x9  }
0xb7: {  	_ =	task.clear_ibuf [dreg:s7], $0x5FFFF;
	_ =	strace $0x9000004C  }
0xb8: {  	s29 =	simm.s32 $0x9;
	_ =	strace $0x8000004E  }
0xb9: {  	_ =	swait.ge [sflag:s29], $0x1  }
0xba: {  	[sflag:s29] =	ssyncadd.s32 $0xFFFFFFFF  }
0xbb: {  	_ =	strace $0x9000004E  }
0xbc: {  	_ =	sfence  }
0xbd: {  	s30 =	sld [smem:$0x0];
	_ =	sdelay $0x2  }
0xbe: {  	s31 =	sshll.u32 s1, $0xD;
	s1 =	sshrl.u32 s1, $0x2  }
0xbf: {  	s3 =	sand.u32 $0x4000, s31;
	s1 =	sadd.s32 s1, s30  }
0xc0: {  	s0 =	sor.u32 s3, s0;
	s1 =	sshll.u32 s1, $0x11  }
0xc1: {  	s0 =	sor.u32 s1, s0  }
0xc2: {  	s0 =	sadd.s32 $0x8F2B, s0  }
0xc3: {  	[sflag:s0] =	ssyncadd.remote.s32 $0x1  }
0xc4: {  	_ =	sfence.sel $0xFFFF  }
0xc5: {  	[dreg:$0x0] =	wrdreg $0xFFFFFFFF;
	(pc) =	sbr.abs _section_cstart, $3  }
0xc6: {  	[dreg:$0x1] =	wrdreg $0xFFFFFFFF  }
0xc7: {  	_ =	task.clear_ibuf [dreg:s7], $0x2FFFF;
	_ =	strace $0x9FFFFFFF  }
0xc8: {  	(tm) =	ssettm $0x7FFFFFFF  }
0xc9: {  	_ =	shalt  }
tec
execute0_lowered:
.L_overlay_start_1:
0x0: {  	(tag) =	ssettag $0x1  }
0x1: {  	s1 =	srdreg.scid  }
0x2: {  	s0 =	stileid.u32;
	s2 =	rddreg [dreg:$0x0]  }
0x3: {  	s3 =	rddreg [dreg:$0x1];
	s5 =	simm.s32 $0x1;
	s1 =	sshll.u32 s1, $0x5  }
0x4: {  	s8 =	simm.s32 $0x1;
	s4 =	sshll.u32 s0, $0x6;
	s1 =	sand.u32 $0x20, s1  }
0x5: {  	s9 =	simm.s32 $0x3;
	s10 =	simm.s32 $0x0;
	s4 =	sor.u32 s4, s1  }
0x6: {  	s13 =	simm.s32 $0x0;
	s1 =	rddreg [dreg:$0x2];
	s7 =	ssub.s32 $0x800, s4  }
.Ltmp0:
0x7: {  	_ =	strace $0x8000004D;
	s6 =	sand.u32 $0x3E0, s7;
	(pc) =	sbr.rel .LBB2_1-.Ltmp0, $4  }
0x8: {  	s12 =	simm.s32 $0x0;
	[sflag:s5] =	ssyncpa.u1 $0x0;
	p0 =	sne.s32 s6, $0x0  }
0x9: {  	s7 =	sshrl.u32 s7, $0xA;
	s6 =	simm.s32 $0x2;
	s8 =	simm.s32 @!p0 $0x0  }
0xa: {  	s11 =	smov.u32 s4;
	[sflag:s6] =	ssyncpa.u1 $0x0;
	s7 =	sadd.s32 s8, s7  }
0xb: {  	vm0 =	vmmov $0xffff;
	s8 =	sadd.s32 $0x400, s2;
	[sflag:s9] =	ssyncpa.u1 $0x0;
	s9 =	sadd.s32 $0x1, s7  }
.LBB2_5:
0xc: {  	s15 =	sadd.s32 $0x400, s11  }
0xd: {  	p1 =	sgt.s32 s15, $0x7FF  }
0xe: {  	s15 =	smov.u32 @p1 s4;
	p1 =	sne.s32 s12, s9  }
.Ltmp1:
0xf: {  	p0 =	slt.u32 s12, $0x2;
	(pc) =	sbr.rel @!p1 .LBB2_6-.Ltmp1, $4  }
0x10: {  	s14 =	simm.s32 @!p0 $0x3  }
0x11: {  	_ =	swait.ge @!p0 [sflag:s14], $0x20  }
0x12: {  	s16 =	sadd.s32 $0x1, s12;
	s13 =	smov.u32 s11;
	[sflag:s14] =	ssyncset.done @!p0 $0x0  }
0x13: {  	s12 =	smov.u32 s16;
	s11 =	smov.u32 s15;
	[sflag:s14] =	ssyncadd.s32 @!p0 $0xFFFFFFE0  }
.LBB2_1:
0x14: {  	p0 =	sge.u32 s12, s7  }
0x15: {  	s14 =	sxor.u32 @!p0 $0xFFFFFFFF, s12  }
0x16: {  	s31 =	sadd.s32 $0xFFFFFFFF, s12;
	s15 =	sshrl.u32 @!p0 s11, $0x3;
	s14 =	sshll.u32 @!p0 s14, $0x5  }
0x17: {  	s16 =	sand.u32 @!p0 $0x7, s11;
	s15 =	sadd.s32 @!p0 s2, s15;
	s14 =	sand.u32 @!p0 $0x20, s14  }
0x18: {  	[tilespmem:s14], [sflag:$0x2] =	stream.linear.gather @!p0 [hbm4b:s15+s16], $0x20, $0x38;
	[tilespmem:$0x80] =	vst v63  }
0x19: {  	p0 =	sge.u32 s31, s7  }
.Ltmp2:
0x1a: {  	_ = 	snop;
	(pc) =	sbr.rel @p0 .LBB2_5-.Ltmp2, $1  }
0x1b: {  	_ =	sdelay $0x3  }
0x1c: {  	_ =	swait.ge [sflag:s6], $0x20;
	s14 =	sshll.u32 s12, $0x5;
	s16 =	simm.s32 $0x0  }
0x1d: {  	p0 =	por $0x1, $0x1;
	[sflag:s6] =	ssyncset.done $0x0;
	s15 =	sand.u32 $0x20, s14  }
0x1e: {  	[sflag:s6] =	ssyncadd.s32 $0xFFFFFFE0;
	(ifvalue) =	ssetifvalue $0x7FFFFFFF;
	s14 =	sor.u32 $0x40, s15  }
.LBB2_3:
0x1f: {  	s17 =	sadd.s32 s16, s15  }
0x20: {  	v0 =	vld.msk [tilespmem:s17+$0x0 ss:$0x1], $0xffff;
	_ =	sdelay $0x4  }
0x21: {  	v1 =	vshrl.u32 v0, $0x2  }
0x22: {  	vm1 =	veq.s32 v0, $0x80000000;
	v1 =	vand.u32 $0x1FFF, v1  }
0x23: {  	v0 =	vand.u32 $0x3, v0;
	v1 =	vsel vm1, $0xFFFFFFFF, v1  }
0x24: {  	v0 =	vsel vm1, $0xFFFFFFFF, v0;
	v2 =	vshll.u32 v1, $0x2  }
0x25: {  	v3 =	vand.u32 $0xFFFF8000, v0;
	v0 =	vshll.u32 v0, $0x7;
	v2 =	vand.u32 $0xFFFFFE00, v2  }
0x26: {  	v0 =	vand.u32 $0x180, v0;
	v2 =	vadd.s32 v3, v2  }
0x27: {  	v1 =	vand.u32 $0x7F, v1;
	v0 =	vor.u32 v0, v2  }
0x28: {  	p1 =	por p0, p0;
	v0 =	vor.u32 v1, v0  }
.Ltmp3:
0x29: {  	_ = 	snop;
	(pc) =	sbr.rel @p1 .LBB2_3-.Ltmp3, $4  }
0x2a: {  	_ = 	snop  }
0x2b: {  	s31 =	sadd.s32 s16, s14  }
0x2c: {  	s16 =	simm.s32 $0x10;
	p0 =	por $0x0, $0x0;
	(ifvalue) =	ssetifvalue $0x7FFFFFFF  }
0x2d: {  	[tilespmem:s31], [sflag:$0x1] =	stream.indirect_vreg.gather [hbm4b:s8+s10], $0x1, v0, vm0, $0x4038;
	[tilespmem:$0x80] =	vst v63  }
.Ltmp4:
0x2e: {  	(pc) =	sbr.rel .LBB2_5-.Ltmp4, $4  }
0x2f: {  	_ =	swait.ge [sflag:s5], $0x20  }
0x30: {  	s15 =	sshrl.u32 s13, $0x3;
	[sflag:s5] =	ssyncset.done $0x0  }
0x31: {  	s31 =	sand.u32 $0x7, s13;
	s15 =	sadd.s32 s3, s15;
	[sflag:s5] =	ssyncadd.s32 $0xFFFFFFE0  }
0x32: {  	[hbm4b:s15+s31] =	stream.linear.scatter [tilespmem:s14], [sflag:$0x3], $0x20, $0x38;
	[tilespmem:$0x80] =	vst v63  }
.LBB2_6:
0x33: {  	_ =	sfence.sel $0x180000  }
0x34: {  	s2 =	simm.s32 $0x2;
	[bflag:$0x0] =	sbarrier.arrive $0xFFFF  }
0x35: {  	s30 =	simm.s32 $0x3;
	[sflag:s2] =	ssyncpa.u1 $0x1  }
0x36: {  	s31 =	simm.s32 $0x1;
	[sflag:s30] =	ssyncpa.u1 $0x1  }
0x37: {  	[sflag:s31] =	ssyncpa.u1 $0x1  }
0x38: {  	p0 =	sne.s32 s0, $0x0;
	_ =	strace $0x9000004D  }
0x39: {  	s0 =	sadd.s32 @!p0 $0x100000, s1;
	[bflag:$0x2] =	sbarrier.arrive $0xFFFF  }
0x3a: {  	[sflag:s0] =	ssyncadd.tile.s32 @!p0 $0x1;
	_ =	shalt  }
.Lfunc_end2:
_tile_overlayer_lowered:
.L_overlay_start_2:
0x3b: {  	(tag) =	ssettag $0x2  }
0x3c: {  	s0 =	rddreg [dreg:$0x0];
	s2 =	stileid.u32  }
0x3d: {  	s1 =	rddreg [dreg:$0x1];
	p0 =	sne.s32 s2, $0x0  }
0x3e: {  	s3 =	rddreg [dreg:$0x2];
	[bflag:$0x3] =	sbarrier.arrive $0xFFFF;
	s2 =	simm.s32 @!p0 $0x1C01  }
0x3f: {  	[timem:s3], [sflag:s2] =	dma.local @!p0 [hbm:s0], s1  }
0x40: {  	s0 =	simm.s32 @!p0 $0x1  }
0x41: {  	_ =	swait.ge @!p0 [sflag:s0], s1  }
0x42: {  	s1 =	ssub.s32 @!p0 $0x0, s1;
	[sflag:s0] =	ssyncset.done @!p0 $0x0  }
0x43: {  	[sflag:s0] =	ssyncadd.s32 @!p0 s1  }
0x44: {  	[bflag:$0x3] =	sbarrier.arrive $0xFFFF  }
0x45: {  	_ =	shalt  }

// kernel: gather_offload_async_start.5
scs
__scs_entry_jumppad:
0x0: {  	(pc) =	sbr.rel $0x88, $3  }
0x1: {  	(tag) =	ssettag $0x0;
	lr =	simm.s32 $0x1  }
0x2: {  	[smem:$0x3F9C] =	sst lr;
	_ =	strace $0xD0000000  }
0x3: {  	_ = 	snop  }
0x4: {  	_ = 	snop  }
0x5: {  	_ = 	snop  }
0x6: {  	_ = 	snop  }
0x7: {  	_ = 	snop  }
__scs_overlays_trampoline_lowered:
0x8: {  	[smem:$0x3FAB] =	sst s0  }
0x9: {  	[smem:$0x3FAC] =	sst s1  }
0xa: {  	[smem:$0x3FAD] =	sst s2  }
0xb: {  	[smem:$0x3FAE] =	sst s3  }
0xc: {  	[smem:$0x3FAF] =	sst s4  }
0xd: {  	[smem:$0x3FB0] =	sst s5  }
0xe: {  	[smem:$0x3FB1] =	sst s6  }
0xf: {  	[smem:$0x3FB2] =	sst s7  }
0x10: {  	[smem:$0x3FB3] =	sst s8  }
0x11: {  	[smem:$0x3FB4] =	sst s9;
	s0 =	simm.s32 @!p0 $0x0  }
0x12: {  	s1 =	sld [smem:$0x3F9A];
	s0 =	simm.s32 @p0 $0x1  }
0x13: {  	[smem:$0x3FB5] =	sst s0;
	s0 =	simm.s32 @!p1 $0x0  }
0x14: {  	s2 =	sld [smem:$0x3F99];
	s0 =	simm.s32 @p1 $0x1  }
0x15: {  	[smem:$0x3FB6] =	sst s0;
	s0 =	simm.s32 @!p2 $0x0  }
0x16: {  	s3 =	sld [smem:$0x3FDB];
	s0 =	simm.s32 @p2 $0x1  }
0x17: {  	s4 =	simm.s32 $0x1BF5;
	[smem:$0x3FB8] =	sst s0  }
0x18: {  	s0 =	sld [smem:$0x3F9B];
	_ =	swait.ge [sflag:s4], $0x0  }
0x19: {  	s7 =	sld [smem:$0x3F9C]  }
0x1a: {  	s8 =	sadd.s32 $0xFFFFE003, lr  }
0x1b: {  	s9 =	sadd.s32 $0xFFFFFEF7, lr;
	s5 =	simm.s32 $0xFFFFFFFF;
	p2 =	slt.u32 s8, $0xFFFFF086  }
0x1c: {  	p1 =	slt.u32 s9, $0xF7A;
	s5 =	simm.s32 @!p2 $0x0  }
0x1d: {  	s5 =	simm.s32 @p1 $0x1;
	p0 =	seq.s32 s7, s2  }
0x1e: {  	s7 =	smul.u32 @!p0 $0xF7A, s2;
	p2 =	seq.s32 @!p0 s5, $0x0  }
0x1f: {  	s9 =	smul.u32 $0xF7A, s1;
	s8 =	simm.s32 @!p0 $0x1BF5;
	p2 =	por !p2, p0  }
0x20: {  	[sflag:s8] =	ssyncset.s32 @!p0 $0xFFFFF086;
	s6 =	sadd.s32 @!p0 s3, s7;
	s7 =	simm.s32 @!p0 $0x108  }
0x21: {  	s3 =	sadd.s32 s3, s9;
	s6 =	sadd.s32 @!p0 $0x88, s6;
	s7 =	simm.s32 @p2 $0x1082  }
0x22: {  	[simem:s7], [sflag:s8] =	dma.local @!p0 [hbm:s6], $0xF7A  }
0x23: {  	s9 =	sor.u32 $0xD0000000, s2;
	s6 =	simm.s32 $0x108;
	_ =	swait.ge @!p0 [sflag:s8], $0x0  }
0x24: {  	s3 =	sadd.s32 $0x88, s3;
	s6 =	simm.s32 @!p1 $0x1082;
	[sflag:s4] =	ssyncset.s32 $0xFFFFF086  }
0x25: {  	[simem:s6], [sflag:s4] =	dma.local [hbm:s3], $0xF7A  }
0x26: {  	[smem:$0x3F9C] =	sst s1;
	(tag) =	ssettag s2;
	_ =	strace s9  }
0x27: {  	s1 =	sld [smem:$0x3FAC]  }
0x28: {  	s2 =	sld [smem:$0x3FAD]  }
0x29: {  	s4 =	sld [smem:$0x3FAF]  }
0x2a: {  	p0 =	seq.s32 s5, $0x0;
	s5 =	sld [smem:$0x3FB0]  }
0x2b: {  	s6 =	sld [smem:$0x3FB1]  }
0x2c: {  	s7 =	sld [smem:$0x3FB2]  }
0x2d: {  	s3 =	simm.s32 $0x108;
	s8 =	sld [smem:$0x3FB3]  }
0x2e: {  	s3 =	simm.s32 @!p0 $0x1082;
	s9 =	sld [smem:$0x3FB4]  }
0x2f: {  	lr =	sadd.s32 s0, s3;
	s0 =	sld [smem:$0x3FAB]  }
0x30: {  	s3 =	sld [smem:$0x3FAE]  }
0x31: {  	[smem:$0x3FB7] =	sst s10  }
0x32: {  	s10 =	sld [smem:$0x3FB5];
	_ =	sdelay $0x3  }
0x33: {  	p0 =	seq.s32 s10, $0x1;
	s10 =	sld [smem:$0x3FB7];
	_ =	sdelay $0x3  }
0x34: {  	[smem:$0x3FB7] =	sst s10  }
0x35: {  	s10 =	sld [smem:$0x3FB6];
	_ =	sdelay $0x3  }
0x36: {  	p1 =	seq.s32 s10, $0x1;
	s10 =	sld [smem:$0x3FB7];
	_ =	sdelay $0x3  }
0x37: {  	[smem:$0x3FB7] =	sst s10  }
0x38: {  	s10 =	sld [smem:$0x3FB8]  }
0x39: {  	_ = 	snop;
	(pc) =	sbr.ind lr, $3  }
0x3a: {  	_ = 	snop  }
0x3b: {  	_ = 	snop  }
0x3c: {  	p2 =	seq.s32 s10, $0x1;
	s10 =	sld [smem:$0x3FB7]  }
0x3d: {  	_ =	shalt  }
0x3e: {  	_ =	shalt  }
0x3f: {  	_ =	shalt  }
0x40: {  	_ =	shalt  }
0x41: {  	_ =	shalt  }
0x42: {  	_ =	shalt  }
0x43: {  	_ =	shalt  }
0x44: {  	_ =	shalt  }
0x45: {  	_ =	shalt  }
0x46: {  	_ =	shalt  }
0x47: {  	_ =	shalt  }
0x48: {  	_ =	shalt  }
0x49: {  	_ =	shalt  }
0x4a: {  	_ =	shalt  }
0x4b: {  	_ =	shalt  }
0x4c: {  	_ =	shalt  }
0x4d: {  	_ =	shalt  }
0x4e: {  	_ =	shalt  }
0x4f: {  	_ =	shalt  }
0x50: {  	_ =	shalt  }
0x51: {  	_ =	shalt  }
0x52: {  	_ =	shalt  }
0x53: {  	_ =	shalt  }
0x54: {  	_ =	shalt  }
0x55: {  	_ =	shalt  }
0x56: {  	_ =	shalt  }
0x57: {  	_ =	shalt  }
0x58: {  	_ =	shalt  }
0x59: {  	_ =	shalt  }
0x5a: {  	_ =	shalt  }
0x5b: {  	_ =	shalt  }
0x5c: {  	_ =	shalt  }
0x5d: {  	_ =	shalt  }
0x5e: {  	_ =	shalt  }
0x5f: {  	_ =	shalt  }
0x60: {  	_ =	shalt  }
0x61: {  	_ =	shalt  }
0x62: {  	_ =	shalt  }
0x63: {  	_ =	shalt  }
0x64: {  	_ =	shalt  }
0x65: {  	_ =	shalt  }
0x66: {  	_ =	shalt  }
0x67: {  	_ =	shalt  }
0x68: {  	_ =	shalt  }
0x69: {  	_ =	shalt  }
0x6a: {  	_ =	shalt  }
0x6b: {  	_ =	shalt  }
0x6c: {  	_ =	shalt  }
0x6d: {  	_ =	shalt  }
0x6e: {  	_ =	shalt  }
0x6f: {  	_ =	shalt  }
0x70: {  	_ =	shalt  }
0x71: {  	_ =	shalt  }
0x72: {  	_ =	shalt  }
0x73: {  	_ =	shalt  }
0x74: {  	_ =	shalt  }
0x75: {  	_ =	shalt  }
0x76: {  	_ =	shalt  }
0x77: {  	_ =	shalt  }
0x78: {  	_ =	shalt  }
0x79: {  	_ =	shalt  }
0x7a: {  	_ =	shalt  }
0x7b: {  	_ =	shalt  }
0x7c: {  	_ =	shalt  }
0x7d: {  	_ =	shalt  }
0x7e: {  	_ =	shalt  }
0x7f: {  	_ =	shalt  }
0x80: {  	_ =	shalt  }
0x81: {  	_ =	shalt  }
0x82: {  	_ =	shalt  }
0x83: {  	_ =	shalt  }
0x84: {  	_ =	shalt  }
0x85: {  	_ =	shalt  }
0x86: {  	_ =	shalt  }
0x87: {  	_ =	shalt  }
.Lfunc_end0:
.L_simem_size_0:
called_computation.5_lowered:
.L_overlay_start_0:
0x88: {  	s2 =	sld [smem:$0x3FD9]  }
0x89: {  	s3 =	sld [smem:$0x3FFE];
	_ =	sdelay $0x1  }
0x8a: {  	s1 =	srdreg.scid  }
0x8b: {  	s0 =	sand.u32 $0x1, s1  }
0x8c: {  	s17 =	sshll.u32 s0, $0xA;
	s2 =	sadd.s32 s3, s2  }
0x8d: {  	s2 =	sadd.s32 s2, s17  }
0x8e: {  	[smem:$0x3FC3] =	sst s2  }
0x8f: {  	_ = 	snop  }
0x90: {  	s18 =	sld [smem:$0x3FC9];
	(tm) =	ssettm $0x1  }
0x91: {  	s19 =	sld [smem:$0x3FFB];
	_ =	sdelay $0x3  }
0x92: {  	_ =	strace s19  }
0x93: {  	s2 =	sld [smem:$0x3FFC];
	_ =	sdelay $0x3  }
0x94: {  	_ =	strace s2  }
0x95: {  	s2 =	sld [smem:$0x3FFD];
	_ =	sdelay $0x3  }
0x96: {  	_ =	strace s2  }
0x97: {  	_ =	strace $0x8FFFFFFF  }
0x98: {  	s20 =	sld [smem:$0x3FDB];
	_ =	sdelay $0x1  }
0x99: {  	s4 =	simm.s32 $_scs_section_size  }
0x9a: {  	s5 =	simm.s32 $_size__tile_overlayer_lowered;
	s6 =	simm.s32 $_tile_overlayer_lowered  }
0x9b: {  	s7 =	simm.s32 $0x1BFF;
	s21 =	sshll.u32 s6, $0x1;
	s4 =	sadd.s32 s4, s20  }
0x9c: {  	s22 =	simm.s32 $0x0;
	s5 =	sshll.u32 s5, $0x1;
	s6 =	sadd.s32 s21, s4  }
0x9d: {  	[timem:s22], [sflag:s7] =	dma.local [hbm:s6], s5  }
0x9e: {  	_ =	swait.ge [sflag:s7], s5  }
0x9f: {  	s5 =	ssub.s32 $0x0, s5;
	[sflag:s7] =	ssyncset.done $0x0  }
0xa0: {  	[sflag:s7] =	ssyncadd.s32 s5;
	_ =	sdelay $0x1  }
0xa1: {  	s23 =	simm.s32 $0x1B8B  }
0xa2: {  	_ =	swait.ge [sflag:s23], $0x1  }
0xa3: {  	[sflag:s23] =	ssyncset.done $0x0  }
0xa4: {  	[sflag:s23] =	ssyncadd.s32 $0xFFFFFFFF  }
0xa5: {  	s5 =	sld [smem:$0x0]  }
0xa6: {  	s6 =	sand.u32 $0xFFFFFFFE, s1  }
0xa7: {  	p0 =	sne.s32 s1, s6  }
0xa8: {  	s6 =	sshll.u32 @p0 s6, $0xE  }
0xa9: {  	s6 =	sadd.s32 @p0 $0x11B8D, s6;
	s7 =	sshll.u32 @p0 s5, $0x11  }
0xaa: {  	s6 =	sor.u32 @p0 s7, s6  }
0xab: {  	[sflag:s6] =	ssyncadd.remote.s32 @p0 $0x1;
	_ =	sdelay $0x1  }
0xac: {  	s6 =	simm.s32 @p0 $0x1B8D  }
0xad: {  	_ =	swait.eq @p0 [sflag:s6], $0x1  }
0xae: {  	[sflag:s6] =	ssyncadd.s32 @p0 $0xFFFFFFFF  }
0xaf: {  	s7 =	sshll.u32 @!p0 s1, $0xE  }
0xb0: {  	s7 =	sor.u32 @!p0 $0x4000, s7;
	s6 =	simm.s32 @!p0 $0x1B8D  }
0xb1: {  	s5 =	sshll.u32 @!p0 s5, $0x11;
	s7 =	sadd.s32 @!p0 $0x11B8D, s7;
	_ =	swait.eq @!p0 [sflag:s6], $0x1  }
0xb2: {  	s5 =	sor.u32 @!p0 s5, s7;
	[sflag:s6] =	ssyncadd.s32 @!p0 $0xFFFFFFFF  }
0xb3: {  	s25 =	simm.s32 $0x1B8E;
	s24 =	sld [smem:$0x3FFE];
	[sflag:s5] =	ssyncadd.remote.s32 @!p0 $0x1  }
0xb4: {  	s26 =	simm.s32 $execute0_lowered;
	[smem:$0x3FD2] =	sst s25  }
0xb5: {  	s6 =	sshll.u32 s26, $0x1;
	_ =	strace $0x80000052;
	[dreg:$0x1] =	wrdreg $0xFFFFFFFF  }
0xb6: {  	s28 =	simm.s32 $_size_execute0_lowered;
	s4 =	sadd.s32 s4, s6;
	[dreg:$0x0] =	wrdreg $0x0  }
0xb7: {  	s6 =	sshll.u32 s28, $0x1;
	[dreg:$0x2] =	wrdreg s4  }
0xb8: {  	[dreg:$0x3] =	wrdreg s6  }
0xb9: {  	[dreg:$0x4] =	wrdreg $0xC0  }
0xba: {  	_ =	task [dreg:s22], $0x5FFFF  }
0xbb: {  	[dreg:$0x1] =	wrdreg $0xFFFFFFFF  }
0xbc: {  	[dreg:$0x0] =	wrdreg $0x60  }
0xbd: {  	[dreg:$0x2] =	wrdreg s18  }
0xbe: {  	[dreg:$0x3] =	wrdreg s24  }
0xbf: {  	[dreg:$0x4] =	wrdreg $0x9  }
0xc0: {  	_ =	task.clear_ibuf [dreg:s22], $0x5FFFF;
	_ =	strace $0x90000052  }
0xc1: {  	s29 =	simm.s32 $0x9;
	_ =	strace $0x80000054  }
0xc2: {  	_ =	swait.ge [sflag:s29], $0x1  }
0xc3: {  	[sflag:s29] =	ssyncadd.s32 $0xFFFFFFFF  }
0xc4: {  	_ =	strace $0x90000054  }
0xc5: {  	_ =	sfence  }
0xc6: {  	s30 =	sld [smem:$0x0];
	_ =	sdelay $0x2  }
0xc7: {  	s31 =	sshll.u32 s1, $0xD;
	s1 =	sshrl.u32 s1, $0x2  }
0xc8: {  	s4 =	sand.u32 $0x4000, s31;
	s1 =	sadd.s32 s1, s30  }
0xc9: {  	s0 =	sor.u32 s4, s0;
	s1 =	sshll.u32 s1, $0x11  }
0xca: {  	s0 =	sor.u32 s1, s0  }
0xcb: {  	s0 =	sadd.s32 $0x8F2B, s0  }
0xcc: {  	[sflag:s0] =	ssyncadd.remote.s32 $0x1  }
0xcd: {  	_ =	sfence.sel $0xFFFF  }
0xce: {  	[dreg:$0x0] =	wrdreg $0xFFFFFFFF;
	(pc) =	sbr.abs _section_cstart, $3  }
0xcf: {  	[dreg:$0x1] =	wrdreg $0xFFFFFFFF  }
0xd0: {  	_ =	task.clear_ibuf [dreg:s22], $0x2FFFF;
	_ =	strace $0x9FFFFFFF  }
0xd1: {  	(tm) =	ssettm $0x7FFFFFFF  }
tec
execute0_lowered:
.L_overlay_start_1:
0x0: {  	(tag) =	ssettag $0x1  }
0x1: {  	s2 =	rddreg [dreg:$0x0]  }
0x2: {  	s3 =	rddreg [dreg:$0x1]  }
0x3: {  	s0 =	rddreg [dreg:$0x2];
	s1 =	srdreg.scid;
	_ =	strace $0x80000053  }
0x4: {  	s4 =	simm.s32 $0x1;
	s9 =	simm.s32 $0x3;
	s5 =	sshll.u32 s1, $0x4  }
.Ltmp0:
0x5: {  	s1 =	stileid.u32;
	s5 =	sand.u32 $0x10, s5;
	(pc) =	sbr.rel .LBB2_1-.Ltmp0, $4  }
0x6: {  	s11 =	simm.s32 $0x0;
	p0 =	por $0x0, $0x0;
	s6 =	sor.u32 s1, s5  }
0x7: {  	[sflag:s4] =	ssyncpa.u1 $0x0;
	s5 =	simm.s32 $0x2;
	s6 =	sshll.u32 s6, $0x6  }
0x8: {  	s7 =	sadd.s32 $0x1400, s3;
	[sflag:s5] =	ssyncpa.u1 $0x0;
	s8 =	sadd.s32 $0x40, s6  }
0x9: {  	vm0 =	vmmov $0xff;
	vm1 =	vcmask $0x3F20;
	[sflag:s9] =	ssyncpa.u1 $0x0;
	s10 =	smov.u32 s6;
	s9 =	simm.s32 $0x0  }
.LBB2_9:
0xa: {  	p1 =	slt.u32 s9, $0x2;
	s11 =	sadd.s32 $0x20, s10  }
0xb: {  	s13 =	smov.u32 s6;
	s9 =	sadd.s32 $0x1, s9;
	p2 =	slt.s32 s11, s8  }
0xc: {  	s13 =	smov.u32 @p2 s11;
	p2 =	sne.s32 s9, $0x4  }
.Ltmp1:
0xd: {  	_ = 	snop;
	(pc) =	sbr.rel @!p2 .LBB2_10-.Ltmp1, $4  }
0xe: {  	s12 =	simm.s32 @!p1 $0x3  }
0xf: {  	_ =	swait.ge @!p1 [sflag:s12], $0x8000  }
0x10: {  	p0 =	por !p0, !p0;
	[sflag:s12] =	ssyncset.done @!p1 $0x0  }
0x11: {  	s11 =	smov.u32 s10;
	s10 =	smov.u32 s13;
	[sflag:s12] =	ssyncadd.s32 @!p1 $0xFFFF8000  }
.LBB2_1:
0x12: {  	p1 =	sgt.u32 s9, $0x1  }
0x13: {  	s12 =	sshll.u32 @!p1 s9, $0x5;
	s13 =	sshrl.u32 @!p1 s10, $0x3  }
0x14: {  	s14 =	sand.u32 @!p1 $0x7, s10;
	s12 =	sxor.u32 @!p1 $0x20, s12;
	s13 =	sadd.s32 @!p1 s3, s13  }
0x15: {  	[tilespmem:s12], [sflag:$0x2] =	stream.linear.gather @!p1 [hbm4b:s13+s14], $0x20, $0x38;
	[tilespmem:$0x10040] =	vst v63  }
0x16: {  	p1 =	seq.s32 s9, $0x0  }
0x17: {  	p2 =	seq.s32 @!p1 s9, $0x3  }
0x18: {  	p1 =	por p1, p2  }
.Ltmp2:
0x19: {  	_ = 	snop;
	(pc) =	sbr.rel @p1 .LBB2_9-.Ltmp2, $1  }
0x1a: {  	_ =	sdelay $0x3  }
0x1b: {  	s12 =	simm.s32 $0x1  }
0x1c: {  	_ =	swait.ge [sflag:s5], $0x20;
	s13 =	sand.u32 $0x1, s9;
	s12 =	simm.s32 @!p0 $0x0  }
0x1d: {  	s15 =	simm.s32 $0x0;
	p1 =	por $0x1, $0x1;
	s12 =	sshll.u32 s12, $0x11  }
0x1e: {  	[sflag:s5] =	ssyncset.done $0x0;
	s13 =	sshll.u32 s13, $0x5;
	s14 =	sshrl.u32 s12, $0x2  }
0x1f: {  	[sflag:s5] =	ssyncadd.s32 $0xFFFFFFE0;
	s12 =	sor.u32 $0x40, s14;
	s14 =	sadd.s32 $0x40, s14  }
.LBB2_3:
0x20: {  	s16 =	sshll.u32 s15, $0x4  }
0x21: {  	s16 =	sand.u32 $0x3FFFFFF0, s16  }
0x22: {  	s16 =	sadd.s32 s16, s13  }
0x23: {  	v0 =	vld.msk [tilespmem:s16+$0x0 ss:$0x1], $0xffff;
	_ =	sdelay $0x4  }
0x24: {  	v1 =	vshrl.u32 v0, $0x2  }
0x25: {  	vm2 =	veq.s32 v0, $0x80000000;
	v1 =	vand.u32 $0x1FFF, v1  }
0x26: {  	v0 =	vshll.u32 v0, $0x17;
	v1 =	vsel vm2, $0xFFFFFFFF, v1  }
0x27: {  	v0 =	vand.u32 $0x1800000, v0;
	v2 =	vshll.u32 v1, $0xA  }
0x28: {  	v0 =	vsel vm2, $0xFF800000, v0;
	v1 =	vshll.u32 v1, $0x7;
	v2 =	vand.u32 $0xFFFFE000, v2  }
0x29: {  	v1 =	vand.u32 $0x380, v1;
	v0 =	vadd.s32 v0, v2  }
0x2a: {  	v0 =	vor.u32 v1, v0  }
0x2b: {  	v0 =	vshrl.u32 v0, $0x3  }
0x2c: {  	s31 =	sshll.u32 s15, $0x10  }
0x2d: {  	s15 =	sshra.s32 s31, $0x2  }
0x2e: {  	s15 =	sadd.s32 s15, s14  }
0x2f: {  	s17 =	sadd.s32 $0x0, s15  }
0x30: {  	[tilespmem:s17], [sflag:$0x1] =	stream.indirect_vreg.gather [hbm:s2], $0x80, v0, vm0, $0x38;
	[tilespmem:$0x10040] =	vst v63  }
0x31: {  	p2 =	por p1, p1;
	s16 =	simm.s32 $0x1000;
	v1 =	vadd.s32 $0x80, v0;
	s17 =	sadd.s32 $0x2000, s17  }
.LBB2_4:
0x32: {  	[tilespmem:s17], [sflag:$0x1] =	stream.indirect_vreg.gather [hbm:s2], $0x80, v0, vm1, $0x38;
	[tilespmem:$0x10040] =	vst v63  }
0x33: {  	v0 =	vmov v1;
	s17 =	smov.u32 s16;
	p1 =	sne.s32 s16, $0x7000  }
.Ltmp3:
0x34: {  	s16 =	sadd.s32 $0x1000, s16;
	(pc) =	sbr.rel @p1 .LBB2_4-.Ltmp3, $4  }
0x35: {  	s17 =	sshra.s32 s17, $0x2  }
0x36: {  	s17 =	sadd.s32 s17, s15  }
0x37: {  	[tilespmem:s17], [sflag:$0x1] =	stream.indirect_vreg.gather [hbm:s2], $0x80, v1, vm0, $0x38;
	[tilespmem:$0x10040] =	vst v63  }
0x38: {  	s17 =	sadd.s32 $0x2000, s17;
	v1 =	vadd.s32 $0x80, v1  }
0x39: {  	_ = 	snop  }
.Ltmp4:
0x3a: {  	_ = 	snop;
	(pc) =	sbr.rel @p2 .LBB2_3-.Ltmp4, $3  }
0x3b: {  	_ =	sdelay $0x1  }
0x3c: {  	[tilespmem:s17], [sflag:$0x1] =	stream.indirect_vreg.gather [hbm:s2], $0x80, v0, vm1, $0x38;
	[tilespmem:$0x10040] =	vst v63  }
0x3d: {  	s15 =	simm.s32 $0x1;
	p1 =	por $0x0, $0x0  }
0x3e: {  	s13 =	sshll.u32 s11, $0x7  }
0x3f: {  	s31 =	sshll.u32 s11, $0x4;
	s13 =	sand.u32 $0xFFFFFC00, s13  }
0x40: {  	_ =	swait.ge [sflag:s4], $0x8000;
	s11 =	sand.u32 $0x70, s31;
	s13 =	sadd.s32 s13, s7  }
0x41: {  	s14 =	sadd.s32 $0x2000, s12;
	[sflag:s4] =	ssyncset.done $0x0;
	s11 =	sadd.s32 s11, s13  }
0x42: {  	[sflag:s4] =	ssyncadd.s32 $0xFFFF8000;
	s13 =	simm.s32 $0x400;
	s15 =	sadd.s32 $0x0, s11  }
.LBB2_7:
0x43: {  	[hbm:s15] =	stream.linear.scatter [tilespmem:s12], [sflag:$0x3], $0x2000, $0x38;
	[tilespmem:$0x10040] =	vst v63  }
0x44: {  	s15 =	smov.u32 s13;
	s12 =	smov.u32 s14;
	p1 =	sne.s32 s13, $0xC00  }
.Ltmp5:
0x45: {  	s13 =	sadd.s32 $0x400, s13;
	(pc) =	sbr.rel @p1 .LBB2_7-.Ltmp5, $2  }
0x46: {  	_ =	sdelay $0x2  }
0x47: {  	s14 =	sadd.s32 $0x2000, s14;
	s15 =	sadd.s32 s15, s11  }
.Ltmp6:
0x48: {  	(pc) =	sbr.rel .LBB2_9-.Ltmp6, $2  }
0x49: {  	_ =	sdelay $0x2  }
0x4a: {  	[hbm:s15] =	stream.linear.scatter [tilespmem:s12], [sflag:$0x3], $0x2000, $0x38;
	[tilespmem:$0x10040] =	vst v63  }
.LBB2_10:
0x4b: {  	_ =	sfence.sel $0x180000  }
0x4c: {  	s2 =	simm.s32 $0x2;
	[bflag:$0x0] =	sbarrier.arrive $0xFFFF  }
0x4d: {  	s30 =	simm.s32 $0x3;
	[sflag:s2] =	ssyncpa.u1 $0x1  }
0x4e: {  	s31 =	simm.s32 $0x1;
	[sflag:s30] =	ssyncpa.u1 $0x1  }
0x4f: {  	[sflag:s31] =	ssyncpa.u1 $0x1  }
0x50: {  	p0 =	sne.s32 s1, $0x0;
	_ =	strace $0x90000053  }
0x51: {  	s0 =	sadd.s32 @!p0 $0x100000, s0;
	[bflag:$0x2] =	sbarrier.arrive $0xFFFF  }
0x52: {  	[sflag:s0] =	ssyncadd.tile.s32 @!p0 $0x1;
	_ =	shalt  }
.Lfunc_end2:
_tile_overlayer_lowered:
.L_overlay_start_2:
0x53: {  	(tag) =	ssettag $0x2  }
0x54: {  	s0 =	rddreg [dreg:$0x0];
	s2 =	stileid.u32  }
0x55: {  	s1 =	rddreg [dreg:$0x1];
	p0 =	sne.s32 s2, $0x0  }
0x56: {  	s3 =	rddreg [dreg:$0x2];
	[bflag:$0x3] =	sbarrier.arrive $0xFFFF;
	s2 =	simm.s32 @!p0 $0x1C01  }
0x57: {  	[timem:s3], [sflag:s2] =	dma.local @!p0 [hbm:s0], s1  }
0x58: {  	s0 =	simm.s32 @!p0 $0x1  }
0x59: {  	_ =	swait.ge @!p0 [sflag:s0], s1  }
0x5a: {  	s1 =	ssub.s32 @!p0 $0x0, s1;
	[sflag:s0] =	ssyncset.done @!p0 $0x0  }
0x5b: {  	[sflag:s0] =	ssyncadd.s32 @!p0 s1  }
0x5c: {  	[bflag:$0x3] =	sbarrier.arrive $0xFFFF  }
0x5d: {  	_ =	shalt  }

// kernel: gather_offload_async_start
scs
__scs_entry_jumppad:
0x0: {  	(pc) =	sbr.rel $0x88, $3  }
0x1: {  	(tag) =	ssettag $0x0;
	lr =	simm.s32 $0x1  }
0x2: {  	[smem:$0x3F9C] =	sst lr;
	_ =	strace $0xD0000000  }
0x3: {  	_ = 	snop  }
0x4: {  	_ = 	snop  }
0x5: {  	_ = 	snop  }
0x6: {  	_ = 	snop  }
0x7: {  	_ = 	snop  }
__scs_overlays_trampoline_lowered:
0x8: {  	[smem:$0x3FAB] =	sst s0  }
0x9: {  	[smem:$0x3FAC] =	sst s1  }
0xa: {  	[smem:$0x3FAD] =	sst s2  }
0xb: {  	[smem:$0x3FAE] =	sst s3  }
0xc: {  	[smem:$0x3FAF] =	sst s4  }
0xd: {  	[smem:$0x3FB0] =	sst s5  }
0xe: {  	[smem:$0x3FB1] =	sst s6  }
0xf: {  	[smem:$0x3FB2] =	sst s7  }
0x10: {  	[smem:$0x3FB3] =	sst s8  }
0x11: {  	[smem:$0x3FB4] =	sst s9;
	s0 =	simm.s32 @!p0 $0x0  }
0x12: {  	s1 =	sld [smem:$0x3F9A];
	s0 =	simm.s32 @p0 $0x1  }
0x13: {  	[smem:$0x3FB5] =	sst s0;
	s0 =	simm.s32 @!p1 $0x0  }
0x14: {  	s2 =	sld [smem:$0x3F99];
	s0 =	simm.s32 @p1 $0x1  }
0x15: {  	[smem:$0x3FB6] =	sst s0;
	s0 =	simm.s32 @!p2 $0x0  }
0x16: {  	s3 =	sld [smem:$0x3FDB];
	s0 =	simm.s32 @p2 $0x1  }
0x17: {  	s4 =	simm.s32 $0x1BF5;
	[smem:$0x3FB8] =	sst s0  }
0x18: {  	s0 =	sld [smem:$0x3F9B];
	_ =	swait.ge [sflag:s4], $0x0  }
0x19: {  	s7 =	sld [smem:$0x3F9C]  }
0x1a: {  	s8 =	sadd.s32 $0xFFFFE003, lr  }
0x1b: {  	s9 =	sadd.s32 $0xFFFFFEF7, lr;
	s5 =	simm.s32 $0xFFFFFFFF;
	p2 =	slt.u32 s8, $0xFFFFF086  }
0x1c: {  	p1 =	slt.u32 s9, $0xF7A;
	s5 =	simm.s32 @!p2 $0x0  }
0x1d: {  	s5 =	simm.s32 @p1 $0x1;
	p0 =	seq.s32 s7, s2  }
0x1e: {  	s7 =	smul.u32 @!p0 $0xF7A, s2;
	p2 =	seq.s32 @!p0 s5, $0x0  }
0x1f: {  	s9 =	smul.u32 $0xF7A, s1;
	s8 =	simm.s32 @!p0 $0x1BF5;
	p2 =	por !p2, p0  }
0x20: {  	[sflag:s8] =	ssyncset.s32 @!p0 $0xFFFFF086;
	s6 =	sadd.s32 @!p0 s3, s7;
	s7 =	simm.s32 @!p0 $0x108  }
0x21: {  	s3 =	sadd.s32 s3, s9;
	s6 =	sadd.s32 @!p0 $0x88, s6;
	s7 =	simm.s32 @p2 $0x1082  }
0x22: {  	[simem:s7], [sflag:s8] =	dma.local @!p0 [hbm:s6], $0xF7A  }
0x23: {  	s9 =	sor.u32 $0xD0000000, s2;
	s6 =	simm.s32 $0x108;
	_ =	swait.ge @!p0 [sflag:s8], $0x0  }
0x24: {  	s3 =	sadd.s32 $0x88, s3;
	s6 =	simm.s32 @!p1 $0x1082;
	[sflag:s4] =	ssyncset.s32 $0xFFFFF086  }
0x25: {  	[simem:s6], [sflag:s4] =	dma.local [hbm:s3], $0xF7A  }
0x26: {  	[smem:$0x3F9C] =	sst s1;
	(tag) =	ssettag s2;
	_ =	strace s9  }
0x27: {  	s1 =	sld [smem:$0x3FAC]  }
0x28: {  	s2 =	sld [smem:$0x3FAD]  }
0x29: {  	s4 =	sld [smem:$0x3FAF]  }
0x2a: {  	p0 =	seq.s32 s5, $0x0;
	s5 =	sld [smem:$0x3FB0]  }
0x2b: {  	s6 =	sld [smem:$0x3FB1]  }
0x2c: {  	s7 =	sld [smem:$0x3FB2]  }
0x2d: {  	s3 =	simm.s32 $0x108;
	s8 =	sld [smem:$0x3FB3]  }
0x2e: {  	s3 =	simm.s32 @!p0 $0x1082;
	s9 =	sld [smem:$0x3FB4]  }
0x2f: {  	lr =	sadd.s32 s0, s3;
	s0 =	sld [smem:$0x3FAB]  }
0x30: {  	s3 =	sld [smem:$0x3FAE]  }
0x31: {  	[smem:$0x3FB7] =	sst s10  }
0x32: {  	s10 =	sld [smem:$0x3FB5];
	_ =	sdelay $0x3  }
0x33: {  	p0 =	seq.s32 s10, $0x1;
	s10 =	sld [smem:$0x3FB7];
	_ =	sdelay $0x3  }
0x34: {  	[smem:$0x3FB7] =	sst s10  }
0x35: {  	s10 =	sld [smem:$0x3FB6];
	_ =	sdelay $0x3  }
0x36: {  	p1 =	seq.s32 s10, $0x1;
	s10 =	sld [smem:$0x3FB7];
	_ =	sdelay $0x3  }
0x37: {  	[smem:$0x3FB7] =	sst s10  }
0x38: {  	s10 =	sld [smem:$0x3FB8]  }
0x39: {  	_ = 	snop;
	(pc) =	sbr.ind lr, $3  }
0x3a: {  	_ = 	snop  }
0x3b: {  	_ = 	snop  }
0x3c: {  	p2 =	seq.s32 s10, $0x1;
	s10 =	sld [smem:$0x3FB7]  }
0x3d: {  	_ =	shalt  }
0x3e: {  	_ =	shalt  }
0x3f: {  	_ =	shalt  }
0x40: {  	_ =	shalt  }
0x41: {  	_ =	shalt  }
0x42: {  	_ =	shalt  }
0x43: {  	_ =	shalt  }
0x44: {  	_ =	shalt  }
0x45: {  	_ =	shalt  }
0x46: {  	_ =	shalt  }
0x47: {  	_ =	shalt  }
0x48: {  	_ =	shalt  }
0x49: {  	_ =	shalt  }
0x4a: {  	_ =	shalt  }
0x4b: {  	_ =	shalt  }
0x4c: {  	_ =	shalt  }
0x4d: {  	_ =	shalt  }
0x4e: {  	_ =	shalt  }
0x4f: {  	_ =	shalt  }
0x50: {  	_ =	shalt  }
0x51: {  	_ =	shalt  }
0x52: {  	_ =	shalt  }
0x53: {  	_ =	shalt  }
0x54: {  	_ =	shalt  }
0x55: {  	_ =	shalt  }
0x56: {  	_ =	shalt  }
0x57: {  	_ =	shalt  }
0x58: {  	_ =	shalt  }
0x59: {  	_ =	shalt  }
0x5a: {  	_ =	shalt  }
0x5b: {  	_ =	shalt  }
0x5c: {  	_ =	shalt  }
0x5d: {  	_ =	shalt  }
0x5e: {  	_ =	shalt  }
0x5f: {  	_ =	shalt  }
0x60: {  	_ =	shalt  }
0x61: {  	_ =	shalt  }
0x62: {  	_ =	shalt  }
0x63: {  	_ =	shalt  }
0x64: {  	_ =	shalt  }
0x65: {  	_ =	shalt  }
0x66: {  	_ =	shalt  }
0x67: {  	_ =	shalt  }
0x68: {  	_ =	shalt  }
0x69: {  	_ =	shalt  }
0x6a: {  	_ =	shalt  }
0x6b: {  	_ =	shalt  }
0x6c: {  	_ =	shalt  }
0x6d: {  	_ =	shalt  }
0x6e: {  	_ =	shalt  }
0x6f: {  	_ =	shalt  }
0x70: {  	_ =	shalt  }
0x71: {  	_ =	shalt  }
0x72: {  	_ =	shalt  }
0x73: {  	_ =	shalt  }
0x74: {  	_ =	shalt  }
0x75: {  	_ =	shalt  }
0x76: {  	_ =	shalt  }
0x77: {  	_ =	shalt  }
0x78: {  	_ =	shalt  }
0x79: {  	_ =	shalt  }
0x7a: {  	_ =	shalt  }
0x7b: {  	_ =	shalt  }
0x7c: {  	_ =	shalt  }
0x7d: {  	_ =	shalt  }
0x7e: {  	_ =	shalt  }
0x7f: {  	_ =	shalt  }
0x80: {  	_ =	shalt  }
0x81: {  	_ =	shalt  }
0x82: {  	_ =	shalt  }
0x83: {  	_ =	shalt  }
0x84: {  	_ =	shalt  }
0x85: {  	_ =	shalt  }
0x86: {  	_ =	shalt  }
0x87: {  	_ =	shalt  }
.Lfunc_end0:
.L_simem_size_0:
called_computation_lowered:
.L_overlay_start_0:
0x88: {  	s2 =	sld [smem:$0x3FD9]  }
0x89: {  	s3 =	sld [smem:$0x3FFE];
	_ =	sdelay $0x1  }
0x8a: {  	s1 =	srdreg.scid  }
0x8b: {  	s0 =	sand.u32 $0x1, s1  }
0x8c: {  	s14 =	sshll.u32 s0, $0xA;
	s2 =	sadd.s32 s3, s2  }
0x8d: {  	s2 =	sadd.s32 s2, s14  }
0x8e: {  	[smem:$0x3FC3] =	sst s2  }
0x8f: {  	_ = 	snop  }
0x90: {  	s2 =	sld [smem:$0x3FD0];
	_ =	sdelay $0x2  }
0x91: {  	s15 =	simm.s32 $0xB;
	s4 =	simm.s32 $0x10  }
0x92: {  	[smem:s4], [sflag:s15] =	dma.local [hbm:s2], $0x1  }
0x93: {  	_ =	swait.eq [sflag:s15], $0x1  }
0x94: {  	[sflag:s15] =	ssyncset.done $0x0  }
0x95: {  	[sflag:s15] =	ssyncadd.s32 $0xFFFFFFFF  }
0x96: {  	s16 =	sld [smem:$0x10];
	(tm) =	ssettm $0x1  }
0x97: {  	s17 =	sld [smem:$0x3FFB];
	_ =	sdelay $0x3  }
0x98: {  	_ =	strace s17  }
0x99: {  	s3 =	sld [smem:$0x3FFC];
	_ =	sdelay $0x3  }
0x9a: {  	_ =	strace s3  }
0x9b: {  	s3 =	sld [smem:$0x3FFD];
	_ =	sdelay $0x3  }
0x9c: {  	_ =	strace s3  }
0x9d: {  	_ =	strace $0x8FFFFFFF  }
0x9e: {  	s18 =	sld [smem:$0x3FDB];
	_ =	sdelay $0x1  }
0x9f: {  	s19 =	simm.s32 $_scs_section_size  }
0xa0: {  	s5 =	simm.s32 $_size__tile_overlayer_lowered;
	s6 =	simm.s32 $_tile_overlayer_lowered  }
0xa1: {  	s22 =	simm.s32 $0x1BFF;
	s21 =	sshll.u32 s6, $0x1;
	s3 =	sadd.s32 s19, s18  }
0xa2: {  	s7 =	simm.s32 $0x0;
	s20 =	sshll.u32 s5, $0x1;
	s5 =	sadd.s32 s21, s3  }
0xa3: {  	[timem:s7], [sflag:s22] =	dma.local [hbm:s5], s20  }
0xa4: {  	_ =	swait.ge [sflag:s22], s20  }
0xa5: {  	s4 =	ssub.s32 $0x0, s20;
	[sflag:s22] =	ssyncset.done $0x0  }
0xa6: {  	[sflag:s22] =	ssyncadd.s32 s4;
	_ =	sdelay $0x1  }
0xa7: {  	s23 =	simm.s32 $0x1B8B  }
0xa8: {  	_ =	swait.ge [sflag:s23], $0x1  }
0xa9: {  	[sflag:s23] =	ssyncset.done $0x0  }
0xaa: {  	s25 =	simm.s32 $0x1B8E;
	s24 =	sld [smem:$0x3FFE];
	[sflag:s23] =	ssyncadd.s32 $0xFFFFFFFF  }
0xab: {  	s26 =	simm.s32 $execute0_lowered;
	[smem:$0x3FD2] =	sst s25  }
0xac: {  	s5 =	sshll.u32 s26, $0x1;
	_ =	strace $0x8000004F;
	[dreg:$0x1] =	wrdreg $0xFFFFFFFF  }
0xad: {  	s28 =	simm.s32 $_size_execute0_lowered;
	s3 =	sadd.s32 s3, s5;
	[dreg:$0x0] =	wrdreg $0x0  }
0xae: {  	s5 =	sshll.u32 s28, $0x1;
	[dreg:$0x2] =	wrdreg s3  }
0xaf: {  	[dreg:$0x3] =	wrdreg s5  }
0xb0: {  	[dreg:$0x4] =	wrdreg $0xC0  }
0xb1: {  	_ =	task [dreg:s7], $0x5FFFF  }
0xb2: {  	[dreg:$0x1] =	wrdreg $0xFFFFFFFF  }
0xb3: {  	[dreg:$0x0] =	wrdreg $0x60  }
0xb4: {  	[dreg:$0x2] =	wrdreg s24  }
0xb5: {  	[dreg:$0x3] =	wrdreg s16  }
0xb6: {  	[dreg:$0x4] =	wrdreg $0xA  }
0xb7: {  	_ =	task.clear_ibuf [dreg:s7], $0x5FFFF;
	_ =	strace $0x9000004F  }
0xb8: {  	s29 =	simm.s32 $0xA;
	_ =	strace $0x80000051  }
0xb9: {  	_ =	swait.ge [sflag:s29], $0x1  }
0xba: {  	[sflag:s29] =	ssyncadd.s32 $0xFFFFFFFF  }
0xbb: {  	_ =	strace $0x90000051  }
0xbc: {  	_ =	sfence  }
0xbd: {  	s30 =	sld [smem:$0x0];
	_ =	sdelay $0x2  }
0xbe: {  	s31 =	sshll.u32 s1, $0xD;
	s1 =	sshrl.u32 s1, $0x2  }
0xbf: {  	s3 =	sand.u32 $0x4000, s31;
	s1 =	sadd.s32 s1, s30  }
0xc0: {  	s0 =	sor.u32 s3, s0;
	s1 =	sshll.u32 s1, $0x11  }
0xc1: {  	s0 =	sor.u32 s1, s0  }
0xc2: {  	s0 =	sadd.s32 $0x8F2B, s0  }
0xc3: {  	[sflag:s0] =	ssyncadd.remote.s32 $0x1  }
0xc4: {  	_ =	sfence.sel $0xFFFF  }
0xc5: {  	[dreg:$0x0] =	wrdreg $0xFFFFFFFF;
	(pc) =	sbr.abs _section_cstart, $3  }
0xc6: {  	[dreg:$0x1] =	wrdreg $0xFFFFFFFF  }
0xc7: {  	_ =	task.clear_ibuf [dreg:s7], $0x2FFFF;
	_ =	strace $0x9FFFFFFF  }
0xc8: {  	(tm) =	ssettm $0x7FFFFFFF  }
0xc9: {  	_ =	shalt  }
tec
execute0_lowered:
.L_overlay_start_1:
0x0: {  	(tag) =	ssettag $0x1  }
0x1: {  	s1 =	srdreg.scid;
	s8 =	rddreg [dreg:$0x0]  }
0x2: {  	s0 =	stileid.u32;
	s2 =	rddreg [dreg:$0x1]  }
0x3: {  	s5 =	simm.s32 $0x1;
	s9 =	simm.s32 $0x1;
	s1 =	sshll.u32 s1, $0x5  }
0x4: {  	s10 =	simm.s32 $0x3;
	s3 =	sshll.u32 s0, $0x6;
	s4 =	sand.u32 $0x20, s1  }
0x5: {  	s13 =	simm.s32 $0x0;
	s12 =	simm.s32 $0x0;
	s3 =	sor.u32 s3, s4  }
0x6: {  	s1 =	rddreg [dreg:$0x2];
	_ =	strace $0x80000050;
	s7 =	ssub.s32 $0x800, s3  }
.Ltmp0:
0x7: {  	s4 =	sadd.s32 $0x400, s8;
	s6 =	sand.u32 $0x3E0, s7;
	(pc) =	sbr.rel .LBB2_1-.Ltmp0, $4  }
0x8: {  	[sflag:s5] =	ssyncpa.u1 $0x0;
	s8 =	sadd.s32 $0x200, s8;
	p0 =	sne.s32 s6, $0x0  }
0x9: {  	s7 =	sshrl.u32 s7, $0xA;
	s6 =	simm.s32 $0x2;
	s9 =	simm.s32 @!p0 $0x0  }
0xa: {  	s11 =	smov.u32 s3;
	[sflag:s6] =	ssyncpa.u1 $0x0;
	s7 =	sadd.s32 s9, s7  }
0xb: {  	vm0 =	vmmov $0xffff;
	[sflag:s10] =	ssyncpa.u1 $0x0;
	s10 =	simm.s32 $0x0;
	s9 =	sadd.s32 $0x1, s7  }
.LBB2_5:
0xc: {  	s15 =	sadd.s32 $0x400, s11  }
0xd: {  	p1 =	sgt.s32 s15, $0x7FF  }
0xe: {  	s15 =	smov.u32 @p1 s3;
	p1 =	sne.s32 s12, s9  }
.Ltmp1:
0xf: {  	p0 =	slt.u32 s12, $0x2;
	(pc) =	sbr.rel @!p1 .LBB2_6-.Ltmp1, $4  }
0x10: {  	s14 =	simm.s32 @!p0 $0x3  }
0x11: {  	_ =	swait.ge @!p0 [sflag:s14], $0x20  }
0x12: {  	s16 =	sadd.s32 $0x1, s12;
	s13 =	smov.u32 s11;
	[sflag:s14] =	ssyncset.done @!p0 $0x0  }
0x13: {  	s12 =	smov.u32 s16;
	s11 =	smov.u32 s15;
	[sflag:s14] =	ssyncadd.s32 @!p0 $0xFFFFFFE0  }
.LBB2_1:
0x14: {  	p0 =	sge.u32 s12, s7  }
0x15: {  	s14 =	sxor.u32 @!p0 $0xFFFFFFFF, s12  }
0x16: {  	s31 =	sadd.s32 $0xFFFFFFFF, s12;
	s15 =	sshrl.u32 @!p0 s11, $0x3;
	s14 =	sshll.u32 @!p0 s14, $0x5  }
0x17: {  	s16 =	sand.u32 @!p0 $0x7, s11;
	s15 =	sadd.s32 @!p0 s8, s15;
	s14 =	sand.u32 @!p0 $0x20, s14  }
0x18: {  	[tilespmem:s14], [sflag:$0x2] =	stream.linear.gather @!p0 [hbm4b:s15+s16], $0x20, $0x38;
	[tilespmem:$0x80] =	vst v63  }
0x19: {  	p0 =	sge.u32 s31, s7  }
.Ltmp2:
0x1a: {  	_ = 	snop;
	(pc) =	sbr.rel @p0 .LBB2_5-.Ltmp2, $1  }
0x1b: {  	_ =	sdelay $0x3  }
0x1c: {  	_ =	swait.ge [sflag:s6], $0x20;
	s14 =	sshll.u32 s12, $0x5;
	s16 =	simm.s32 $0x0  }
0x1d: {  	p0 =	por $0x1, $0x1;
	[sflag:s6] =	ssyncset.done $0x0;
	s15 =	sand.u32 $0x20, s14  }
0x1e: {  	[sflag:s6] =	ssyncadd.s32 $0xFFFFFFE0;
	(ifvalue) =	ssetifvalue $0x7FFFFFFF;
	s14 =	sor.u32 $0x40, s15  }
.LBB2_3:
0x1f: {  	s17 =	sadd.s32 s16, s15  }
0x20: {  	v0 =	vld.msk [tilespmem:s17+$0x0 ss:$0x1], $0xffff;
	_ =	sdelay $0x4  }
0x21: {  	v1 =	vshrl.u32 v0, $0x2  }
0x22: {  	vm1 =	veq.s32 v0, $0x80000000;
	v1 =	vand.u32 $0x1FFF, v1  }
0x23: {  	v0 =	vand.u32 $0x3, v0;
	v1 =	vsel vm1, $0xFFFFFFFF, v1  }
0x24: {  	v0 =	vsel vm1, $0xFFFFFFFF, v0;
	v2 =	vshll.u32 v1, $0x2  }
0x25: {  	v3 =	vand.u32 $0xFFFF8000, v0;
	v0 =	vshll.u32 v0, $0x7;
	v2 =	vand.u32 $0xFFFFFE00, v2  }
0x26: {  	v0 =	vand.u32 $0x180, v0;
	v2 =	vadd.s32 v3, v2  }
0x27: {  	v1 =	vand.u32 $0x7F, v1;
	v0 =	vor.u32 v0, v2  }
0x28: {  	p1 =	por p0, p0;
	v0 =	vor.u32 v1, v0  }
.Ltmp3:
0x29: {  	_ = 	snop;
	(pc) =	sbr.rel @p1 .LBB2_3-.Ltmp3, $4  }
0x2a: {  	_ = 	snop  }
0x2b: {  	s31 =	sadd.s32 s16, s14  }
0x2c: {  	s16 =	simm.s32 $0x10;
	p0 =	por $0x0, $0x0;
	(ifvalue) =	ssetifvalue $0x7FFFFFFF  }
0x2d: {  	[tilespmem:s31], [sflag:$0x1] =	stream.indirect_vreg.gather [hbm4b:s4+s10], $0x1, v0, vm0, $0x4038;
	[tilespmem:$0x80] =	vst v63  }
.Ltmp4:
0x2e: {  	(pc) =	sbr.rel .LBB2_5-.Ltmp4, $4  }
0x2f: {  	_ =	swait.ge [sflag:s5], $0x20  }
0x30: {  	s15 =	sshrl.u32 s13, $0x3;
	[sflag:s5] =	ssyncset.done $0x0  }
0x31: {  	s31 =	sand.u32 $0x7, s13;
	s15 =	sadd.s32 s2, s15;
	[sflag:s5] =	ssyncadd.s32 $0xFFFFFFE0  }
0x32: {  	[hbm4b:s15+s31] =	stream.linear.scatter [tilespmem:s14], [sflag:$0x3], $0x20, $0x38;
	[tilespmem:$0x80] =	vst v63  }
.LBB2_6:
0x33: {  	_ =	sfence.sel $0x180000  }
0x34: {  	s2 =	simm.s32 $0x2;
	[bflag:$0x0] =	sbarrier.arrive $0xFFFF  }
0x35: {  	s30 =	simm.s32 $0x3;
	[sflag:s2] =	ssyncpa.u1 $0x1  }
0x36: {  	s31 =	simm.s32 $0x1;
	[sflag:s30] =	ssyncpa.u1 $0x1  }
0x37: {  	[sflag:s31] =	ssyncpa.u1 $0x1  }
0x38: {  	p0 =	sne.s32 s0, $0x0;
	_ =	strace $0x90000050  }
0x39: {  	s0 =	sadd.s32 @!p0 $0x100000, s1;
	[bflag:$0x2] =	sbarrier.arrive $0xFFFF  }
0x3a: {  	[sflag:s0] =	ssyncadd.tile.s32 @!p0 $0x1;
	_ =	shalt  }
.Lfunc_end2:
_tile_overlayer_lowered:
.L_overlay_start_2:
0x3b: {  	(tag) =	ssettag $0x2  }
0x3c: {  	s0 =	rddreg [dreg:$0x0];
	s2 =	stileid.u32  }
0x3d: {  	s1 =	rddreg [dreg:$0x1];
	p0 =	sne.s32 s2, $0x0  }
0x3e: {  	s3 =	rddreg [dreg:$0x2];
	[bflag:$0x3] =	sbarrier.arrive $0xFFFF;
	s2 =	simm.s32 @!p0 $0x1C01  }
0x3f: {  	[timem:s3], [sflag:s2] =	dma.local @!p0 [hbm:s0], s1  }
0x40: {  	s0 =	simm.s32 @!p0 $0x1  }
0x41: {  	_ =	swait.ge @!p0 [sflag:s0], s1  }
0x42: {  	s1 =	ssub.s32 @!p0 $0x0, s1;
	[sflag:s0] =	ssyncset.done @!p0 $0x0  }
0x43: {  	[sflag:s0] =	ssyncadd.s32 @!p0 s1  }
0x44: {  	[bflag:$0x3] =	sbarrier.arrive $0xFFFF  }
0x45: {  	_ =	shalt  }

</sc_bundles>
